<compile_context>
chip_gen: v7x
topology: tpu7x:2x2x1
jax: 0.10.2.dev20260603
libtpu: 0.0.44.dev20260713+nightly
codegen_flags: <defaults>
</compile_context>

<pallas_src>
import functools

import jax
import jax.numpy as jnp
from jax import lax
from jax.experimental import pallas as pl
from jax.experimental.pallas import tpu as pltpu
from jax.experimental.pallas import tpu_sc as plsc

BATCH = 1024
SEQ = 200
D = 256
V = 1000
B = BATCH * SEQ
NC = 2
NS = 16
NW = NC * NS
B_PER_W = B // NW
C = 128
NCHUNK = B_PER_W // C
NBUF = 3


def _make_gather():
    mesh = plsc.VectorSubcoreMesh(core_axis_name="c", subcore_axis_name="s")
    scratch = [
        pltpu.VMEM((B_PER_W + 16,), jnp.int32),
        pltpu.VMEM((NBUF, C, D), jnp.float32),
        pltpu.VMEM_SHARED((V, D), jnp.float32),
        pltpu.VMEM((D,), jnp.float32),
    ]
    scratch += [pltpu.SemaphoreType.DMA] * NBUF
    scratch += [pltpu.SemaphoreType.DMA] * NBUF

    @functools.partial(
        pl.kernel,
        mesh=mesh,
        out_type=jax.ShapeDtypeStruct((B, D), jnp.float32),
        scratch_types=scratch,
    )
    def gather_kernel(tbl_hbm, bias_hbm, idx_hbm, out_hbm,
                      idx_v, rows_v, tbl_sh, bias_v, *sems):
        gsem = sems[:NBUF]
        ssem = sems[NBUF:]
        sid = lax.axis_index("s")
        wid = sid * NC + lax.axis_index("c")
        base = wid * B_PER_W

        start = lax.min(sid * 64, V - 64)
        pltpu.sync_copy(bias_hbm, bias_v)
        pltpu.sync_copy(tbl_hbm.at[pl.ds(start, 64)],
                        rows_v.at[0].at[pl.ds(0, 64)])
        bias_regs = [bias_v[pl.ds(k * 16, 16)] for k in range(D // 16)]

        @pl.loop(0, 64)
        def _(r):
            for k in range(D // 16):
                sl = pl.ds(k * 16, 16)
                rows_v[0, r, sl] = rows_v[0, r, sl] + bias_regs[k]

        pltpu.sync_copy(rows_v.at[0].at[pl.ds(0, 64)],
                        tbl_sh.at[pl.ds(start, 64)])

        pltpu.sync_copy(idx_hbm.at[wid], idx_v.at[pl.ds(0, B_PER_W)])
        plsc.subcore_barrier()

        def fill_rows(j, b):
            @pl.loop(0, C // 16)
            def _(g):
                i0 = g * 16
                v = idx_v[pl.ds(j * C + i0, 16)]
                for k in range(16):
                    pltpu.make_async_copy(
                        tbl_sh.at[pl.ds(v[k], 1)],
                        rows_v.at[b].at[pl.ds(i0 + k, 1)],
                        gsem[b],
                    ).start()

        def wait_rows(b):
            pltpu.make_async_copy(
                tbl_hbm.at[pl.ds(0, C)], rows_v.at[b], gsem[b]
            ).wait()

        def start_store(j, b):
            pltpu.make_async_copy(
                rows_v.at[b], out_hbm.at[pl.ds(base + j * C, C)], ssem[b]
            ).start()

        def wait_store(b):
            pltpu.make_async_copy(
                rows_v.at[b], out_hbm.at[pl.ds(base, C)], ssem[b]
            ).wait()

        fill_rows(0, 0)

        @pl.loop(0, NCHUNK - 2, step=NBUF)
        def _(i):
            for b in range(NBUF):
                j = i + b
                bp = (b + 1) % NBUF

                @pl.when(j >= 2)
                def _():
                    wait_store(bp)

                fill_rows(j + 1, bp)
                wait_rows(b)
                start_store(j, b)

        j0 = NCHUNK - 2
        b0 = j0 % NBUF
        bp0 = (b0 + 1) % NBUF
        wait_store(bp0)
        fill_rows(j0 + 1, bp0)
        wait_rows(b0)
        start_store(j0, b0)

        j1 = NCHUNK - 1
        b1 = j1 % NBUF
        wait_store((b1 + 1) % NBUF)
        wait_rows(b1)
        start_store(j1, b1)

        wait_store(b0)
        wait_store(b1)

    return gather_kernel


_gather = _make_gather()


def kernel(inp, sincos_table, translation_bias):
    idx = inp.reshape(NW, B_PER_W).astype(jnp.int32)
    out = _gather(sincos_table, translation_bias.astype(jnp.float32), idx)
    return out.reshape(BATCH, SEQ, D)

# --- scband reference (transcript-rebuilt; emitter-appended) ---
"""Pipeline reference for scband-fundamental-music-embedding-26920855011820 (READ-ONLY COPY).

The authoritative reference and input builder live on the scoring server;
editing this copy changes nothing except your own understanding.
"""

import jax, jax.numpy as jnp
import numpy as np

D_MODEL = 256
BASE = 10000.0
CACHE_SIZE = 1000
BATCH = 1024
SEQ = 200


def _build_sincos_table():
    k = jnp.arange(D_MODEL // 2, dtype=jnp.float32)
    freqs = jnp.power(jnp.float32(BASE), -2.0 * k / jnp.float32(D_MODEL))
    values = jnp.arange(CACHE_SIZE, dtype=jnp.float32)
    angles = values[:, None] * freqs[None, :]
    table = jnp.zeros((CACHE_SIZE, D_MODEL), dtype=jnp.float32)
    table = table.at[:, 0::2].set(jnp.sin(angles))
    table = table.at[:, 1::2].set(jnp.cos(angles))
    return table


def setup_inputs(seed: int = 0) -> dict:
    key = jax.random.key(seed)
    inp = jax.random.randint(key, (BATCH, SEQ), 0, CACHE_SIZE)
    sincos_table = _build_sincos_table()
    # bias_init='zeros' -> learnable translation bias starts at zero
    translation_bias = jnp.zeros((D_MODEL,), dtype=jnp.float32)
    return {"inp": inp, "sincos_table": sincos_table, "translation_bias": translation_bias}


def reference(inp, sincos_table, translation_bias):
    # long input + cache -> table lookup path of FundamentalMusicEmbedding
    out = jnp.take(sincos_table, inp, axis=0)
    out = out + translation_bias.astype(out.dtype)
    return out

if __name__ == "__main__":
    import jax
    _d = setup_inputs()
    print(jax.jit(kernel)(*tuple(_d.values())))

</pallas_src>

<mosaic_0001>
#map = affine_map<(d0, d1) -> (0, 0)>
#map1 = affine_map<(d0, d1) -> (0)>
module attributes {stable_mosaic.version = 14 : i64} {
  func.func @gather_kernel(%arg0: i32, %arg1: i32, %arg2: memref<1000x256xf32, #tpu.memory_space<hbm>>, %arg3: memref<256xf32, #tpu.memory_space<hbm>>, %arg4: memref<32x6400xi32, #tpu.memory_space<hbm>>, %arg5: memref<204800x256xf32, #tpu.memory_space<hbm>>, %arg6: memref<6416xi32, #tpu.memory_space<vmem>>, %arg7: memref<3x128x256xf32, #tpu.memory_space<vmem>>, %arg8: memref<1000x256xf32, #tpu.memory_space<vmem_shared>>, %arg9: memref<256xf32, #tpu.memory_space<vmem>>, %arg10: memref<!tpu.dma_semaphore, #tpu.memory_space<semaphore_mem>>, %arg11: memref<!tpu.dma_semaphore, #tpu.memory_space<semaphore_mem>>, %arg12: memref<!tpu.dma_semaphore, #tpu.memory_space<semaphore_mem>>, %arg13: memref<!tpu.dma_semaphore, #tpu.memory_space<semaphore_mem>>, %arg14: memref<!tpu.dma_semaphore, #tpu.memory_space<semaphore_mem>>, %arg15: memref<!tpu.dma_semaphore, #tpu.memory_space<semaphore_mem>>) attributes {dimension_semantics = [#tpu.dimension_semantics<core_parallel>, #tpu.dimension_semantics<subcore_parallel>], iteration_bounds = array<i64: 2, 16>, scalar_prefetch = 0 : i64, scratch_operands = 10 : i64, tpu.core_type = #tpu.core_type<sc_vector_subcore>, window_params = [{transform_indices = #map}, {transform_indices = #map1}, {transform_indices = #map}, {transform_indices = #map}]} {
    %mul3A = arith.constant 2 : i32
    %mul3A_0 = arith.muli %arg1, %mul3A : i32
    %add3A = arith.addi %mul3A_0, %arg0 : i32
    %mul3A_1 = arith.constant 6400 : i32
    %mul3A_2 = arith.muli %add3A, %mul3A_1 : i32
    %mul3A_3 = arith.constant 64 : i32
    %mul3A_4 = arith.muli %arg1, %mul3A_3 : i32
    %min3A = arith.constant 936 : i32
    %min3A_5 = arith.minsi %mul3A_4, %min3A : i32
    "tpu.region"() ({
      %run_scoped3A_183 = tpu.sem_alloc : memref<!tpu.dma_semaphore, #tpu.memory_space<semaphore_mem>>
      tpu.enqueue_dma source(%arg3 : memref<256xf32, #tpu.memory_space<hbm>>) target(%arg9 : memref<256xf32, #tpu.memory_space<vmem>>) target_semaphore(%run_scoped3A_183 : memref<!tpu.dma_semaphore, #tpu.memory_space<semaphore_mem>>)
      tpu.wait_dma2 semaphore(%run_scoped3A_183 : memref<!tpu.dma_semaphore, #tpu.memory_space<semaphore_mem>>) src(%arg3 : memref<256xf32, #tpu.memory_space<hbm>>) dst(%arg9 : memref<256xf32, #tpu.memory_space<vmem>>)
      tpu.yield
    }) : () -> ()
    %run_scoped3A = arith.constant 0 : i32
    "tpu.region"() ({
      %run_scoped3A_183 = tpu.sem_alloc : memref<!tpu.dma_semaphore, #tpu.memory_space<semaphore_mem>>
      %dma_start3A_184 = arith.constant 0 : i32
      %dma_start3A_185 = arith.constant 0 : i32
      %dma_start3A_186 = tpu.memref_slice %arg7[%run_scoped3A, %dma_start3A_184, %dma_start3A_185] : memref<3x128x256xf32, #tpu.memory_space<vmem>> -> memref<1x128x256xf32, #tpu.memory_space<vmem>>
      %dma_start3A_187 = tpu.memref_squeeze %dma_start3A_186 : memref<1x128x256xf32, #tpu.memory_space<vmem>> -> memref<128x256xf32, #tpu.memory_space<vmem>>
      %dma_start3A_188 = arith.constant 0 : i32
      %dma_start3A_189 = arith.constant 0 : i32
      %dma_start3A_190 = tpu.memref_slice %dma_start3A_187[%dma_start3A_188, %dma_start3A_189] : memref<128x256xf32, #tpu.memory_space<vmem>> -> memref<64x256xf32, #tpu.memory_space<vmem>>
      %dma_start3A_191 = arith.constant 0 : i32
      %dma_start3A_192 = tpu.memref_slice %arg2[%min3A_5, %dma_start3A_191] : memref<1000x256xf32, #tpu.memory_space<hbm>> -> memref<64x256xf32, #tpu.memory_space<hbm>>
      %dma_start3A_193 = arith.constant 0 : i32
      %dma_start3A_194 = arith.constant 0 : i32
      %dma_start3A_195 = tpu.memref_slice %arg7[%run_scoped3A, %dma_start3A_193, %dma_start3A_194] : memref<3x128x256xf32, #tpu.memory_space<vmem>> -> memref<1x128x256xf32, #tpu.memory_space<vmem>>
      %dma_start3A_196 = tpu.memref_squeeze %dma_start3A_195 : memref<1x128x256xf32, #tpu.memory_space<vmem>> -> memref<128x256xf32, #tpu.memory_space<vmem>>
      %dma_start3A_197 = arith.constant 0 : i32
      %dma_start3A_198 = arith.constant 0 : i32
      %dma_start3A_199 = tpu.memref_slice %dma_start3A_196[%dma_start3A_197, %dma_start3A_198] : memref<128x256xf32, #tpu.memory_space<vmem>> -> memref<64x256xf32, #tpu.memory_space<vmem>>
      %dma_start3A_200 = arith.constant 0 : i32
      %dma_start3A_201 = tpu.memref_slice %arg2[%min3A_5, %dma_start3A_200] : memref<1000x256xf32, #tpu.memory_space<hbm>> -> memref<64x256xf32, #tpu.memory_space<hbm>>
      tpu.enqueue_dma source(%dma_start3A_201 : memref<64x256xf32, #tpu.memory_space<hbm>>) target(%dma_start3A_199 : memref<64x256xf32, #tpu.memory_space<vmem>>) target_semaphore(%run_scoped3A_183 : memref<!tpu.dma_semaphore, #tpu.memory_space<semaphore_mem>>)
      %dma_wait3A_202 = arith.constant 0 : i32
      %dma_wait3A_203 = arith.constant 0 : i32
      %dma_wait3A_204 = tpu.memref_slice %arg7[%run_scoped3A, %dma_wait3A_202, %dma_wait3A_203] : memref<3x128x256xf32, #tpu.memory_space<vmem>> -> memref<1x128x256xf32, #tpu.memory_space<vmem>>
      %dma_wait3A_205 = tpu.memref_squeeze %dma_wait3A_204 : memref<1x128x256xf32, #tpu.memory_space<vmem>> -> memref<128x256xf32, #tpu.memory_space<vmem>>
      %dma_wait3A_206 = arith.constant 0 : i32
      %dma_wait3A_207 = arith.constant 0 : i32
      %dma_wait3A_208 = tpu.memref_slice %dma_wait3A_205[%dma_wait3A_206, %dma_wait3A_207] : memref<128x256xf32, #tpu.memory_space<vmem>> -> memref<64x256xf32, #tpu.memory_space<vmem>>
      %dma_wait3A_209 = arith.constant 0 : i32
      %dma_wait3A_210 = tpu.memref_slice %arg2[%min3A_5, %dma_wait3A_209] : memref<1000x256xf32, #tpu.memory_space<hbm>> -> memref<64x256xf32, #tpu.memory_space<hbm>>
      %dma_wait3A_211 = arith.constant 0 : i32
      %dma_wait3A_212 = arith.constant 0 : i32
      %dma_wait3A_213 = tpu.memref_slice %arg7[%run_scoped3A, %dma_wait3A_211, %dma_wait3A_212] : memref<3x128x256xf32, #tpu.memory_space<vmem>> -> memref<1x128x256xf32, #tpu.memory_space<vmem>>
      %dma_wait3A_214 = tpu.memref_squeeze %dma_wait3A_213 : memref<1x128x256xf32, #tpu.memory_space<vmem>> -> memref<128x256xf32, #tpu.memory_space<vmem>>
      %dma_wait3A_215 = arith.constant 0 : i32
      %dma_wait3A_216 = arith.constant 0 : i32
      %dma_wait3A_217 = tpu.memref_slice %dma_wait3A_214[%dma_wait3A_215, %dma_wait3A_216] : memref<128x256xf32, #tpu.memory_space<vmem>> -> memref<64x256xf32, #tpu.memory_space<vmem>>
      %dma_wait3A_218 = arith.constant 0 : i32
      %dma_wait3A_219 = tpu.memref_slice %arg2[%min3A_5, %dma_wait3A_218] : memref<1000x256xf32, #tpu.memory_space<hbm>> -> memref<64x256xf32, #tpu.memory_space<hbm>>
      tpu.wait_dma2 semaphore(%run_scoped3A_183 : memref<!tpu.dma_semaphore, #tpu.memory_space<semaphore_mem>>) src(%dma_wait3A_219 : memref<64x256xf32, #tpu.memory_space<hbm>>) dst(%dma_wait3A_217 : memref<64x256xf32, #tpu.memory_space<vmem>>)
      tpu.yield
    }) : () -> ()
    %get3A = arith.constant 0 : index
    %get3A_6 = tpu.vector_load %arg9[%get3A] {strides = array<i32>} : memref<256xf32, #tpu.memory_space<vmem>>, vector<16xf32>,
    %get3A_7 = vector.shape_cast %get3A_6 : vector<16xf32> to vector<16xf32>
    %get3A_8 = arith.constant 16 : index
    %get3A_9 = tpu.vector_load %arg9[%get3A_8] {strides = array<i32>} : memref<256xf32, #tpu.memory_space<vmem>>, vector<16xf32>,
    %get3A_10 = vector.shape_cast %get3A_9 : vector<16xf32> to vector<16xf32>
    %get3A_11 = arith.constant 32 : index
    %get3A_12 = tpu.vector_load %arg9[%get3A_11] {strides = array<i32>} : memref<256xf32, #tpu.memory_space<vmem>>, vector<16xf32>,
    %get3A_13 = vector.shape_cast %get3A_12 : vector<16xf32> to vector<16xf32>
    %get3A_14 = arith.constant 48 : index
    %get3A_15 = tpu.vector_load %arg9[%get3A_14] {strides = array<i32>} : memref<256xf32, #tpu.memory_space<vmem>>, vector<16xf32>,
    %get3A_16 = vector.shape_cast %get3A_15 : vector<16xf32> to vector<16xf32>
    %get3A_17 = arith.constant 64 : index
    %get3A_18 = tpu.vector_load %arg9[%get3A_17] {strides = array<i32>} : memref<256xf32, #tpu.memory_space<vmem>>, vector<16xf32>,
    %get3A_19 = vector.shape_cast %get3A_18 : vector<16xf32> to vector<16xf32>
    %get3A_20 = arith.constant 80 : index
    %get3A_21 = tpu.vector_load %arg9[%get3A_20] {strides = array<i32>} : memref<256xf32, #tpu.memory_space<vmem>>, vector<16xf32>,
    %get3A_22 = vector.shape_cast %get3A_21 : vector<16xf32> to vector<16xf32>
    %get3A_23 = arith.constant 96 : index
    %get3A_24 = tpu.vector_load %arg9[%get3A_23] {strides = array<i32>} : memref<256xf32, #tpu.memory_space<vmem>>, vector<16xf32>,
    %get3A_25 = vector.shape_cast %get3A_24 : vector<16xf32> to vector<16xf32>
    %get3A_26 = arith.constant 112 : index
    %get3A_27 = tpu.vector_load %arg9[%get3A_26] {strides = array<i32>} : memref<256xf32, #tpu.memory_space<vmem>>, vector<16xf32>,
    %get3A_28 = vector.shape_cast %get3A_27 : vector<16xf32> to vector<16xf32>
    %get3A_29 = arith.constant 128 : index
    %get3A_30 = tpu.vector_load %arg9[%get3A_29] {strides = array<i32>} : memref<256xf32, #tpu.memory_space<vmem>>, vector<16xf32>,
    %get3A_31 = vector.shape_cast %get3A_30 : vector<16xf32> to vector<16xf32>
    %get3A_32 = arith.constant 144 : index
    %get3A_33 = tpu.vector_load %arg9[%get3A_32] {strides = array<i32>} : memref<256xf32, #tpu.memory_space<vmem>>, vector<16xf32>,
    %get3A_34 = vector.shape_cast %get3A_33 : vector<16xf32> to vector<16xf32>
    %get3A_35 = arith.constant 160 : index
    %get3A_36 = tpu.vector_load %arg9[%get3A_35] {strides = array<i32>} : memref<256xf32, #tpu.memory_space<vmem>>, vector<16xf32>,
    %get3A_37 = vector.shape_cast %get3A_36 : vector<16xf32> to vector<16xf32>
    %get3A_38 = arith.constant 176 : index
    %get3A_39 = tpu.vector_load %arg9[%get3A_38] {strides = array<i32>} : memref<256xf32, #tpu.memory_space<vmem>>, vector<16xf32>,
    %get3A_40 = vector.shape_cast %get3A_39 : vector<16xf32> to vector<16xf32>
    %get3A_41 = arith.constant 192 : index
    %get3A_42 = tpu.vector_load %arg9[%get3A_41] {strides = array<i32>} : memref<256xf32, #tpu.memory_space<vmem>>, vector<16xf32>,
    %get3A_43 = vector.shape_cast %get3A_42 : vector<16xf32> to vector<16xf32>
    %get3A_44 = arith.constant 208 : index
    %get3A_45 = tpu.vector_load %arg9[%get3A_44] {strides = array<i32>} : memref<256xf32, #tpu.memory_space<vmem>>, vector<16xf32>,
    %get3A_46 = vector.shape_cast %get3A_45 : vector<16xf32> to vector<16xf32>
    %get3A_47 = arith.constant 224 : index
    %get3A_48 = tpu.vector_load %arg9[%get3A_47] {strides = array<i32>} : memref<256xf32, #tpu.memory_space<vmem>>, vector<16xf32>,
    %get3A_49 = vector.shape_cast %get3A_48 : vector<16xf32> to vector<16xf32>
    %get3A_50 = arith.constant 240 : index
    %get3A_51 = tpu.vector_load %arg9[%get3A_50] {strides = array<i32>} : memref<256xf32, #tpu.memory_space<vmem>>, vector<16xf32>,
    %get3A_52 = vector.shape_cast %get3A_51 : vector<16xf32> to vector<16xf32>
    %scan3A = arith.constant 0 : i32
    %scan3A_53 = arith.constant 64 : i32
    %scan3A_54 = arith.addi %scan3A, %scan3A_53 : i32
    %scan3A_55 = arith.constant 1 : i32
    scf.for %scan3A_183 = %scan3A to %scan3A_54 step %scan3A_55  : i32 {
      %mul3A_184 = arith.constant 1 : i32
      %mul3A_185 = arith.muli %scan3A_183, %mul3A_184 : i32
      %add3A_186 = arith.constant 0 : i32
      %add3A_187 = arith.addi %add3A_186, %mul3A_185 : i32
      %get3A_188 = arith.constant 0 : i32
      %get3A_189 = arith.index_cast %get3A_188 : i32 to index
      %get3A_190 = arith.index_cast %add3A_187 : i32 to index
      %get3A_191 = arith.constant 0 : index
      %get3A_192 = tpu.vector_load %arg7[%get3A_189, %get3A_190, %get3A_191] {strides = array<i32>} : memref<3x128x256xf32, #tpu.memory_space<vmem>>, vector<1x1x16xf32>,
      %get3A_193 = vector.shape_cast %get3A_192 : vector<1x1x16xf32> to vector<16xf32>
      %add3A_194 = arith.addf %get3A_193, %get3A_7 : vector<16xf32>
      %swap3A = arith.constant 0 : i32
      %swap3A_195 = arith.index_cast %swap3A : i32 to index
      %swap3A_196 = arith.index_cast %add3A_187 : i32 to index
      %swap3A_197 = arith.constant 0 : index
      %swap3A_198 = tpu.vector_load %arg7[%swap3A_195, %swap3A_196, %swap3A_197] {strides = array<i32>} : memref<3x128x256xf32, #tpu.memory_space<vmem>>, vector<1x1x16xf32>,
      %swap3A_199 = vector.shape_cast %swap3A_198 : vector<1x1x16xf32> to vector<16xf32>
      %swap3A_200 = vector.shape_cast %add3A_194 : vector<16xf32> to vector<1x1x16xf32>
      tpu.vector_store %arg7[%swap3A_195, %swap3A_196, %swap3A_197], %swap3A_200 {strides = array<i32>} : memref<3x128x256xf32, #tpu.memory_space<vmem>>, vector<1x1x16xf32>,
      %get3A_201 = arith.constant 0 : i32
      %get3A_202 = arith.index_cast %get3A_201 : i32 to index
      %get3A_203 = arith.index_cast %add3A_187 : i32 to index
      %get3A_204 = arith.constant 16 : index
      %get3A_205 = tpu.vector_load %arg7[%get3A_202, %get3A_203, %get3A_204] {strides = array<i32>} : memref<3x128x256xf32, #tpu.memory_space<vmem>>, vector<1x1x16xf32>,
      %get3A_206 = vector.shape_cast %get3A_205 : vector<1x1x16xf32> to vector<16xf32>
      %add3A_207 = arith.addf %get3A_206, %get3A_10 : vector<16xf32>
      %swap3A_208 = arith.constant 0 : i32
      %swap3A_209 = arith.index_cast %swap3A_208 : i32 to index
      %swap3A_210 = arith.index_cast %add3A_187 : i32 to index
      %swap3A_211 = arith.constant 16 : index
      %swap3A_212 = tpu.vector_load %arg7[%swap3A_209, %swap3A_210, %swap3A_211] {strides = array<i32>} : memref<3x128x256xf32, #tpu.memory_space<vmem>>, vector<1x1x16xf32>,
      %swap3A_213 = vector.shape_cast %swap3A_212 : vector<1x1x16xf32> to vector<16xf32>
      %swap3A_214 = vector.shape_cast %add3A_207 : vector<16xf32> to vector<1x1x16xf32>
      tpu.vector_store %arg7[%swap3A_209, %swap3A_210, %swap3A_211], %swap3A_214 {strides = array<i32>} : memref<3x128x256xf32, #tpu.memory_space<vmem>>, vector<1x1x16xf32>,
      %get3A_215 = arith.constant 0 : i32
      %get3A_216 = arith.index_cast %get3A_215 : i32 to index
      %get3A_217 = arith.index_cast %add3A_187 : i32 to index
      %get3A_218 = arith.constant 32 : index
      %get3A_219 = tpu.vector_load %arg7[%get3A_216, %get3A_217, %get3A_218] {strides = array<i32>} : memref<3x128x256xf32, #tpu.memory_space<vmem>>, vector<1x1x16xf32>,
      %get3A_220 = vector.shape_cast %get3A_219 : vector<1x1x16xf32> to vector<16xf32>
      %add3A_221 = arith.addf %get3A_220, %get3A_13 : vector<16xf32>
      %swap3A_222 = arith.constant 0 : i32
      %swap3A_223 = arith.index_cast %swap3A_222 : i32 to index
      %swap3A_224 = arith.index_cast %add3A_187 : i32 to index
      %swap3A_225 = arith.constant 32 : index
      %swap3A_226 = tpu.vector_load %arg7[%swap3A_223, %swap3A_224, %swap3A_225] {strides = array<i32>} : memref<3x128x256xf32, #tpu.memory_space<vmem>>, vector<1x1x16xf32>,
      %swap3A_227 = vector.shape_cast %swap3A_226 : vector<1x1x16xf32> to vector<16xf32>
      %swap3A_228 = vector.shape_cast %add3A_221 : vector<16xf32> to vector<1x1x16xf32>
      tpu.vector_store %arg7[%swap3A_223, %swap3A_224, %swap3A_225], %swap3A_228 {strides = array<i32>} : memref<3x128x256xf32, #tpu.memory_space<vmem>>, vector<1x1x16xf32>,
      %get3A_229 = arith.constant 0 : i32
      %get3A_230 = arith.index_cast %get3A_229 : i32 to index
      %get3A_231 = arith.index_cast %add3A_187 : i32 to index
      %get3A_232 = arith.constant 48 : index
      %get3A_233 = tpu.vector_load %arg7[%get3A_230, %get3A_231, %get3A_232] {strides = array<i32>} : memref<3x128x256xf32, #tpu.memory_space<vmem>>, vector<1x1x16xf32>,
      %get3A_234 = vector.shape_cast %get3A_233 : vector<1x1x16xf32> to vector<16xf32>
      %add3A_235 = arith.addf %get3A_234, %get3A_16 : vector<16xf32>
      %swap3A_236 = arith.constant 0 : i32
      %swap3A_237 = arith.index_cast %swap3A_236 : i32 to index
      %swap3A_238 = arith.index_cast %add3A_187 : i32 to index
      %swap3A_239 = arith.constant 48 : index
      %swap3A_240 = tpu.vector_load %arg7[%swap3A_237, %swap3A_238, %swap3A_239] {strides = array<i32>} : memref<3x128x256xf32, #tpu.memory_space<vmem>>, vector<1x1x16xf32>,
      %swap3A_241 = vector.shape_cast %swap3A_240 : vector<1x1x16xf32> to vector<16xf32>
      %swap3A_242 = vector.shape_cast %add3A_235 : vector<16xf32> to vector<1x1x16xf32>
      tpu.vector_store %arg7[%swap3A_237, %swap3A_238, %swap3A_239], %swap3A_242 {strides = array<i32>} : memref<3x128x256xf32, #tpu.memory_space<vmem>>, vector<1x1x16xf32>,
      %get3A_243 = arith.constant 0 : i32
      %get3A_244 = arith.index_cast %get3A_243 : i32 to index
      %get3A_245 = arith.index_cast %add3A_187 : i32 to index
      %get3A_246 = arith.constant 64 : index
      %get3A_247 = tpu.vector_load %arg7[%get3A_244, %get3A_245, %get3A_246] {strides = array<i32>} : memref<3x128x256xf32, #tpu.memory_space<vmem>>, vector<1x1x16xf32>,
      %get3A_248 = vector.shape_cast %get3A_247 : vector<1x1x16xf32> to vector<16xf32>
      %add3A_249 = arith.addf %get3A_248, %get3A_19 : vector<16xf32>
      %swap3A_250 = arith.constant 0 : i32
      %swap3A_251 = arith.index_cast %swap3A_250 : i32 to index
      %swap3A_252 = arith.index_cast %add3A_187 : i32 to index
      %swap3A_253 = arith.constant 64 : index
      %swap3A_254 = tpu.vector_load %arg7[%swap3A_251, %swap3A_252, %swap3A_253] {strides = array<i32>} : memref<3x128x256xf32, #tpu.memory_space<vmem>>, vector<1x1x16xf32>,
      %swap3A_255 = vector.shape_cast %swap3A_254 : vector<1x1x16xf32> to vector<16xf32>
      %swap3A_256 = vector.shape_cast %add3A_249 : vector<16xf32> to vector<1x1x16xf32>
      tpu.vector_store %arg7[%swap3A_251, %swap3A_252, %swap3A_253], %swap3A_256 {strides = array<i32>} : memref<3x128x256xf32, #tpu.memory_space<vmem>>, vector<1x1x16xf32>,
      %get3A_257 = arith.constant 0 : i32
      %get3A_258 = arith.index_cast %get3A_257 : i32 to index
      %get3A_259 = arith.index_cast %add3A_187 : i32 to index
      %get3A_260 = arith.constant 80 : index
      %get3A_261 = tpu.vector_load %arg7[%get3A_258, %get3A_259, %get3A_260] {strides = array<i32>} : memref<3x128x256xf32, #tpu.memory_space<vmem>>, vector<1x1x16xf32>,
      %get3A_262 = vector.shape_cast %get3A_261 : vector<1x1x16xf32> to vector<16xf32>
      %add3A_263 = arith.addf %get3A_262, %get3A_22 : vector<16xf32>
      %swap3A_264 = arith.constant 0 : i32
      %swap3A_265 = arith.index_cast %swap3A_264 : i32 to index
      %swap3A_266 = arith.index_cast %add3A_187 : i32 to index
      %swap3A_267 = arith.constant 80 : index
      %swap3A_268 = tpu.vector_load %arg7[%swap3A_265, %swap3A_266, %swap3A_267] {strides = array<i32>} : memref<3x128x256xf32, #tpu.memory_space<vmem>>, vector<1x1x16xf32>,
      %swap3A_269 = vector.shape_cast %swap3A_268 : vector<1x1x16xf32> to vector<16xf32>
      %swap3A_270 = vector.shape_cast %add3A_263 : vector<16xf32> to vector<1x1x16xf32>
      tpu.vector_store %arg7[%swap3A_265, %swap3A_266, %swap3A_267], %swap3A_270 {strides = array<i32>} : memref<3x128x256xf32, #tpu.memory_space<vmem>>, vector<1x1x16xf32>,
      %get3A_271 = arith.constant 0 : i32
      %get3A_272 = arith.index_cast %get3A_271 : i32 to index
      %get3A_273 = arith.index_cast %add3A_187 : i32 to index
      %get3A_274 = arith.constant 96 : index
      %get3A_275 = tpu.vector_load %arg7[%get3A_272, %get3A_273, %get3A_274] {strides = array<i32>} : memref<3x128x256xf32, #tpu.memory_space<vmem>>, vector<1x1x16xf32>,
      %get3A_276 = vector.shape_cast %get3A_275 : vector<1x1x16xf32> to vector<16xf32>
      %add3A_277 = arith.addf %get3A_276, %get3A_25 : vector<16xf32>
      %swap3A_278 = arith.constant 0 : i32
      %swap3A_279 = arith.index_cast %swap3A_278 : i32 to index
      %swap3A_280 = arith.index_cast %add3A_187 : i32 to index
      %swap3A_281 = arith.constant 96 : index
      %swap3A_282 = tpu.vector_load %arg7[%swap3A_279, %swap3A_280, %swap3A_281] {strides = array<i32>} : memref<3x128x256xf32, #tpu.memory_space<vmem>>, vector<1x1x16xf32>,
      %swap3A_283 = vector.shape_cast %swap3A_282 : vector<1x1x16xf32> to vector<16xf32>
      %swap3A_284 = vector.shape_cast %add3A_277 : vector<16xf32> to vector<1x1x16xf32>
      tpu.vector_store %arg7[%swap3A_279, %swap3A_280, %swap3A_281], %swap3A_284 {strides = array<i32>} : memref<3x128x256xf32, #tpu.memory_space<vmem>>, vector<1x1x16xf32>,
      %get3A_285 = arith.constant 0 : i32
      %get3A_286 = arith.index_cast %get3A_285 : i32 to index
      %get3A_287 = arith.index_cast %add3A_187 : i32 to index
      %get3A_288 = arith.constant 112 : index
      %get3A_289 = tpu.vector_load %arg7[%get3A_286, %get3A_287, %get3A_288] {strides = array<i32>} : memref<3x128x256xf32, #tpu.memory_space<vmem>>, vector<1x1x16xf32>,
      %get3A_290 = vector.shape_cast %get3A_289 : vector<1x1x16xf32> to vector<16xf32>
      %add3A_291 = arith.addf %get3A_290, %get3A_28 : vector<16xf32>
      %swap3A_292 = arith.constant 0 : i32
      %swap3A_293 = arith.index_cast %swap3A_292 : i32 to index
      %swap3A_294 = arith.index_cast %add3A_187 : i32 to index
      %swap3A_295 = arith.constant 112 : index
      %swap3A_296 = tpu.vector_load %arg7[%swap3A_293, %swap3A_294, %swap3A_295] {strides = array<i32>} : memref<3x128x256xf32, #tpu.memory_space<vmem>>, vector<1x1x16xf32>,
      %swap3A_297 = vector.shape_cast %swap3A_296 : vector<1x1x16xf32> to vector<16xf32>
      %swap3A_298 = vector.shape_cast %add3A_291 : vector<16xf32> to vector<1x1x16xf32>
      tpu.vector_store %arg7[%swap3A_293, %swap3A_294, %swap3A_295], %swap3A_298 {strides = array<i32>} : memref<3x128x256xf32, #tpu.memory_space<vmem>>, vector<1x1x16xf32>,
      %get3A_299 = arith.constant 0 : i32
      %get3A_300 = arith.index_cast %get3A_299 : i32 to index
      %get3A_301 = arith.index_cast %add3A_187 : i32 to index
      %get3A_302 = arith.constant 128 : index
      %get3A_303 = tpu.vector_load %arg7[%get3A_300, %get3A_301, %get3A_302] {strides = array<i32>} : memref<3x128x256xf32, #tpu.memory_space<vmem>>, vector<1x1x16xf32>,
      %get3A_304 = vector.shape_cast %get3A_303 : vector<1x1x16xf32> to vector<16xf32>
      %add3A_305 = arith.addf %get3A_304, %get3A_31 : vector<16xf32>
      %swap3A_306 = arith.constant 0 : i32
      %swap3A_307 = arith.index_cast %swap3A_306 : i32 to index
      %swap3A_308 = arith.index_cast %add3A_187 : i32 to index
      %swap3A_309 = arith.constant 128 : index
      %swap3A_310 = tpu.vector_load %arg7[%swap3A_307, %swap3A_308, %swap3A_309] {strides = array<i32>} : memref<3x128x256xf32, #tpu.memory_space<vmem>>, vector<1x1x16xf32>,
      %swap3A_311 = vector.shape_cast %swap3A_310 : vector<1x1x16xf32> to vector<16xf32>
      %swap3A_312 = vector.shape_cast %add3A_305 : vector<16xf32> to vector<1x1x16xf32>
      tpu.vector_store %arg7[%swap3A_307, %swap3A_308, %swap3A_309], %swap3A_312 {strides = array<i32>} : memref<3x128x256xf32, #tpu.memory_space<vmem>>, vector<1x1x16xf32>,
      %get3A_313 = arith.constant 0 : i32
      %get3A_314 = arith.index_cast %get3A_313 : i32 to index
      %get3A_315 = arith.index_cast %add3A_187 : i32 to index
      %get3A_316 = arith.constant 144 : index
      %get3A_317 = tpu.vector_load %arg7[%get3A_314, %get3A_315, %get3A_316] {strides = array<i32>} : memref<3x128x256xf32, #tpu.memory_space<vmem>>, vector<1x1x16xf32>,
      %get3A_318 = vector.shape_cast %get3A_317 : vector<1x1x16xf32> to vector<16xf32>
      %add3A_319 = arith.addf %get3A_318, %get3A_34 : vector<16xf32>
      %swap3A_320 = arith.constant 0 : i32
      %swap3A_321 = arith.index_cast %swap3A_320 : i32 to index
      %swap3A_322 = arith.index_cast %add3A_187 : i32 to index
      %swap3A_323 = arith.constant 144 : index
      %swap3A_324 = tpu.vector_load %arg7[%swap3A_321, %swap3A_322, %swap3A_323] {strides = array<i32>} : memref<3x128x256xf32, #tpu.memory_space<vmem>>, vector<1x1x16xf32>,
      %swap3A_325 = vector.shape_cast %swap3A_324 : vector<1x1x16xf32> to vector<16xf32>
      %swap3A_326 = vector.shape_cast %add3A_319 : vector<16xf32> to vector<1x1x16xf32>
      tpu.vector_store %arg7[%swap3A_321, %swap3A_322, %swap3A_323], %swap3A_326 {strides = array<i32>} : memref<3x128x256xf32, #tpu.memory_space<vmem>>, vector<1x1x16xf32>,
      %get3A_327 = arith.constant 0 : i32
      %get3A_328 = arith.index_cast %get3A_327 : i32 to index
      %get3A_329 = arith.index_cast %add3A_187 : i32 to index
      %get3A_330 = arith.constant 160 : index
      %get3A_331 = tpu.vector_load %arg7[%get3A_328, %get3A_329, %get3A_330] {strides = array<i32>} : memref<3x128x256xf32, #tpu.memory_space<vmem>>, vector<1x1x16xf32>,
      %get3A_332 = vector.shape_cast %get3A_331 : vector<1x1x16xf32> to vector<16xf32>
      %add3A_333 = arith.addf %get3A_332, %get3A_37 : vector<16xf32>
      %swap3A_334 = arith.constant 0 : i32
      %swap3A_335 = arith.index_cast %swap3A_334 : i32 to index
      %swap3A_336 = arith.index_cast %add3A_187 : i32 to index
      %swap3A_337 = arith.constant 160 : index
      %swap3A_338 = tpu.vector_load %arg7[%swap3A_335, %swap3A_336, %swap3A_337] {strides = array<i32>} : memref<3x128x256xf32, #tpu.memory_space<vmem>>, vector<1x1x16xf32>,
      %swap3A_339 = vector.shape_cast %swap3A_338 : vector<1x1x16xf32> to vector<16xf32>
      %swap3A_340 = vector.shape_cast %add3A_333 : vector<16xf32> to vector<1x1x16xf32>
      tpu.vector_store %arg7[%swap3A_335, %swap3A_336, %swap3A_337], %swap3A_340 {strides = array<i32>} : memref<3x128x256xf32, #tpu.memory_space<vmem>>, vector<1x1x16xf32>,
      %get3A_341 = arith.constant 0 : i32
      %get3A_342 = arith.index_cast %get3A_341 : i32 to index
      %get3A_343 = arith.index_cast %add3A_187 : i32 to index
      %get3A_344 = arith.constant 176 : index
      %get3A_345 = tpu.vector_load %arg7[%get3A_342, %get3A_343, %get3A_344] {strides = array<i32>} : memref<3x128x256xf32, #tpu.memory_space<vmem>>, vector<1x1x16xf32>,
      %get3A_346 = vector.shape_cast %get3A_345 : vector<1x1x16xf32> to vector<16xf32>
      %add3A_347 = arith.addf %get3A_346, %get3A_40 : vector<16xf32>
      %swap3A_348 = arith.constant 0 : i32
      %swap3A_349 = arith.index_cast %swap3A_348 : i32 to index
      %swap3A_350 = arith.index_cast %add3A_187 : i32 to index
      %swap3A_351 = arith.constant 176 : index
      %swap3A_352 = tpu.vector_load %arg7[%swap3A_349, %swap3A_350, %swap3A_351] {strides = array<i32>} : memref<3x128x256xf32, #tpu.memory_space<vmem>>, vector<1x1x16xf32>,
      %swap3A_353 = vector.shape_cast %swap3A_352 : vector<1x1x16xf32> to vector<16xf32>
      %swap3A_354 = vector.shape_cast %add3A_347 : vector<16xf32> to vector<1x1x16xf32>
      tpu.vector_store %arg7[%swap3A_349, %swap3A_350, %swap3A_351], %swap3A_354 {strides = array<i32>} : memref<3x128x256xf32, #tpu.memory_space<vmem>>, vector<1x1x16xf32>,
      %get3A_355 = arith.constant 0 : i32
      %get3A_356 = arith.index_cast %get3A_355 : i32 to index
      %get3A_357 = arith.index_cast %add3A_187 : i32 to index
      %get3A_358 = arith.constant 192 : index
      %get3A_359 = tpu.vector_load %arg7[%get3A_356, %get3A_357, %get3A_358] {strides = array<i32>} : memref<3x128x256xf32, #tpu.memory_space<vmem>>, vector<1x1x16xf32>,
      %get3A_360 = vector.shape_cast %get3A_359 : vector<1x1x16xf32> to vector<16xf32>
      %add3A_361 = arith.addf %get3A_360, %get3A_43 : vector<16xf32>
      %swap3A_362 = arith.constant 0 : i32
      %swap3A_363 = arith.index_cast %swap3A_362 : i32 to index
      %swap3A_364 = arith.index_cast %add3A_187 : i32 to index
      %swap3A_365 = arith.constant 192 : index
      %swap3A_366 = tpu.vector_load %arg7[%swap3A_363, %swap3A_364, %swap3A_365] {strides = array<i32>} : memref<3x128x256xf32, #tpu.memory_space<vmem>>, vector<1x1x16xf32>,
      %swap3A_367 = vector.shape_cast %swap3A_366 : vector<1x1x16xf32> to vector<16xf32>
      %swap3A_368 = vector.shape_cast %add3A_361 : vector<16xf32> to vector<1x1x16xf32>
      tpu.vector_store %arg7[%swap3A_363, %swap3A_364, %swap3A_365], %swap3A_368 {strides = array<i32>} : memref<3x128x256xf32, #tpu.memory_space<vmem>>, vector<1x1x16xf32>,
      %get3A_369 = arith.constant 0 : i32
      %get3A_370 = arith.index_cast %get3A_369 : i32 to index
      %get3A_371 = arith.index_cast %add3A_187 : i32 to index
      %get3A_372 = arith.constant 208 : index
      %get3A_373 = tpu.vector_load %arg7[%get3A_370, %get3A_371, %get3A_372] {strides = array<i32>} : memref<3x128x256xf32, #tpu.memory_space<vmem>>, vector<1x1x16xf32>,
      %get3A_374 = vector.shape_cast %get3A_373 : vector<1x1x16xf32> to vector<16xf32>
      %add3A_375 = arith.addf %get3A_374, %get3A_46 : vector<16xf32>
      %swap3A_376 = arith.constant 0 : i32
      %swap3A_377 = arith.index_cast %swap3A_376 : i32 to index
      %swap3A_378 = arith.index_cast %add3A_187 : i32 to index
      %swap3A_379 = arith.constant 208 : index
      %swap3A_380 = tpu.vector_load %arg7[%swap3A_377, %swap3A_378, %swap3A_379] {strides = array<i32>} : memref<3x128x256xf32, #tpu.memory_space<vmem>>, vector<1x1x16xf32>,
      %swap3A_381 = vector.shape_cast %swap3A_380 : vector<1x1x16xf32> to vector<16xf32>
      %swap3A_382 = vector.shape_cast %add3A_375 : vector<16xf32> to vector<1x1x16xf32>
      tpu.vector_store %arg7[%swap3A_377, %swap3A_378, %swap3A_379], %swap3A_382 {strides = array<i32>} : memref<3x128x256xf32, #tpu.memory_space<vmem>>, vector<1x1x16xf32>,
      %get3A_383 = arith.constant 0 : i32
      %get3A_384 = arith.index_cast %get3A_383 : i32 to index
      %get3A_385 = arith.index_cast %add3A_187 : i32 to index
      %get3A_386 = arith.constant 224 : index
      %get3A_387 = tpu.vector_load %arg7[%get3A_384, %get3A_385, %get3A_386] {strides = array<i32>} : memref<3x128x256xf32, #tpu.memory_space<vmem>>, vector<1x1x16xf32>,
      %get3A_388 = vector.shape_cast %get3A_387 : vector<1x1x16xf32> to vector<16xf32>
      %add3A_389 = arith.addf %get3A_388, %get3A_49 : vector<16xf32>
      %swap3A_390 = arith.constant 0 : i32
      %swap3A_391 = arith.index_cast %swap3A_390 : i32 to index
      %swap3A_392 = arith.index_cast %add3A_187 : i32 to index
      %swap3A_393 = arith.constant 224 : index
      %swap3A_394 = tpu.vector_load %arg7[%swap3A_391, %swap3A_392, %swap3A_393] {strides = array<i32>} : memref<3x128x256xf32, #tpu.memory_space<vmem>>, vector<1x1x16xf32>,
      %swap3A_395 = vector.shape_cast %swap3A_394 : vector<1x1x16xf32> to vector<16xf32>
      %swap3A_396 = vector.shape_cast %add3A_389 : vector<16xf32> to vector<1x1x16xf32>
      tpu.vector_store %arg7[%swap3A_391, %swap3A_392, %swap3A_393], %swap3A_396 {strides = array<i32>} : memref<3x128x256xf32, #tpu.memory_space<vmem>>, vector<1x1x16xf32>,
      %get3A_397 = arith.constant 0 : i32
      %get3A_398 = arith.index_cast %get3A_397 : i32 to index
      %get3A_399 = arith.index_cast %add3A_187 : i32 to index
      %get3A_400 = arith.constant 240 : index
      %get3A_401 = tpu.vector_load %arg7[%get3A_398, %get3A_399, %get3A_400] {strides = array<i32>} : memref<3x128x256xf32, #tpu.memory_space<vmem>>, vector<1x1x16xf32>,
      %get3A_402 = vector.shape_cast %get3A_401 : vector<1x1x16xf32> to vector<16xf32>
      %add3A_403 = arith.addf %get3A_402, %get3A_52 : vector<16xf32>
      %swap3A_404 = arith.constant 0 : i32
      %swap3A_405 = arith.index_cast %swap3A_404 : i32 to index
      %swap3A_406 = arith.index_cast %add3A_187 : i32 to index
      %swap3A_407 = arith.constant 240 : index
      %swap3A_408 = tpu.vector_load %arg7[%swap3A_405, %swap3A_406, %swap3A_407] {strides = array<i32>} : memref<3x128x256xf32, #tpu.memory_space<vmem>>, vector<1x1x16xf32>,
      %swap3A_409 = vector.shape_cast %swap3A_408 : vector<1x1x16xf32> to vector<16xf32>
      %swap3A_410 = vector.shape_cast %add3A_403 : vector<16xf32> to vector<1x1x16xf32>
      tpu.vector_store %arg7[%swap3A_405, %swap3A_406, %swap3A_407], %swap3A_410 {strides = array<i32>} : memref<3x128x256xf32, #tpu.memory_space<vmem>>, vector<1x1x16xf32>,
    }
    %scan3A_56 = arith.constant 64 : i32
    %run_scoped3A_57 = arith.constant 0 : i32
    "tpu.region"() ({
      %run_scoped3A_183 = tpu.sem_alloc : memref<!tpu.dma_semaphore, #tpu.memory_space<semaphore_mem>>
      %dma_start3A_184 = arith.constant 0 : i32
      %dma_start3A_185 = arith.constant 0 : i32
      %dma_start3A_186 = tpu.memref_slice %arg7[%run_scoped3A_57, %dma_start3A_184, %dma_start3A_185] : memref<3x128x256xf32, #tpu.memory_space<vmem>> -> memref<1x128x256xf32, #tpu.memory_space<vmem>>
      %dma_start3A_187 = tpu.memref_squeeze %dma_start3A_186 : memref<1x128x256xf32, #tpu.memory_space<vmem>> -> memref<128x256xf32, #tpu.memory_space<vmem>>
      %dma_start3A_188 = arith.constant 0 : i32
      %dma_start3A_189 = arith.constant 0 : i32
      %dma_start3A_190 = tpu.memref_slice %dma_start3A_187[%dma_start3A_188, %dma_start3A_189] : memref<128x256xf32, #tpu.memory_space<vmem>> -> memref<64x256xf32, #tpu.memory_space<vmem>>
      %dma_start3A_191 = arith.constant 0 : i32
      %dma_start3A_192 = tpu.memref_slice %arg8[%min3A_5, %dma_start3A_191] : memref<1000x256xf32, #tpu.memory_space<vmem_shared>> -> memref<64x256xf32, #tpu.memory_space<vmem_shared>>
      %dma_start3A_193 = arith.constant 0 : i32
      %dma_start3A_194 = tpu.memref_slice %arg8[%min3A_5, %dma_start3A_193] : memref<1000x256xf32, #tpu.memory_space<vmem_shared>> -> memref<64x256xf32, #tpu.memory_space<vmem_shared>>
      %dma_start3A_195 = arith.constant 0 : i32
      %dma_start3A_196 = arith.constant 0 : i32
      %dma_start3A_197 = tpu.memref_slice %arg7[%run_scoped3A_57, %dma_start3A_195, %dma_start3A_196] : memref<3x128x256xf32, #tpu.memory_space<vmem>> -> memref<1x128x256xf32, #tpu.memory_space<vmem>>
      %dma_start3A_198 = tpu.memref_squeeze %dma_start3A_197 : memref<1x128x256xf32, #tpu.memory_space<vmem>> -> memref<128x256xf32, #tpu.memory_space<vmem>>
      %dma_start3A_199 = arith.constant 0 : i32
      %dma_start3A_200 = arith.constant 0 : i32
      %dma_start3A_201 = tpu.memref_slice %dma_start3A_198[%dma_start3A_199, %dma_start3A_200] : memref<128x256xf32, #tpu.memory_space<vmem>> -> memref<64x256xf32, #tpu.memory_space<vmem>>
      tpu.enqueue_dma source(%dma_start3A_201 : memref<64x256xf32, #tpu.memory_space<vmem>>) target(%dma_start3A_194 : memref<64x256xf32, #tpu.memory_space<vmem_shared>>) target_semaphore(%run_scoped3A_183 : memref<!tpu.dma_semaphore, #tpu.memory_space<semaphore_mem>>)
      %dma_wait3A_202 = arith.constant 0 : i32
      %dma_wait3A_203 = arith.constant 0 : i32
      %dma_wait3A_204 = tpu.memref_slice %arg7[%run_scoped3A_57, %dma_wait3A_202, %dma_wait3A_203] : memref<3x128x256xf32, #tpu.memory_space<vmem>> -> memref<1x128x256xf32, #tpu.memory_space<vmem>>
      %dma_wait3A_205 = tpu.memref_squeeze %dma_wait3A_204 : memref<1x128x256xf32, #tpu.memory_space<vmem>> -> memref<128x256xf32, #tpu.memory_space<vmem>>
      %dma_wait3A_206 = arith.constant 0 : i32
      %dma_wait3A_207 = arith.constant 0 : i32
      %dma_wait3A_208 = tpu.memref_slice %dma_wait3A_205[%dma_wait3A_206, %dma_wait3A_207] : memref<128x256xf32, #tpu.memory_space<vmem>> -> memref<64x256xf32, #tpu.memory_space<vmem>>
      %dma_wait3A_209 = arith.constant 0 : i32
      %dma_wait3A_210 = tpu.memref_slice %arg8[%min3A_5, %dma_wait3A_209] : memref<1000x256xf32, #tpu.memory_space<vmem_shared>> -> memref<64x256xf32, #tpu.memory_space<vmem_shared>>
      %dma_wait3A_211 = arith.constant 0 : i32
      %dma_wait3A_212 = tpu.memref_slice %arg8[%min3A_5, %dma_wait3A_211] : memref<1000x256xf32, #tpu.memory_space<vmem_shared>> -> memref<64x256xf32, #tpu.memory_space<vmem_shared>>
      %dma_wait3A_213 = arith.constant 0 : i32
      %dma_wait3A_214 = arith.constant 0 : i32
      %dma_wait3A_215 = tpu.memref_slice %arg7[%run_scoped3A_57, %dma_wait3A_213, %dma_wait3A_214] : memref<3x128x256xf32, #tpu.memory_space<vmem>> -> memref<1x128x256xf32, #tpu.memory_space<vmem>>
      %dma_wait3A_216 = tpu.memref_squeeze %dma_wait3A_215 : memref<1x128x256xf32, #tpu.memory_space<vmem>> -> memref<128x256xf32, #tpu.memory_space<vmem>>
      %dma_wait3A_217 = arith.constant 0 : i32
      %dma_wait3A_218 = arith.constant 0 : i32
      %dma_wait3A_219 = tpu.memref_slice %dma_wait3A_216[%dma_wait3A_217, %dma_wait3A_218] : memref<128x256xf32, #tpu.memory_space<vmem>> -> memref<64x256xf32, #tpu.memory_space<vmem>>
      tpu.wait_dma2 semaphore(%run_scoped3A_183 : memref<!tpu.dma_semaphore, #tpu.memory_space<semaphore_mem>>) src(%dma_wait3A_219 : memref<64x256xf32, #tpu.memory_space<vmem>>) dst(%dma_wait3A_212 : memref<64x256xf32, #tpu.memory_space<vmem_shared>>)
      tpu.yield
    }) : () -> ()
    "tpu.region"() ({
      %run_scoped3A_183 = tpu.sem_alloc : memref<!tpu.dma_semaphore, #tpu.memory_space<semaphore_mem>>
      %dma_start3A_184 = arith.constant 0 : i32
      %dma_start3A_185 = tpu.memref_slice %arg6[%dma_start3A_184] : memref<6416xi32, #tpu.memory_space<vmem>> -> memref<6400xi32, #tpu.memory_space<vmem>>
      %dma_start3A_186 = arith.constant 0 : i32
      %dma_start3A_187 = tpu.memref_slice %arg4[%add3A, %dma_start3A_186] : memref<32x6400xi32, #tpu.memory_space<hbm>> -> memref<1x6400xi32, #tpu.memory_space<hbm>>
      %dma_start3A_188 = tpu.memref_squeeze %dma_start3A_187 : memref<1x6400xi32, #tpu.memory_space<hbm>> -> memref<6400xi32, #tpu.memory_space<hbm>>
      %dma_start3A_189 = arith.constant 0 : i32
      %dma_start3A_190 = tpu.memref_slice %arg6[%dma_start3A_189] : memref<6416xi32, #tpu.memory_space<vmem>> -> memref<6400xi32, #tpu.memory_space<vmem>>
      %dma_start3A_191 = arith.constant 0 : i32
      %dma_start3A_192 = tpu.memref_slice %arg4[%add3A, %dma_start3A_191] : memref<32x6400xi32, #tpu.memory_space<hbm>> -> memref<1x6400xi32, #tpu.memory_space<hbm>>
      %dma_start3A_193 = tpu.memref_squeeze %dma_start3A_192 : memref<1x6400xi32, #tpu.memory_space<hbm>> -> memref<6400xi32, #tpu.memory_space<hbm>>
      tpu.enqueue_dma source(%dma_start3A_193 : memref<6400xi32, #tpu.memory_space<hbm>>) target(%dma_start3A_190 : memref<6400xi32, #tpu.memory_space<vmem>>) target_semaphore(%run_scoped3A_183 : memref<!tpu.dma_semaphore, #tpu.memory_space<semaphore_mem>>)
      %dma_wait3A_194 = arith.constant 0 : i32
      %dma_wait3A_195 = tpu.memref_slice %arg6[%dma_wait3A_194] : memref<6416xi32, #tpu.memory_space<vmem>> -> memref<6400xi32, #tpu.memory_space<vmem>>
      %dma_wait3A_196 = arith.constant 0 : i32
      %dma_wait3A_197 = tpu.memref_slice %arg4[%add3A, %dma_wait3A_196] : memref<32x6400xi32, #tpu.memory_space<hbm>> -> memref<1x6400xi32, #tpu.memory_space<hbm>>
      %dma_wait3A_198 = tpu.memref_squeeze %dma_wait3A_197 : memref<1x6400xi32, #tpu.memory_space<hbm>> -> memref<6400xi32, #tpu.memory_space<hbm>>
      %dma_wait3A_199 = arith.constant 0 : i32
      %dma_wait3A_200 = tpu.memref_slice %arg6[%dma_wait3A_199] : memref<6416xi32, #tpu.memory_space<vmem>> -> memref<6400xi32, #tpu.memory_space<vmem>>
      %dma_wait3A_201 = arith.constant 0 : i32
      %dma_wait3A_202 = tpu.memref_slice %arg4[%add3A, %dma_wait3A_201] : memref<32x6400xi32, #tpu.memory_space<hbm>> -> memref<1x6400xi32, #tpu.memory_space<hbm>>
      %dma_wait3A_203 = tpu.memref_squeeze %dma_wait3A_202 : memref<1x6400xi32, #tpu.memory_space<hbm>> -> memref<6400xi32, #tpu.memory_space<hbm>>
      tpu.wait_dma2 semaphore(%run_scoped3A_183 : memref<!tpu.dma_semaphore, #tpu.memory_space<semaphore_mem>>) src(%dma_wait3A_203 : memref<6400xi32, #tpu.memory_space<hbm>>) dst(%dma_wait3A_200 : memref<6400xi32, #tpu.memory_space<vmem>>)
      tpu.yield
    }) : () -> ()
    %barrier3A = arith.constant 0 : index
    tpu.barrier barrier_id(%barrier3A)
    %scan3A_58 = arith.constant 0 : i32
    %scan3A_59 = arith.constant 8 : i32
    %scan3A_60 = arith.addi %scan3A_58, %scan3A_59 : i32
    %scan3A_61 = arith.constant 1 : i32
    scf.for %scan3A_183 = %scan3A_58 to %scan3A_60 step %scan3A_61  : i32 {
      %mul3A_184 = arith.constant 1 : i32
      %mul3A_185 = arith.muli %scan3A_183, %mul3A_184 : i32
      %add3A_186 = arith.constant 0 : i32
      %add3A_187 = arith.addi %add3A_186, %mul3A_185 : i32
      %mul3A_188 = arith.constant 16 : i32
      %mul3A_189 = arith.muli %add3A_187, %mul3A_188 : i32
      %add3A_190 = arith.constant 0 : i32
      %add3A_191 = arith.addi %add3A_190, %mul3A_189 : i32
      %get3A_192 = arith.index_cast %add3A_191 : i32 to index
      %get3A_193 = tpu.vector_load %arg6[%get3A_192] {strides = array<i32>} : memref<6416xi32, #tpu.memory_space<vmem>>, vector<16xi32>,
      %get3A_194 = vector.shape_cast %get3A_193 : vector<16xi32> to vector<16xi32>
      %slice3A = vector.extract_strided_slice %get3A_194 {offsets = [0], sizes = [1], strides = [1]} : vector<16xi32> to vector<1xi32>
      %squeeze3A = vector.extract %slice3A[0] : i32 from vector<1xi32>
      %add3A_195 = arith.constant 0 : i32
      %add3A_196 = arith.addi %mul3A_189, %add3A_195 : i32
      %dma_start3A_197 = arith.constant 0 : i32
      %dma_start3A_198 = arith.constant 0 : i32
      %dma_start3A_199 = arith.constant 0 : i32
      %dma_start3A_200 = tpu.memref_slice %arg7[%dma_start3A_197, %dma_start3A_198, %dma_start3A_199] : memref<3x128x256xf32, #tpu.memory_space<vmem>> -> memref<1x128x256xf32, #tpu.memory_space<vmem>>
      %dma_start3A_201 = tpu.memref_squeeze %dma_start3A_200 : memref<1x128x256xf32, #tpu.memory_space<vmem>> -> memref<128x256xf32, #tpu.memory_space<vmem>>
      %dma_start3A_202 = arith.constant 0 : i32
      %dma_start3A_203 = tpu.memref_slice %dma_start3A_201[%add3A_196, %dma_start3A_202] : memref<128x256xf32, #tpu.memory_space<vmem>> -> memref<1x256xf32, #tpu.memory_space<vmem>>
      %dma_start3A_204 = arith.constant 0 : i32
      %dma_start3A_205 = tpu.memref_slice %arg8[%squeeze3A, %dma_start3A_204] : memref<1000x256xf32, #tpu.memory_space<vmem_shared>> -> memref<1x256xf32, #tpu.memory_space<vmem_shared>>
      %dma_start3A_206 = arith.constant 0 : i32
      %dma_start3A_207 = arith.constant 0 : i32
      %dma_start3A_208 = tpu.memref_slice %arg7[%dma_start3A_197, %dma_start3A_206, %dma_start3A_207] : memref<3x128x256xf32, #tpu.memory_space<vmem>> -> memref<1x128x256xf32, #tpu.memory_space<vmem>>
      %dma_start3A_209 = tpu.memref_squeeze %dma_start3A_208 : memref<1x128x256xf32, #tpu.memory_space<vmem>> -> memref<128x256xf32, #tpu.memory_space<vmem>>
      %dma_start3A_210 = arith.constant 0 : i32
      %dma_start3A_211 = tpu.memref_slice %dma_start3A_209[%add3A_196, %dma_start3A_210] : memref<128x256xf32, #tpu.memory_space<vmem>> -> memref<1x256xf32, #tpu.memory_space<vmem>>
      %dma_start3A_212 = arith.constant 0 : i32
      %dma_start3A_213 = tpu.memref_slice %arg8[%squeeze3A, %dma_start3A_212] : memref<1000x256xf32, #tpu.memory_space<vmem_shared>> -> memref<1x256xf32, #tpu.memory_space<vmem_shared>>
      tpu.enqueue_dma source(%dma_start3A_213 : memref<1x256xf32, #tpu.memory_space<vmem_shared>>) target(%dma_start3A_211 : memref<1x256xf32, #tpu.memory_space<vmem>>) target_semaphore(%arg10 : memref<!tpu.dma_semaphore, #tpu.memory_space<semaphore_mem>>)
      %slice3A_214 = vector.extract_strided_slice %get3A_194 {offsets = [1], sizes = [1], strides = [1]} : vector<16xi32> to vector<1xi32>
      %squeeze3A_215 = vector.extract %slice3A_214[0] : i32 from vector<1xi32>
      %add3A_216 = arith.constant 1 : i32
      %add3A_217 = arith.addi %mul3A_189, %add3A_216 : i32
      %dma_start3A_218 = arith.constant 0 : i32
      %dma_start3A_219 = arith.constant 0 : i32
      %dma_start3A_220 = arith.constant 0 : i32
      %dma_start3A_221 = tpu.memref_slice %arg7[%dma_start3A_218, %dma_start3A_219, %dma_start3A_220] : memref<3x128x256xf32, #tpu.memory_space<vmem>> -> memref<1x128x256xf32, #tpu.memory_space<vmem>>
      %dma_start3A_222 = tpu.memref_squeeze %dma_start3A_221 : memref<1x128x256xf32, #tpu.memory_space<vmem>> -> memref<128x256xf32, #tpu.memory_space<vmem>>
      %dma_start3A_223 = arith.constant 0 : i32
      %dma_start3A_224 = tpu.memref_slice %dma_start3A_222[%add3A_217, %dma_start3A_223] : memref<128x256xf32, #tpu.memory_space<vmem>> -> memref<1x256xf32, #tpu.memory_space<vmem>>
      %dma_start3A_225 = arith.constant 0 : i32
      %dma_start3A_226 = tpu.memref_slice %arg8[%squeeze3A_215, %dma_start3A_225] : memref<1000x256xf32, #tpu.memory_space<vmem_shared>> -> memref<1x256xf32, #tpu.memory_space<vmem_shared>>
      %dma_start3A_227 = arith.constant 0 : i32
      %dma_start3A_228 = arith.constant 0 : i32
      %dma_start3A_229 = tpu.memref_slice %arg7[%dma_start3A_218, %dma_start3A_227, %dma_start3A_228] : memref<3x128x256xf32, #tpu.memory_space<vmem>> -> memref<1x128x256xf32, #tpu.memory_space<vmem>>
      %dma_start3A_230 = tpu.memref_squeeze %dma_start3A_229 : memref<1x128x256xf32, #tpu.memory_space<vmem>> -> memref<128x256xf32, #tpu.memory_space<vmem>>
      %dma_start3A_231 = arith.constant 0 : i32
      %dma_start3A_232 = tpu.memref_slice %dma_start3A_230[%add3A_217, %dma_start3A_231] : memref<128x256xf32, #tpu.memory_space<vmem>> -> memref<1x256xf32, #tpu.memory_space<vmem>>
      %dma_start3A_233 = arith.constant 0 : i32
      %dma_start3A_234 = tpu.memref_slice %arg8[%squeeze3A_215, %dma_start3A_233] : memref<1000x256xf32, #tpu.memory_space<vmem_shared>> -> memref<1x256xf32, #tpu.memory_space<vmem_shared>>
      tpu.enqueue_dma source(%dma_start3A_234 : memref<1x256xf32, #tpu.memory_space<vmem_shared>>) target(%dma_start3A_232 : memref<1x256xf32, #tpu.memory_space<vmem>>) target_semaphore(%arg10 : memref<!tpu.dma_semaphore, #tpu.memory_space<semaphore_mem>>)
      %slice3A_235 = vector.extract_strided_slice %get3A_194 {offsets = [2], sizes = [1], strides = [1]} : vector<16xi32> to vector<1xi32>
      %squeeze3A_236 = vector.extract %slice3A_235[0] : i32 from vector<1xi32>
      %add3A_237 = arith.constant 2 : i32
      %add3A_238 = arith.addi %mul3A_189, %add3A_237 : i32
      %dma_start3A_239 = arith.constant 0 : i32
      %dma_start3A_240 = arith.constant 0 : i32
      %dma_start3A_241 = arith.constant 0 : i32
      %dma_start3A_242 = tpu.memref_slice %arg7[%dma_start3A_239, %dma_start3A_240, %dma_start3A_241] : memref<3x128x256xf32, #tpu.memory_space<vmem>> -> memref<1x128x256xf32, #tpu.memory_space<vmem>>
      %dma_start3A_243 = tpu.memref_squeeze %dma_start3A_242 : memref<1x128x256xf32, #tpu.memory_space<vmem>> -> memref<128x256xf32, #tpu.memory_space<vmem>>
      %dma_start3A_244 = arith.constant 0 : i32
      %dma_start3A_245 = tpu.memref_slice %dma_start3A_243[%add3A_238, %dma_start3A_244] : memref<128x256xf32, #tpu.memory_space<vmem>> -> memref<1x256xf32, #tpu.memory_space<vmem>>
      %dma_start3A_246 = arith.constant 0 : i32
      %dma_start3A_247 = tpu.memref_slice %arg8[%squeeze3A_236, %dma_start3A_246] : memref<1000x256xf32, #tpu.memory_space<vmem_shared>> -> memref<1x256xf32, #tpu.memory_space<vmem_shared>>
      %dma_start3A_248 = arith.constant 0 : i32
      %dma_start3A_249 = arith.constant 0 : i32
      %dma_start3A_250 = tpu.memref_slice %arg7[%dma_start3A_239, %dma_start3A_248, %dma_start3A_249] : memref<3x128x256xf32, #tpu.memory_space<vmem>> -> memref<1x128x256xf32, #tpu.memory_space<vmem>>
      %dma_start3A_251 = tpu.memref_squeeze %dma_start3A_250 : memref<1x128x256xf32, #tpu.memory_space<vmem>> -> memref<128x256xf32, #tpu.memory_space<vmem>>
      %dma_start3A_252 = arith.constant 0 : i32
      %dma_start3A_253 = tpu.memref_slice %dma_start3A_251[%add3A_238, %dma_start3A_252] : memref<128x256xf32, #tpu.memory_space<vmem>> -> memref<1x256xf32, #tpu.memory_space<vmem>>
      %dma_start3A_254 = arith.constant 0 : i32
      %dma_start3A_255 = tpu.memref_slice %arg8[%squeeze3A_236, %dma_start3A_254] : memref<1000x256xf32, #tpu.memory_space<vmem_shared>> -> memref<1x256xf32, #tpu.memory_space<vmem_shared>>
      tpu.enqueue_dma source(%dma_start3A_255 : memref<1x256xf32, #tpu.memory_space<vmem_shared>>) target(%dma_start3A_253 : memref<1x256xf32, #tpu.memory_space<vmem>>) target_semaphore(%arg10 : memref<!tpu.dma_semaphore, #tpu.memory_space<semaphore_mem>>)
      %slice3A_256 = vector.extract_strided_slice %get3A_194 {offsets = [3], sizes = [1], strides = [1]} : vector<16xi32> to vector<1xi32>
      %squeeze3A_257 = vector.extract %slice3A_256[0] : i32 from vector<1xi32>
      %add3A_258 = arith.constant 3 : i32
      %add3A_259 = arith.addi %mul3A_189, %add3A_258 : i32
      %dma_start3A_260 = arith.constant 0 : i32
      %dma_start3A_261 = arith.constant 0 : i32
      %dma_start3A_262 = arith.constant 0 : i32
      %dma_start3A_263 = tpu.memref_slice %arg7[%dma_start3A_260, %dma_start3A_261, %dma_start3A_262] : memref<3x128x256xf32, #tpu.memory_space<vmem>> -> memref<1x128x256xf32, #tpu.memory_space<vmem>>
      %dma_start3A_264 = tpu.memref_squeeze %dma_start3A_263 : memref<1x128x256xf32, #tpu.memory_space<vmem>> -> memref<128x256xf32, #tpu.memory_space<vmem>>
      %dma_start3A_265 = arith.constant 0 : i32
      %dma_start3A_266 = tpu.memref_slice %dma_start3A_264[%add3A_259, %dma_start3A_265] : memref<128x256xf32, #tpu.memory_space<vmem>> -> memref<1x256xf32, #tpu.memory_space<vmem>>
      %dma_start3A_267 = arith.constant 0 : i32
      %dma_start3A_268 = tpu.memref_slice %arg8[%squeeze3A_257, %dma_start3A_267] : memref<1000x256xf32, #tpu.memory_space<vmem_shared>> -> memref<1x256xf32, #tpu.memory_space<vmem_shared>>
      %dma_start3A_269 = arith.constant 0 : i32
      %dma_start3A_270 = arith.constant 0 : i32
      %dma_start3A_271 = tpu.memref_slice %arg7[%dma_start3A_260, %dma_start3A_269, %dma_start3A_270] : memref<3x128x256xf32, #tpu.memory_space<vmem>> -> memref<1x128x256xf32, #tpu.memory_space<vmem>>
      %dma_start3A_272 = tpu.memref_squeeze %dma_start3A_271 : memref<1x128x256xf32, #tpu.memory_space<vmem>> -> memref<128x256xf32, #tpu.memory_space<vmem>>
      %dma_start3A_273 = arith.constant 0 : i32
      %dma_start3A_274 = tpu.memref_slice %dma_start3A_272[%add3A_259, %dma_start3A_273] : memref<128x256xf32, #tpu.memory_space<vmem>> -> memref<1x256xf32, #tpu.memory_space<vmem>>
      %dma_start3A_275 = arith.constant 0 : i32
      %dma_start3A_276 = tpu.memref_slice %arg8[%squeeze3A_257, %dma_start3A_275] : memref<1000x256xf32, #tpu.memory_space<vmem_shared>> -> memref<1x256xf32, #tpu.memory_space<vmem_shared>>
      tpu.enqueue_dma source(%dma_start3A_276 : memref<1x256xf32, #tpu.memory_space<vmem_shared>>) target(%dma_start3A_274 : memref<1x256xf32, #tpu.memory_space<vmem>>) target_semaphore(%arg10 : memref<!tpu.dma_semaphore, #tpu.memory_space<semaphore_mem>>)
      %slice3A_277 = vector.extract_strided_slice %get3A_194 {offsets = [4], sizes = [1], strides = [1]} : vector<16xi32> to vector<1xi32>
      %squeeze3A_278 = vector.extract %slice3A_277[0] : i32 from vector<1xi32>
      %add3A_279 = arith.constant 4 : i32
      %add3A_280 = arith.addi %mul3A_189, %add3A_279 : i32
      %dma_start3A_281 = arith.constant 0 : i32
      %dma_start3A_282 = arith.constant 0 : i32
      %dma_start3A_283 = arith.constant 0 : i32
      %dma_start3A_284 = tpu.memref_slice %arg7[%dma_start3A_281, %dma_start3A_282, %dma_start3A_283] : memref<3x128x256xf32, #tpu.memory_space<vmem>> -> memref<1x128x256xf32, #tpu.memory_space<vmem>>
      %dma_start3A_285 = tpu.memref_squeeze %dma_start3A_284 : memref<1x128x256xf32, #tpu.memory_space<vmem>> -> memref<128x256xf32, #tpu.memory_space<vmem>>
      %dma_start3A_286 = arith.constant 0 : i32
      %dma_start3A_287 = tpu.memref_slice %dma_start3A_285[%add3A_280, %dma_start3A_286] : memref<128x256xf32, #tpu.memory_space<vmem>> -> memref<1x256xf32, #tpu.memory_space<vmem>>
      %dma_start3A_288 = arith.constant 0 : i32
      %dma_start3A_289 = tpu.memref_slice %arg8[%squeeze3A_278, %dma_start3A_288] : memref<1000x256xf32, #tpu.memory_space<vmem_shared>> -> memref<1x256xf32, #tpu.memory_space<vmem_shared>>
      %dma_start3A_290 = arith.constant 0 : i32
      %dma_start3A_291 = arith.constant 0 : i32
      %dma_start3A_292 = tpu.memref_slice %arg7[%dma_start3A_281, %dma_start3A_290, %dma_start3A_291] : memref<3x128x256xf32, #tpu.memory_space<vmem>> -> memref<1x128x256xf32, #tpu.memory_space<vmem>>
      %dma_start3A_293 = tpu.memref_squeeze %dma_start3A_292 : memref<1x128x256xf32, #tpu.memory_space<vmem>> -> memref<128x256xf32, #tpu.memory_space<vmem>>
      %dma_start3A_294 = arith.constant 0 : i32
      %dma_start3A_295 = tpu.memref_slice %dma_start3A_293[%add3A_280, %dma_start3A_294] : memref<128x256xf32, #tpu.memory_space<vmem>> -> memref<1x256xf32, #tpu.memory_space<vmem>>
      %dma_start3A_296 = arith.constant 0 : i32
      %dma_start3A_297 = tpu.memref_slice %arg8[%squeeze3A_278, %dma_start3A_296] : memref<1000x256xf32, #tpu.memory_space<vmem_shared>> -> memref<1x256xf32, #tpu.memory_space<vmem_shared>>
      tpu.enqueue_dma source(%dma_start3A_297 : memref<1x256xf32, #tpu.memory_space<vmem_shared>>) target(%dma_start3A_295 : memref<1x256xf32, #tpu.memory_space<vmem>>) target_semaphore(%arg10 : memref<!tpu.dma_semaphore, #tpu.memory_space<semaphore_mem>>)
      %slice3A_298 = vector.extract_strided_slice %get3A_194 {offsets = [5], sizes = [1], strides = [1]} : vector<16xi32> to vector<1xi32>
      %squeeze3A_299 = vector.extract %slice3A_298[0] : i32 from vector<1xi32>
      %add3A_300 = arith.constant 5 : i32
      %add3A_301 = arith.addi %mul3A_189, %add3A_300 : i32
      %dma_start3A_302 = arith.constant 0 : i32
      %dma_start3A_303 = arith.constant 0 : i32
      %dma_start3A_304 = arith.constant 0 : i32
      %dma_start3A_305 = tpu.memref_slice %arg7[%dma_start3A_302, %dma_start3A_303, %dma_start3A_304] : memref<3x128x256xf32, #tpu.memory_space<vmem>> -> memref<1x128x256xf32, #tpu.memory_space<vmem>>
      %dma_start3A_306 = tpu.memref_squeeze %dma_start3A_305 : memref<1x128x256xf32, #tpu.memory_space<vmem>> -> memref<128x256xf32, #tpu.memory_space<vmem>>
      %dma_start3A_307 = arith.constant 0 : i32
      %dma_start3A_308 = tpu.memref_slice %dma_start3A_306[%add3A_301, %dma_start3A_307] : memref<128x256xf32, #tpu.memory_space<vmem>> -> memref<1x256xf32, #tpu.memory_space<vmem>>
      %dma_start3A_309 = arith.constant 0 : i32
      %dma_start3A_310 = tpu.memref_slice %arg8[%squeeze3A_299, %dma_start3A_309] : memref<1000x256xf32, #tpu.memory_space<vmem_shared>> -> memref<1x256xf32, #tpu.memory_space<vmem_shared>>
      %dma_start3A_311 = arith.constant 0 : i32
      %dma_start3A_312 = arith.constant 0 : i32
      %dma_start3A_313 = tpu.memref_slice %arg7[%dma_start3A_302, %dma_start3A_311, %dma_start3A_312] : memref<3x128x256xf32, #tpu.memory_space<vmem>> -> memref<1x128x256xf32, #tpu.memory_space<vmem>>
      %dma_start3A_314 = tpu.memref_squeeze %dma_start3A_313 : memref<1x128x256xf32, #tpu.memory_space<vmem>> -> memref<128x256xf32, #tpu.memory_space<vmem>>
      %dma_start3A_315 = arith.constant 0 : i32
      %dma_start3A_316 = tpu.memref_slice %dma_start3A_314[%add3A_301, %dma_start3A_315] : memref<128x256xf32, #tpu.memory_space<vmem>> -> memref<1x256xf32, #tpu.memory_space<vmem>>
      %dma_start3A_317 = arith.constant 0 : i32
      %dma_start3A_318 = tpu.memref_slice %arg8[%squeeze3A_299, %dma_start3A_317] : memref<1000x256xf32, #tpu.memory_space<vmem_shared>> -> memref<1x256xf32, #tpu.memory_space<vmem_shared>>
      tpu.enqueue_dma source(%dma_start3A_318 : memref<1x256xf32, #tpu.memory_space<vmem_shared>>) target(%dma_start3A_316 : memref<1x256xf32, #tpu.memory_space<vmem>>) target_semaphore(%arg10 : memref<!tpu.dma_semaphore, #tpu.memory_space<semaphore_mem>>)
      %slice3A_319 = vector.extract_strided_slice %get3A_194 {offsets = [6], sizes = [1], strides = [1]} : vector<16xi32> to vector<1xi32>
      %squeeze3A_320 = vector.extract %slice3A_319[0] : i32 from vector<1xi32>
      %add3A_321 = arith.constant 6 : i32
      %add3A_322 = arith.addi %mul3A_189, %add3A_321 : i32
      %dma_start3A_323 = arith.constant 0 : i32
      %dma_start3A_324 = arith.constant 0 : i32
      %dma_start3A_325 = arith.constant 0 : i32
      %dma_start3A_326 = tpu.memref_slice %arg7[%dma_start3A_323, %dma_start3A_324, %dma_start3A_325] : memref<3x128x256xf32, #tpu.memory_space<vmem>> -> memref<1x128x256xf32, #tpu.memory_space<vmem>>
      %dma_start3A_327 = tpu.memref_squeeze %dma_start3A_326 : memref<1x128x256xf32, #tpu.memory_space<vmem>> -> memref<128x256xf32, #tpu.memory_space<vmem>>
      %dma_start3A_328 = arith.constant 0 : i32
      %dma_start3A_329 = tpu.memref_slice %dma_start3A_327[%add3A_322, %dma_start3A_328] : memref<128x256xf32, #tpu.memory_space<vmem>> -> memref<1x256xf32, #tpu.memory_space<vmem>>
      %dma_start3A_330 = arith.constant 0 : i32
      %dma_start3A_331 = tpu.memref_slice %arg8[%squeeze3A_320, %dma_start3A_330] : memref<1000x256xf32, #tpu.memory_space<vmem_shared>> -> memref<1x256xf32, #tpu.memory_space<vmem_shared>>
      %dma_start3A_332 = arith.constant 0 : i32
      %dma_start3A_333 = arith.constant 0 : i32
      %dma_start3A_334 = tpu.memref_slice %arg7[%dma_start3A_323, %dma_start3A_332, %dma_start3A_333] : memref<3x128x256xf32, #tpu.memory_space<vmem>> -> memref<1x128x256xf32, #tpu.memory_space<vmem>>
      %dma_start3A_335 = tpu.memref_squeeze %dma_start3A_334 : memref<1x128x256xf32, #tpu.memory_space<vmem>> -> memref<128x256xf32, #tpu.memory_space<vmem>>
      %dma_start3A_336 = arith.constant 0 : i32
      %dma_start3A_337 = tpu.memref_slice %dma_start3A_335[%add3A_322, %dma_start3A_336] : memref<128x256xf32, #tpu.memory_space<vmem>> -> memref<1x256xf32, #tpu.memory_space<vmem>>
      %dma_start3A_338 = arith.constant 0 : i32
      %dma_start3A_339 = tpu.memref_slice %arg8[%squeeze3A_320, %dma_start3A_338] : memref<1000x256xf32, #tpu.memory_space<vmem_shared>> -> memref<1x256xf32, #tpu.memory_space<vmem_shared>>
      tpu.enqueue_dma source(%dma_start3A_339 : memref<1x256xf32, #tpu.memory_space<vmem_shared>>) target(%dma_start3A_337 : memref<1x256xf32, #tpu.memory_space<vmem>>) target_semaphore(%arg10 : memref<!tpu.dma_semaphore, #tpu.memory_space<semaphore_mem>>)
      %slice3A_340 = vector.extract_strided_slice %get3A_194 {offsets = [7], sizes = [1], strides = [1]} : vector<16xi32> to vector<1xi32>
      %squeeze3A_341 = vector.extract %slice3A_340[0] : i32 from vector<1xi32>
      %add3A_342 = arith.constant 7 : i32
      %add3A_343 = arith.addi %mul3A_189, %add3A_342 : i32
      %dma_start3A_344 = arith.constant 0 : i32
      %dma_start3A_345 = arith.constant 0 : i32
      %dma_start3A_346 = arith.constant 0 : i32
      %dma_start3A_347 = tpu.memref_slice %arg7[%dma_start3A_344, %dma_start3A_345, %dma_start3A_346] : memref<3x128x256xf32, #tpu.memory_space<vmem>> -> memref<1x128x256xf32, #tpu.memory_space<vmem>>
      %dma_start3A_348 = tpu.memref_squeeze %dma_start3A_347 : memref<1x128x256xf32, #tpu.memory_space<vmem>> -> memref<128x256xf32, #tpu.memory_space<vmem>>
      %dma_start3A_349 = arith.constant 0 : i32
      %dma_start3A_350 = tpu.memref_slice %dma_start3A_348[%add3A_343, %dma_start3A_349] : memref<128x256xf32, #tpu.memory_space<vmem>> -> memref<1x256xf32, #tpu.memory_space<vmem>>
      %dma_start3A_351 = arith.constant 0 : i32
      %dma_start3A_352 = tpu.memref_slice %arg8[%squeeze3A_341, %dma_start3A_351] : memref<1000x256xf32, #tpu.memory_space<vmem_shared>> -> memref<1x256xf32, #tpu.memory_space<vmem_shared>>
      %dma_start3A_353 = arith.constant 0 : i32
      %dma_start3A_354 = arith.constant 0 : i32
      %dma_start3A_355 = tpu.memref_slice %arg7[%dma_start3A_344, %dma_start3A_353, %dma_start3A_354] : memref<3x128x256xf32, #tpu.memory_space<vmem>> -> memref<1x128x256xf32, #tpu.memory_space<vmem>>
      %dma_start3A_356 = tpu.memref_squeeze %dma_start3A_355 : memref<1x128x256xf32, #tpu.memory_space<vmem>> -> memref<128x256xf32, #tpu.memory_space<vmem>>
      %dma_start3A_357 = arith.constant 0 : i32
      %dma_start3A_358 = tpu.memref_slice %dma_start3A_356[%add3A_343, %dma_start3A_357] : memref<128x256xf32, #tpu.memory_space<vmem>> -> memref<1x256xf32, #tpu.memory_space<vmem>>
      %dma_start3A_359 = arith.constant 0 : i32
      %dma_start3A_360 = tpu.memref_slice %arg8[%squeeze3A_341, %dma_start3A_359] : memref<1000x256xf32, #tpu.memory_space<vmem_shared>> -> memref<1x256xf32, #tpu.memory_space<vmem_shared>>
      tpu.enqueue_dma source(%dma_start3A_360 : memref<1x256xf32, #tpu.memory_space<vmem_shared>>) target(%dma_start3A_358 : memref<1x256xf32, #tpu.memory_space<vmem>>) target_semaphore(%arg10 : memref<!tpu.dma_semaphore, #tpu.memory_space<semaphore_mem>>)
      %slice3A_361 = vector.extract_strided_slice %get3A_194 {offsets = [8], sizes = [1], strides = [1]} : vector<16xi32> to vector<1xi32>
      %squeeze3A_362 = vector.extract %slice3A_361[0] : i32 from vector<1xi32>
      %add3A_363 = arith.constant 8 : i32
      %add3A_364 = arith.addi %mul3A_189, %add3A_363 : i32
      %dma_start3A_365 = arith.constant 0 : i32
      %dma_start3A_366 = arith.constant 0 : i32
      %dma_start3A_367 = arith.constant 0 : i32
      %dma_start3A_368 = tpu.memref_slice %arg7[%dma_start3A_365, %dma_start3A_366, %dma_start3A_367] : memref<3x128x256xf32, #tpu.memory_space<vmem>> -> memref<1x128x256xf32, #tpu.memory_space<vmem>>
      %dma_start3A_369 = tpu.memref_squeeze %dma_start3A_368 : memref<1x128x256xf32, #tpu.memory_space<vmem>> -> memref<128x256xf32, #tpu.memory_space<vmem>>
      %dma_start3A_370 = arith.constant 0 : i32
      %dma_start3A_371 = tpu.memref_slice %dma_start3A_369[%add3A_364, %dma_start3A_370] : memref<128x256xf32, #tpu.memory_space<vmem>> -> memref<1x256xf32, #tpu.memory_space<vmem>>
      %dma_start3A_372 = arith.constant 0 : i32
      %dma_start3A_373 = tpu.memref_slice %arg8[%squeeze3A_362, %dma_start3A_372] : memref<1000x256xf32, #tpu.memory_space<vmem_shared>> -> memref<1x256xf32, #tpu.memory_space<vmem_shared>>
      %dma_start3A_374 = arith.constant 0 : i32
      %dma_start3A_375 = arith.constant 0 : i32
      %dma_start3A_376 = tpu.memref_slice %arg7[%dma_start3A_365, %dma_start3A_374, %dma_start3A_375] : memref<3x128x256xf32, #tpu.memory_space<vmem>> -> memref<1x128x256xf32, #tpu.memory_space<vmem>>
      %dma_start3A_377 = tpu.memref_squeeze %dma_start3A_376 : memref<1x128x256xf32, #tpu.memory_space<vmem>> -> memref<128x256xf32, #tpu.memory_space<vmem>>
      %dma_start3A_378 = arith.constant 0 : i32
      %dma_start3A_379 = tpu.memref_slice %dma_start3A_377[%add3A_364, %dma_start3A_378] : memref<128x256xf32, #tpu.memory_space<vmem>> -> memref<1x256xf32, #tpu.memory_space<vmem>>
      %dma_start3A_380 = arith.constant 0 : i32
      %dma_start3A_381 = tpu.memref_slice %arg8[%squeeze3A_362, %dma_start3A_380] : memref<1000x256xf32, #tpu.memory_space<vmem_shared>> -> memref<1x256xf32, #tpu.memory_space<vmem_shared>>
      tpu.enqueue_dma source(%dma_start3A_381 : memref<1x256xf32, #tpu.memory_space<vmem_shared>>) target(%dma_start3A_379 : memref<1x256xf32, #tpu.memory_space<vmem>>) target_semaphore(%arg10 : memref<!tpu.dma_semaphore, #tpu.memory_space<semaphore_mem>>)
      %slice3A_382 = vector.extract_strided_slice %get3A_194 {offsets = [9], sizes = [1], strides = [1]} : vector<16xi32> to vector<1xi32>
      %squeeze3A_383 = vector.extract %slice3A_382[0] : i32 from vector<1xi32>
      %add3A_384 = arith.constant 9 : i32
      %add3A_385 = arith.addi %mul3A_189, %add3A_384 : i32
      %dma_start3A_386 = arith.constant 0 : i32
      %dma_start3A_387 = arith.constant 0 : i32
      %dma_start3A_388 = arith.constant 0 : i32
      %dma_start3A_389 = tpu.memref_slice %arg7[%dma_start3A_386, %dma_start3A_387, %dma_start3A_388] : memref<3x128x256xf32, #tpu.memory_space<vmem>> -> memref<1x128x256xf32, #tpu.memory_space<vmem>>
      %dma_start3A_390 = tpu.memref_squeeze %dma_start3A_389 : memref<1x128x256xf32, #tpu.memory_space<vmem>> -> memref<128x256xf32, #tpu.memory_space<vmem>>
      %dma_start3A_391 = arith.constant 0 : i32
      %dma_start3A_392 = tpu.memref_slice %dma_start3A_390[%add3A_385, %dma_start3A_391] : memref<128x256xf32, #tpu.memory_space<vmem>> -> memref<1x256xf32, #tpu.memory_space<vmem>>
      %dma_start3A_393 = arith.constant 0 : i32
      %dma_start3A_394 = tpu.memref_slice %arg8[%squeeze3A_383, %dma_start3A_393] : memref<1000x256xf32, #tpu.memory_space<vmem_shared>> -> memref<1x256xf32, #tpu.memory_space<vmem_shared>>
      %dma_start3A_395 = arith.constant 0 : i32
      %dma_start3A_396 = arith.constant 0 : i32
      %dma_start3A_397 = tpu.memref_slice %arg7[%dma_start3A_386, %dma_start3A_395, %dma_start3A_396] : memref<3x128x256xf32, #tpu.memory_space<vmem>> -> memref<1x128x256xf32, #tpu.memory_space<vmem>>
      %dma_start3A_398 = tpu.memref_squeeze %dma_start3A_397 : memref<1x128x256xf32, #tpu.memory_space<vmem>> -> memref<128x256xf32, #tpu.memory_space<vmem>>
      %dma_start3A_399 = arith.constant 0 : i32
      %dma_start3A_400 = tpu.memref_slice %dma_start3A_398[%add3A_385, %dma_start3A_399] : memref<128x256xf32, #tpu.memory_space<vmem>> -> memref<1x256xf32, #tpu.memory_space<vmem>>
      %dma_start3A_401 = arith.constant 0 : i32
      %dma_start3A_402 = tpu.memref_slice %arg8[%squeeze3A_383, %dma_start3A_401] : memref<1000x256xf32, #tpu.memory_space<vmem_shared>> -> memref<1x256xf32, #tpu.memory_space<vmem_shared>>
      tpu.enqueue_dma source(%dma_start3A_402 : memref<1x256xf32, #tpu.memory_space<vmem_shared>>) target(%dma_start3A_400 : memref<1x256xf32, #tpu.memory_space<vmem>>) target_semaphore(%arg10 : memref<!tpu.dma_semaphore, #tpu.memory_space<semaphore_mem>>)
      %slice3A_403 = vector.extract_strided_slice %get3A_194 {offsets = [10], sizes = [1], strides = [1]} : vector<16xi32> to vector<1xi32>
      %squeeze3A_404 = vector.extract %slice3A_403[0] : i32 from vector<1xi32>
      %add3A_405 = arith.constant 10 : i32
      %add3A_406 = arith.addi %mul3A_189, %add3A_405 : i32
      %dma_start3A_407 = arith.constant 0 : i32
      %dma_start3A_408 = arith.constant 0 : i32
      %dma_start3A_409 = arith.constant 0 : i32
      %dma_start3A_410 = tpu.memref_slice %arg7[%dma_start3A_407, %dma_start3A_408, %dma_start3A_409] : memref<3x128x256xf32, #tpu.memory_space<vmem>> -> memref<1x128x256xf32, #tpu.memory_space<vmem>>
      %dma_start3A_411 = tpu.memref_squeeze %dma_start3A_410 : memref<1x128x256xf32, #tpu.memory_space<vmem>> -> memref<128x256xf32, #tpu.memory_space<vmem>>
      %dma_start3A_412 = arith.constant 0 : i32
      %dma_start3A_413 = tpu.memref_slice %dma_start3A_411[%add3A_406, %dma_start3A_412] : memref<128x256xf32, #tpu.memory_space<vmem>> -> memref<1x256xf32, #tpu.memory_space<vmem>>
      %dma_start3A_414 = arith.constant 0 : i32
      %dma_start3A_415 = tpu.memref_slice %arg8[%squeeze3A_404, %dma_start3A_414] : memref<1000x256xf32, #tpu.memory_space<vmem_shared>> -> memref<1x256xf32, #tpu.memory_space<vmem_shared>>
      %dma_start3A_416 = arith.constant 0 : i32
      %dma_start3A_417 = arith.constant 0 : i32
      %dma_start3A_418 = tpu.memref_slice %arg7[%dma_start3A_407, %dma_start3A_416, %dma_start3A_417] : memref<3x128x256xf32, #tpu.memory_space<vmem>> -> memref<1x128x256xf32, #tpu.memory_space<vmem>>
      %dma_start3A_419 = tpu.memref_squeeze %dma_start3A_418 : memref<1x128x256xf32, #tpu.memory_space<vmem>> -> memref<128x256xf32, #tpu.memory_space<vmem>>
      %dma_start3A_420 = arith.constant 0 : i32
      %dma_start3A_421 = tpu.memref_slice %dma_start3A_419[%add3A_406, %dma_start3A_420] : memref<128x256xf32, #tpu.memory_space<vmem>> -> memref<1x256xf32, #tpu.memory_space<vmem>>
      %dma_start3A_422 = arith.constant 0 : i32
      %dma_start3A_423 = tpu.memref_slice %arg8[%squeeze3A_404, %dma_start3A_422] : memref<1000x256xf32, #tpu.memory_space<vmem_shared>> -> memref<1x256xf32, #tpu.memory_space<vmem_shared>>
      tpu.enqueue_dma source(%dma_start3A_423 : memref<1x256xf32, #tpu.memory_space<vmem_shared>>) target(%dma_start3A_421 : memref<1x256xf32, #tpu.memory_space<vmem>>) target_semaphore(%arg10 : memref<!tpu.dma_semaphore, #tpu.memory_space<semaphore_mem>>)
      %slice3A_424 = vector.extract_strided_slice %get3A_194 {offsets = [11], sizes = [1], strides = [1]} : vector<16xi32> to vector<1xi32>
      %squeeze3A_425 = vector.extract %slice3A_424[0] : i32 from vector<1xi32>
      %add3A_426 = arith.constant 11 : i32
      %add3A_427 = arith.addi %mul3A_189, %add3A_426 : i32
      %dma_start3A_428 = arith.constant 0 : i32
      %dma_start3A_429 = arith.constant 0 : i32
      %dma_start3A_430 = arith.constant 0 : i32
      %dma_start3A_431 = tpu.memref_slice %arg7[%dma_start3A_428, %dma_start3A_429, %dma_start3A_430] : memref<3x128x256xf32, #tpu.memory_space<vmem>> -> memref<1x128x256xf32, #tpu.memory_space<vmem>>
      %dma_start3A_432 = tpu.memref_squeeze %dma_start3A_431 : memref<1x128x256xf32, #tpu.memory_space<vmem>> -> memref<128x256xf32, #tpu.memory_space<vmem>>
      %dma_start3A_433 = arith.constant 0 : i32
      %dma_start3A_434 = tpu.memref_slice %dma_start3A_432[%add3A_427, %dma_start3A_433] : memref<128x256xf32, #tpu.memory_space<vmem>> -> memref<1x256xf32, #tpu.memory_space<vmem>>
      %dma_start3A_435 = arith.constant 0 : i32
      %dma_start3A_436 = tpu.memref_slice %arg8[%squeeze3A_425, %dma_start3A_435] : memref<1000x256xf32, #tpu.memory_space<vmem_shared>> -> memref<1x256xf32, #tpu.memory_space<vmem_shared>>
      %dma_start3A_437 = arith.constant 0 : i32
      %dma_start3A_438 = arith.constant 0 : i32
      %dma_start3A_439 = tpu.memref_slice %arg7[%dma_start3A_428, %dma_start3A_437, %dma_start3A_438] : memref<3x128x256xf32, #tpu.memory_space<vmem>> -> memref<1x128x256xf32, #tpu.memory_space<vmem>>
      %dma_start3A_440 = tpu.memref_squeeze %dma_start3A_439 : memref<1x128x256xf32, #tpu.memory_space<vmem>> -> memref<128x256xf32, #tpu.memory_space<vmem>>
      %dma_start3A_441 = arith.constant 0 : i32
      %dma_start3A_442 = tpu.memref_slice %dma_start3A_440[%add3A_427, %dma_start3A_441] : memref<128x256xf32, #tpu.memory_space<vmem>> -> memref<1x256xf32, #tpu.memory_space<vmem>>
      %dma_start3A_443 = arith.constant 0 : i32
      %dma_start3A_444 = tpu.memref_slice %arg8[%squeeze3A_425, %dma_start3A_443] : memref<1000x256xf32, #tpu.memory_space<vmem_shared>> -> memref<1x256xf32, #tpu.memory_space<vmem_shared>>
      tpu.enqueue_dma source(%dma_start3A_444 : memref<1x256xf32, #tpu.memory_space<vmem_shared>>) target(%dma_start3A_442 : memref<1x256xf32, #tpu.memory_space<vmem>>) target_semaphore(%arg10 : memref<!tpu.dma_semaphore, #tpu.memory_space<semaphore_mem>>)
      %slice3A_445 = vector.extract_strided_slice %get3A_194 {offsets = [12], sizes = [1], strides = [1]} : vector<16xi32> to vector<1xi32>
      %squeeze3A_446 = vector.extract %slice3A_445[0] : i32 from vector<1xi32>
      %add3A_447 = arith.constant 12 : i32
      %add3A_448 = arith.addi %mul3A_189, %add3A_447 : i32
      %dma_start3A_449 = arith.constant 0 : i32
      %dma_start3A_450 = arith.constant 0 : i32
      %dma_start3A_451 = arith.constant 0 : i32
      %dma_start3A_452 = tpu.memref_slice %arg7[%dma_start3A_449, %dma_start3A_450, %dma_start3A_451] : memref<3x128x256xf32, #tpu.memory_space<vmem>> -> memref<1x128x256xf32, #tpu.memory_space<vmem>>
      %dma_start3A_453 = tpu.memref_squeeze %dma_start3A_452 : memref<1x128x256xf32, #tpu.memory_space<vmem>> -> memref<128x256xf32, #tpu.memory_space<vmem>>
      %dma_start3A_454 = arith.constant 0 : i32
      %dma_start3A_455 = tpu.memref_slice %dma_start3A_453[%add3A_448, %dma_start3A_454] : memref<128x256xf32, #tpu.memory_space<vmem>> -> memref<1x256xf32, #tpu.memory_space<vmem>>
      %dma_start3A_456 = arith.constant 0 : i32
      %dma_start3A_457 = tpu.memref_slice %arg8[%squeeze3A_446, %dma_start3A_456] : memref<1000x256xf32, #tpu.memory_space<vmem_shared>> -> memref<1x256xf32, #tpu.memory_space<vmem_shared>>
      %dma_start3A_458 = arith.constant 0 : i32
      %dma_start3A_459 = arith.constant 0 : i32
      %dma_start3A_460 = tpu.memref_slice %arg7[%dma_start3A_449, %dma_start3A_458, %dma_start3A_459] : memref<3x128x256xf32, #tpu.memory_space<vmem>> -> memref<1x128x256xf32, #tpu.memory_space<vmem>>
      %dma_start3A_461 = tpu.memref_squeeze %dma_start3A_460 : memref<1x128x256xf32, #tpu.memory_space<vmem>> -> memref<128x256xf32, #tpu.memory_space<vmem>>
      %dma_start3A_462 = arith.constant 0 : i32
      %dma_start3A_463 = tpu.memref_slice %dma_start3A_461[%add3A_448, %dma_start3A_462] : memref<128x256xf32, #tpu.memory_space<vmem>> -> memref<1x256xf32, #tpu.memory_space<vmem>>
      %dma_start3A_464 = arith.constant 0 : i32
      %dma_start3A_465 = tpu.memref_slice %arg8[%squeeze3A_446, %dma_start3A_464] : memref<1000x256xf32, #tpu.memory_space<vmem_shared>> -> memref<1x256xf32, #tpu.memory_space<vmem_shared>>
      tpu.enqueue_dma source(%dma_start3A_465 : memref<1x256xf32, #tpu.memory_space<vmem_shared>>) target(%dma_start3A_463 : memref<1x256xf32, #tpu.memory_space<vmem>>) target_semaphore(%arg10 : memref<!tpu.dma_semaphore, #tpu.memory_space<semaphore_mem>>)
      %slice3A_466 = vector.extract_strided_slice %get3A_194 {offsets = [13], sizes = [1], strides = [1]} : vector<16xi32> to vector<1xi32>
      %squeeze3A_467 = vector.extract %slice3A_466[0] : i32 from vector<1xi32>
      %add3A_468 = arith.constant 13 : i32
      %add3A_469 = arith.addi %mul3A_189, %add3A_468 : i32
      %dma_start3A_470 = arith.constant 0 : i32
      %dma_start3A_471 = arith.constant 0 : i32
      %dma_start3A_472 = arith.constant 0 : i32
      %dma_start3A_473 = tpu.memref_slice %arg7[%dma_start3A_470, %dma_start3A_471, %dma_start3A_472] : memref<3x128x256xf32, #tpu.memory_space<vmem>> -> memref<1x128x256xf32, #tpu.memory_space<vmem>>
      %dma_start3A_474 = tpu.memref_squeeze %dma_start3A_473 : memref<1x128x256xf32, #tpu.memory_space<vmem>> -> memref<128x256xf32, #tpu.memory_space<vmem>>
      %dma_start3A_475 = arith.constant 0 : i32
      %dma_start3A_476 = tpu.memref_slice %dma_start3A_474[%add3A_469, %dma_start3A_475] : memref<128x256xf32, #tpu.memory_space<vmem>> -> memref<1x256xf32, #tpu.memory_space<vmem>>
      %dma_start3A_477 = arith.constant 0 : i32
      %dma_start3A_478 = tpu.memref_slice %arg8[%squeeze3A_467, %dma_start3A_477] : memref<1000x256xf32, #tpu.memory_space<vmem_shared>> -> memref<1x256xf32, #tpu.memory_space<vmem_shared>>
      %dma_start3A_479 = arith.constant 0 : i32
      %dma_start3A_480 = arith.constant 0 : i32
      %dma_start3A_481 = tpu.memref_slice %arg7[%dma_start3A_470, %dma_start3A_479, %dma_start3A_480] : memref<3x128x256xf32, #tpu.memory_space<vmem>> -> memref<1x128x256xf32, #tpu.memory_space<vmem>>
      %dma_start3A_482 = tpu.memref_squeeze %dma_start3A_481 : memref<1x128x256xf32, #tpu.memory_space<vmem>> -> memref<128x256xf32, #tpu.memory_space<vmem>>
      %dma_start3A_483 = arith.constant 0 : i32
      %dma_start3A_484 = tpu.memref_slice %dma_start3A_482[%add3A_469, %dma_start3A_483] : memref<128x256xf32, #tpu.memory_space<vmem>> -> memref<1x256xf32, #tpu.memory_space<vmem>>
      %dma_start3A_485 = arith.constant 0 : i32
      %dma_start3A_486 = tpu.memref_slice %arg8[%squeeze3A_467, %dma_start3A_485] : memref<1000x256xf32, #tpu.memory_space<vmem_shared>> -> memref<1x256xf32, #tpu.memory_space<vmem_shared>>
      tpu.enqueue_dma source(%dma_start3A_486 : memref<1x256xf32, #tpu.memory_space<vmem_shared>>) target(%dma_start3A_484 : memref<1x256xf32, #tpu.memory_space<vmem>>) target_semaphore(%arg10 : memref<!tpu.dma_semaphore, #tpu.memory_space<semaphore_mem>>)
      %slice3A_487 = vector.extract_strided_slice %get3A_194 {offsets = [14], sizes = [1], strides = [1]} : vector<16xi32> to vector<1xi32>
      %squeeze3A_488 = vector.extract %slice3A_487[0] : i32 from vector<1xi32>
      %add3A_489 = arith.constant 14 : i32
      %add3A_490 = arith.addi %mul3A_189, %add3A_489 : i32
      %dma_start3A_491 = arith.constant 0 : i32
      %dma_start3A_492 = arith.constant 0 : i32
      %dma_start3A_493 = arith.constant 0 : i32
      %dma_start3A_494 = tpu.memref_slice %arg7[%dma_start3A_491, %dma_start3A_492, %dma_start3A_493] : memref<3x128x256xf32, #tpu.memory_space<vmem>> -> memref<1x128x256xf32, #tpu.memory_space<vmem>>
      %dma_start3A_495 = tpu.memref_squeeze %dma_start3A_494 : memref<1x128x256xf32, #tpu.memory_space<vmem>> -> memref<128x256xf32, #tpu.memory_space<vmem>>
      %dma_start3A_496 = arith.constant 0 : i32
      %dma_start3A_497 = tpu.memref_slice %dma_start3A_495[%add3A_490, %dma_start3A_496] : memref<128x256xf32, #tpu.memory_space<vmem>> -> memref<1x256xf32, #tpu.memory_space<vmem>>
      %dma_start3A_498 = arith.constant 0 : i32
      %dma_start3A_499 = tpu.memref_slice %arg8[%squeeze3A_488, %dma_start3A_498] : memref<1000x256xf32, #tpu.memory_space<vmem_shared>> -> memref<1x256xf32, #tpu.memory_space<vmem_shared>>
      %dma_start3A_500 = arith.constant 0 : i32
      %dma_start3A_501 = arith.constant 0 : i32
      %dma_start3A_502 = tpu.memref_slice %arg7[%dma_start3A_491, %dma_start3A_500, %dma_start3A_501] : memref<3x128x256xf32, #tpu.memory_space<vmem>> -> memref<1x128x256xf32, #tpu.memory_space<vmem>>
      %dma_start3A_503 = tpu.memref_squeeze %dma_start3A_502 : memref<1x128x256xf32, #tpu.memory_space<vmem>> -> memref<128x256xf32, #tpu.memory_space<vmem>>
      %dma_start3A_504 = arith.constant 0 : i32
      %dma_start3A_505 = tpu.memref_slice %dma_start3A_503[%add3A_490, %dma_start3A_504] : memref<128x256xf32, #tpu.memory_space<vmem>> -> memref<1x256xf32, #tpu.memory_space<vmem>>
      %dma_start3A_506 = arith.constant 0 : i32
      %dma_start3A_507 = tpu.memref_slice %arg8[%squeeze3A_488, %dma_start3A_506] : memref<1000x256xf32, #tpu.memory_space<vmem_shared>> -> memref<1x256xf32, #tpu.memory_space<vmem_shared>>
      tpu.enqueue_dma source(%dma_start3A_507 : memref<1x256xf32, #tpu.memory_space<vmem_shared>>) target(%dma_start3A_505 : memref<1x256xf32, #tpu.memory_space<vmem>>) target_semaphore(%arg10 : memref<!tpu.dma_semaphore, #tpu.memory_space<semaphore_mem>>)
      %slice3A_508 = vector.extract_strided_slice %get3A_194 {offsets = [15], sizes = [1], strides = [1]} : vector<16xi32> to vector<1xi32>
      %squeeze3A_509 = vector.extract %slice3A_508[0] : i32 from vector<1xi32>
      %add3A_510 = arith.constant 15 : i32
      %add3A_511 = arith.addi %mul3A_189, %add3A_510 : i32
      %dma_start3A_512 = arith.constant 0 : i32
      %dma_start3A_513 = arith.constant 0 : i32
      %dma_start3A_514 = arith.constant 0 : i32
      %dma_start3A_515 = tpu.memref_slice %arg7[%dma_start3A_512, %dma_start3A_513, %dma_start3A_514] : memref<3x128x256xf32, #tpu.memory_space<vmem>> -> memref<1x128x256xf32, #tpu.memory_space<vmem>>
      %dma_start3A_516 = tpu.memref_squeeze %dma_start3A_515 : memref<1x128x256xf32, #tpu.memory_space<vmem>> -> memref<128x256xf32, #tpu.memory_space<vmem>>
      %dma_start3A_517 = arith.constant 0 : i32
      %dma_start3A_518 = tpu.memref_slice %dma_start3A_516[%add3A_511, %dma_start3A_517] : memref<128x256xf32, #tpu.memory_space<vmem>> -> memref<1x256xf32, #tpu.memory_space<vmem>>
      %dma_start3A_519 = arith.constant 0 : i32
      %dma_start3A_520 = tpu.memref_slice %arg8[%squeeze3A_509, %dma_start3A_519] : memref<1000x256xf32, #tpu.memory_space<vmem_shared>> -> memref<1x256xf32, #tpu.memory_space<vmem_shared>>
      %dma_start3A_521 = arith.constant 0 : i32
      %dma_start3A_522 = arith.constant 0 : i32
      %dma_start3A_523 = tpu.memref_slice %arg7[%dma_start3A_512, %dma_start3A_521, %dma_start3A_522] : memref<3x128x256xf32, #tpu.memory_space<vmem>> -> memref<1x128x256xf32, #tpu.memory_space<vmem>>
      %dma_start3A_524 = tpu.memref_squeeze %dma_start3A_523 : memref<1x128x256xf32, #tpu.memory_space<vmem>> -> memref<128x256xf32, #tpu.memory_space<vmem>>
      %dma_start3A_525 = arith.constant 0 : i32
      %dma_start3A_526 = tpu.memref_slice %dma_start3A_524[%add3A_511, %dma_start3A_525] : memref<128x256xf32, #tpu.memory_space<vmem>> -> memref<1x256xf32, #tpu.memory_space<vmem>>
      %dma_start3A_527 = arith.constant 0 : i32
      %dma_start3A_528 = tpu.memref_slice %arg8[%squeeze3A_509, %dma_start3A_527] : memref<1000x256xf32, #tpu.memory_space<vmem_shared>> -> memref<1x256xf32, #tpu.memory_space<vmem_shared>>
      tpu.enqueue_dma source(%dma_start3A_528 : memref<1x256xf32, #tpu.memory_space<vmem_shared>>) target(%dma_start3A_526 : memref<1x256xf32, #tpu.memory_space<vmem>>) target_semaphore(%arg10 : memref<!tpu.dma_semaphore, #tpu.memory_space<semaphore_mem>>)
    }
    %scan3A_62 = arith.constant 8 : i32
    %scan3A_63 = arith.constant 0 : i32
    %scan3A_64 = arith.constant 16 : i32
    %scan3A_65 = arith.addi %scan3A_63, %scan3A_64 : i32
    %scan3A_66 = arith.constant 1 : i32
    scf.for %scan3A_183 = %scan3A_63 to %scan3A_65 step %scan3A_66  : i32 {
      %mul3A_184 = arith.constant 3 : i32
      %mul3A_185 = arith.muli %scan3A_183, %mul3A_184 : i32
      %add3A_186 = arith.constant 0 : i32
      %add3A_187 = arith.addi %add3A_186, %mul3A_185 : i32
      %add3A_188 = arith.constant 0 : i32
      %add3A_189 = arith.addi %add3A_187, %add3A_188 : i32
      %ge3A = arith.constant 2 : i32
      %ge3A_190 = arith.cmpi sge, %add3A_189, %ge3A : i32
      %convert_element_type3A = arith.extui %ge3A_190 : i1 to i32
      %cond3A = arith.constant 0 : i32
      %cond3A_191 = arith.cmpi ne, %convert_element_type3A, %cond3A : i32
      scf.if %cond3A_191 {
        %dma_wait3A_320 = arith.constant 1 : i32
        %dma_wait3A_321 = arith.constant 0 : i32
        %dma_wait3A_322 = arith.constant 0 : i32
        %dma_wait3A_323 = tpu.memref_slice %arg7[%dma_wait3A_320, %dma_wait3A_321, %dma_wait3A_322] : memref<3x128x256xf32, #tpu.memory_space<vmem>> -> memref<1x128x256xf32, #tpu.memory_space<vmem>>
        %dma_wait3A_324 = tpu.memref_squeeze %dma_wait3A_323 : memref<1x128x256xf32, #tpu.memory_space<vmem>> -> memref<128x256xf32, #tpu.memory_space<vmem>>
        %dma_wait3A_325 = arith.constant 0 : i32
        %dma_wait3A_326 = tpu.memref_slice %arg5[%mul3A_2, %dma_wait3A_325] : memref<204800x256xf32, #tpu.memory_space<hbm>> -> memref<128x256xf32, #tpu.memory_space<hbm>>
        %dma_wait3A_327 = arith.constant 0 : i32
        %dma_wait3A_328 = tpu.memref_slice %arg5[%mul3A_2, %dma_wait3A_327] : memref<204800x256xf32, #tpu.memory_space<hbm>> -> memref<128x256xf32, #tpu.memory_space<hbm>>
        %dma_wait3A_329 = arith.constant 0 : i32
        %dma_wait3A_330 = arith.constant 0 : i32
        %dma_wait3A_331 = tpu.memref_slice %arg7[%dma_wait3A_320, %dma_wait3A_329, %dma_wait3A_330] : memref<3x128x256xf32, #tpu.memory_space<vmem>> -> memref<1x128x256xf32, #tpu.memory_space<vmem>>
        %dma_wait3A_332 = tpu.memref_squeeze %dma_wait3A_331 : memref<1x128x256xf32, #tpu.memory_space<vmem>> -> memref<128x256xf32, #tpu.memory_space<vmem>>
        tpu.wait_dma2 semaphore(%arg14 : memref<!tpu.dma_semaphore, #tpu.memory_space<semaphore_mem>>) src(%dma_wait3A_332 : memref<128x256xf32, #tpu.memory_space<vmem>>) dst(%dma_wait3A_328 : memref<128x256xf32, #tpu.memory_space<hbm>>)
      } else {
      }
      %add3A_192 = arith.constant 1 : i32
      %add3A_193 = arith.addi %add3A_189, %add3A_192 : i32
      %scan3A_194 = arith.constant 0 : i32
      %scan3A_195 = arith.constant 8 : i32
      %scan3A_196 = arith.addi %scan3A_194, %scan3A_195 : i32
      %scan3A_197 = arith.constant 1 : i32
      scf.for %scan3A_320 = %scan3A_194 to %scan3A_196 step %scan3A_197  : i32 {
        %mul3A_321 = arith.constant 1 : i32
        %mul3A_322 = arith.muli %scan3A_320, %mul3A_321 : i32
        %add3A_323 = arith.constant 0 : i32
        %add3A_324 = arith.addi %add3A_323, %mul3A_322 : i32
        %mul3A_325 = arith.constant 16 : i32
        %mul3A_326 = arith.muli %add3A_324, %mul3A_325 : i32
        %mul3A_327 = arith.constant 128 : i32
        %mul3A_328 = arith.muli %add3A_193, %mul3A_327 : i32
        %add3A_329 = arith.addi %mul3A_328, %mul3A_326 : i32
        %get3A_330 = arith.index_cast %add3A_329 : i32 to index
        %get3A_331 = tpu.vector_load %arg6[%get3A_330] {strides = array<i32>} : memref<6416xi32, #tpu.memory_space<vmem>>, vector<16xi32>,
        %get3A_332 = vector.shape_cast %get3A_331 : vector<16xi32> to vector<16xi32>
        %slice3A = vector.extract_strided_slice %get3A_332 {offsets = [0], sizes = [1], strides = [1]} : vector<16xi32> to vector<1xi32>
        %squeeze3A = vector.extract %slice3A[0] : i32 from vector<1xi32>
        %add3A_333 = arith.constant 0 : i32
        %add3A_334 = arith.addi %mul3A_326, %add3A_333 : i32
        %dma_start3A_335 = arith.constant 1 : i32
        %dma_start3A_336 = arith.constant 0 : i32
        %dma_start3A_337 = arith.constant 0 : i32
        %dma_start3A_338 = tpu.memref_slice %arg7[%dma_start3A_335, %dma_start3A_336, %dma_start3A_337] : memref<3x128x256xf32, #tpu.memory_space<vmem>> -> memref<1x128x256xf32, #tpu.memory_space<vmem>>
        %dma_start3A_339 = tpu.memref_squeeze %dma_start3A_338 : memref<1x128x256xf32, #tpu.memory_space<vmem>> -> memref<128x256xf32, #tpu.memory_space<vmem>>
        %dma_start3A_340 = arith.constant 0 : i32
        %dma_start3A_341 = tpu.memref_slice %dma_start3A_339[%add3A_334, %dma_start3A_340] : memref<128x256xf32, #tpu.memory_space<vmem>> -> memref<1x256xf32, #tpu.memory_space<vmem>>
        %dma_start3A_342 = arith.constant 0 : i32
        %dma_start3A_343 = tpu.memref_slice %arg8[%squeeze3A, %dma_start3A_342] : memref<1000x256xf32, #tpu.memory_space<vmem_shared>> -> memref<1x256xf32, #tpu.memory_space<vmem_shared>>
        %dma_start3A_344 = arith.constant 0 : i32
        %dma_start3A_345 = arith.constant 0 : i32
        %dma_start3A_346 = tpu.memref_slice %arg7[%dma_start3A_335, %dma_start3A_344, %dma_start3A_345] : memref<3x128x256xf32, #tpu.memory_space<vmem>> -> memref<1x128x256xf32, #tpu.memory_space<vmem>>
        %dma_start3A_347 = tpu.memref_squeeze %dma_start3A_346 : memref<1x128x256xf32, #tpu.memory_space<vmem>> -> memref<128x256xf32, #tpu.memory_space<vmem>>
        %dma_start3A_348 = arith.constant 0 : i32
        %dma_start3A_349 = tpu.memref_slice %dma_start3A_347[%add3A_334, %dma_start3A_348] : memref<128x256xf32, #tpu.memory_space<vmem>> -> memref<1x256xf32, #tpu.memory_space<vmem>>
        %dma_start3A_350 = arith.constant 0 : i32
        %dma_start3A_351 = tpu.memref_slice %arg8[%squeeze3A, %dma_start3A_350] : memref<1000x256xf32, #tpu.memory_space<vmem_shared>> -> memref<1x256xf32, #tpu.memory_space<vmem_shared>>
        tpu.enqueue_dma source(%dma_start3A_351 : memref<1x256xf32, #tpu.memory_space<vmem_shared>>) target(%dma_start3A_349 : memref<1x256xf32, #tpu.memory_space<vmem>>) target_semaphore(%arg11 : memref<!tpu.dma_semaphore, #tpu.memory_space<semaphore_mem>>)
        %slice3A_352 = vector.extract_strided_slice %get3A_332 {offsets = [1], sizes = [1], strides = [1]} : vector<16xi32> to vector<1xi32>
        %squeeze3A_353 = vector.extract %slice3A_352[0] : i32 from vector<1xi32>
        %add3A_354 = arith.constant 1 : i32
        %add3A_355 = arith.addi %mul3A_326, %add3A_354 : i32
        %dma_start3A_356 = arith.constant 1 : i32
        %dma_start3A_357 = arith.constant 0 : i32
        %dma_start3A_358 = arith.constant 0 : i32
        %dma_start3A_359 = tpu.memref_slice %arg7[%dma_start3A_356, %dma_start3A_357, %dma_start3A_358] : memref<3x128x256xf32, #tpu.memory_space<vmem>> -> memref<1x128x256xf32, #tpu.memory_space<vmem>>
        %dma_start3A_360 = tpu.memref_squeeze %dma_start3A_359 : memref<1x128x256xf32, #tpu.memory_space<vmem>> -> memref<128x256xf32, #tpu.memory_space<vmem>>
        %dma_start3A_361 = arith.constant 0 : i32
        %dma_start3A_362 = tpu.memref_slice %dma_start3A_360[%add3A_355, %dma_start3A_361] : memref<128x256xf32, #tpu.memory_space<vmem>> -> memref<1x256xf32, #tpu.memory_space<vmem>>
        %dma_start3A_363 = arith.constant 0 : i32
        %dma_start3A_364 = tpu.memref_slice %arg8[%squeeze3A_353, %dma_start3A_363] : memref<1000x256xf32, #tpu.memory_space<vmem_shared>> -> memref<1x256xf32, #tpu.memory_space<vmem_shared>>
        %dma_start3A_365 = arith.constant 0 : i32
        %dma_start3A_366 = arith.constant 0 : i32
        %dma_start3A_367 = tpu.memref_slice %arg7[%dma_start3A_356, %dma_start3A_365, %dma_start3A_366] : memref<3x128x256xf32, #tpu.memory_space<vmem>> -> memref<1x128x256xf32, #tpu.memory_space<vmem>>
        %dma_start3A_368 = tpu.memref_squeeze %dma_start3A_367 : memref<1x128x256xf32, #tpu.memory_space<vmem>> -> memref<128x256xf32, #tpu.memory_space<vmem>>
        %dma_start3A_369 = arith.constant 0 : i32
        %dma_start3A_370 = tpu.memref_slice %dma_start3A_368[%add3A_355, %dma_start3A_369] : memref<128x256xf32, #tpu.memory_space<vmem>> -> memref<1x256xf32, #tpu.memory_space<vmem>>
        %dma_start3A_371 = arith.constant 0 : i32
        %dma_start3A_372 = tpu.memref_slice %arg8[%squeeze3A_353, %dma_start3A_371] : memref<1000x256xf32, #tpu.memory_space<vmem_shared>> -> memref<1x256xf32, #tpu.memory_space<vmem_shared>>
        tpu.enqueue_dma source(%dma_start3A_372 : memref<1x256xf32, #tpu.memory_space<vmem_shared>>) target(%dma_start3A_370 : memref<1x256xf32, #tpu.memory_space<vmem>>) target_semaphore(%arg11 : memref<!tpu.dma_semaphore, #tpu.memory_space<semaphore_mem>>)
        %slice3A_373 = vector.extract_strided_slice %get3A_332 {offsets = [2], sizes = [1], strides = [1]} : vector<16xi32> to vector<1xi32>
        %squeeze3A_374 = vector.extract %slice3A_373[0] : i32 from vector<1xi32>
        %add3A_375 = arith.constant 2 : i32
        %add3A_376 = arith.addi %mul3A_326, %add3A_375 : i32
        %dma_start3A_377 = arith.constant 1 : i32
        %dma_start3A_378 = arith.constant 0 : i32
        %dma_start3A_379 = arith.constant 0 : i32
        %dma_start3A_380 = tpu.memref_slice %arg7[%dma_start3A_377, %dma_start3A_378, %dma_start3A_379] : memref<3x128x256xf32, #tpu.memory_space<vmem>> -> memref<1x128x256xf32, #tpu.memory_space<vmem>>
        %dma_start3A_381 = tpu.memref_squeeze %dma_start3A_380 : memref<1x128x256xf32, #tpu.memory_space<vmem>> -> memref<128x256xf32, #tpu.memory_space<vmem>>
        %dma_start3A_382 = arith.constant 0 : i32
        %dma_start3A_383 = tpu.memref_slice %dma_start3A_381[%add3A_376, %dma_start3A_382] : memref<128x256xf32, #tpu.memory_space<vmem>> -> memref<1x256xf32, #tpu.memory_space<vmem>>
        %dma_start3A_384 = arith.constant 0 : i32
        %dma_start3A_385 = tpu.memref_slice %arg8[%squeeze3A_374, %dma_start3A_384] : memref<1000x256xf32, #tpu.memory_space<vmem_shared>> -> memref<1x256xf32, #tpu.memory_space<vmem_shared>>
        %dma_start3A_386 = arith.constant 0 : i32
        %dma_start3A_387 = arith.constant 0 : i32
        %dma_start3A_388 = tpu.memref_slice %arg7[%dma_start3A_377, %dma_start3A_386, %dma_start3A_387] : memref<3x128x256xf32, #tpu.memory_space<vmem>> -> memref<1x128x256xf32, #tpu.memory_space<vmem>>
        %dma_start3A_389 = tpu.memref_squeeze %dma_start3A_388 : memref<1x128x256xf32, #tpu.memory_space<vmem>> -> memref<128x256xf32, #tpu.memory_space<vmem>>
        %dma_start3A_390 = arith.constant 0 : i32
        %dma_start3A_391 = tpu.memref_slice %dma_start3A_389[%add3A_376, %dma_start3A_390] : memref<128x256xf32, #tpu.memory_space<vmem>> -> memref<1x256xf32, #tpu.memory_space<vmem>>
        %dma_start3A_392 = arith.constant 0 : i32
        %dma_start3A_393 = tpu.memref_slice %arg8[%squeeze3A_374, %dma_start3A_392] : memref<1000x256xf32, #tpu.memory_space<vmem_shared>> -> memref<1x256xf32, #tpu.memory_space<vmem_shared>>
        tpu.enqueue_dma source(%dma_start3A_393 : memref<1x256xf32, #tpu.memory_space<vmem_shared>>) target(%dma_start3A_391 : memref<1x256xf32, #tpu.memory_space<vmem>>) target_semaphore(%arg11 : memref<!tpu.dma_semaphore, #tpu.memory_space<semaphore_mem>>)
        %slice3A_394 = vector.extract_strided_slice %get3A_332 {offsets = [3], sizes = [1], strides = [1]} : vector<16xi32> to vector<1xi32>
        %squeeze3A_395 = vector.extract %slice3A_394[0] : i32 from vector<1xi32>
        %add3A_396 = arith.constant 3 : i32
        %add3A_397 = arith.addi %mul3A_326, %add3A_396 : i32
        %dma_start3A_398 = arith.constant 1 : i32
        %dma_start3A_399 = arith.constant 0 : i32
        %dma_start3A_400 = arith.constant 0 : i32
        %dma_start3A_401 = tpu.memref_slice %arg7[%dma_start3A_398, %dma_start3A_399, %dma_start3A_400] : memref<3x128x256xf32, #tpu.memory_space<vmem>> -> memref<1x128x256xf32, #tpu.memory_space<vmem>>
        %dma_start3A_402 = tpu.memref_squeeze %dma_start3A_401 : memref<1x128x256xf32, #tpu.memory_space<vmem>> -> memref<128x256xf32, #tpu.memory_space<vmem>>
        %dma_start3A_403 = arith.constant 0 : i32
        %dma_start3A_404 = tpu.memref_slice %dma_start3A_402[%add3A_397, %dma_start3A_403] : memref<128x256xf32, #tpu.memory_space<vmem>> -> memref<1x256xf32, #tpu.memory_space<vmem>>
        %dma_start3A_405 = arith.constant 0 : i32
        %dma_start3A_406 = tpu.memref_slice %arg8[%squeeze3A_395, %dma_start3A_405] : memref<1000x256xf32, #tpu.memory_space<vmem_shared>> -> memref<1x256xf32, #tpu.memory_space<vmem_shared>>
        %dma_start3A_407 = arith.constant 0 : i32
        %dma_start3A_408 = arith.constant 0 : i32
        %dma_start3A_409 = tpu.memref_slice %arg7[%dma_start3A_398, %dma_start3A_407, %dma_start3A_408] : memref<3x128x256xf32, #tpu.memory_space<vmem>> -> memref<1x128x256xf32, #tpu.memory_space<vmem>>
        %dma_start3A_410 = tpu.memref_squeeze %dma_start3A_409 : memref<1x128x256xf32, #tpu.memory_space<vmem>> -> memref<128x256xf32, #tpu.memory_space<vmem>>
        %dma_start3A_411 = arith.constant 0 : i32
        %dma_start3A_412 = tpu.memref_slice %dma_start3A_410[%add3A_397, %dma_start3A_411] : memref<128x256xf32, #tpu.memory_space<vmem>> -> memref<1x256xf32, #tpu.memory_space<vmem>>
        %dma_start3A_413 = arith.constant 0 : i32
        %dma_start3A_414 = tpu.memref_slice %arg8[%squeeze3A_395, %dma_start3A_413] : memref<1000x256xf32, #tpu.memory_space<vmem_shared>> -> memref<1x256xf32, #tpu.memory_space<vmem_shared>>
        tpu.enqueue_dma source(%dma_start3A_414 : memref<1x256xf32, #tpu.memory_space<vmem_shared>>) target(%dma_start3A_412 : memref<1x256xf32, #tpu.memory_space<vmem>>) target_semaphore(%arg11 : memref<!tpu.dma_semaphore, #tpu.memory_space<semaphore_mem>>)
        %slice3A_415 = vector.extract_strided_slice %get3A_332 {offsets = [4], sizes = [1], strides = [1]} : vector<16xi32> to vector<1xi32>
        %squeeze3A_416 = vector.extract %slice3A_415[0] : i32 from vector<1xi32>
        %add3A_417 = arith.constant 4 : i32
        %add3A_418 = arith.addi %mul3A_326, %add3A_417 : i32
        %dma_start3A_419 = arith.constant 1 : i32
        %dma_start3A_420 = arith.constant 0 : i32
        %dma_start3A_421 = arith.constant 0 : i32
        %dma_start3A_422 = tpu.memref_slice %arg7[%dma_start3A_419, %dma_start3A_420, %dma_start3A_421] : memref<3x128x256xf32, #tpu.memory_space<vmem>> -> memref<1x128x256xf32, #tpu.memory_space<vmem>>
        %dma_start3A_423 = tpu.memref_squeeze %dma_start3A_422 : memref<1x128x256xf32, #tpu.memory_space<vmem>> -> memref<128x256xf32, #tpu.memory_space<vmem>>
        %dma_start3A_424 = arith.constant 0 : i32
        %dma_start3A_425 = tpu.memref_slice %dma_start3A_423[%add3A_418, %dma_start3A_424] : memref<128x256xf32, #tpu.memory_space<vmem>> -> memref<1x256xf32, #tpu.memory_space<vmem>>
        %dma_start3A_426 = arith.constant 0 : i32
        %dma_start3A_427 = tpu.memref_slice %arg8[%squeeze3A_416, %dma_start3A_426] : memref<1000x256xf32, #tpu.memory_space<vmem_shared>> -> memref<1x256xf32, #tpu.memory_space<vmem_shared>>
        %dma_start3A_428 = arith.constant 0 : i32
        %dma_start3A_429 = arith.constant 0 : i32
        %dma_start3A_430 = tpu.memref_slice %arg7[%dma_start3A_419, %dma_start3A_428, %dma_start3A_429] : memref<3x128x256xf32, #tpu.memory_space<vmem>> -> memref<1x128x256xf32, #tpu.memory_space<vmem>>
        %dma_start3A_431 = tpu.memref_squeeze %dma_start3A_430 : memref<1x128x256xf32, #tpu.memory_space<vmem>> -> memref<128x256xf32, #tpu.memory_space<vmem>>
        %dma_start3A_432 = arith.constant 0 : i32
        %dma_start3A_433 = tpu.memref_slice %dma_start3A_431[%add3A_418, %dma_start3A_432] : memref<128x256xf32, #tpu.memory_space<vmem>> -> memref<1x256xf32, #tpu.memory_space<vmem>>
        %dma_start3A_434 = arith.constant 0 : i32
        %dma_start3A_435 = tpu.memref_slice %arg8[%squeeze3A_416, %dma_start3A_434] : memref<1000x256xf32, #tpu.memory_space<vmem_shared>> -> memref<1x256xf32, #tpu.memory_space<vmem_shared>>
        tpu.enqueue_dma source(%dma_start3A_435 : memref<1x256xf32, #tpu.memory_space<vmem_shared>>) target(%dma_start3A_433 : memref<1x256xf32, #tpu.memory_space<vmem>>) target_semaphore(%arg11 : memref<!tpu.dma_semaphore, #tpu.memory_space<semaphore_mem>>)
        %slice3A_436 = vector.extract_strided_slice %get3A_332 {offsets = [5], sizes = [1], strides = [1]} : vector<16xi32> to vector<1xi32>
        %squeeze3A_437 = vector.extract %slice3A_436[0] : i32 from vector<1xi32>
        %add3A_438 = arith.constant 5 : i32
        %add3A_439 = arith.addi %mul3A_326, %add3A_438 : i32
        %dma_start3A_440 = arith.constant 1 : i32
        %dma_start3A_441 = arith.constant 0 : i32
        %dma_start3A_442 = arith.constant 0 : i32
        %dma_start3A_443 = tpu.memref_slice %arg7[%dma_start3A_440, %dma_start3A_441, %dma_start3A_442] : memref<3x128x256xf32, #tpu.memory_space<vmem>> -> memref<1x128x256xf32, #tpu.memory_space<vmem>>
        %dma_start3A_444 = tpu.memref_squeeze %dma_start3A_443 : memref<1x128x256xf32, #tpu.memory_space<vmem>> -> memref<128x256xf32, #tpu.memory_space<vmem>>
        %dma_start3A_445 = arith.constant 0 : i32
        %dma_start3A_446 = tpu.memref_slice %dma_start3A_444[%add3A_439, %dma_start3A_445] : memref<128x256xf32, #tpu.memory_space<vmem>> -> memref<1x256xf32, #tpu.memory_space<vmem>>
        %dma_start3A_447 = arith.constant 0 : i32
        %dma_start3A_448 = tpu.memref_slice %arg8[%squeeze3A_437, %dma_start3A_447] : memref<1000x256xf32, #tpu.memory_space<vmem_shared>> -> memref<1x256xf32, #tpu.memory_space<vmem_shared>>
        %dma_start3A_449 = arith.constant 0 : i32
        %dma_start3A_450 = arith.constant 0 : i32
        %dma_start3A_451 = tpu.memref_slice %arg7[%dma_start3A_440, %dma_start3A_449, %dma_start3A_450] : memref<3x128x256xf32, #tpu.memory_space<vmem>> -> memref<1x128x256xf32, #tpu.memory_space<vmem>>
        %dma_start3A_452 = tpu.memref_squeeze %dma_start3A_451 : memref<1x128x256xf32, #tpu.memory_space<vmem>> -> memref<128x256xf32, #tpu.memory_space<vmem>>
        %dma_start3A_453 = arith.constant 0 : i32
        %dma_start3A_454 = tpu.memref_slice %dma_start3A_452[%add3A_439, %dma_start3A_453] : memref<128x256xf32, #tpu.memory_space<vmem>> -> memref<1x256xf32, #tpu.memory_space<vmem>>
        %dma_start3A_455 = arith.constant 0 : i32
        %dma_start3A_456 = tpu.memref_slice %arg8[%squeeze3A_437, %dma_start3A_455] : memref<1000x256xf32, #tpu.memory_space<vmem_shared>> -> memref<1x256xf32, #tpu.memory_space<vmem_shared>>
        tpu.enqueue_dma source(%dma_start3A_456 : memref<1x256xf32, #tpu.memory_space<vmem_shared>>) target(%dma_start3A_454 : memref<1x256xf32, #tpu.memory_space<vmem>>) target_semaphore(%arg11 : memref<!tpu.dma_semaphore, #tpu.memory_space<semaphore_mem>>)
        %slice3A_457 = vector.extract_strided_slice %get3A_332 {offsets = [6], sizes = [1], strides = [1]} : vector<16xi32> to vector<1xi32>
        %squeeze3A_458 = vector.extract %slice3A_457[0] : i32 from vector<1xi32>
        %add3A_459 = arith.constant 6 : i32
        %add3A_460 = arith.addi %mul3A_326, %add3A_459 : i32
        %dma_start3A_461 = arith.constant 1 : i32
        %dma_start3A_462 = arith.constant 0 : i32
        %dma_start3A_463 = arith.constant 0 : i32
        %dma_start3A_464 = tpu.memref_slice %arg7[%dma_start3A_461, %dma_start3A_462, %dma_start3A_463] : memref<3x128x256xf32, #tpu.memory_space<vmem>> -> memref<1x128x256xf32, #tpu.memory_space<vmem>>
        %dma_start3A_465 = tpu.memref_squeeze %dma_start3A_464 : memref<1x128x256xf32, #tpu.memory_space<vmem>> -> memref<128x256xf32, #tpu.memory_space<vmem>>
        %dma_start3A_466 = arith.constant 0 : i32
        %dma_start3A_467 = tpu.memref_slice %dma_start3A_465[%add3A_460, %dma_start3A_466] : memref<128x256xf32, #tpu.memory_space<vmem>> -> memref<1x256xf32, #tpu.memory_space<vmem>>
        %dma_start3A_468 = arith.constant 0 : i32
        %dma_start3A_469 = tpu.memref_slice %arg8[%squeeze3A_458, %dma_start3A_468] : memref<1000x256xf32, #tpu.memory_space<vmem_shared>> -> memref<1x256xf32, #tpu.memory_space<vmem_shared>>
        %dma_start3A_470 = arith.constant 0 : i32
        %dma_start3A_471 = arith.constant 0 : i32
        %dma_start3A_472 = tpu.memref_slice %arg7[%dma_start3A_461, %dma_start3A_470, %dma_start3A_471] : memref<3x128x256xf32, #tpu.memory_space<vmem>> -> memref<1x128x256xf32, #tpu.memory_space<vmem>>
        %dma_start3A_473 = tpu.memref_squeeze %dma_start3A_472 : memref<1x128x256xf32, #tpu.memory_space<vmem>> -> memref<128x256xf32, #tpu.memory_space<vmem>>
        %dma_start3A_474 = arith.constant 0 : i32
        %dma_start3A_475 = tpu.memref_slice %dma_start3A_473[%add3A_460, %dma_start3A_474] : memref<128x256xf32, #tpu.memory_space<vmem>> -> memref<1x256xf32, #tpu.memory_space<vmem>>
        %dma_start3A_476 = arith.constant 0 : i32
        %dma_start3A_477 = tpu.memref_slice %arg8[%squeeze3A_458, %dma_start3A_476] : memref<1000x256xf32, #tpu.memory_space<vmem_shared>> -> memref<1x256xf32, #tpu.memory_space<vmem_shared>>
        tpu.enqueue_dma source(%dma_start3A_477 : memref<1x256xf32, #tpu.memory_space<vmem_shared>>) target(%dma_start3A_475 : memref<1x256xf32, #tpu.memory_space<vmem>>) target_semaphore(%arg11 : memref<!tpu.dma_semaphore, #tpu.memory_space<semaphore_mem>>)
        %slice3A_478 = vector.extract_strided_slice %get3A_332 {offsets = [7], sizes = [1], strides = [1]} : vector<16xi32> to vector<1xi32>
        %squeeze3A_479 = vector.extract %slice3A_478[0] : i32 from vector<1xi32>
        %add3A_480 = arith.constant 7 : i32
        %add3A_481 = arith.addi %mul3A_326, %add3A_480 : i32
        %dma_start3A_482 = arith.constant 1 : i32
        %dma_start3A_483 = arith.constant 0 : i32
        %dma_start3A_484 = arith.constant 0 : i32
        %dma_start3A_485 = tpu.memref_slice %arg7[%dma_start3A_482, %dma_start3A_483, %dma_start3A_484] : memref<3x128x256xf32, #tpu.memory_space<vmem>> -> memref<1x128x256xf32, #tpu.memory_space<vmem>>
        %dma_start3A_486 = tpu.memref_squeeze %dma_start3A_485 : memref<1x128x256xf32, #tpu.memory_space<vmem>> -> memref<128x256xf32, #tpu.memory_space<vmem>>
        %dma_start3A_487 = arith.constant 0 : i32
        %dma_start3A_488 = tpu.memref_slice %dma_start3A_486[%add3A_481, %dma_start3A_487] : memref<128x256xf32, #tpu.memory_space<vmem>> -> memref<1x256xf32, #tpu.memory_space<vmem>>
        %dma_start3A_489 = arith.constant 0 : i32
        %dma_start3A_490 = tpu.memref_slice %arg8[%squeeze3A_479, %dma_start3A_489] : memref<1000x256xf32, #tpu.memory_space<vmem_shared>> -> memref<1x256xf32, #tpu.memory_space<vmem_shared>>
        %dma_start3A_491 = arith.constant 0 : i32
        %dma_start3A_492 = arith.constant 0 : i32
        %dma_start3A_493 = tpu.memref_slice %arg7[%dma_start3A_482, %dma_start3A_491, %dma_start3A_492] : memref<3x128x256xf32, #tpu.memory_space<vmem>> -> memref<1x128x256xf32, #tpu.memory_space<vmem>>
        %dma_start3A_494 = tpu.memref_squeeze %dma_start3A_493 : memref<1x128x256xf32, #tpu.memory_space<vmem>> -> memref<128x256xf32, #tpu.memory_space<vmem>>
        %dma_start3A_495 = arith.constant 0 : i32
        %dma_start3A_496 = tpu.memref_slice %dma_start3A_494[%add3A_481, %dma_start3A_495] : memref<128x256xf32, #tpu.memory_space<vmem>> -> memref<1x256xf32, #tpu.memory_space<vmem>>
        %dma_start3A_497 = arith.constant 0 : i32
        %dma_start3A_498 = tpu.memref_slice %arg8[%squeeze3A_479, %dma_start3A_497] : memref<1000x256xf32, #tpu.memory_space<vmem_shared>> -> memref<1x256xf32, #tpu.memory_space<vmem_shared>>
        tpu.enqueue_dma source(%dma_start3A_498 : memref<1x256xf32, #tpu.memory_space<vmem_shared>>) target(%dma_start3A_496 : memref<1x256xf32, #tpu.memory_space<vmem>>) target_semaphore(%arg11 : memref<!tpu.dma_semaphore, #tpu.memory_space<semaphore_mem>>)
        %slice3A_499 = vector.extract_strided_slice %get3A_332 {offsets = [8], sizes = [1], strides = [1]} : vector<16xi32> to vector<1xi32>
        %squeeze3A_500 = vector.extract %slice3A_499[0] : i32 from vector<1xi32>
        %add3A_501 = arith.constant 8 : i32
        %add3A_502 = arith.addi %mul3A_326, %add3A_501 : i32
        %dma_start3A_503 = arith.constant 1 : i32
        %dma_start3A_504 = arith.constant 0 : i32
        %dma_start3A_505 = arith.constant 0 : i32
        %dma_start3A_506 = tpu.memref_slice %arg7[%dma_start3A_503, %dma_start3A_504, %dma_start3A_505] : memref<3x128x256xf32, #tpu.memory_space<vmem>> -> memref<1x128x256xf32, #tpu.memory_space<vmem>>
        %dma_start3A_507 = tpu.memref_squeeze %dma_start3A_506 : memref<1x128x256xf32, #tpu.memory_space<vmem>> -> memref<128x256xf32, #tpu.memory_space<vmem>>
        %dma_start3A_508 = arith.constant 0 : i32
        %dma_start3A_509 = tpu.memref_slice %dma_start3A_507[%add3A_502, %dma_start3A_508] : memref<128x256xf32, #tpu.memory_space<vmem>> -> memref<1x256xf32, #tpu.memory_space<vmem>>
        %dma_start3A_510 = arith.constant 0 : i32
        %dma_start3A_511 = tpu.memref_slice %arg8[%squeeze3A_500, %dma_start3A_510] : memref<1000x256xf32, #tpu.memory_space<vmem_shared>> -> memref<1x256xf32, #tpu.memory_space<vmem_shared>>
        %dma_start3A_512 = arith.constant 0 : i32
        %dma_start3A_513 = arith.constant 0 : i32
        %dma_start3A_514 = tpu.memref_slice %arg7[%dma_start3A_503, %dma_start3A_512, %dma_start3A_513] : memref<3x128x256xf32, #tpu.memory_space<vmem>> -> memref<1x128x256xf32, #tpu.memory_space<vmem>>
        %dma_start3A_515 = tpu.memref_squeeze %dma_start3A_514 : memref<1x128x256xf32, #tpu.memory_space<vmem>> -> memref<128x256xf32, #tpu.memory_space<vmem>>
        %dma_start3A_516 = arith.constant 0 : i32
        %dma_start3A_517 = tpu.memref_slice %dma_start3A_515[%add3A_502, %dma_start3A_516] : memref<128x256xf32, #tpu.memory_space<vmem>> -> memref<1x256xf32, #tpu.memory_space<vmem>>
        %dma_start3A_518 = arith.constant 0 : i32
        %dma_start3A_519 = tpu.memref_slice %arg8[%squeeze3A_500, %dma_start3A_518] : memref<1000x256xf32, #tpu.memory_space<vmem_shared>> -> memref<1x256xf32, #tpu.memory_space<vmem_shared>>
        tpu.enqueue_dma source(%dma_start3A_519 : memref<1x256xf32, #tpu.memory_space<vmem_shared>>) target(%dma_start3A_517 : memref<1x256xf32, #tpu.memory_space<vmem>>) target_semaphore(%arg11 : memref<!tpu.dma_semaphore, #tpu.memory_space<semaphore_mem>>)
        %slice3A_520 = vector.extract_strided_slice %get3A_332 {offsets = [9], sizes = [1], strides = [1]} : vector<16xi32> to vector<1xi32>
        %squeeze3A_521 = vector.extract %slice3A_520[0] : i32 from vector<1xi32>
        %add3A_522 = arith.constant 9 : i32
        %add3A_523 = arith.addi %mul3A_326, %add3A_522 : i32
        %dma_start3A_524 = arith.constant 1 : i32
        %dma_start3A_525 = arith.constant 0 : i32
        %dma_start3A_526 = arith.constant 0 : i32
        %dma_start3A_527 = tpu.memref_slice %arg7[%dma_start3A_524, %dma_start3A_525, %dma_start3A_526] : memref<3x128x256xf32, #tpu.memory_space<vmem>> -> memref<1x128x256xf32, #tpu.memory_space<vmem>>
        %dma_start3A_528 = tpu.memref_squeeze %dma_start3A_527 : memref<1x128x256xf32, #tpu.memory_space<vmem>> -> memref<128x256xf32, #tpu.memory_space<vmem>>
        %dma_start3A_529 = arith.constant 0 : i32
        %dma_start3A_530 = tpu.memref_slice %dma_start3A_528[%add3A_523, %dma_start3A_529] : memref<128x256xf32, #tpu.memory_space<vmem>> -> memref<1x256xf32, #tpu.memory_space<vmem>>
        %dma_start3A_531 = arith.constant 0 : i32
        %dma_start3A_532 = tpu.memref_slice %arg8[%squeeze3A_521, %dma_start3A_531] : memref<1000x256xf32, #tpu.memory_space<vmem_shared>> -> memref<1x256xf32, #tpu.memory_space<vmem_shared>>
        %dma_start3A_533 = arith.constant 0 : i32
        %dma_start3A_534 = arith.constant 0 : i32
        %dma_start3A_535 = tpu.memref_slice %arg7[%dma_start3A_524, %dma_start3A_533, %dma_start3A_534] : memref<3x128x256xf32, #tpu.memory_space<vmem>> -> memref<1x128x256xf32, #tpu.memory_space<vmem>>
        %dma_start3A_536 = tpu.memref_squeeze %dma_start3A_535 : memref<1x128x256xf32, #tpu.memory_space<vmem>> -> memref<128x256xf32, #tpu.memory_space<vmem>>
        %dma_start3A_537 = arith.constant 0 : i32
        %dma_start3A_538 = tpu.memref_slice %dma_start3A_536[%add3A_523, %dma_start3A_537] : memref<128x256xf32, #tpu.memory_space<vmem>> -> memref<1x256xf32, #tpu.memory_space<vmem>>
        %dma_start3A_539 = arith.constant 0 : i32
        %dma_start3A_540 = tpu.memref_slice %arg8[%squeeze3A_521, %dma_start3A_539] : memref<1000x256xf32, #tpu.memory_space<vmem_shared>> -> memref<1x256xf32, #tpu.memory_space<vmem_shared>>
        tpu.enqueue_dma source(%dma_start3A_540 : memref<1x256xf32, #tpu.memory_space<vmem_shared>>) target(%dma_start3A_538 : memref<1x256xf32, #tpu.memory_space<vmem>>) target_semaphore(%arg11 : memref<!tpu.dma_semaphore, #tpu.memory_space<semaphore_mem>>)
        %slice3A_541 = vector.extract_strided_slice %get3A_332 {offsets = [10], sizes = [1], strides = [1]} : vector<16xi32> to vector<1xi32>
        %squeeze3A_542 = vector.extract %slice3A_541[0] : i32 from vector<1xi32>
        %add3A_543 = arith.constant 10 : i32
        %add3A_544 = arith.addi %mul3A_326, %add3A_543 : i32
        %dma_start3A_545 = arith.constant 1 : i32
        %dma_start3A_546 = arith.constant 0 : i32
        %dma_start3A_547 = arith.constant 0 : i32
        %dma_start3A_548 = tpu.memref_slice %arg7[%dma_start3A_545, %dma_start3A_546, %dma_start3A_547] : memref<3x128x256xf32, #tpu.memory_space<vmem>> -> memref<1x128x256xf32, #tpu.memory_space<vmem>>
        %dma_start3A_549 = tpu.memref_squeeze %dma_start3A_548 : memref<1x128x256xf32, #tpu.memory_space<vmem>> -> memref<128x256xf32, #tpu.memory_space<vmem>>
        %dma_start3A_550 = arith.constant 0 : i32
        %dma_start3A_551 = tpu.memref_slice %dma_start3A_549[%add3A_544, %dma_start3A_550] : memref<128x256xf32, #tpu.memory_space<vmem>> -> memref<1x256xf32, #tpu.memory_space<vmem>>
        %dma_start3A_552 = arith.constant 0 : i32
        %dma_start3A_553 = tpu.memref_slice %arg8[%squeeze3A_542, %dma_start3A_552] : memref<1000x256xf32, #tpu.memory_space<vmem_shared>> -> memref<1x256xf32, #tpu.memory_space<vmem_shared>>
        %dma_start3A_554 = arith.constant 0 : i32
        %dma_start3A_555 = arith.constant 0 : i32
        %dma_start3A_556 = tpu.memref_slice %arg7[%dma_start3A_545, %dma_start3A_554, %dma_start3A_555] : memref<3x128x256xf32, #tpu.memory_space<vmem>> -> memref<1x128x256xf32, #tpu.memory_space<vmem>>
        %dma_start3A_557 = tpu.memref_squeeze %dma_start3A_556 : memref<1x128x256xf32, #tpu.memory_space<vmem>> -> memref<128x256xf32, #tpu.memory_space<vmem>>
        %dma_start3A_558 = arith.constant 0 : i32
        %dma_start3A_559 = tpu.memref_slice %dma_start3A_557[%add3A_544, %dma_start3A_558] : memref<128x256xf32, #tpu.memory_space<vmem>> -> memref<1x256xf32, #tpu.memory_space<vmem>>
        %dma_start3A_560 = arith.constant 0 : i32
        %dma_start3A_561 = tpu.memref_slice %arg8[%squeeze3A_542, %dma_start3A_560] : memref<1000x256xf32, #tpu.memory_space<vmem_shared>> -> memref<1x256xf32, #tpu.memory_space<vmem_shared>>
        tpu.enqueue_dma source(%dma_start3A_561 : memref<1x256xf32, #tpu.memory_space<vmem_shared>>) target(%dma_start3A_559 : memref<1x256xf32, #tpu.memory_space<vmem>>) target_semaphore(%arg11 : memref<!tpu.dma_semaphore, #tpu.memory_space<semaphore_mem>>)
        %slice3A_562 = vector.extract_strided_slice %get3A_332 {offsets = [11], sizes = [1], strides = [1]} : vector<16xi32> to vector<1xi32>
        %squeeze3A_563 = vector.extract %slice3A_562[0] : i32 from vector<1xi32>
        %add3A_564 = arith.constant 11 : i32
        %add3A_565 = arith.addi %mul3A_326, %add3A_564 : i32
        %dma_start3A_566 = arith.constant 1 : i32
        %dma_start3A_567 = arith.constant 0 : i32
        %dma_start3A_568 = arith.constant 0 : i32
        %dma_start3A_569 = tpu.memref_slice %arg7[%dma_start3A_566, %dma_start3A_567, %dma_start3A_568] : memref<3x128x256xf32, #tpu.memory_space<vmem>> -> memref<1x128x256xf32, #tpu.memory_space<vmem>>
        %dma_start3A_570 = tpu.memref_squeeze %dma_start3A_569 : memref<1x128x256xf32, #tpu.memory_space<vmem>> -> memref<128x256xf32, #tpu.memory_space<vmem>>
        %dma_start3A_571 = arith.constant 0 : i32
        %dma_start3A_572 = tpu.memref_slice %dma_start3A_570[%add3A_565, %dma_start3A_571] : memref<128x256xf32, #tpu.memory_space<vmem>> -> memref<1x256xf32, #tpu.memory_space<vmem>>
        %dma_start3A_573 = arith.constant 0 : i32
        %dma_start3A_574 = tpu.memref_slice %arg8[%squeeze3A_563, %dma_start3A_573] : memref<1000x256xf32, #tpu.memory_space<vmem_shared>> -> memref<1x256xf32, #tpu.memory_space<vmem_shared>>
        %dma_start3A_575 = arith.constant 0 : i32
        %dma_start3A_576 = arith.constant 0 : i32
        %dma_start3A_577 = tpu.memref_slice %arg7[%dma_start3A_566, %dma_start3A_575, %dma_start3A_576] : memref<3x128x256xf32, #tpu.memory_space<vmem>> -> memref<1x128x256xf32, #tpu.memory_space<vmem>>
        %dma_start3A_578 = tpu.memref_squeeze %dma_start3A_577 : memref<1x128x256xf32, #tpu.memory_space<vmem>> -> memref<128x256xf32, #tpu.memory_space<vmem>>
        %dma_start3A_579 = arith.constant 0 : i32
        %dma_start3A_580 = tpu.memref_slice %dma_start3A_578[%add3A_565, %dma_start3A_579] : memref<128x256xf32, #tpu.memory_space<vmem>> -> memref<1x256xf32, #tpu.memory_space<vmem>>
        %dma_start3A_581 = arith.constant 0 : i32
        %dma_start3A_582 = tpu.memref_slice %arg8[%squeeze3A_563, %dma_start3A_581] : memref<1000x256xf32, #tpu.memory_space<vmem_shared>> -> memref<1x256xf32, #tpu.memory_space<vmem_shared>>
        tpu.enqueue_dma source(%dma_start3A_582 : memref<1x256xf32, #tpu.memory_space<vmem_shared>>) target(%dma_start3A_580 : memref<1x256xf32, #tpu.memory_space<vmem>>) target_semaphore(%arg11 : memref<!tpu.dma_semaphore, #tpu.memory_space<semaphore_mem>>)
        %slice3A_583 = vector.extract_strided_slice %get3A_332 {offsets = [12], sizes = [1], strides = [1]} : vector<16xi32> to vector<1xi32>
        %squeeze3A_584 = vector.extract %slice3A_583[0] : i32 from vector<1xi32>
        %add3A_585 = arith.constant 12 : i32
        %add3A_586 = arith.addi %mul3A_326, %add3A_585 : i32
        %dma_start3A_587 = arith.constant 1 : i32
        %dma_start3A_588 = arith.constant 0 : i32
        %dma_start3A_589 = arith.constant 0 : i32
        %dma_start3A_590 = tpu.memref_slice %arg7[%dma_start3A_587, %dma_start3A_588, %dma_start3A_589] : memref<3x128x256xf32, #tpu.memory_space<vmem>> -> memref<1x128x256xf32, #tpu.memory_space<vmem>>
        %dma_start3A_591 = tpu.memref_squeeze %dma_start3A_590 : memref<1x128x256xf32, #tpu.memory_space<vmem>> -> memref<128x256xf32, #tpu.memory_space<vmem>>
        %dma_start3A_592 = arith.constant 0 : i32
        %dma_start3A_593 = tpu.memref_slice %dma_start3A_591[%add3A_586, %dma_start3A_592] : memref<128x256xf32, #tpu.memory_space<vmem>> -> memref<1x256xf32, #tpu.memory_space<vmem>>
        %dma_start3A_594 = arith.constant 0 : i32
        %dma_start3A_595 = tpu.memref_slice %arg8[%squeeze3A_584, %dma_start3A_594] : memref<1000x256xf32, #tpu.memory_space<vmem_shared>> -> memref<1x256xf32, #tpu.memory_space<vmem_shared>>
        %dma_start3A_596 = arith.constant 0 : i32
        %dma_start3A_597 = arith.constant 0 : i32
        %dma_start3A_598 = tpu.memref_slice %arg7[%dma_start3A_587, %dma_start3A_596, %dma_start3A_597] : memref<3x128x256xf32, #tpu.memory_space<vmem>> -> memref<1x128x256xf32, #tpu.memory_space<vmem>>
        %dma_start3A_599 = tpu.memref_squeeze %dma_start3A_598 : memref<1x128x256xf32, #tpu.memory_space<vmem>> -> memref<128x256xf32, #tpu.memory_space<vmem>>
        %dma_start3A_600 = arith.constant 0 : i32
        %dma_start3A_601 = tpu.memref_slice %dma_start3A_599[%add3A_586, %dma_start3A_600] : memref<128x256xf32, #tpu.memory_space<vmem>> -> memref<1x256xf32, #tpu.memory_space<vmem>>
        %dma_start3A_602 = arith.constant 0 : i32
        %dma_start3A_603 = tpu.memref_slice %arg8[%squeeze3A_584, %dma_start3A_602] : memref<1000x256xf32, #tpu.memory_space<vmem_shared>> -> memref<1x256xf32, #tpu.memory_space<vmem_shared>>
        tpu.enqueue_dma source(%dma_start3A_603 : memref<1x256xf32, #tpu.memory_space<vmem_shared>>) target(%dma_start3A_601 : memref<1x256xf32, #tpu.memory_space<vmem>>) target_semaphore(%arg11 : memref<!tpu.dma_semaphore, #tpu.memory_space<semaphore_mem>>)
        %slice3A_604 = vector.extract_strided_slice %get3A_332 {offsets = [13], sizes = [1], strides = [1]} : vector<16xi32> to vector<1xi32>
        %squeeze3A_605 = vector.extract %slice3A_604[0] : i32 from vector<1xi32>
        %add3A_606 = arith.constant 13 : i32
        %add3A_607 = arith.addi %mul3A_326, %add3A_606 : i32
        %dma_start3A_608 = arith.constant 1 : i32
        %dma_start3A_609 = arith.constant 0 : i32
        %dma_start3A_610 = arith.constant 0 : i32
        %dma_start3A_611 = tpu.memref_slice %arg7[%dma_start3A_608, %dma_start3A_609, %dma_start3A_610] : memref<3x128x256xf32, #tpu.memory_space<vmem>> -> memref<1x128x256xf32, #tpu.memory_space<vmem>>
        %dma_start3A_612 = tpu.memref_squeeze %dma_start3A_611 : memref<1x128x256xf32, #tpu.memory_space<vmem>> -> memref<128x256xf32, #tpu.memory_space<vmem>>
        %dma_start3A_613 = arith.constant 0 : i32
        %dma_start3A_614 = tpu.memref_slice %dma_start3A_612[%add3A_607, %dma_start3A_613] : memref<128x256xf32, #tpu.memory_space<vmem>> -> memref<1x256xf32, #tpu.memory_space<vmem>>
        %dma_start3A_615 = arith.constant 0 : i32
        %dma_start3A_616 = tpu.memref_slice %arg8[%squeeze3A_605, %dma_start3A_615] : memref<1000x256xf32, #tpu.memory_space<vmem_shared>> -> memref<1x256xf32, #tpu.memory_space<vmem_shared>>
        %dma_start3A_617 = arith.constant 0 : i32
        %dma_start3A_618 = arith.constant 0 : i32
        %dma_start3A_619 = tpu.memref_slice %arg7[%dma_start3A_608, %dma_start3A_617, %dma_start3A_618] : memref<3x128x256xf32, #tpu.memory_space<vmem>> -> memref<1x128x256xf32, #tpu.memory_space<vmem>>
        %dma_start3A_620 = tpu.memref_squeeze %dma_start3A_619 : memref<1x128x256xf32, #tpu.memory_space<vmem>> -> memref<128x256xf32, #tpu.memory_space<vmem>>
        %dma_start3A_621 = arith.constant 0 : i32
        %dma_start3A_622 = tpu.memref_slice %dma_start3A_620[%add3A_607, %dma_start3A_621] : memref<128x256xf32, #tpu.memory_space<vmem>> -> memref<1x256xf32, #tpu.memory_space<vmem>>
        %dma_start3A_623 = arith.constant 0 : i32
        %dma_start3A_624 = tpu.memref_slice %arg8[%squeeze3A_605, %dma_start3A_623] : memref<1000x256xf32, #tpu.memory_space<vmem_shared>> -> memref<1x256xf32, #tpu.memory_space<vmem_shared>>
        tpu.enqueue_dma source(%dma_start3A_624 : memref<1x256xf32, #tpu.memory_space<vmem_shared>>) target(%dma_start3A_622 : memref<1x256xf32, #tpu.memory_space<vmem>>) target_semaphore(%arg11 : memref<!tpu.dma_semaphore, #tpu.memory_space<semaphore_mem>>)
        %slice3A_625 = vector.extract_strided_slice %get3A_332 {offsets = [14], sizes = [1], strides = [1]} : vector<16xi32> to vector<1xi32>
        %squeeze3A_626 = vector.extract %slice3A_625[0] : i32 from vector<1xi32>
        %add3A_627 = arith.constant 14 : i32
        %add3A_628 = arith.addi %mul3A_326, %add3A_627 : i32
        %dma_start3A_629 = arith.constant 1 : i32
        %dma_start3A_630 = arith.constant 0 : i32
        %dma_start3A_631 = arith.constant 0 : i32
        %dma_start3A_632 = tpu.memref_slice %arg7[%dma_start3A_629, %dma_start3A_630, %dma_start3A_631] : memref<3x128x256xf32, #tpu.memory_space<vmem>> -> memref<1x128x256xf32, #tpu.memory_space<vmem>>
        %dma_start3A_633 = tpu.memref_squeeze %dma_start3A_632 : memref<1x128x256xf32, #tpu.memory_space<vmem>> -> memref<128x256xf32, #tpu.memory_space<vmem>>
        %dma_start3A_634 = arith.constant 0 : i32
        %dma_start3A_635 = tpu.memref_slice %dma_start3A_633[%add3A_628, %dma_start3A_634] : memref<128x256xf32, #tpu.memory_space<vmem>> -> memref<1x256xf32, #tpu.memory_space<vmem>>
        %dma_start3A_636 = arith.constant 0 : i32
        %dma_start3A_637 = tpu.memref_slice %arg8[%squeeze3A_626, %dma_start3A_636] : memref<1000x256xf32, #tpu.memory_space<vmem_shared>> -> memref<1x256xf32, #tpu.memory_space<vmem_shared>>
        %dma_start3A_638 = arith.constant 0 : i32
        %dma_start3A_639 = arith.constant 0 : i32
        %dma_start3A_640 = tpu.memref_slice %arg7[%dma_start3A_629, %dma_start3A_638, %dma_start3A_639] : memref<3x128x256xf32, #tpu.memory_space<vmem>> -> memref<1x128x256xf32, #tpu.memory_space<vmem>>
        %dma_start3A_641 = tpu.memref_squeeze %dma_start3A_640 : memref<1x128x256xf32, #tpu.memory_space<vmem>> -> memref<128x256xf32, #tpu.memory_space<vmem>>
        %dma_start3A_642 = arith.constant 0 : i32
        %dma_start3A_643 = tpu.memref_slice %dma_start3A_641[%add3A_628, %dma_start3A_642] : memref<128x256xf32, #tpu.memory_space<vmem>> -> memref<1x256xf32, #tpu.memory_space<vmem>>
        %dma_start3A_644 = arith.constant 0 : i32
        %dma_start3A_645 = tpu.memref_slice %arg8[%squeeze3A_626, %dma_start3A_644] : memref<1000x256xf32, #tpu.memory_space<vmem_shared>> -> memref<1x256xf32, #tpu.memory_space<vmem_shared>>
        tpu.enqueue_dma source(%dma_start3A_645 : memref<1x256xf32, #tpu.memory_space<vmem_shared>>) target(%dma_start3A_643 : memref<1x256xf32, #tpu.memory_space<vmem>>) target_semaphore(%arg11 : memref<!tpu.dma_semaphore, #tpu.memory_space<semaphore_mem>>)
        %slice3A_646 = vector.extract_strided_slice %get3A_332 {offsets = [15], sizes = [1], strides = [1]} : vector<16xi32> to vector<1xi32>
        %squeeze3A_647 = vector.extract %slice3A_646[0] : i32 from vector<1xi32>
        %add3A_648 = arith.constant 15 : i32
        %add3A_649 = arith.addi %mul3A_326, %add3A_648 : i32
        %dma_start3A_650 = arith.constant 1 : i32
        %dma_start3A_651 = arith.constant 0 : i32
        %dma_start3A_652 = arith.constant 0 : i32
        %dma_start3A_653 = tpu.memref_slice %arg7[%dma_start3A_650, %dma_start3A_651, %dma_start3A_652] : memref<3x128x256xf32, #tpu.memory_space<vmem>> -> memref<1x128x256xf32, #tpu.memory_space<vmem>>
        %dma_start3A_654 = tpu.memref_squeeze %dma_start3A_653 : memref<1x128x256xf32, #tpu.memory_space<vmem>> -> memref<128x256xf32, #tpu.memory_space<vmem>>
        %dma_start3A_655 = arith.constant 0 : i32
        %dma_start3A_656 = tpu.memref_slice %dma_start3A_654[%add3A_649, %dma_start3A_655] : memref<128x256xf32, #tpu.memory_space<vmem>> -> memref<1x256xf32, #tpu.memory_space<vmem>>
        %dma_start3A_657 = arith.constant 0 : i32
        %dma_start3A_658 = tpu.memref_slice %arg8[%squeeze3A_647, %dma_start3A_657] : memref<1000x256xf32, #tpu.memory_space<vmem_shared>> -> memref<1x256xf32, #tpu.memory_space<vmem_shared>>
        %dma_start3A_659 = arith.constant 0 : i32
        %dma_start3A_660 = arith.constant 0 : i32
        %dma_start3A_661 = tpu.memref_slice %arg7[%dma_start3A_650, %dma_start3A_659, %dma_start3A_660] : memref<3x128x256xf32, #tpu.memory_space<vmem>> -> memref<1x128x256xf32, #tpu.memory_space<vmem>>
        %dma_start3A_662 = tpu.memref_squeeze %dma_start3A_661 : memref<1x128x256xf32, #tpu.memory_space<vmem>> -> memref<128x256xf32, #tpu.memory_space<vmem>>
        %dma_start3A_663 = arith.constant 0 : i32
        %dma_start3A_664 = tpu.memref_slice %dma_start3A_662[%add3A_649, %dma_start3A_663] : memref<128x256xf32, #tpu.memory_space<vmem>> -> memref<1x256xf32, #tpu.memory_space<vmem>>
        %dma_start3A_665 = arith.constant 0 : i32
        %dma_start3A_666 = tpu.memref_slice %arg8[%squeeze3A_647, %dma_start3A_665] : memref<1000x256xf32, #tpu.memory_space<vmem_shared>> -> memref<1x256xf32, #tpu.memory_space<vmem_shared>>
        tpu.enqueue_dma source(%dma_start3A_666 : memref<1x256xf32, #tpu.memory_space<vmem_shared>>) target(%dma_start3A_664 : memref<1x256xf32, #tpu.memory_space<vmem>>) target_semaphore(%arg11 : memref<!tpu.dma_semaphore, #tpu.memory_space<semaphore_mem>>)
      }
      %scan3A_198 = arith.constant 8 : i32
      %dma_wait3A_199 = arith.constant 0 : i32
      %dma_wait3A_200 = arith.constant 0 : i32
      %dma_wait3A_201 = arith.constant 0 : i32
      %dma_wait3A_202 = tpu.memref_slice %arg7[%dma_wait3A_199, %dma_wait3A_200, %dma_wait3A_201] : memref<3x128x256xf32, #tpu.memory_space<vmem>> -> memref<1x128x256xf32, #tpu.memory_space<vmem>>
      %dma_wait3A_203 = tpu.memref_squeeze %dma_wait3A_202 : memref<1x128x256xf32, #tpu.memory_space<vmem>> -> memref<128x256xf32, #tpu.memory_space<vmem>>
      %dma_wait3A_204 = arith.constant 0 : i32
      %dma_wait3A_205 = arith.constant 0 : i32
      %dma_wait3A_206 = tpu.memref_slice %arg2[%dma_wait3A_204, %dma_wait3A_205] : memref<1000x256xf32, #tpu.memory_space<hbm>> -> memref<128x256xf32, #tpu.memory_space<hbm>>
      %dma_wait3A_207 = arith.constant 0 : i32
      %dma_wait3A_208 = arith.constant 0 : i32
      %dma_wait3A_209 = tpu.memref_slice %arg7[%dma_wait3A_199, %dma_wait3A_207, %dma_wait3A_208] : memref<3x128x256xf32, #tpu.memory_space<vmem>> -> memref<1x128x256xf32, #tpu.memory_space<vmem>>
      %dma_wait3A_210 = tpu.memref_squeeze %dma_wait3A_209 : memref<1x128x256xf32, #tpu.memory_space<vmem>> -> memref<128x256xf32, #tpu.memory_space<vmem>>
      %dma_wait3A_211 = arith.constant 0 : i32
      %dma_wait3A_212 = arith.constant 0 : i32
      %dma_wait3A_213 = tpu.memref_slice %arg2[%dma_wait3A_211, %dma_wait3A_212] : memref<1000x256xf32, #tpu.memory_space<hbm>> -> memref<128x256xf32, #tpu.memory_space<hbm>>
      tpu.wait_dma2 semaphore(%arg10 : memref<!tpu.dma_semaphore, #tpu.memory_space<semaphore_mem>>) src(%dma_wait3A_213 : memref<128x256xf32, #tpu.memory_space<hbm>>) dst(%dma_wait3A_210 : memref<128x256xf32, #tpu.memory_space<vmem>>)
      %mul3A_214 = arith.constant 128 : i32
      %mul3A_215 = arith.muli %add3A_189, %mul3A_214 : i32
      %add3A_216 = arith.addi %mul3A_2, %mul3A_215 : i32
      %dma_start3A_217 = arith.constant 0 : i32
      %dma_start3A_218 = arith.constant 0 : i32
      %dma_start3A_219 = arith.constant 0 : i32
      %dma_start3A_220 = tpu.memref_slice %arg7[%dma_start3A_217, %dma_start3A_218, %dma_start3A_219] : memref<3x128x256xf32, #tpu.memory_space<vmem>> -> memref<1x128x256xf32, #tpu.memory_space<vmem>>
      %dma_start3A_221 = tpu.memref_squeeze %dma_start3A_220 : memref<1x128x256xf32, #tpu.memory_space<vmem>> -> memref<128x256xf32, #tpu.memory_space<vmem>>
      %dma_start3A_222 = arith.constant 0 : i32
      %dma_start3A_223 = tpu.memref_slice %arg5[%add3A_216, %dma_start3A_222] : memref<204800x256xf32, #tpu.memory_space<hbm>> -> memref<128x256xf32, #tpu.memory_space<hbm>>
      %dma_start3A_224 = arith.constant 0 : i32
      %dma_start3A_225 = tpu.memref_slice %arg5[%add3A_216, %dma_start3A_224] : memref<204800x256xf32, #tpu.memory_space<hbm>> -> memref<128x256xf32, #tpu.memory_space<hbm>>
      %dma_start3A_226 = arith.constant 0 : i32
      %dma_start3A_227 = arith.constant 0 : i32
      %dma_start3A_228 = tpu.memref_slice %arg7[%dma_start3A_217, %dma_start3A_226, %dma_start3A_227] : memref<3x128x256xf32, #tpu.memory_space<vmem>> -> memref<1x128x256xf32, #tpu.memory_space<vmem>>
      %dma_start3A_229 = tpu.memref_squeeze %dma_start3A_228 : memref<1x128x256xf32, #tpu.memory_space<vmem>> -> memref<128x256xf32, #tpu.memory_space<vmem>>
      tpu.enqueue_dma source(%dma_start3A_229 : memref<128x256xf32, #tpu.memory_space<vmem>>) target(%dma_start3A_225 : memref<128x256xf32, #tpu.memory_space<hbm>>) target_semaphore(%arg13 : memref<!tpu.dma_semaphore, #tpu.memory_space<semaphore_mem>>)
      %add3A_230 = arith.constant 1 : i32
      %add3A_231 = arith.addi %add3A_187, %add3A_230 : i32
      %ge3A_232 = arith.constant 2 : i32
      %ge3A_233 = arith.cmpi sge, %add3A_231, %ge3A_232 : i32
      %convert_element_type3A_234 = arith.extui %ge3A_233 : i1 to i32
      %cond3A_235 = arith.constant 0 : i32
      %cond3A_236 = arith.cmpi ne, %convert_element_type3A_234, %cond3A_235 : i32
      scf.if %cond3A_236 {
        %dma_wait3A_320 = arith.constant 2 : i32
        %dma_wait3A_321 = arith.constant 0 : i32
        %dma_wait3A_322 = arith.constant 0 : i32
        %dma_wait3A_323 = tpu.memref_slice %arg7[%dma_wait3A_320, %dma_wait3A_321, %dma_wait3A_322] : memref<3x128x256xf32, #tpu.memory_space<vmem>> -> memref<1x128x256xf32, #tpu.memory_space<vmem>>
        %dma_wait3A_324 = tpu.memref_squeeze %dma_wait3A_323 : memref<1x128x256xf32, #tpu.memory_space<vmem>> -> memref<128x256xf32, #tpu.memory_space<vmem>>
        %dma_wait3A_325 = arith.constant 0 : i32
        %dma_wait3A_326 = tpu.memref_slice %arg5[%mul3A_2, %dma_wait3A_325] : memref<204800x256xf32, #tpu.memory_space<hbm>> -> memref<128x256xf32, #tpu.memory_space<hbm>>
        %dma_wait3A_327 = arith.constant 0 : i32
        %dma_wait3A_328 = tpu.memref_slice %arg5[%mul3A_2, %dma_wait3A_327] : memref<204800x256xf32, #tpu.memory_space<hbm>> -> memref<128x256xf32, #tpu.memory_space<hbm>>
        %dma_wait3A_329 = arith.constant 0 : i32
        %dma_wait3A_330 = arith.constant 0 : i32
        %dma_wait3A_331 = tpu.memref_slice %arg7[%dma_wait3A_320, %dma_wait3A_329, %dma_wait3A_330] : memref<3x128x256xf32, #tpu.memory_space<vmem>> -> memref<1x128x256xf32, #tpu.memory_space<vmem>>
        %dma_wait3A_332 = tpu.memref_squeeze %dma_wait3A_331 : memref<1x128x256xf32, #tpu.memory_space<vmem>> -> memref<128x256xf32, #tpu.memory_space<vmem>>
        tpu.wait_dma2 semaphore(%arg15 : memref<!tpu.dma_semaphore, #tpu.memory_space<semaphore_mem>>) src(%dma_wait3A_332 : memref<128x256xf32, #tpu.memory_space<vmem>>) dst(%dma_wait3A_328 : memref<128x256xf32, #tpu.memory_space<hbm>>)
      } else {
      }
      %add3A_237 = arith.constant 1 : i32
      %add3A_238 = arith.addi %add3A_231, %add3A_237 : i32
      %scan3A_239 = arith.constant 0 : i32
      %scan3A_240 = arith.constant 8 : i32
      %scan3A_241 = arith.addi %scan3A_239, %scan3A_240 : i32
      %scan3A_242 = arith.constant 1 : i32
      scf.for %scan3A_320 = %scan3A_239 to %scan3A_241 step %scan3A_242  : i32 {
        %mul3A_321 = arith.constant 1 : i32
        %mul3A_322 = arith.muli %scan3A_320, %mul3A_321 : i32
        %add3A_323 = arith.constant 0 : i32
        %add3A_324 = arith.addi %add3A_323, %mul3A_322 : i32
        %mul3A_325 = arith.constant 16 : i32
        %mul3A_326 = arith.muli %add3A_324, %mul3A_325 : i32
        %mul3A_327 = arith.constant 128 : i32
        %mul3A_328 = arith.muli %add3A_238, %mul3A_327 : i32
        %add3A_329 = arith.addi %mul3A_328, %mul3A_326 : i32
        %get3A_330 = arith.index_cast %add3A_329 : i32 to index
        %get3A_331 = tpu.vector_load %arg6[%get3A_330] {strides = array<i32>} : memref<6416xi32, #tpu.memory_space<vmem>>, vector<16xi32>,
        %get3A_332 = vector.shape_cast %get3A_331 : vector<16xi32> to vector<16xi32>
        %slice3A = vector.extract_strided_slice %get3A_332 {offsets = [0], sizes = [1], strides = [1]} : vector<16xi32> to vector<1xi32>
        %squeeze3A = vector.extract %slice3A[0] : i32 from vector<1xi32>
        %add3A_333 = arith.constant 0 : i32
        %add3A_334 = arith.addi %mul3A_326, %add3A_333 : i32
        %dma_start3A_335 = arith.constant 2 : i32
        %dma_start3A_336 = arith.constant 0 : i32
        %dma_start3A_337 = arith.constant 0 : i32
        %dma_start3A_338 = tpu.memref_slice %arg7[%dma_start3A_335, %dma_start3A_336, %dma_start3A_337] : memref<3x128x256xf32, #tpu.memory_space<vmem>> -> memref<1x128x256xf32, #tpu.memory_space<vmem>>
        %dma_start3A_339 = tpu.memref_squeeze %dma_start3A_338 : memref<1x128x256xf32, #tpu.memory_space<vmem>> -> memref<128x256xf32, #tpu.memory_space<vmem>>
        %dma_start3A_340 = arith.constant 0 : i32
        %dma_start3A_341 = tpu.memref_slice %dma_start3A_339[%add3A_334, %dma_start3A_340] : memref<128x256xf32, #tpu.memory_space<vmem>> -> memref<1x256xf32, #tpu.memory_space<vmem>>
        %dma_start3A_342 = arith.constant 0 : i32
        %dma_start3A_343 = tpu.memref_slice %arg8[%squeeze3A, %dma_start3A_342] : memref<1000x256xf32, #tpu.memory_space<vmem_shared>> -> memref<1x256xf32, #tpu.memory_space<vmem_shared>>
        %dma_start3A_344 = arith.constant 0 : i32
        %dma_start3A_345 = arith.constant 0 : i32
        %dma_start3A_346 = tpu.memref_slice %arg7[%dma_start3A_335, %dma_start3A_344, %dma_start3A_345] : memref<3x128x256xf32, #tpu.memory_space<vmem>> -> memref<1x128x256xf32, #tpu.memory_space<vmem>>
        %dma_start3A_347 = tpu.memref_squeeze %dma_start3A_346 : memref<1x128x256xf32, #tpu.memory_space<vmem>> -> memref<128x256xf32, #tpu.memory_space<vmem>>
        %dma_start3A_348 = arith.constant 0 : i32
        %dma_start3A_349 = tpu.memref_slice %dma_start3A_347[%add3A_334, %dma_start3A_348] : memref<128x256xf32, #tpu.memory_space<vmem>> -> memref<1x256xf32, #tpu.memory_space<vmem>>
        %dma_start3A_350 = arith.constant 0 : i32
        %dma_start3A_351 = tpu.memref_slice %arg8[%squeeze3A, %dma_start3A_350] : memref<1000x256xf32, #tpu.memory_space<vmem_shared>> -> memref<1x256xf32, #tpu.memory_space<vmem_shared>>
        tpu.enqueue_dma source(%dma_start3A_351 : memref<1x256xf32, #tpu.memory_space<vmem_shared>>) target(%dma_start3A_349 : memref<1x256xf32, #tpu.memory_space<vmem>>) target_semaphore(%arg12 : memref<!tpu.dma_semaphore, #tpu.memory_space<semaphore_mem>>)
        %slice3A_352 = vector.extract_strided_slice %get3A_332 {offsets = [1], sizes = [1], strides = [1]} : vector<16xi32> to vector<1xi32>
        %squeeze3A_353 = vector.extract %slice3A_352[0] : i32 from vector<1xi32>
        %add3A_354 = arith.constant 1 : i32
        %add3A_355 = arith.addi %mul3A_326, %add3A_354 : i32
        %dma_start3A_356 = arith.constant 2 : i32
        %dma_start3A_357 = arith.constant 0 : i32
        %dma_start3A_358 = arith.constant 0 : i32
        %dma_start3A_359 = tpu.memref_slice %arg7[%dma_start3A_356, %dma_start3A_357, %dma_start3A_358] : memref<3x128x256xf32, #tpu.memory_space<vmem>> -> memref<1x128x256xf32, #tpu.memory_space<vmem>>
        %dma_start3A_360 = tpu.memref_squeeze %dma_start3A_359 : memref<1x128x256xf32, #tpu.memory_space<vmem>> -> memref<128x256xf32, #tpu.memory_space<vmem>>
        %dma_start3A_361 = arith.constant 0 : i32
        %dma_start3A_362 = tpu.memref_slice %dma_start3A_360[%add3A_355, %dma_start3A_361] : memref<128x256xf32, #tpu.memory_space<vmem>> -> memref<1x256xf32, #tpu.memory_space<vmem>>
        %dma_start3A_363 = arith.constant 0 : i32
        %dma_start3A_364 = tpu.memref_slice %arg8[%squeeze3A_353, %dma_start3A_363] : memref<1000x256xf32, #tpu.memory_space<vmem_shared>> -> memref<1x256xf32, #tpu.memory_space<vmem_shared>>
        %dma_start3A_365 = arith.constant 0 : i32
        %dma_start3A_366 = arith.constant 0 : i32
        %dma_start3A_367 = tpu.memref_slice %arg7[%dma_start3A_356, %dma_start3A_365, %dma_start3A_366] : memref<3x128x256xf32, #tpu.memory_space<vmem>> -> memref<1x128x256xf32, #tpu.memory_space<vmem>>
        %dma_start3A_368 = tpu.memref_squeeze %dma_start3A_367 : memref<1x128x256xf32, #tpu.memory_space<vmem>> -> memref<128x256xf32, #tpu.memory_space<vmem>>
        %dma_start3A_369 = arith.constant 0 : i32
        %dma_start3A_370 = tpu.memref_slice %dma_start3A_368[%add3A_355, %dma_start3A_369] : memref<128x256xf32, #tpu.memory_space<vmem>> -> memref<1x256xf32, #tpu.memory_space<vmem>>
        %dma_start3A_371 = arith.constant 0 : i32
        %dma_start3A_372 = tpu.memref_slice %arg8[%squeeze3A_353, %dma_start3A_371] : memref<1000x256xf32, #tpu.memory_space<vmem_shared>> -> memref<1x256xf32, #tpu.memory_space<vmem_shared>>
        tpu.enqueue_dma source(%dma_start3A_372 : memref<1x256xf32, #tpu.memory_space<vmem_shared>>) target(%dma_start3A_370 : memref<1x256xf32, #tpu.memory_space<vmem>>) target_semaphore(%arg12 : memref<!tpu.dma_semaphore, #tpu.memory_space<semaphore_mem>>)
        %slice3A_373 = vector.extract_strided_slice %get3A_332 {offsets = [2], sizes = [1], strides = [1]} : vector<16xi32> to vector<1xi32>
        %squeeze3A_374 = vector.extract %slice3A_373[0] : i32 from vector<1xi32>
        %add3A_375 = arith.constant 2 : i32
        %add3A_376 = arith.addi %mul3A_326, %add3A_375 : i32
        %dma_start3A_377 = arith.constant 2 : i32
        %dma_start3A_378 = arith.constant 0 : i32
        %dma_start3A_379 = arith.constant 0 : i32
        %dma_start3A_380 = tpu.memref_slice %arg7[%dma_start3A_377, %dma_start3A_378, %dma_start3A_379] : memref<3x128x256xf32, #tpu.memory_space<vmem>> -> memref<1x128x256xf32, #tpu.memory_space<vmem>>
        %dma_start3A_381 = tpu.memref_squeeze %dma_start3A_380 : memref<1x128x256xf32, #tpu.memory_space<vmem>> -> memref<128x256xf32, #tpu.memory_space<vmem>>
        %dma_start3A_382 = arith.constant 0 : i32
        %dma_start3A_383 = tpu.memref_slice %dma_start3A_381[%add3A_376, %dma_start3A_382] : memref<128x256xf32, #tpu.memory_space<vmem>> -> memref<1x256xf32, #tpu.memory_space<vmem>>
        %dma_start3A_384 = arith.constant 0 : i32
        %dma_start3A_385 = tpu.memref_slice %arg8[%squeeze3A_374, %dma_start3A_384] : memref<1000x256xf32, #tpu.memory_space<vmem_shared>> -> memref<1x256xf32, #tpu.memory_space<vmem_shared>>
        %dma_start3A_386 = arith.constant 0 : i32
        %dma_start3A_387 = arith.constant 0 : i32
        %dma_start3A_388 = tpu.memref_slice %arg7[%dma_start3A_377, %dma_start3A_386, %dma_start3A_387] : memref<3x128x256xf32, #tpu.memory_space<vmem>> -> memref<1x128x256xf32, #tpu.memory_space<vmem>>
        %dma_start3A_389 = tpu.memref_squeeze %dma_start3A_388 : memref<1x128x256xf32, #tpu.memory_space<vmem>> -> memref<128x256xf32, #tpu.memory_space<vmem>>
        %dma_start3A_390 = arith.constant 0 : i32
        %dma_start3A_391 = tpu.memref_slice %dma_start3A_389[%add3A_376, %dma_start3A_390] : memref<128x256xf32, #tpu.memory_space<vmem>> -> memref<1x256xf32, #tpu.memory_space<vmem>>
        %dma_start3A_392 = arith.constant 0 : i32
        %dma_start3A_393 = tpu.memref_slice %arg8[%squeeze3A_374, %dma_start3A_392] : memref<1000x256xf32, #tpu.memory_space<vmem_shared>> -> memref<1x256xf32, #tpu.memory_space<vmem_shared>>
        tpu.enqueue_dma source(%dma_start3A_393 : memref<1x256xf32, #tpu.memory_space<vmem_shared>>) target(%dma_start3A_391 : memref<1x256xf32, #tpu.memory_space<vmem>>) target_semaphore(%arg12 : memref<!tpu.dma_semaphore, #tpu.memory_space<semaphore_mem>>)
        %slice3A_394 = vector.extract_strided_slice %get3A_332 {offsets = [3], sizes = [1], strides = [1]} : vector<16xi32> to vector<1xi32>
        %squeeze3A_395 = vector.extract %slice3A_394[0] : i32 from vector<1xi32>
        %add3A_396 = arith.constant 3 : i32
        %add3A_397 = arith.addi %mul3A_326, %add3A_396 : i32
        %dma_start3A_398 = arith.constant 2 : i32
        %dma_start3A_399 = arith.constant 0 : i32
        %dma_start3A_400 = arith.constant 0 : i32
        %dma_start3A_401 = tpu.memref_slice %arg7[%dma_start3A_398, %dma_start3A_399, %dma_start3A_400] : memref<3x128x256xf32, #tpu.memory_space<vmem>> -> memref<1x128x256xf32, #tpu.memory_space<vmem>>
        %dma_start3A_402 = tpu.memref_squeeze %dma_start3A_401 : memref<1x128x256xf32, #tpu.memory_space<vmem>> -> memref<128x256xf32, #tpu.memory_space<vmem>>
        %dma_start3A_403 = arith.constant 0 : i32
        %dma_start3A_404 = tpu.memref_slice %dma_start3A_402[%add3A_397, %dma_start3A_403] : memref<128x256xf32, #tpu.memory_space<vmem>> -> memref<1x256xf32, #tpu.memory_space<vmem>>
        %dma_start3A_405 = arith.constant 0 : i32
        %dma_start3A_406 = tpu.memref_slice %arg8[%squeeze3A_395, %dma_start3A_405] : memref<1000x256xf32, #tpu.memory_space<vmem_shared>> -> memref<1x256xf32, #tpu.memory_space<vmem_shared>>
        %dma_start3A_407 = arith.constant 0 : i32
        %dma_start3A_408 = arith.constant 0 : i32
        %dma_start3A_409 = tpu.memref_slice %arg7[%dma_start3A_398, %dma_start3A_407, %dma_start3A_408] : memref<3x128x256xf32, #tpu.memory_space<vmem>> -> memref<1x128x256xf32, #tpu.memory_space<vmem>>
        %dma_start3A_410 = tpu.memref_squeeze %dma_start3A_409 : memref<1x128x256xf32, #tpu.memory_space<vmem>> -> memref<128x256xf32, #tpu.memory_space<vmem>>
        %dma_start3A_411 = arith.constant 0 : i32
        %dma_start3A_412 = tpu.memref_slice %dma_start3A_410[%add3A_397, %dma_start3A_411] : memref<128x256xf32, #tpu.memory_space<vmem>> -> memref<1x256xf32, #tpu.memory_space<vmem>>
        %dma_start3A_413 = arith.constant 0 : i32
        %dma_start3A_414 = tpu.memref_slice %arg8[%squeeze3A_395, %dma_start3A_413] : memref<1000x256xf32, #tpu.memory_space<vmem_shared>> -> memref<1x256xf32, #tpu.memory_space<vmem_shared>>
        tpu.enqueue_dma source(%dma_start3A_414 : memref<1x256xf32, #tpu.memory_space<vmem_shared>>) target(%dma_start3A_412 : memref<1x256xf32, #tpu.memory_space<vmem>>) target_semaphore(%arg12 : memref<!tpu.dma_semaphore, #tpu.memory_space<semaphore_mem>>)
        %slice3A_415 = vector.extract_strided_slice %get3A_332 {offsets = [4], sizes = [1], strides = [1]} : vector<16xi32> to vector<1xi32>
        %squeeze3A_416 = vector.extract %slice3A_415[0] : i32 from vector<1xi32>
        %add3A_417 = arith.constant 4 : i32
        %add3A_418 = arith.addi %mul3A_326, %add3A_417 : i32
        %dma_start3A_419 = arith.constant 2 : i32
        %dma_start3A_420 = arith.constant 0 : i32
        %dma_start3A_421 = arith.constant 0 : i32
        %dma_start3A_422 = tpu.memref_slice %arg7[%dma_start3A_419, %dma_start3A_420, %dma_start3A_421] : memref<3x128x256xf32, #tpu.memory_space<vmem>> -> memref<1x128x256xf32, #tpu.memory_space<vmem>>
        %dma_start3A_423 = tpu.memref_squeeze %dma_start3A_422 : memref<1x128x256xf32, #tpu.memory_space<vmem>> -> memref<128x256xf32, #tpu.memory_space<vmem>>
        %dma_start3A_424 = arith.constant 0 : i32
        %dma_start3A_425 = tpu.memref_slice %dma_start3A_423[%add3A_418, %dma_start3A_424] : memref<128x256xf32, #tpu.memory_space<vmem>> -> memref<1x256xf32, #tpu.memory_space<vmem>>
        %dma_start3A_426 = arith.constant 0 : i32
        %dma_start3A_427 = tpu.memref_slice %arg8[%squeeze3A_416, %dma_start3A_426] : memref<1000x256xf32, #tpu.memory_space<vmem_shared>> -> memref<1x256xf32, #tpu.memory_space<vmem_shared>>
        %dma_start3A_428 = arith.constant 0 : i32
        %dma_start3A_429 = arith.constant 0 : i32
        %dma_start3A_430 = tpu.memref_slice %arg7[%dma_start3A_419, %dma_start3A_428, %dma_start3A_429] : memref<3x128x256xf32, #tpu.memory_space<vmem>> -> memref<1x128x256xf32, #tpu.memory_space<vmem>>
        %dma_start3A_431 = tpu.memref_squeeze %dma_start3A_430 : memref<1x128x256xf32, #tpu.memory_space<vmem>> -> memref<128x256xf32, #tpu.memory_space<vmem>>
        %dma_start3A_432 = arith.constant 0 : i32
        %dma_start3A_433 = tpu.memref_slice %dma_start3A_431[%add3A_418, %dma_start3A_432] : memref<128x256xf32, #tpu.memory_space<vmem>> -> memref<1x256xf32, #tpu.memory_space<vmem>>
        %dma_start3A_434 = arith.constant 0 : i32
        %dma_start3A_435 = tpu.memref_slice %arg8[%squeeze3A_416, %dma_start3A_434] : memref<1000x256xf32, #tpu.memory_space<vmem_shared>> -> memref<1x256xf32, #tpu.memory_space<vmem_shared>>
        tpu.enqueue_dma source(%dma_start3A_435 : memref<1x256xf32, #tpu.memory_space<vmem_shared>>) target(%dma_start3A_433 : memref<1x256xf32, #tpu.memory_space<vmem>>) target_semaphore(%arg12 : memref<!tpu.dma_semaphore, #tpu.memory_space<semaphore_mem>>)
        %slice3A_436 = vector.extract_strided_slice %get3A_332 {offsets = [5], sizes = [1], strides = [1]} : vector<16xi32> to vector<1xi32>
        %squeeze3A_437 = vector.extract %slice3A_436[0] : i32 from vector<1xi32>
        %add3A_438 = arith.constant 5 : i32
        %add3A_439 = arith.addi %mul3A_326, %add3A_438 : i32
        %dma_start3A_440 = arith.constant 2 : i32
        %dma_start3A_441 = arith.constant 0 : i32
        %dma_start3A_442 = arith.constant 0 : i32
        %dma_start3A_443 = tpu.memref_slice %arg7[%dma_start3A_440, %dma_start3A_441, %dma_start3A_442] : memref<3x128x256xf32, #tpu.memory_space<vmem>> -> memref<1x128x256xf32, #tpu.memory_space<vmem>>
        %dma_start3A_444 = tpu.memref_squeeze %dma_start3A_443 : memref<1x128x256xf32, #tpu.memory_space<vmem>> -> memref<128x256xf32, #tpu.memory_space<vmem>>
        %dma_start3A_445 = arith.constant 0 : i32
        %dma_start3A_446 = tpu.memref_slice %dma_start3A_444[%add3A_439, %dma_start3A_445] : memref<128x256xf32, #tpu.memory_space<vmem>> -> memref<1x256xf32, #tpu.memory_space<vmem>>
        %dma_start3A_447 = arith.constant 0 : i32
        %dma_start3A_448 = tpu.memref_slice %arg8[%squeeze3A_437, %dma_start3A_447] : memref<1000x256xf32, #tpu.memory_space<vmem_shared>> -> memref<1x256xf32, #tpu.memory_space<vmem_shared>>
        %dma_start3A_449 = arith.constant 0 : i32
        %dma_start3A_450 = arith.constant 0 : i32
        %dma_start3A_451 = tpu.memref_slice %arg7[%dma_start3A_440, %dma_start3A_449, %dma_start3A_450] : memref<3x128x256xf32, #tpu.memory_space<vmem>> -> memref<1x128x256xf32, #tpu.memory_space<vmem>>
        %dma_start3A_452 = tpu.memref_squeeze %dma_start3A_451 : memref<1x128x256xf32, #tpu.memory_space<vmem>> -> memref<128x256xf32, #tpu.memory_space<vmem>>
        %dma_start3A_453 = arith.constant 0 : i32
        %dma_start3A_454 = tpu.memref_slice %dma_start3A_452[%add3A_439, %dma_start3A_453] : memref<128x256xf32, #tpu.memory_space<vmem>> -> memref<1x256xf32, #tpu.memory_space<vmem>>
        %dma_start3A_455 = arith.constant 0 : i32
        %dma_start3A_456 = tpu.memref_slice %arg8[%squeeze3A_437, %dma_start3A_455] : memref<1000x256xf32, #tpu.memory_space<vmem_shared>> -> memref<1x256xf32, #tpu.memory_space<vmem_shared>>
        tpu.enqueue_dma source(%dma_start3A_456 : memref<1x256xf32, #tpu.memory_space<vmem_shared>>) target(%dma_start3A_454 : memref<1x256xf32, #tpu.memory_space<vmem>>) target_semaphore(%arg12 : memref<!tpu.dma_semaphore, #tpu.memory_space<semaphore_mem>>)
        %slice3A_457 = vector.extract_strided_slice %get3A_332 {offsets = [6], sizes = [1], strides = [1]} : vector<16xi32> to vector<1xi32>
        %squeeze3A_458 = vector.extract %slice3A_457[0] : i32 from vector<1xi32>
        %add3A_459 = arith.constant 6 : i32
        %add3A_460 = arith.addi %mul3A_326, %add3A_459 : i32
        %dma_start3A_461 = arith.constant 2 : i32
        %dma_start3A_462 = arith.constant 0 : i32
        %dma_start3A_463 = arith.constant 0 : i32
        %dma_start3A_464 = tpu.memref_slice %arg7[%dma_start3A_461, %dma_start3A_462, %dma_start3A_463] : memref<3x128x256xf32, #tpu.memory_space<vmem>> -> memref<1x128x256xf32, #tpu.memory_space<vmem>>
        %dma_start3A_465 = tpu.memref_squeeze %dma_start3A_464 : memref<1x128x256xf32, #tpu.memory_space<vmem>> -> memref<128x256xf32, #tpu.memory_space<vmem>>
        %dma_start3A_466 = arith.constant 0 : i32
        %dma_start3A_467 = tpu.memref_slice %dma_start3A_465[%add3A_460, %dma_start3A_466] : memref<128x256xf32, #tpu.memory_space<vmem>> -> memref<1x256xf32, #tpu.memory_space<vmem>>
        %dma_start3A_468 = arith.constant 0 : i32
        %dma_start3A_469 = tpu.memref_slice %arg8[%squeeze3A_458, %dma_start3A_468] : memref<1000x256xf32, #tpu.memory_space<vmem_shared>> -> memref<1x256xf32, #tpu.memory_space<vmem_shared>>
        %dma_start3A_470 = arith.constant 0 : i32
        %dma_start3A_471 = arith.constant 0 : i32
        %dma_start3A_472 = tpu.memref_slice %arg7[%dma_start3A_461, %dma_start3A_470, %dma_start3A_471] : memref<3x128x256xf32, #tpu.memory_space<vmem>> -> memref<1x128x256xf32, #tpu.memory_space<vmem>>
        %dma_start3A_473 = tpu.memref_squeeze %dma_start3A_472 : memref<1x128x256xf32, #tpu.memory_space<vmem>> -> memref<128x256xf32, #tpu.memory_space<vmem>>
        %dma_start3A_474 = arith.constant 0 : i32
        %dma_start3A_475 = tpu.memref_slice %dma_start3A_473[%add3A_460, %dma_start3A_474] : memref<128x256xf32, #tpu.memory_space<vmem>> -> memref<1x256xf32, #tpu.memory_space<vmem>>
        %dma_start3A_476 = arith.constant 0 : i32
        %dma_start3A_477 = tpu.memref_slice %arg8[%squeeze3A_458, %dma_start3A_476] : memref<1000x256xf32, #tpu.memory_space<vmem_shared>> -> memref<1x256xf32, #tpu.memory_space<vmem_shared>>
        tpu.enqueue_dma source(%dma_start3A_477 : memref<1x256xf32, #tpu.memory_space<vmem_shared>>) target(%dma_start3A_475 : memref<1x256xf32, #tpu.memory_space<vmem>>) target_semaphore(%arg12 : memref<!tpu.dma_semaphore, #tpu.memory_space<semaphore_mem>>)
        %slice3A_478 = vector.extract_strided_slice %get3A_332 {offsets = [7], sizes = [1], strides = [1]} : vector<16xi32> to vector<1xi32>
        %squeeze3A_479 = vector.extract %slice3A_478[0] : i32 from vector<1xi32>
        %add3A_480 = arith.constant 7 : i32
        %add3A_481 = arith.addi %mul3A_326, %add3A_480 : i32
        %dma_start3A_482 = arith.constant 2 : i32
        %dma_start3A_483 = arith.constant 0 : i32
        %dma_start3A_484 = arith.constant 0 : i32
        %dma_start3A_485 = tpu.memref_slice %arg7[%dma_start3A_482, %dma_start3A_483, %dma_start3A_484] : memref<3x128x256xf32, #tpu.memory_space<vmem>> -> memref<1x128x256xf32, #tpu.memory_space<vmem>>
        %dma_start3A_486 = tpu.memref_squeeze %dma_start3A_485 : memref<1x128x256xf32, #tpu.memory_space<vmem>> -> memref<128x256xf32, #tpu.memory_space<vmem>>
        %dma_start3A_487 = arith.constant 0 : i32
        %dma_start3A_488 = tpu.memref_slice %dma_start3A_486[%add3A_481, %dma_start3A_487] : memref<128x256xf32, #tpu.memory_space<vmem>> -> memref<1x256xf32, #tpu.memory_space<vmem>>
        %dma_start3A_489 = arith.constant 0 : i32
        %dma_start3A_490 = tpu.memref_slice %arg8[%squeeze3A_479, %dma_start3A_489] : memref<1000x256xf32, #tpu.memory_space<vmem_shared>> -> memref<1x256xf32, #tpu.memory_space<vmem_shared>>
        %dma_start3A_491 = arith.constant 0 : i32
        %dma_start3A_492 = arith.constant 0 : i32
        %dma_start3A_493 = tpu.memref_slice %arg7[%dma_start3A_482, %dma_start3A_491, %dma_start3A_492] : memref<3x128x256xf32, #tpu.memory_space<vmem>> -> memref<1x128x256xf32, #tpu.memory_space<vmem>>
        %dma_start3A_494 = tpu.memref_squeeze %dma_start3A_493 : memref<1x128x256xf32, #tpu.memory_space<vmem>> -> memref<128x256xf32, #tpu.memory_space<vmem>>
        %dma_start3A_495 = arith.constant 0 : i32
        %dma_start3A_496 = tpu.memref_slice %dma_start3A_494[%add3A_481, %dma_start3A_495] : memref<128x256xf32, #tpu.memory_space<vmem>> -> memref<1x256xf32, #tpu.memory_space<vmem>>
        %dma_start3A_497 = arith.constant 0 : i32
        %dma_start3A_498 = tpu.memref_slice %arg8[%squeeze3A_479, %dma_start3A_497] : memref<1000x256xf32, #tpu.memory_space<vmem_shared>> -> memref<1x256xf32, #tpu.memory_space<vmem_shared>>
        tpu.enqueue_dma source(%dma_start3A_498 : memref<1x256xf32, #tpu.memory_space<vmem_shared>>) target(%dma_start3A_496 : memref<1x256xf32, #tpu.memory_space<vmem>>) target_semaphore(%arg12 : memref<!tpu.dma_semaphore, #tpu.memory_space<semaphore_mem>>)
        %slice3A_499 = vector.extract_strided_slice %get3A_332 {offsets = [8], sizes = [1], strides = [1]} : vector<16xi32> to vector<1xi32>
        %squeeze3A_500 = vector.extract %slice3A_499[0] : i32 from vector<1xi32>
        %add3A_501 = arith.constant 8 : i32
        %add3A_502 = arith.addi %mul3A_326, %add3A_501 : i32
        %dma_start3A_503 = arith.constant 2 : i32
        %dma_start3A_504 = arith.constant 0 : i32
        %dma_start3A_505 = arith.constant 0 : i32
        %dma_start3A_506 = tpu.memref_slice %arg7[%dma_start3A_503, %dma_start3A_504, %dma_start3A_505] : memref<3x128x256xf32, #tpu.memory_space<vmem>> -> memref<1x128x256xf32, #tpu.memory_space<vmem>>
        %dma_start3A_507 = tpu.memref_squeeze %dma_start3A_506 : memref<1x128x256xf32, #tpu.memory_space<vmem>> -> memref<128x256xf32, #tpu.memory_space<vmem>>
        %dma_start3A_508 = arith.constant 0 : i32
        %dma_start3A_509 = tpu.memref_slice %dma_start3A_507[%add3A_502, %dma_start3A_508] : memref<128x256xf32, #tpu.memory_space<vmem>> -> memref<1x256xf32, #tpu.memory_space<vmem>>
        %dma_start3A_510 = arith.constant 0 : i32
        %dma_start3A_511 = tpu.memref_slice %arg8[%squeeze3A_500, %dma_start3A_510] : memref<1000x256xf32, #tpu.memory_space<vmem_shared>> -> memref<1x256xf32, #tpu.memory_space<vmem_shared>>
        %dma_start3A_512 = arith.constant 0 : i32
        %dma_start3A_513 = arith.constant 0 : i32
        %dma_start3A_514 = tpu.memref_slice %arg7[%dma_start3A_503, %dma_start3A_512, %dma_start3A_513] : memref<3x128x256xf32, #tpu.memory_space<vmem>> -> memref<1x128x256xf32, #tpu.memory_space<vmem>>
        %dma_start3A_515 = tpu.memref_squeeze %dma_start3A_514 : memref<1x128x256xf32, #tpu.memory_space<vmem>> -> memref<128x256xf32, #tpu.memory_space<vmem>>
        %dma_start3A_516 = arith.constant 0 : i32
        %dma_start3A_517 = tpu.memref_slice %dma_start3A_515[%add3A_502, %dma_start3A_516] : memref<128x256xf32, #tpu.memory_space<vmem>> -> memref<1x256xf32, #tpu.memory_space<vmem>>
        %dma_start3A_518 = arith.constant 0 : i32
        %dma_start3A_519 = tpu.memref_slice %arg8[%squeeze3A_500, %dma_start3A_518] : memref<1000x256xf32, #tpu.memory_space<vmem_shared>> -> memref<1x256xf32, #tpu.memory_space<vmem_shared>>
        tpu.enqueue_dma source(%dma_start3A_519 : memref<1x256xf32, #tpu.memory_space<vmem_shared>>) target(%dma_start3A_517 : memref<1x256xf32, #tpu.memory_space<vmem>>) target_semaphore(%arg12 : memref<!tpu.dma_semaphore, #tpu.memory_space<semaphore_mem>>)
        %slice3A_520 = vector.extract_strided_slice %get3A_332 {offsets = [9], sizes = [1], strides = [1]} : vector<16xi32> to vector<1xi32>
        %squeeze3A_521 = vector.extract %slice3A_520[0] : i32 from vector<1xi32>
        %add3A_522 = arith.constant 9 : i32
        %add3A_523 = arith.addi %mul3A_326, %add3A_522 : i32
        %dma_start3A_524 = arith.constant 2 : i32
        %dma_start3A_525 = arith.constant 0 : i32
        %dma_start3A_526 = arith.constant 0 : i32
        %dma_start3A_527 = tpu.memref_slice %arg7[%dma_start3A_524, %dma_start3A_525, %dma_start3A_526] : memref<3x128x256xf32, #tpu.memory_space<vmem>> -> memref<1x128x256xf32, #tpu.memory_space<vmem>>
        %dma_start3A_528 = tpu.memref_squeeze %dma_start3A_527 : memref<1x128x256xf32, #tpu.memory_space<vmem>> -> memref<128x256xf32, #tpu.memory_space<vmem>>
        %dma_start3A_529 = arith.constant 0 : i32
        %dma_start3A_530 = tpu.memref_slice %dma_start3A_528[%add3A_523, %dma_start3A_529] : memref<128x256xf32, #tpu.memory_space<vmem>> -> memref<1x256xf32, #tpu.memory_space<vmem>>
        %dma_start3A_531 = arith.constant 0 : i32
        %dma_start3A_532 = tpu.memref_slice %arg8[%squeeze3A_521, %dma_start3A_531] : memref<1000x256xf32, #tpu.memory_space<vmem_shared>> -> memref<1x256xf32, #tpu.memory_space<vmem_shared>>
        %dma_start3A_533 = arith.constant 0 : i32
        %dma_start3A_534 = arith.constant 0 : i32
        %dma_start3A_535 = tpu.memref_slice %arg7[%dma_start3A_524, %dma_start3A_533, %dma_start3A_534] : memref<3x128x256xf32, #tpu.memory_space<vmem>> -> memref<1x128x256xf32, #tpu.memory_space<vmem>>
        %dma_start3A_536 = tpu.memref_squeeze %dma_start3A_535 : memref<1x128x256xf32, #tpu.memory_space<vmem>> -> memref<128x256xf32, #tpu.memory_space<vmem>>
        %dma_start3A_537 = arith.constant 0 : i32
        %dma_start3A_538 = tpu.memref_slice %dma_start3A_536[%add3A_523, %dma_start3A_537] : memref<128x256xf32, #tpu.memory_space<vmem>> -> memref<1x256xf32, #tpu.memory_space<vmem>>
        %dma_start3A_539 = arith.constant 0 : i32
        %dma_start3A_540 = tpu.memref_slice %arg8[%squeeze3A_521, %dma_start3A_539] : memref<1000x256xf32, #tpu.memory_space<vmem_shared>> -> memref<1x256xf32, #tpu.memory_space<vmem_shared>>
        tpu.enqueue_dma source(%dma_start3A_540 : memref<1x256xf32, #tpu.memory_space<vmem_shared>>) target(%dma_start3A_538 : memref<1x256xf32, #tpu.memory_space<vmem>>) target_semaphore(%arg12 : memref<!tpu.dma_semaphore, #tpu.memory_space<semaphore_mem>>)
        %slice3A_541 = vector.extract_strided_slice %get3A_332 {offsets = [10], sizes = [1], strides = [1]} : vector<16xi32> to vector<1xi32>
        %squeeze3A_542 = vector.extract %slice3A_541[0] : i32 from vector<1xi32>
        %add3A_543 = arith.constant 10 : i32
        %add3A_544 = arith.addi %mul3A_326, %add3A_543 : i32
        %dma_start3A_545 = arith.constant 2 : i32
        %dma_start3A_546 = arith.constant 0 : i32
        %dma_start3A_547 = arith.constant 0 : i32
        %dma_start3A_548 = tpu.memref_slice %arg7[%dma_start3A_545, %dma_start3A_546, %dma_start3A_547] : memref<3x128x256xf32, #tpu.memory_space<vmem>> -> memref<1x128x256xf32, #tpu.memory_space<vmem>>
        %dma_start3A_549 = tpu.memref_squeeze %dma_start3A_548 : memref<1x128x256xf32, #tpu.memory_space<vmem>> -> memref<128x256xf32, #tpu.memory_space<vmem>>
        %dma_start3A_550 = arith.constant 0 : i32
        %dma_start3A_551 = tpu.memref_slice %dma_start3A_549[%add3A_544, %dma_start3A_550] : memref<128x256xf32, #tpu.memory_space<vmem>> -> memref<1x256xf32, #tpu.memory_space<vmem>>
        %dma_start3A_552 = arith.constant 0 : i32
        %dma_start3A_553 = tpu.memref_slice %arg8[%squeeze3A_542, %dma_start3A_552] : memref<1000x256xf32, #tpu.memory_space<vmem_shared>> -> memref<1x256xf32, #tpu.memory_space<vmem_shared>>
        %dma_start3A_554 = arith.constant 0 : i32
        %dma_start3A_555 = arith.constant 0 : i32
        %dma_start3A_556 = tpu.memref_slice %arg7[%dma_start3A_545, %dma_start3A_554, %dma_start3A_555] : memref<3x128x256xf32, #tpu.memory_space<vmem>> -> memref<1x128x256xf32, #tpu.memory_space<vmem>>
        %dma_start3A_557 = tpu.memref_squeeze %dma_start3A_556 : memref<1x128x256xf32, #tpu.memory_space<vmem>> -> memref<128x256xf32, #tpu.memory_space<vmem>>
        %dma_start3A_558 = arith.constant 0 : i32
        %dma_start3A_559 = tpu.memref_slice %dma_start3A_557[%add3A_544, %dma_start3A_558] : memref<128x256xf32, #tpu.memory_space<vmem>> -> memref<1x256xf32, #tpu.memory_space<vmem>>
        %dma_start3A_560 = arith.constant 0 : i32
        %dma_start3A_561 = tpu.memref_slice %arg8[%squeeze3A_542, %dma_start3A_560] : memref<1000x256xf32, #tpu.memory_space<vmem_shared>> -> memref<1x256xf32, #tpu.memory_space<vmem_shared>>
        tpu.enqueue_dma source(%dma_start3A_561 : memref<1x256xf32, #tpu.memory_space<vmem_shared>>) target(%dma_start3A_559 : memref<1x256xf32, #tpu.memory_space<vmem>>) target_semaphore(%arg12 : memref<!tpu.dma_semaphore, #tpu.memory_space<semaphore_mem>>)
        %slice3A_562 = vector.extract_strided_slice %get3A_332 {offsets = [11], sizes = [1], strides = [1]} : vector<16xi32> to vector<1xi32>
        %squeeze3A_563 = vector.extract %slice3A_562[0] : i32 from vector<1xi32>
        %add3A_564 = arith.constant 11 : i32
        %add3A_565 = arith.addi %mul3A_326, %add3A_564 : i32
        %dma_start3A_566 = arith.constant 2 : i32
        %dma_start3A_567 = arith.constant 0 : i32
        %dma_start3A_568 = arith.constant 0 : i32
        %dma_start3A_569 = tpu.memref_slice %arg7[%dma_start3A_566, %dma_start3A_567, %dma_start3A_568] : memref<3x128x256xf32, #tpu.memory_space<vmem>> -> memref<1x128x256xf32, #tpu.memory_space<vmem>>
        %dma_start3A_570 = tpu.memref_squeeze %dma_start3A_569 : memref<1x128x256xf32, #tpu.memory_space<vmem>> -> memref<128x256xf32, #tpu.memory_space<vmem>>
        %dma_start3A_571 = arith.constant 0 : i32
        %dma_start3A_572 = tpu.memref_slice %dma_start3A_570[%add3A_565, %dma_start3A_571] : memref<128x256xf32, #tpu.memory_space<vmem>> -> memref<1x256xf32, #tpu.memory_space<vmem>>
        %dma_start3A_573 = arith.constant 0 : i32
        %dma_start3A_574 = tpu.memref_slice %arg8[%squeeze3A_563, %dma_start3A_573] : memref<1000x256xf32, #tpu.memory_space<vmem_shared>> -> memref<1x256xf32, #tpu.memory_space<vmem_shared>>
        %dma_start3A_575 = arith.constant 0 : i32
        %dma_start3A_576 = arith.constant 0 : i32
        %dma_start3A_577 = tpu.memref_slice %arg7[%dma_start3A_566, %dma_start3A_575, %dma_start3A_576] : memref<3x128x256xf32, #tpu.memory_space<vmem>> -> memref<1x128x256xf32, #tpu.memory_space<vmem>>
        %dma_start3A_578 = tpu.memref_squeeze %dma_start3A_577 : memref<1x128x256xf32, #tpu.memory_space<vmem>> -> memref<128x256xf32, #tpu.memory_space<vmem>>
        %dma_start3A_579 = arith.constant 0 : i32
        %dma_start3A_580 = tpu.memref_slice %dma_start3A_578[%add3A_565, %dma_start3A_579] : memref<128x256xf32, #tpu.memory_space<vmem>> -> memref<1x256xf32, #tpu.memory_space<vmem>>
        %dma_start3A_581 = arith.constant 0 : i32
        %dma_start3A_582 = tpu.memref_slice %arg8[%squeeze3A_563, %dma_start3A_581] : memref<1000x256xf32, #tpu.memory_space<vmem_shared>> -> memref<1x256xf32, #tpu.memory_space<vmem_shared>>
        tpu.enqueue_dma source(%dma_start3A_582 : memref<1x256xf32, #tpu.memory_space<vmem_shared>>) target(%dma_start3A_580 : memref<1x256xf32, #tpu.memory_space<vmem>>) target_semaphore(%arg12 : memref<!tpu.dma_semaphore, #tpu.memory_space<semaphore_mem>>)
        %slice3A_583 = vector.extract_strided_slice %get3A_332 {offsets = [12], sizes = [1], strides = [1]} : vector<16xi32> to vector<1xi32>
        %squeeze3A_584 = vector.extract %slice3A_583[0] : i32 from vector<1xi32>
        %add3A_585 = arith.constant 12 : i32
        %add3A_586 = arith.addi %mul3A_326, %add3A_585 : i32
        %dma_start3A_587 = arith.constant 2 : i32
        %dma_start3A_588 = arith.constant 0 : i32
        %dma_start3A_589 = arith.constant 0 : i32
        %dma_start3A_590 = tpu.memref_slice %arg7[%dma_start3A_587, %dma_start3A_588, %dma_start3A_589] : memref<3x128x256xf32, #tpu.memory_space<vmem>> -> memref<1x128x256xf32, #tpu.memory_space<vmem>>
        %dma_start3A_591 = tpu.memref_squeeze %dma_start3A_590 : memref<1x128x256xf32, #tpu.memory_space<vmem>> -> memref<128x256xf32, #tpu.memory_space<vmem>>
        %dma_start3A_592 = arith.constant 0 : i32
        %dma_start3A_593 = tpu.memref_slice %dma_start3A_591[%add3A_586, %dma_start3A_592] : memref<128x256xf32, #tpu.memory_space<vmem>> -> memref<1x256xf32, #tpu.memory_space<vmem>>
        %dma_start3A_594 = arith.constant 0 : i32
        %dma_start3A_595 = tpu.memref_slice %arg8[%squeeze3A_584, %dma_start3A_594] : memref<1000x256xf32, #tpu.memory_space<vmem_shared>> -> memref<1x256xf32, #tpu.memory_space<vmem_shared>>
        %dma_start3A_596 = arith.constant 0 : i32
        %dma_start3A_597 = arith.constant 0 : i32
        %dma_start3A_598 = tpu.memref_slice %arg7[%dma_start3A_587, %dma_start3A_596, %dma_start3A_597] : memref<3x128x256xf32, #tpu.memory_space<vmem>> -> memref<1x128x256xf32, #tpu.memory_space<vmem>>
        %dma_start3A_599 = tpu.memref_squeeze %dma_start3A_598 : memref<1x128x256xf32, #tpu.memory_space<vmem>> -> memref<128x256xf32, #tpu.memory_space<vmem>>
        %dma_start3A_600 = arith.constant 0 : i32
        %dma_start3A_601 = tpu.memref_slice %dma_start3A_599[%add3A_586, %dma_start3A_600] : memref<128x256xf32, #tpu.memory_space<vmem>> -> memref<1x256xf32, #tpu.memory_space<vmem>>
        %dma_start3A_602 = arith.constant 0 : i32
        %dma_start3A_603 = tpu.memref_slice %arg8[%squeeze3A_584, %dma_start3A_602] : memref<1000x256xf32, #tpu.memory_space<vmem_shared>> -> memref<1x256xf32, #tpu.memory_space<vmem_shared>>
        tpu.enqueue_dma source(%dma_start3A_603 : memref<1x256xf32, #tpu.memory_space<vmem_shared>>) target(%dma_start3A_601 : memref<1x256xf32, #tpu.memory_space<vmem>>) target_semaphore(%arg12 : memref<!tpu.dma_semaphore, #tpu.memory_space<semaphore_mem>>)
        %slice3A_604 = vector.extract_strided_slice %get3A_332 {offsets = [13], sizes = [1], strides = [1]} : vector<16xi32> to vector<1xi32>
        %squeeze3A_605 = vector.extract %slice3A_604[0] : i32 from vector<1xi32>
        %add3A_606 = arith.constant 13 : i32
        %add3A_607 = arith.addi %mul3A_326, %add3A_606 : i32
        %dma_start3A_608 = arith.constant 2 : i32
        %dma_start3A_609 = arith.constant 0 : i32
        %dma_start3A_610 = arith.constant 0 : i32
        %dma_start3A_611 = tpu.memref_slice %arg7[%dma_start3A_608, %dma_start3A_609, %dma_start3A_610] : memref<3x128x256xf32, #tpu.memory_space<vmem>> -> memref<1x128x256xf32, #tpu.memory_space<vmem>>
        %dma_start3A_612 = tpu.memref_squeeze %dma_start3A_611 : memref<1x128x256xf32, #tpu.memory_space<vmem>> -> memref<128x256xf32, #tpu.memory_space<vmem>>
        %dma_start3A_613 = arith.constant 0 : i32
        %dma_start3A_614 = tpu.memref_slice %dma_start3A_612[%add3A_607, %dma_start3A_613] : memref<128x256xf32, #tpu.memory_space<vmem>> -> memref<1x256xf32, #tpu.memory_space<vmem>>
        %dma_start3A_615 = arith.constant 0 : i32
        %dma_start3A_616 = tpu.memref_slice %arg8[%squeeze3A_605, %dma_start3A_615] : memref<1000x256xf32, #tpu.memory_space<vmem_shared>> -> memref<1x256xf32, #tpu.memory_space<vmem_shared>>
        %dma_start3A_617 = arith.constant 0 : i32
        %dma_start3A_618 = arith.constant 0 : i32
        %dma_start3A_619 = tpu.memref_slice %arg7[%dma_start3A_608, %dma_start3A_617, %dma_start3A_618] : memref<3x128x256xf32, #tpu.memory_space<vmem>> -> memref<1x128x256xf32, #tpu.memory_space<vmem>>
        %dma_start3A_620 = tpu.memref_squeeze %dma_start3A_619 : memref<1x128x256xf32, #tpu.memory_space<vmem>> -> memref<128x256xf32, #tpu.memory_space<vmem>>
        %dma_start3A_621 = arith.constant 0 : i32
        %dma_start3A_622 = tpu.memref_slice %dma_start3A_620[%add3A_607, %dma_start3A_621] : memref<128x256xf32, #tpu.memory_space<vmem>> -> memref<1x256xf32, #tpu.memory_space<vmem>>
        %dma_start3A_623 = arith.constant 0 : i32
        %dma_start3A_624 = tpu.memref_slice %arg8[%squeeze3A_605, %dma_start3A_623] : memref<1000x256xf32, #tpu.memory_space<vmem_shared>> -> memref<1x256xf32, #tpu.memory_space<vmem_shared>>
        tpu.enqueue_dma source(%dma_start3A_624 : memref<1x256xf32, #tpu.memory_space<vmem_shared>>) target(%dma_start3A_622 : memref<1x256xf32, #tpu.memory_space<vmem>>) target_semaphore(%arg12 : memref<!tpu.dma_semaphore, #tpu.memory_space<semaphore_mem>>)
        %slice3A_625 = vector.extract_strided_slice %get3A_332 {offsets = [14], sizes = [1], strides = [1]} : vector<16xi32> to vector<1xi32>
        %squeeze3A_626 = vector.extract %slice3A_625[0] : i32 from vector<1xi32>
        %add3A_627 = arith.constant 14 : i32
        %add3A_628 = arith.addi %mul3A_326, %add3A_627 : i32
        %dma_start3A_629 = arith.constant 2 : i32
        %dma_start3A_630 = arith.constant 0 : i32
        %dma_start3A_631 = arith.constant 0 : i32
        %dma_start3A_632 = tpu.memref_slice %arg7[%dma_start3A_629, %dma_start3A_630, %dma_start3A_631] : memref<3x128x256xf32, #tpu.memory_space<vmem>> -> memref<1x128x256xf32, #tpu.memory_space<vmem>>
        %dma_start3A_633 = tpu.memref_squeeze %dma_start3A_632 : memref<1x128x256xf32, #tpu.memory_space<vmem>> -> memref<128x256xf32, #tpu.memory_space<vmem>>
        %dma_start3A_634 = arith.constant 0 : i32
        %dma_start3A_635 = tpu.memref_slice %dma_start3A_633[%add3A_628, %dma_start3A_634] : memref<128x256xf32, #tpu.memory_space<vmem>> -> memref<1x256xf32, #tpu.memory_space<vmem>>
        %dma_start3A_636 = arith.constant 0 : i32
        %dma_start3A_637 = tpu.memref_slice %arg8[%squeeze3A_626, %dma_start3A_636] : memref<1000x256xf32, #tpu.memory_space<vmem_shared>> -> memref<1x256xf32, #tpu.memory_space<vmem_shared>>
        %dma_start3A_638 = arith.constant 0 : i32
        %dma_start3A_639 = arith.constant 0 : i32
        %dma_start3A_640 = tpu.memref_slice %arg7[%dma_start3A_629, %dma_start3A_638, %dma_start3A_639] : memref<3x128x256xf32, #tpu.memory_space<vmem>> -> memref<1x128x256xf32, #tpu.memory_space<vmem>>
        %dma_start3A_641 = tpu.memref_squeeze %dma_start3A_640 : memref<1x128x256xf32, #tpu.memory_space<vmem>> -> memref<128x256xf32, #tpu.memory_space<vmem>>
        %dma_start3A_642 = arith.constant 0 : i32
        %dma_start3A_643 = tpu.memref_slice %dma_start3A_641[%add3A_628, %dma_start3A_642] : memref<128x256xf32, #tpu.memory_space<vmem>> -> memref<1x256xf32, #tpu.memory_space<vmem>>
        %dma_start3A_644 = arith.constant 0 : i32
        %dma_start3A_645 = tpu.memref_slice %arg8[%squeeze3A_626, %dma_start3A_644] : memref<1000x256xf32, #tpu.memory_space<vmem_shared>> -> memref<1x256xf32, #tpu.memory_space<vmem_shared>>
        tpu.enqueue_dma source(%dma_start3A_645 : memref<1x256xf32, #tpu.memory_space<vmem_shared>>) target(%dma_start3A_643 : memref<1x256xf32, #tpu.memory_space<vmem>>) target_semaphore(%arg12 : memref<!tpu.dma_semaphore, #tpu.memory_space<semaphore_mem>>)
        %slice3A_646 = vector.extract_strided_slice %get3A_332 {offsets = [15], sizes = [1], strides = [1]} : vector<16xi32> to vector<1xi32>
        %squeeze3A_647 = vector.extract %slice3A_646[0] : i32 from vector<1xi32>
        %add3A_648 = arith.constant 15 : i32
        %add3A_649 = arith.addi %mul3A_326, %add3A_648 : i32
        %dma_start3A_650 = arith.constant 2 : i32
        %dma_start3A_651 = arith.constant 0 : i32
        %dma_start3A_652 = arith.constant 0 : i32
        %dma_start3A_653 = tpu.memref_slice %arg7[%dma_start3A_650, %dma_start3A_651, %dma_start3A_652] : memref<3x128x256xf32, #tpu.memory_space<vmem>> -> memref<1x128x256xf32, #tpu.memory_space<vmem>>
        %dma_start3A_654 = tpu.memref_squeeze %dma_start3A_653 : memref<1x128x256xf32, #tpu.memory_space<vmem>> -> memref<128x256xf32, #tpu.memory_space<vmem>>
        %dma_start3A_655 = arith.constant 0 : i32
        %dma_start3A_656 = tpu.memref_slice %dma_start3A_654[%add3A_649, %dma_start3A_655] : memref<128x256xf32, #tpu.memory_space<vmem>> -> memref<1x256xf32, #tpu.memory_space<vmem>>
        %dma_start3A_657 = arith.constant 0 : i32
        %dma_start3A_658 = tpu.memref_slice %arg8[%squeeze3A_647, %dma_start3A_657] : memref<1000x256xf32, #tpu.memory_space<vmem_shared>> -> memref<1x256xf32, #tpu.memory_space<vmem_shared>>
        %dma_start3A_659 = arith.constant 0 : i32
        %dma_start3A_660 = arith.constant 0 : i32
        %dma_start3A_661 = tpu.memref_slice %arg7[%dma_start3A_650, %dma_start3A_659, %dma_start3A_660] : memref<3x128x256xf32, #tpu.memory_space<vmem>> -> memref<1x128x256xf32, #tpu.memory_space<vmem>>
        %dma_start3A_662 = tpu.memref_squeeze %dma_start3A_661 : memref<1x128x256xf32, #tpu.memory_space<vmem>> -> memref<128x256xf32, #tpu.memory_space<vmem>>
        %dma_start3A_663 = arith.constant 0 : i32
        %dma_start3A_664 = tpu.memref_slice %dma_start3A_662[%add3A_649, %dma_start3A_663] : memref<128x256xf32, #tpu.memory_space<vmem>> -> memref<1x256xf32, #tpu.memory_space<vmem>>
        %dma_start3A_665 = arith.constant 0 : i32
        %dma_start3A_666 = tpu.memref_slice %arg8[%squeeze3A_647, %dma_start3A_665] : memref<1000x256xf32, #tpu.memory_space<vmem_shared>> -> memref<1x256xf32, #tpu.memory_space<vmem_shared>>
        tpu.enqueue_dma source(%dma_start3A_666 : memref<1x256xf32, #tpu.memory_space<vmem_shared>>) target(%dma_start3A_664 : memref<1x256xf32, #tpu.memory_space<vmem>>) target_semaphore(%arg12 : memref<!tpu.dma_semaphore, #tpu.memory_space<semaphore_mem>>)
      }
      %scan3A_243 = arith.constant 8 : i32
      %dma_wait3A_244 = arith.constant 1 : i32
      %dma_wait3A_245 = arith.constant 0 : i32
      %dma_wait3A_246 = arith.constant 0 : i32
      %dma_wait3A_247 = tpu.memref_slice %arg7[%dma_wait3A_244, %dma_wait3A_245, %dma_wait3A_246] : memref<3x128x256xf32, #tpu.memory_space<vmem>> -> memref<1x128x256xf32, #tpu.memory_space<vmem>>
      %dma_wait3A_248 = tpu.memref_squeeze %dma_wait3A_247 : memref<1x128x256xf32, #tpu.memory_space<vmem>> -> memref<128x256xf32, #tpu.memory_space<vmem>>
      %dma_wait3A_249 = arith.constant 0 : i32
      %dma_wait3A_250 = arith.constant 0 : i32
      %dma_wait3A_251 = tpu.memref_slice %arg2[%dma_wait3A_249, %dma_wait3A_250] : memref<1000x256xf32, #tpu.memory_space<hbm>> -> memref<128x256xf32, #tpu.memory_space<hbm>>
      %dma_wait3A_252 = arith.constant 0 : i32
      %dma_wait3A_253 = arith.constant 0 : i32
      %dma_wait3A_254 = tpu.memref_slice %arg7[%dma_wait3A_244, %dma_wait3A_252, %dma_wait3A_253] : memref<3x128x256xf32, #tpu.memory_space<vmem>> -> memref<1x128x256xf32, #tpu.memory_space<vmem>>
      %dma_wait3A_255 = tpu.memref_squeeze %dma_wait3A_254 : memref<1x128x256xf32, #tpu.memory_space<vmem>> -> memref<128x256xf32, #tpu.memory_space<vmem>>
      %dma_wait3A_256 = arith.constant 0 : i32
      %dma_wait3A_257 = arith.constant 0 : i32
      %dma_wait3A_258 = tpu.memref_slice %arg2[%dma_wait3A_256, %dma_wait3A_257] : memref<1000x256xf32, #tpu.memory_space<hbm>> -> memref<128x256xf32, #tpu.memory_space<hbm>>
      tpu.wait_dma2 semaphore(%arg11 : memref<!tpu.dma_semaphore, #tpu.memory_space<semaphore_mem>>) src(%dma_wait3A_258 : memref<128x256xf32, #tpu.memory_space<hbm>>) dst(%dma_wait3A_255 : memref<128x256xf32, #tpu.memory_space<vmem>>)
      %mul3A_259 = arith.constant 128 : i32
      %mul3A_260 = arith.muli %add3A_231, %mul3A_259 : i32
      %add3A_261 = arith.addi %mul3A_2, %mul3A_260 : i32
      %dma_start3A_262 = arith.constant 1 : i32
      %dma_start3A_263 = arith.constant 0 : i32
      %dma_start3A_264 = arith.constant 0 : i32
      %dma_start3A_265 = tpu.memref_slice %arg7[%dma_start3A_262, %dma_start3A_263, %dma_start3A_264] : memref<3x128x256xf32, #tpu.memory_space<vmem>> -> memref<1x128x256xf32, #tpu.memory_space<vmem>>
      %dma_start3A_266 = tpu.memref_squeeze %dma_start3A_265 : memref<1x128x256xf32, #tpu.memory_space<vmem>> -> memref<128x256xf32, #tpu.memory_space<vmem>>
      %dma_start3A_267 = arith.constant 0 : i32
      %dma_start3A_268 = tpu.memref_slice %arg5[%add3A_261, %dma_start3A_267] : memref<204800x256xf32, #tpu.memory_space<hbm>> -> memref<128x256xf32, #tpu.memory_space<hbm>>
      %dma_start3A_269 = arith.constant 0 : i32
      %dma_start3A_270 = tpu.memref_slice %arg5[%add3A_261, %dma_start3A_269] : memref<204800x256xf32, #tpu.memory_space<hbm>> -> memref<128x256xf32, #tpu.memory_space<hbm>>
      %dma_start3A_271 = arith.constant 0 : i32
      %dma_start3A_272 = arith.constant 0 : i32
      %dma_start3A_273 = tpu.memref_slice %arg7[%dma_start3A_262, %dma_start3A_271, %dma_start3A_272] : memref<3x128x256xf32, #tpu.memory_space<vmem>> -> memref<1x128x256xf32, #tpu.memory_space<vmem>>
      %dma_start3A_274 = tpu.memref_squeeze %dma_start3A_273 : memref<1x128x256xf32, #tpu.memory_space<vmem>> -> memref<128x256xf32, #tpu.memory_space<vmem>>
      tpu.enqueue_dma source(%dma_start3A_274 : memref<128x256xf32, #tpu.memory_space<vmem>>) target(%dma_start3A_270 : memref<128x256xf32, #tpu.memory_space<hbm>>) target_semaphore(%arg14 : memref<!tpu.dma_semaphore, #tpu.memory_space<semaphore_mem>>)
      %add3A_275 = arith.constant 2 : i32
      %add3A_276 = arith.addi %add3A_187, %add3A_275 : i32
      %ge3A_277 = arith.constant 2 : i32
      %ge3A_278 = arith.cmpi sge, %add3A_276, %ge3A_277 : i32
      %convert_element_type3A_279 = arith.extui %ge3A_278 : i1 to i32
      %cond3A_280 = arith.constant 0 : i32
      %cond3A_281 = arith.cmpi ne, %convert_element_type3A_279, %cond3A_280 : i32
      scf.if %cond3A_281 {
        %dma_wait3A_320 = arith.constant 0 : i32
        %dma_wait3A_321 = arith.constant 0 : i32
        %dma_wait3A_322 = arith.constant 0 : i32
        %dma_wait3A_323 = tpu.memref_slice %arg7[%dma_wait3A_320, %dma_wait3A_321, %dma_wait3A_322] : memref<3x128x256xf32, #tpu.memory_space<vmem>> -> memref<1x128x256xf32, #tpu.memory_space<vmem>>
        %dma_wait3A_324 = tpu.memref_squeeze %dma_wait3A_323 : memref<1x128x256xf32, #tpu.memory_space<vmem>> -> memref<128x256xf32, #tpu.memory_space<vmem>>
        %dma_wait3A_325 = arith.constant 0 : i32
        %dma_wait3A_326 = tpu.memref_slice %arg5[%mul3A_2, %dma_wait3A_325] : memref<204800x256xf32, #tpu.memory_space<hbm>> -> memref<128x256xf32, #tpu.memory_space<hbm>>
        %dma_wait3A_327 = arith.constant 0 : i32
        %dma_wait3A_328 = tpu.memref_slice %arg5[%mul3A_2, %dma_wait3A_327] : memref<204800x256xf32, #tpu.memory_space<hbm>> -> memref<128x256xf32, #tpu.memory_space<hbm>>
        %dma_wait3A_329 = arith.constant 0 : i32
        %dma_wait3A_330 = arith.constant 0 : i32
        %dma_wait3A_331 = tpu.memref_slice %arg7[%dma_wait3A_320, %dma_wait3A_329, %dma_wait3A_330] : memref<3x128x256xf32, #tpu.memory_space<vmem>> -> memref<1x128x256xf32, #tpu.memory_space<vmem>>
        %dma_wait3A_332 = tpu.memref_squeeze %dma_wait3A_331 : memref<1x128x256xf32, #tpu.memory_space<vmem>> -> memref<128x256xf32, #tpu.memory_space<vmem>>
        tpu.wait_dma2 semaphore(%arg13 : memref<!tpu.dma_semaphore, #tpu.memory_space<semaphore_mem>>) src(%dma_wait3A_332 : memref<128x256xf32, #tpu.memory_space<vmem>>) dst(%dma_wait3A_328 : memref<128x256xf32, #tpu.memory_space<hbm>>)
      } else {
      }
      %add3A_282 = arith.constant 1 : i32
      %add3A_283 = arith.addi %add3A_276, %add3A_282 : i32
      %scan3A_284 = arith.constant 0 : i32
      %scan3A_285 = arith.constant 8 : i32
      %scan3A_286 = arith.addi %scan3A_284, %scan3A_285 : i32
      %scan3A_287 = arith.constant 1 : i32
      scf.for %scan3A_320 = %scan3A_284 to %scan3A_286 step %scan3A_287  : i32 {
        %mul3A_321 = arith.constant 1 : i32
        %mul3A_322 = arith.muli %scan3A_320, %mul3A_321 : i32
        %add3A_323 = arith.constant 0 : i32
        %add3A_324 = arith.addi %add3A_323, %mul3A_322 : i32
        %mul3A_325 = arith.constant 16 : i32
        %mul3A_326 = arith.muli %add3A_324, %mul3A_325 : i32
        %mul3A_327 = arith.constant 128 : i32
        %mul3A_328 = arith.muli %add3A_283, %mul3A_327 : i32
        %add3A_329 = arith.addi %mul3A_328, %mul3A_326 : i32
        %get3A_330 = arith.index_cast %add3A_329 : i32 to index
        %get3A_331 = tpu.vector_load %arg6[%get3A_330] {strides = array<i32>} : memref<6416xi32, #tpu.memory_space<vmem>>, vector<16xi32>,
        %get3A_332 = vector.shape_cast %get3A_331 : vector<16xi32> to vector<16xi32>
        %slice3A = vector.extract_strided_slice %get3A_332 {offsets = [0], sizes = [1], strides = [1]} : vector<16xi32> to vector<1xi32>
        %squeeze3A = vector.extract %slice3A[0] : i32 from vector<1xi32>
        %add3A_333 = arith.constant 0 : i32
        %add3A_334 = arith.addi %mul3A_326, %add3A_333 : i32
        %dma_start3A_335 = arith.constant 0 : i32
        %dma_start3A_336 = arith.constant 0 : i32
        %dma_start3A_337 = arith.constant 0 : i32
        %dma_start3A_338 = tpu.memref_slice %arg7[%dma_start3A_335, %dma_start3A_336, %dma_start3A_337] : memref<3x128x256xf32, #tpu.memory_space<vmem>> -> memref<1x128x256xf32, #tpu.memory_space<vmem>>
        %dma_start3A_339 = tpu.memref_squeeze %dma_start3A_338 : memref<1x128x256xf32, #tpu.memory_space<vmem>> -> memref<128x256xf32, #tpu.memory_space<vmem>>
        %dma_start3A_340 = arith.constant 0 : i32
        %dma_start3A_341 = tpu.memref_slice %dma_start3A_339[%add3A_334, %dma_start3A_340] : memref<128x256xf32, #tpu.memory_space<vmem>> -> memref<1x256xf32, #tpu.memory_space<vmem>>
        %dma_start3A_342 = arith.constant 0 : i32
        %dma_start3A_343 = tpu.memref_slice %arg8[%squeeze3A, %dma_start3A_342] : memref<1000x256xf32, #tpu.memory_space<vmem_shared>> -> memref<1x256xf32, #tpu.memory_space<vmem_shared>>
        %dma_start3A_344 = arith.constant 0 : i32
        %dma_start3A_345 = arith.constant 0 : i32
        %dma_start3A_346 = tpu.memref_slice %arg7[%dma_start3A_335, %dma_start3A_344, %dma_start3A_345] : memref<3x128x256xf32, #tpu.memory_space<vmem>> -> memref<1x128x256xf32, #tpu.memory_space<vmem>>
        %dma_start3A_347 = tpu.memref_squeeze %dma_start3A_346 : memref<1x128x256xf32, #tpu.memory_space<vmem>> -> memref<128x256xf32, #tpu.memory_space<vmem>>
        %dma_start3A_348 = arith.constant 0 : i32
        %dma_start3A_349 = tpu.memref_slice %dma_start3A_347[%add3A_334, %dma_start3A_348] : memref<128x256xf32, #tpu.memory_space<vmem>> -> memref<1x256xf32, #tpu.memory_space<vmem>>
        %dma_start3A_350 = arith.constant 0 : i32
        %dma_start3A_351 = tpu.memref_slice %arg8[%squeeze3A, %dma_start3A_350] : memref<1000x256xf32, #tpu.memory_space<vmem_shared>> -> memref<1x256xf32, #tpu.memory_space<vmem_shared>>
        tpu.enqueue_dma source(%dma_start3A_351 : memref<1x256xf32, #tpu.memory_space<vmem_shared>>) target(%dma_start3A_349 : memref<1x256xf32, #tpu.memory_space<vmem>>) target_semaphore(%arg10 : memref<!tpu.dma_semaphore, #tpu.memory_space<semaphore_mem>>)
        %slice3A_352 = vector.extract_strided_slice %get3A_332 {offsets = [1], sizes = [1], strides = [1]} : vector<16xi32> to vector<1xi32>
        %squeeze3A_353 = vector.extract %slice3A_352[0] : i32 from vector<1xi32>
        %add3A_354 = arith.constant 1 : i32
        %add3A_355 = arith.addi %mul3A_326, %add3A_354 : i32
        %dma_start3A_356 = arith.constant 0 : i32
        %dma_start3A_357 = arith.constant 0 : i32
        %dma_start3A_358 = arith.constant 0 : i32
        %dma_start3A_359 = tpu.memref_slice %arg7[%dma_start3A_356, %dma_start3A_357, %dma_start3A_358] : memref<3x128x256xf32, #tpu.memory_space<vmem>> -> memref<1x128x256xf32, #tpu.memory_space<vmem>>
        %dma_start3A_360 = tpu.memref_squeeze %dma_start3A_359 : memref<1x128x256xf32, #tpu.memory_space<vmem>> -> memref<128x256xf32, #tpu.memory_space<vmem>>
        %dma_start3A_361 = arith.constant 0 : i32
        %dma_start3A_362 = tpu.memref_slice %dma_start3A_360[%add3A_355, %dma_start3A_361] : memref<128x256xf32, #tpu.memory_space<vmem>> -> memref<1x256xf32, #tpu.memory_space<vmem>>
        %dma_start3A_363 = arith.constant 0 : i32
        %dma_start3A_364 = tpu.memref_slice %arg8[%squeeze3A_353, %dma_start3A_363] : memref<1000x256xf32, #tpu.memory_space<vmem_shared>> -> memref<1x256xf32, #tpu.memory_space<vmem_shared>>
        %dma_start3A_365 = arith.constant 0 : i32
        %dma_start3A_366 = arith.constant 0 : i32
        %dma_start3A_367 = tpu.memref_slice %arg7[%dma_start3A_356, %dma_start3A_365, %dma_start3A_366] : memref<3x128x256xf32, #tpu.memory_space<vmem>> -> memref<1x128x256xf32, #tpu.memory_space<vmem>>
        %dma_start3A_368 = tpu.memref_squeeze %dma_start3A_367 : memref<1x128x256xf32, #tpu.memory_space<vmem>> -> memref<128x256xf32, #tpu.memory_space<vmem>>
        %dma_start3A_369 = arith.constant 0 : i32
        %dma_start3A_370 = tpu.memref_slice %dma_start3A_368[%add3A_355, %dma_start3A_369] : memref<128x256xf32, #tpu.memory_space<vmem>> -> memref<1x256xf32, #tpu.memory_space<vmem>>
        %dma_start3A_371 = arith.constant 0 : i32
        %dma_start3A_372 = tpu.memref_slice %arg8[%squeeze3A_353, %dma_start3A_371] : memref<1000x256xf32, #tpu.memory_space<vmem_shared>> -> memref<1x256xf32, #tpu.memory_space<vmem_shared>>
        tpu.enqueue_dma source(%dma_start3A_372 : memref<1x256xf32, #tpu.memory_space<vmem_shared>>) target(%dma_start3A_370 : memref<1x256xf32, #tpu.memory_space<vmem>>) target_semaphore(%arg10 : memref<!tpu.dma_semaphore, #tpu.memory_space<semaphore_mem>>)
        %slice3A_373 = vector.extract_strided_slice %get3A_332 {offsets = [2], sizes = [1], strides = [1]} : vector<16xi32> to vector<1xi32>
        %squeeze3A_374 = vector.extract %slice3A_373[0] : i32 from vector<1xi32>
        %add3A_375 = arith.constant 2 : i32
        %add3A_376 = arith.addi %mul3A_326, %add3A_375 : i32
        %dma_start3A_377 = arith.constant 0 : i32
        %dma_start3A_378 = arith.constant 0 : i32
        %dma_start3A_379 = arith.constant 0 : i32
        %dma_start3A_380 = tpu.memref_slice %arg7[%dma_start3A_377, %dma_start3A_378, %dma_start3A_379] : memref<3x128x256xf32, #tpu.memory_space<vmem>> -> memref<1x128x256xf32, #tpu.memory_space<vmem>>
        %dma_start3A_381 = tpu.memref_squeeze %dma_start3A_380 : memref<1x128x256xf32, #tpu.memory_space<vmem>> -> memref<128x256xf32, #tpu.memory_space<vmem>>
        %dma_start3A_382 = arith.constant 0 : i32
        %dma_start3A_383 = tpu.memref_slice %dma_start3A_381[%add3A_376, %dma_start3A_382] : memref<128x256xf32, #tpu.memory_space<vmem>> -> memref<1x256xf32, #tpu.memory_space<vmem>>
        %dma_start3A_384 = arith.constant 0 : i32
        %dma_start3A_385 = tpu.memref_slice %arg8[%squeeze3A_374, %dma_start3A_384] : memref<1000x256xf32, #tpu.memory_space<vmem_shared>> -> memref<1x256xf32, #tpu.memory_space<vmem_shared>>
        %dma_start3A_386 = arith.constant 0 : i32
        %dma_start3A_387 = arith.constant 0 : i32
        %dma_start3A_388 = tpu.memref_slice %arg7[%dma_start3A_377, %dma_start3A_386, %dma_start3A_387] : memref<3x128x256xf32, #tpu.memory_space<vmem>> -> memref<1x128x256xf32, #tpu.memory_space<vmem>>
        %dma_start3A_389 = tpu.memref_squeeze %dma_start3A_388 : memref<1x128x256xf32, #tpu.memory_space<vmem>> -> memref<128x256xf32, #tpu.memory_space<vmem>>
        %dma_start3A_390 = arith.constant 0 : i32
        %dma_start3A_391 = tpu.memref_slice %dma_start3A_389[%add3A_376, %dma_start3A_390] : memref<128x256xf32, #tpu.memory_space<vmem>> -> memref<1x256xf32, #tpu.memory_space<vmem>>
        %dma_start3A_392 = arith.constant 0 : i32
        %dma_start3A_393 = tpu.memref_slice %arg8[%squeeze3A_374, %dma_start3A_392] : memref<1000x256xf32, #tpu.memory_space<vmem_shared>> -> memref<1x256xf32, #tpu.memory_space<vmem_shared>>
        tpu.enqueue_dma source(%dma_start3A_393 : memref<1x256xf32, #tpu.memory_space<vmem_shared>>) target(%dma_start3A_391 : memref<1x256xf32, #tpu.memory_space<vmem>>) target_semaphore(%arg10 : memref<!tpu.dma_semaphore, #tpu.memory_space<semaphore_mem>>)
        %slice3A_394 = vector.extract_strided_slice %get3A_332 {offsets = [3], sizes = [1], strides = [1]} : vector<16xi32> to vector<1xi32>
        %squeeze3A_395 = vector.extract %slice3A_394[0] : i32 from vector<1xi32>
        %add3A_396 = arith.constant 3 : i32
        %add3A_397 = arith.addi %mul3A_326, %add3A_396 : i32
        %dma_start3A_398 = arith.constant 0 : i32
        %dma_start3A_399 = arith.constant 0 : i32
        %dma_start3A_400 = arith.constant 0 : i32
        %dma_start3A_401 = tpu.memref_slice %arg7[%dma_start3A_398, %dma_start3A_399, %dma_start3A_400] : memref<3x128x256xf32, #tpu.memory_space<vmem>> -> memref<1x128x256xf32, #tpu.memory_space<vmem>>
        %dma_start3A_402 = tpu.memref_squeeze %dma_start3A_401 : memref<1x128x256xf32, #tpu.memory_space<vmem>> -> memref<128x256xf32, #tpu.memory_space<vmem>>
        %dma_start3A_403 = arith.constant 0 : i32
        %dma_start3A_404 = tpu.memref_slice %dma_start3A_402[%add3A_397, %dma_start3A_403] : memref<128x256xf32, #tpu.memory_space<vmem>> -> memref<1x256xf32, #tpu.memory_space<vmem>>
        %dma_start3A_405 = arith.constant 0 : i32
        %dma_start3A_406 = tpu.memref_slice %arg8[%squeeze3A_395, %dma_start3A_405] : memref<1000x256xf32, #tpu.memory_space<vmem_shared>> -> memref<1x256xf32, #tpu.memory_space<vmem_shared>>
        %dma_start3A_407 = arith.constant 0 : i32
        %dma_start3A_408 = arith.constant 0 : i32
        %dma_start3A_409 = tpu.memref_slice %arg7[%dma_start3A_398, %dma_start3A_407, %dma_start3A_408] : memref<3x128x256xf32, #tpu.memory_space<vmem>> -> memref<1x128x256xf32, #tpu.memory_space<vmem>>
        %dma_start3A_410 = tpu.memref_squeeze %dma_start3A_409 : memref<1x128x256xf32, #tpu.memory_space<vmem>> -> memref<128x256xf32, #tpu.memory_space<vmem>>
        %dma_start3A_411 = arith.constant 0 : i32
        %dma_start3A_412 = tpu.memref_slice %dma_start3A_410[%add3A_397, %dma_start3A_411] : memref<128x256xf32, #tpu.memory_space<vmem>> -> memref<1x256xf32, #tpu.memory_space<vmem>>
        %dma_start3A_413 = arith.constant 0 : i32
        %dma_start3A_414 = tpu.memref_slice %arg8[%squeeze3A_395, %dma_start3A_413] : memref<1000x256xf32, #tpu.memory_space<vmem_shared>> -> memref<1x256xf32, #tpu.memory_space<vmem_shared>>
        tpu.enqueue_dma source(%dma_start3A_414 : memref<1x256xf32, #tpu.memory_space<vmem_shared>>) target(%dma_start3A_412 : memref<1x256xf32, #tpu.memory_space<vmem>>) target_semaphore(%arg10 : memref<!tpu.dma_semaphore, #tpu.memory_space<semaphore_mem>>)
        %slice3A_415 = vector.extract_strided_slice %get3A_332 {offsets = [4], sizes = [1], strides = [1]} : vector<16xi32> to vector<1xi32>
        %squeeze3A_416 = vector.extract %slice3A_415[0] : i32 from vector<1xi32>
        %add3A_417 = arith.constant 4 : i32
        %add3A_418 = arith.addi %mul3A_326, %add3A_417 : i32
        %dma_start3A_419 = arith.constant 0 : i32
        %dma_start3A_420 = arith.constant 0 : i32
        %dma_start3A_421 = arith.constant 0 : i32
        %dma_start3A_422 = tpu.memref_slice %arg7[%dma_start3A_419, %dma_start3A_420, %dma_start3A_421] : memref<3x128x256xf32, #tpu.memory_space<vmem>> -> memref<1x128x256xf32, #tpu.memory_space<vmem>>
        %dma_start3A_423 = tpu.memref_squeeze %dma_start3A_422 : memref<1x128x256xf32, #tpu.memory_space<vmem>> -> memref<128x256xf32, #tpu.memory_space<vmem>>
        %dma_start3A_424 = arith.constant 0 : i32
        %dma_start3A_425 = tpu.memref_slice %dma_start3A_423[%add3A_418, %dma_start3A_424] : memref<128x256xf32, #tpu.memory_space<vmem>> -> memref<1x256xf32, #tpu.memory_space<vmem>>
        %dma_start3A_426 = arith.constant 0 : i32
        %dma_start3A_427 = tpu.memref_slice %arg8[%squeeze3A_416, %dma_start3A_426] : memref<1000x256xf32, #tpu.memory_space<vmem_shared>> -> memref<1x256xf32, #tpu.memory_space<vmem_shared>>
        %dma_start3A_428 = arith.constant 0 : i32
        %dma_start3A_429 = arith.constant 0 : i32
        %dma_start3A_430 = tpu.memref_slice %arg7[%dma_start3A_419, %dma_start3A_428, %dma_start3A_429] : memref<3x128x256xf32, #tpu.memory_space<vmem>> -> memref<1x128x256xf32, #tpu.memory_space<vmem>>
        %dma_start3A_431 = tpu.memref_squeeze %dma_start3A_430 : memref<1x128x256xf32, #tpu.memory_space<vmem>> -> memref<128x256xf32, #tpu.memory_space<vmem>>
        %dma_start3A_432 = arith.constant 0 : i32
        %dma_start3A_433 = tpu.memref_slice %dma_start3A_431[%add3A_418, %dma_start3A_432] : memref<128x256xf32, #tpu.memory_space<vmem>> -> memref<1x256xf32, #tpu.memory_space<vmem>>
        %dma_start3A_434 = arith.constant 0 : i32
        %dma_start3A_435 = tpu.memref_slice %arg8[%squeeze3A_416, %dma_start3A_434] : memref<1000x256xf32, #tpu.memory_space<vmem_shared>> -> memref<1x256xf32, #tpu.memory_space<vmem_shared>>
        tpu.enqueue_dma source(%dma_start3A_435 : memref<1x256xf32, #tpu.memory_space<vmem_shared>>) target(%dma_start3A_433 : memref<1x256xf32, #tpu.memory_space<vmem>>) target_semaphore(%arg10 : memref<!tpu.dma_semaphore, #tpu.memory_space<semaphore_mem>>)
        %slice3A_436 = vector.extract_strided_slice %get3A_332 {offsets = [5], sizes = [1], strides = [1]} : vector<16xi32> to vector<1xi32>
        %squeeze3A_437 = vector.extract %slice3A_436[0] : i32 from vector<1xi32>
        %add3A_438 = arith.constant 5 : i32
        %add3A_439 = arith.addi %mul3A_326, %add3A_438 : i32
        %dma_start3A_440 = arith.constant 0 : i32
        %dma_start3A_441 = arith.constant 0 : i32
        %dma_start3A_442 = arith.constant 0 : i32
        %dma_start3A_443 = tpu.memref_slice %arg7[%dma_start3A_440, %dma_start3A_441, %dma_start3A_442] : memref<3x128x256xf32, #tpu.memory_space<vmem>> -> memref<1x128x256xf32, #tpu.memory_space<vmem>>
        %dma_start3A_444 = tpu.memref_squeeze %dma_start3A_443 : memref<1x128x256xf32, #tpu.memory_space<vmem>> -> memref<128x256xf32, #tpu.memory_space<vmem>>
        %dma_start3A_445 = arith.constant 0 : i32
        %dma_start3A_446 = tpu.memref_slice %dma_start3A_444[%add3A_439, %dma_start3A_445] : memref<128x256xf32, #tpu.memory_space<vmem>> -> memref<1x256xf32, #tpu.memory_space<vmem>>
        %dma_start3A_447 = arith.constant 0 : i32
        %dma_start3A_448 = tpu.memref_slice %arg8[%squeeze3A_437, %dma_start3A_447] : memref<1000x256xf32, #tpu.memory_space<vmem_shared>> -> memref<1x256xf32, #tpu.memory_space<vmem_shared>>
        %dma_start3A_449 = arith.constant 0 : i32
        %dma_start3A_450 = arith.constant 0 : i32
        %dma_start3A_451 = tpu.memref_slice %arg7[%dma_start3A_440, %dma_start3A_449, %dma_start3A_450] : memref<3x128x256xf32, #tpu.memory_space<vmem>> -> memref<1x128x256xf32, #tpu.memory_space<vmem>>
        %dma_start3A_452 = tpu.memref_squeeze %dma_start3A_451 : memref<1x128x256xf32, #tpu.memory_space<vmem>> -> memref<128x256xf32, #tpu.memory_space<vmem>>
        %dma_start3A_453 = arith.constant 0 : i32
        %dma_start3A_454 = tpu.memref_slice %dma_start3A_452[%add3A_439, %dma_start3A_453] : memref<128x256xf32, #tpu.memory_space<vmem>> -> memref<1x256xf32, #tpu.memory_space<vmem>>
        %dma_start3A_455 = arith.constant 0 : i32
        %dma_start3A_456 = tpu.memref_slice %arg8[%squeeze3A_437, %dma_start3A_455] : memref<1000x256xf32, #tpu.memory_space<vmem_shared>> -> memref<1x256xf32, #tpu.memory_space<vmem_shared>>
        tpu.enqueue_dma source(%dma_start3A_456 : memref<1x256xf32, #tpu.memory_space<vmem_shared>>) target(%dma_start3A_454 : memref<1x256xf32, #tpu.memory_space<vmem>>) target_semaphore(%arg10 : memref<!tpu.dma_semaphore, #tpu.memory_space<semaphore_mem>>)
        %slice3A_457 = vector.extract_strided_slice %get3A_332 {offsets = [6], sizes = [1], strides = [1]} : vector<16xi32> to vector<1xi32>
        %squeeze3A_458 = vector.extract %slice3A_457[0] : i32 from vector<1xi32>
        %add3A_459 = arith.constant 6 : i32
        %add3A_460 = arith.addi %mul3A_326, %add3A_459 : i32
        %dma_start3A_461 = arith.constant 0 : i32
        %dma_start3A_462 = arith.constant 0 : i32
        %dma_start3A_463 = arith.constant 0 : i32
        %dma_start3A_464 = tpu.memref_slice %arg7[%dma_start3A_461, %dma_start3A_462, %dma_start3A_463] : memref<3x128x256xf32, #tpu.memory_space<vmem>> -> memref<1x128x256xf32, #tpu.memory_space<vmem>>
        %dma_start3A_465 = tpu.memref_squeeze %dma_start3A_464 : memref<1x128x256xf32, #tpu.memory_space<vmem>> -> memref<128x256xf32, #tpu.memory_space<vmem>>
        %dma_start3A_466 = arith.constant 0 : i32
        %dma_start3A_467 = tpu.memref_slice %dma_start3A_465[%add3A_460, %dma_start3A_466] : memref<128x256xf32, #tpu.memory_space<vmem>> -> memref<1x256xf32, #tpu.memory_space<vmem>>
        %dma_start3A_468 = arith.constant 0 : i32
        %dma_start3A_469 = tpu.memref_slice %arg8[%squeeze3A_458, %dma_start3A_468] : memref<1000x256xf32, #tpu.memory_space<vmem_shared>> -> memref<1x256xf32, #tpu.memory_space<vmem_shared>>
        %dma_start3A_470 = arith.constant 0 : i32
        %dma_start3A_471 = arith.constant 0 : i32
        %dma_start3A_472 = tpu.memref_slice %arg7[%dma_start3A_461, %dma_start3A_470, %dma_start3A_471] : memref<3x128x256xf32, #tpu.memory_space<vmem>> -> memref<1x128x256xf32, #tpu.memory_space<vmem>>
        %dma_start3A_473 = tpu.memref_squeeze %dma_start3A_472 : memref<1x128x256xf32, #tpu.memory_space<vmem>> -> memref<128x256xf32, #tpu.memory_space<vmem>>
        %dma_start3A_474 = arith.constant 0 : i32
        %dma_start3A_475 = tpu.memref_slice %dma_start3A_473[%add3A_460, %dma_start3A_474] : memref<128x256xf32, #tpu.memory_space<vmem>> -> memref<1x256xf32, #tpu.memory_space<vmem>>
        %dma_start3A_476 = arith.constant 0 : i32
        %dma_start3A_477 = tpu.memref_slice %arg8[%squeeze3A_458, %dma_start3A_476] : memref<1000x256xf32, #tpu.memory_space<vmem_shared>> -> memref<1x256xf32, #tpu.memory_space<vmem_shared>>
        tpu.enqueue_dma source(%dma_start3A_477 : memref<1x256xf32, #tpu.memory_space<vmem_shared>>) target(%dma_start3A_475 : memref<1x256xf32, #tpu.memory_space<vmem>>) target_semaphore(%arg10 : memref<!tpu.dma_semaphore, #tpu.memory_space<semaphore_mem>>)
        %slice3A_478 = vector.extract_strided_slice %get3A_332 {offsets = [7], sizes = [1], strides = [1]} : vector<16xi32> to vector<1xi32>
        %squeeze3A_479 = vector.extract %slice3A_478[0] : i32 from vector<1xi32>
        %add3A_480 = arith.constant 7 : i32
        %add3A_481 = arith.addi %mul3A_326, %add3A_480 : i32
        %dma_start3A_482 = arith.constant 0 : i32
        %dma_start3A_483 = arith.constant 0 : i32
        %dma_start3A_484 = arith.constant 0 : i32
        %dma_start3A_485 = tpu.memref_slice %arg7[%dma_start3A_482, %dma_start3A_483, %dma_start3A_484] : memref<3x128x256xf32, #tpu.memory_space<vmem>> -> memref<1x128x256xf32, #tpu.memory_space<vmem>>
        %dma_start3A_486 = tpu.memref_squeeze %dma_start3A_485 : memref<1x128x256xf32, #tpu.memory_space<vmem>> -> memref<128x256xf32, #tpu.memory_space<vmem>>
        %dma_start3A_487 = arith.constant 0 : i32
        %dma_start3A_488 = tpu.memref_slice %dma_start3A_486[%add3A_481, %dma_start3A_487] : memref<128x256xf32, #tpu.memory_space<vmem>> -> memref<1x256xf32, #tpu.memory_space<vmem>>
        %dma_start3A_489 = arith.constant 0 : i32
        %dma_start3A_490 = tpu.memref_slice %arg8[%squeeze3A_479, %dma_start3A_489] : memref<1000x256xf32, #tpu.memory_space<vmem_shared>> -> memref<1x256xf32, #tpu.memory_space<vmem_shared>>
        %dma_start3A_491 = arith.constant 0 : i32
        %dma_start3A_492 = arith.constant 0 : i32
        %dma_start3A_493 = tpu.memref_slice %arg7[%dma_start3A_482, %dma_start3A_491, %dma_start3A_492] : memref<3x128x256xf32, #tpu.memory_space<vmem>> -> memref<1x128x256xf32, #tpu.memory_space<vmem>>
        %dma_start3A_494 = tpu.memref_squeeze %dma_start3A_493 : memref<1x128x256xf32, #tpu.memory_space<vmem>> -> memref<128x256xf32, #tpu.memory_space<vmem>>
        %dma_start3A_495 = arith.constant 0 : i32
        %dma_start3A_496 = tpu.memref_slice %dma_start3A_494[%add3A_481, %dma_start3A_495] : memref<128x256xf32, #tpu.memory_space<vmem>> -> memref<1x256xf32, #tpu.memory_space<vmem>>
        %dma_start3A_497 = arith.constant 0 : i32
        %dma_start3A_498 = tpu.memref_slice %arg8[%squeeze3A_479, %dma_start3A_497] : memref<1000x256xf32, #tpu.memory_space<vmem_shared>> -> memref<1x256xf32, #tpu.memory_space<vmem_shared>>
        tpu.enqueue_dma source(%dma_start3A_498 : memref<1x256xf32, #tpu.memory_space<vmem_shared>>) target(%dma_start3A_496 : memref<1x256xf32, #tpu.memory_space<vmem>>) target_semaphore(%arg10 : memref<!tpu.dma_semaphore, #tpu.memory_space<semaphore_mem>>)
        %slice3A_499 = vector.extract_strided_slice %get3A_332 {offsets = [8], sizes = [1], strides = [1]} : vector<16xi32> to vector<1xi32>
        %squeeze3A_500 = vector.extract %slice3A_499[0] : i32 from vector<1xi32>
        %add3A_501 = arith.constant 8 : i32
        %add3A_502 = arith.addi %mul3A_326, %add3A_501 : i32
        %dma_start3A_503 = arith.constant 0 : i32
        %dma_start3A_504 = arith.constant 0 : i32
        %dma_start3A_505 = arith.constant 0 : i32
        %dma_start3A_506 = tpu.memref_slice %arg7[%dma_start3A_503, %dma_start3A_504, %dma_start3A_505] : memref<3x128x256xf32, #tpu.memory_space<vmem>> -> memref<1x128x256xf32, #tpu.memory_space<vmem>>
        %dma_start3A_507 = tpu.memref_squeeze %dma_start3A_506 : memref<1x128x256xf32, #tpu.memory_space<vmem>> -> memref<128x256xf32, #tpu.memory_space<vmem>>
        %dma_start3A_508 = arith.constant 0 : i32
        %dma_start3A_509 = tpu.memref_slice %dma_start3A_507[%add3A_502, %dma_start3A_508] : memref<128x256xf32, #tpu.memory_space<vmem>> -> memref<1x256xf32, #tpu.memory_space<vmem>>
        %dma_start3A_510 = arith.constant 0 : i32
        %dma_start3A_511 = tpu.memref_slice %arg8[%squeeze3A_500, %dma_start3A_510] : memref<1000x256xf32, #tpu.memory_space<vmem_shared>> -> memref<1x256xf32, #tpu.memory_space<vmem_shared>>
        %dma_start3A_512 = arith.constant 0 : i32
        %dma_start3A_513 = arith.constant 0 : i32
        %dma_start3A_514 = tpu.memref_slice %arg7[%dma_start3A_503, %dma_start3A_512, %dma_start3A_513] : memref<3x128x256xf32, #tpu.memory_space<vmem>> -> memref<1x128x256xf32, #tpu.memory_space<vmem>>
        %dma_start3A_515 = tpu.memref_squeeze %dma_start3A_514 : memref<1x128x256xf32, #tpu.memory_space<vmem>> -> memref<128x256xf32, #tpu.memory_space<vmem>>
        %dma_start3A_516 = arith.constant 0 : i32
        %dma_start3A_517 = tpu.memref_slice %dma_start3A_515[%add3A_502, %dma_start3A_516] : memref<128x256xf32, #tpu.memory_space<vmem>> -> memref<1x256xf32, #tpu.memory_space<vmem>>
        %dma_start3A_518 = arith.constant 0 : i32
        %dma_start3A_519 = tpu.memref_slice %arg8[%squeeze3A_500, %dma_start3A_518] : memref<1000x256xf32, #tpu.memory_space<vmem_shared>> -> memref<1x256xf32, #tpu.memory_space<vmem_shared>>
        tpu.enqueue_dma source(%dma_start3A_519 : memref<1x256xf32, #tpu.memory_space<vmem_shared>>) target(%dma_start3A_517 : memref<1x256xf32, #tpu.memory_space<vmem>>) target_semaphore(%arg10 : memref<!tpu.dma_semaphore, #tpu.memory_space<semaphore_mem>>)
        %slice3A_520 = vector.extract_strided_slice %get3A_332 {offsets = [9], sizes = [1], strides = [1]} : vector<16xi32> to vector<1xi32>
        %squeeze3A_521 = vector.extract %slice3A_520[0] : i32 from vector<1xi32>
        %add3A_522 = arith.constant 9 : i32
        %add3A_523 = arith.addi %mul3A_326, %add3A_522 : i32
        %dma_start3A_524 = arith.constant 0 : i32
        %dma_start3A_525 = arith.constant 0 : i32
        %dma_start3A_526 = arith.constant 0 : i32
        %dma_start3A_527 = tpu.memref_slice %arg7[%dma_start3A_524, %dma_start3A_525, %dma_start3A_526] : memref<3x128x256xf32, #tpu.memory_space<vmem>> -> memref<1x128x256xf32, #tpu.memory_space<vmem>>
        %dma_start3A_528 = tpu.memref_squeeze %dma_start3A_527 : memref<1x128x256xf32, #tpu.memory_space<vmem>> -> memref<128x256xf32, #tpu.memory_space<vmem>>
        %dma_start3A_529 = arith.constant 0 : i32
        %dma_start3A_530 = tpu.memref_slice %dma_start3A_528[%add3A_523, %dma_start3A_529] : memref<128x256xf32, #tpu.memory_space<vmem>> -> memref<1x256xf32, #tpu.memory_space<vmem>>
        %dma_start3A_531 = arith.constant 0 : i32
        %dma_start3A_532 = tpu.memref_slice %arg8[%squeeze3A_521, %dma_start3A_531] : memref<1000x256xf32, #tpu.memory_space<vmem_shared>> -> memref<1x256xf32, #tpu.memory_space<vmem_shared>>
        %dma_start3A_533 = arith.constant 0 : i32
        %dma_start3A_534 = arith.constant 0 : i32
        %dma_start3A_535 = tpu.memref_slice %arg7[%dma_start3A_524, %dma_start3A_533, %dma_start3A_534] : memref<3x128x256xf32, #tpu.memory_space<vmem>> -> memref<1x128x256xf32, #tpu.memory_space<vmem>>
        %dma_start3A_536 = tpu.memref_squeeze %dma_start3A_535 : memref<1x128x256xf32, #tpu.memory_space<vmem>> -> memref<128x256xf32, #tpu.memory_space<vmem>>
        %dma_start3A_537 = arith.constant 0 : i32
        %dma_start3A_538 = tpu.memref_slice %dma_start3A_536[%add3A_523, %dma_start3A_537] : memref<128x256xf32, #tpu.memory_space<vmem>> -> memref<1x256xf32, #tpu.memory_space<vmem>>
        %dma_start3A_539 = arith.constant 0 : i32
        %dma_start3A_540 = tpu.memref_slice %arg8[%squeeze3A_521, %dma_start3A_539] : memref<1000x256xf32, #tpu.memory_space<vmem_shared>> -> memref<1x256xf32, #tpu.memory_space<vmem_shared>>
        tpu.enqueue_dma source(%dma_start3A_540 : memref<1x256xf32, #tpu.memory_space<vmem_shared>>) target(%dma_start3A_538 : memref<1x256xf32, #tpu.memory_space<vmem>>) target_semaphore(%arg10 : memref<!tpu.dma_semaphore, #tpu.memory_space<semaphore_mem>>)
        %slice3A_541 = vector.extract_strided_slice %get3A_332 {offsets = [10], sizes = [1], strides = [1]} : vector<16xi32> to vector<1xi32>
        %squeeze3A_542 = vector.extract %slice3A_541[0] : i32 from vector<1xi32>
        %add3A_543 = arith.constant 10 : i32
        %add3A_544 = arith.addi %mul3A_326, %add3A_543 : i32
        %dma_start3A_545 = arith.constant 0 : i32
        %dma_start3A_546 = arith.constant 0 : i32
        %dma_start3A_547 = arith.constant 0 : i32
        %dma_start3A_548 = tpu.memref_slice %arg7[%dma_start3A_545, %dma_start3A_546, %dma_start3A_547] : memref<3x128x256xf32, #tpu.memory_space<vmem>> -> memref<1x128x256xf32, #tpu.memory_space<vmem>>
        %dma_start3A_549 = tpu.memref_squeeze %dma_start3A_548 : memref<1x128x256xf32, #tpu.memory_space<vmem>> -> memref<128x256xf32, #tpu.memory_space<vmem>>
        %dma_start3A_550 = arith.constant 0 : i32
        %dma_start3A_551 = tpu.memref_slice %dma_start3A_549[%add3A_544, %dma_start3A_550] : memref<128x256xf32, #tpu.memory_space<vmem>> -> memref<1x256xf32, #tpu.memory_space<vmem>>
        %dma_start3A_552 = arith.constant 0 : i32
        %dma_start3A_553 = tpu.memref_slice %arg8[%squeeze3A_542, %dma_start3A_552] : memref<1000x256xf32, #tpu.memory_space<vmem_shared>> -> memref<1x256xf32, #tpu.memory_space<vmem_shared>>
        %dma_start3A_554 = arith.constant 0 : i32
        %dma_start3A_555 = arith.constant 0 : i32
        %dma_start3A_556 = tpu.memref_slice %arg7[%dma_start3A_545, %dma_start3A_554, %dma_start3A_555] : memref<3x128x256xf32, #tpu.memory_space<vmem>> -> memref<1x128x256xf32, #tpu.memory_space<vmem>>
        %dma_start3A_557 = tpu.memref_squeeze %dma_start3A_556 : memref<1x128x256xf32, #tpu.memory_space<vmem>> -> memref<128x256xf32, #tpu.memory_space<vmem>>
        %dma_start3A_558 = arith.constant 0 : i32
        %dma_start3A_559 = tpu.memref_slice %dma_start3A_557[%add3A_544, %dma_start3A_558] : memref<128x256xf32, #tpu.memory_space<vmem>> -> memref<1x256xf32, #tpu.memory_space<vmem>>
        %dma_start3A_560 = arith.constant 0 : i32
        %dma_start3A_561 = tpu.memref_slice %arg8[%squeeze3A_542, %dma_start3A_560] : memref<1000x256xf32, #tpu.memory_space<vmem_shared>> -> memref<1x256xf32, #tpu.memory_space<vmem_shared>>
        tpu.enqueue_dma source(%dma_start3A_561 : memref<1x256xf32, #tpu.memory_space<vmem_shared>>) target(%dma_start3A_559 : memref<1x256xf32, #tpu.memory_space<vmem>>) target_semaphore(%arg10 : memref<!tpu.dma_semaphore, #tpu.memory_space<semaphore_mem>>)
        %slice3A_562 = vector.extract_strided_slice %get3A_332 {offsets = [11], sizes = [1], strides = [1]} : vector<16xi32> to vector<1xi32>
        %squeeze3A_563 = vector.extract %slice3A_562[0] : i32 from vector<1xi32>
        %add3A_564 = arith.constant 11 : i32
        %add3A_565 = arith.addi %mul3A_326, %add3A_564 : i32
        %dma_start3A_566 = arith.constant 0 : i32
        %dma_start3A_567 = arith.constant 0 : i32
        %dma_start3A_568 = arith.constant 0 : i32
        %dma_start3A_569 = tpu.memref_slice %arg7[%dma_start3A_566, %dma_start3A_567, %dma_start3A_568] : memref<3x128x256xf32, #tpu.memory_space<vmem>> -> memref<1x128x256xf32, #tpu.memory_space<vmem>>
        %dma_start3A_570 = tpu.memref_squeeze %dma_start3A_569 : memref<1x128x256xf32, #tpu.memory_space<vmem>> -> memref<128x256xf32, #tpu.memory_space<vmem>>
        %dma_start3A_571 = arith.constant 0 : i32
        %dma_start3A_572 = tpu.memref_slice %dma_start3A_570[%add3A_565, %dma_start3A_571] : memref<128x256xf32, #tpu.memory_space<vmem>> -> memref<1x256xf32, #tpu.memory_space<vmem>>
        %dma_start3A_573 = arith.constant 0 : i32
        %dma_start3A_574 = tpu.memref_slice %arg8[%squeeze3A_563, %dma_start3A_573] : memref<1000x256xf32, #tpu.memory_space<vmem_shared>> -> memref<1x256xf32, #tpu.memory_space<vmem_shared>>
        %dma_start3A_575 = arith.constant 0 : i32
        %dma_start3A_576 = arith.constant 0 : i32
        %dma_start3A_577 = tpu.memref_slice %arg7[%dma_start3A_566, %dma_start3A_575, %dma_start3A_576] : memref<3x128x256xf32, #tpu.memory_space<vmem>> -> memref<1x128x256xf32, #tpu.memory_space<vmem>>
        %dma_start3A_578 = tpu.memref_squeeze %dma_start3A_577 : memref<1x128x256xf32, #tpu.memory_space<vmem>> -> memref<128x256xf32, #tpu.memory_space<vmem>>
        %dma_start3A_579 = arith.constant 0 : i32
        %dma_start3A_580 = tpu.memref_slice %dma_start3A_578[%add3A_565, %dma_start3A_579] : memref<128x256xf32, #tpu.memory_space<vmem>> -> memref<1x256xf32, #tpu.memory_space<vmem>>
        %dma_start3A_581 = arith.constant 0 : i32
        %dma_start3A_582 = tpu.memref_slice %arg8[%squeeze3A_563, %dma_start3A_581] : memref<1000x256xf32, #tpu.memory_space<vmem_shared>> -> memref<1x256xf32, #tpu.memory_space<vmem_shared>>
        tpu.enqueue_dma source(%dma_start3A_582 : memref<1x256xf32, #tpu.memory_space<vmem_shared>>) target(%dma_start3A_580 : memref<1x256xf32, #tpu.memory_space<vmem>>) target_semaphore(%arg10 : memref<!tpu.dma_semaphore, #tpu.memory_space<semaphore_mem>>)
        %slice3A_583 = vector.extract_strided_slice %get3A_332 {offsets = [12], sizes = [1], strides = [1]} : vector<16xi32> to vector<1xi32>
        %squeeze3A_584 = vector.extract %slice3A_583[0] : i32 from vector<1xi32>
        %add3A_585 = arith.constant 12 : i32
        %add3A_586 = arith.addi %mul3A_326, %add3A_585 : i32
        %dma_start3A_587 = arith.constant 0 : i32
        %dma_start3A_588 = arith.constant 0 : i32
        %dma_start3A_589 = arith.constant 0 : i32
        %dma_start3A_590 = tpu.memref_slice %arg7[%dma_start3A_587, %dma_start3A_588, %dma_start3A_589] : memref<3x128x256xf32, #tpu.memory_space<vmem>> -> memref<1x128x256xf32, #tpu.memory_space<vmem>>
        %dma_start3A_591 = tpu.memref_squeeze %dma_start3A_590 : memref<1x128x256xf32, #tpu.memory_space<vmem>> -> memref<128x256xf32, #tpu.memory_space<vmem>>
        %dma_start3A_592 = arith.constant 0 : i32
        %dma_start3A_593 = tpu.memref_slice %dma_start3A_591[%add3A_586, %dma_start3A_592] : memref<128x256xf32, #tpu.memory_space<vmem>> -> memref<1x256xf32, #tpu.memory_space<vmem>>
        %dma_start3A_594 = arith.constant 0 : i32
        %dma_start3A_595 = tpu.memref_slice %arg8[%squeeze3A_584, %dma_start3A_594] : memref<1000x256xf32, #tpu.memory_space<vmem_shared>> -> memref<1x256xf32, #tpu.memory_space<vmem_shared>>
        %dma_start3A_596 = arith.constant 0 : i32
        %dma_start3A_597 = arith.constant 0 : i32
        %dma_start3A_598 = tpu.memref_slice %arg7[%dma_start3A_587, %dma_start3A_596, %dma_start3A_597] : memref<3x128x256xf32, #tpu.memory_space<vmem>> -> memref<1x128x256xf32, #tpu.memory_space<vmem>>
        %dma_start3A_599 = tpu.memref_squeeze %dma_start3A_598 : memref<1x128x256xf32, #tpu.memory_space<vmem>> -> memref<128x256xf32, #tpu.memory_space<vmem>>
        %dma_start3A_600 = arith.constant 0 : i32
        %dma_start3A_601 = tpu.memref_slice %dma_start3A_599[%add3A_586, %dma_start3A_600] : memref<128x256xf32, #tpu.memory_space<vmem>> -> memref<1x256xf32, #tpu.memory_space<vmem>>
        %dma_start3A_602 = arith.constant 0 : i32
        %dma_start3A_603 = tpu.memref_slice %arg8[%squeeze3A_584, %dma_start3A_602] : memref<1000x256xf32, #tpu.memory_space<vmem_shared>> -> memref<1x256xf32, #tpu.memory_space<vmem_shared>>
        tpu.enqueue_dma source(%dma_start3A_603 : memref<1x256xf32, #tpu.memory_space<vmem_shared>>) target(%dma_start3A_601 : memref<1x256xf32, #tpu.memory_space<vmem>>) target_semaphore(%arg10 : memref<!tpu.dma_semaphore, #tpu.memory_space<semaphore_mem>>)
        %slice3A_604 = vector.extract_strided_slice %get3A_332 {offsets = [13], sizes = [1], strides = [1]} : vector<16xi32> to vector<1xi32>
        %squeeze3A_605 = vector.extract %slice3A_604[0] : i32 from vector<1xi32>
        %add3A_606 = arith.constant 13 : i32
        %add3A_607 = arith.addi %mul3A_326, %add3A_606 : i32
        %dma_start3A_608 = arith.constant 0 : i32
        %dma_start3A_609 = arith.constant 0 : i32
        %dma_start3A_610 = arith.constant 0 : i32
        %dma_start3A_611 = tpu.memref_slice %arg7[%dma_start3A_608, %dma_start3A_609, %dma_start3A_610] : memref<3x128x256xf32, #tpu.memory_space<vmem>> -> memref<1x128x256xf32, #tpu.memory_space<vmem>>
        %dma_start3A_612 = tpu.memref_squeeze %dma_start3A_611 : memref<1x128x256xf32, #tpu.memory_space<vmem>> -> memref<128x256xf32, #tpu.memory_space<vmem>>
        %dma_start3A_613 = arith.constant 0 : i32
        %dma_start3A_614 = tpu.memref_slice %dma_start3A_612[%add3A_607, %dma_start3A_613] : memref<128x256xf32, #tpu.memory_space<vmem>> -> memref<1x256xf32, #tpu.memory_space<vmem>>
        %dma_start3A_615 = arith.constant 0 : i32
        %dma_start3A_616 = tpu.memref_slice %arg8[%squeeze3A_605, %dma_start3A_615] : memref<1000x256xf32, #tpu.memory_space<vmem_shared>> -> memref<1x256xf32, #tpu.memory_space<vmem_shared>>
        %dma_start3A_617 = arith.constant 0 : i32
        %dma_start3A_618 = arith.constant 0 : i32
        %dma_start3A_619 = tpu.memref_slice %arg7[%dma_start3A_608, %dma_start3A_617, %dma_start3A_618] : memref<3x128x256xf32, #tpu.memory_space<vmem>> -> memref<1x128x256xf32, #tpu.memory_space<vmem>>
        %dma_start3A_620 = tpu.memref_squeeze %dma_start3A_619 : memref<1x128x256xf32, #tpu.memory_space<vmem>> -> memref<128x256xf32, #tpu.memory_space<vmem>>
        %dma_start3A_621 = arith.constant 0 : i32
        %dma_start3A_622 = tpu.memref_slice %dma_start3A_620[%add3A_607, %dma_start3A_621] : memref<128x256xf32, #tpu.memory_space<vmem>> -> memref<1x256xf32, #tpu.memory_space<vmem>>
        %dma_start3A_623 = arith.constant 0 : i32
        %dma_start3A_624 = tpu.memref_slice %arg8[%squeeze3A_605, %dma_start3A_623] : memref<1000x256xf32, #tpu.memory_space<vmem_shared>> -> memref<1x256xf32, #tpu.memory_space<vmem_shared>>
        tpu.enqueue_dma source(%dma_start3A_624 : memref<1x256xf32, #tpu.memory_space<vmem_shared>>) target(%dma_start3A_622 : memref<1x256xf32, #tpu.memory_space<vmem>>) target_semaphore(%arg10 : memref<!tpu.dma_semaphore, #tpu.memory_space<semaphore_mem>>)
        %slice3A_625 = vector.extract_strided_slice %get3A_332 {offsets = [14], sizes = [1], strides = [1]} : vector<16xi32> to vector<1xi32>
        %squeeze3A_626 = vector.extract %slice3A_625[0] : i32 from vector<1xi32>
        %add3A_627 = arith.constant 14 : i32
        %add3A_628 = arith.addi %mul3A_326, %add3A_627 : i32
        %dma_start3A_629 = arith.constant 0 : i32
        %dma_start3A_630 = arith.constant 0 : i32
        %dma_start3A_631 = arith.constant 0 : i32
        %dma_start3A_632 = tpu.memref_slice %arg7[%dma_start3A_629, %dma_start3A_630, %dma_start3A_631] : memref<3x128x256xf32, #tpu.memory_space<vmem>> -> memref<1x128x256xf32, #tpu.memory_space<vmem>>
        %dma_start3A_633 = tpu.memref_squeeze %dma_start3A_632 : memref<1x128x256xf32, #tpu.memory_space<vmem>> -> memref<128x256xf32, #tpu.memory_space<vmem>>
        %dma_start3A_634 = arith.constant 0 : i32
        %dma_start3A_635 = tpu.memref_slice %dma_start3A_633[%add3A_628, %dma_start3A_634] : memref<128x256xf32, #tpu.memory_space<vmem>> -> memref<1x256xf32, #tpu.memory_space<vmem>>
        %dma_start3A_636 = arith.constant 0 : i32
        %dma_start3A_637 = tpu.memref_slice %arg8[%squeeze3A_626, %dma_start3A_636] : memref<1000x256xf32, #tpu.memory_space<vmem_shared>> -> memref<1x256xf32, #tpu.memory_space<vmem_shared>>
        %dma_start3A_638 = arith.constant 0 : i32
        %dma_start3A_639 = arith.constant 0 : i32
        %dma_start3A_640 = tpu.memref_slice %arg7[%dma_start3A_629, %dma_start3A_638, %dma_start3A_639] : memref<3x128x256xf32, #tpu.memory_space<vmem>> -> memref<1x128x256xf32, #tpu.memory_space<vmem>>
        %dma_start3A_641 = tpu.memref_squeeze %dma_start3A_640 : memref<1x128x256xf32, #tpu.memory_space<vmem>> -> memref<128x256xf32, #tpu.memory_space<vmem>>
        %dma_start3A_642 = arith.constant 0 : i32
        %dma_start3A_643 = tpu.memref_slice %dma_start3A_641[%add3A_628, %dma_start3A_642] : memref<128x256xf32, #tpu.memory_space<vmem>> -> memref<1x256xf32, #tpu.memory_space<vmem>>
        %dma_start3A_644 = arith.constant 0 : i32
        %dma_start3A_645 = tpu.memref_slice %arg8[%squeeze3A_626, %dma_start3A_644] : memref<1000x256xf32, #tpu.memory_space<vmem_shared>> -> memref<1x256xf32, #tpu.memory_space<vmem_shared>>
        tpu.enqueue_dma source(%dma_start3A_645 : memref<1x256xf32, #tpu.memory_space<vmem_shared>>) target(%dma_start3A_643 : memref<1x256xf32, #tpu.memory_space<vmem>>) target_semaphore(%arg10 : memref<!tpu.dma_semaphore, #tpu.memory_space<semaphore_mem>>)
        %slice3A_646 = vector.extract_strided_slice %get3A_332 {offsets = [15], sizes = [1], strides = [1]} : vector<16xi32> to vector<1xi32>
        %squeeze3A_647 = vector.extract %slice3A_646[0] : i32 from vector<1xi32>
        %add3A_648 = arith.constant 15 : i32
        %add3A_649 = arith.addi %mul3A_326, %add3A_648 : i32
        %dma_start3A_650 = arith.constant 0 : i32
        %dma_start3A_651 = arith.constant 0 : i32
        %dma_start3A_652 = arith.constant 0 : i32
        %dma_start3A_653 = tpu.memref_slice %arg7[%dma_start3A_650, %dma_start3A_651, %dma_start3A_652] : memref<3x128x256xf32, #tpu.memory_space<vmem>> -> memref<1x128x256xf32, #tpu.memory_space<vmem>>
        %dma_start3A_654 = tpu.memref_squeeze %dma_start3A_653 : memref<1x128x256xf32, #tpu.memory_space<vmem>> -> memref<128x256xf32, #tpu.memory_space<vmem>>
        %dma_start3A_655 = arith.constant 0 : i32
        %dma_start3A_656 = tpu.memref_slice %dma_start3A_654[%add3A_649, %dma_start3A_655] : memref<128x256xf32, #tpu.memory_space<vmem>> -> memref<1x256xf32, #tpu.memory_space<vmem>>
        %dma_start3A_657 = arith.constant 0 : i32
        %dma_start3A_658 = tpu.memref_slice %arg8[%squeeze3A_647, %dma_start3A_657] : memref<1000x256xf32, #tpu.memory_space<vmem_shared>> -> memref<1x256xf32, #tpu.memory_space<vmem_shared>>
        %dma_start3A_659 = arith.constant 0 : i32
        %dma_start3A_660 = arith.constant 0 : i32
        %dma_start3A_661 = tpu.memref_slice %arg7[%dma_start3A_650, %dma_start3A_659, %dma_start3A_660] : memref<3x128x256xf32, #tpu.memory_space<vmem>> -> memref<1x128x256xf32, #tpu.memory_space<vmem>>
        %dma_start3A_662 = tpu.memref_squeeze %dma_start3A_661 : memref<1x128x256xf32, #tpu.memory_space<vmem>> -> memref<128x256xf32, #tpu.memory_space<vmem>>
        %dma_start3A_663 = arith.constant 0 : i32
        %dma_start3A_664 = tpu.memref_slice %dma_start3A_662[%add3A_649, %dma_start3A_663] : memref<128x256xf32, #tpu.memory_space<vmem>> -> memref<1x256xf32, #tpu.memory_space<vmem>>
        %dma_start3A_665 = arith.constant 0 : i32
        %dma_start3A_666 = tpu.memref_slice %arg8[%squeeze3A_647, %dma_start3A_665] : memref<1000x256xf32, #tpu.memory_space<vmem_shared>> -> memref<1x256xf32, #tpu.memory_space<vmem_shared>>
        tpu.enqueue_dma source(%dma_start3A_666 : memref<1x256xf32, #tpu.memory_space<vmem_shared>>) target(%dma_start3A_664 : memref<1x256xf32, #tpu.memory_space<vmem>>) target_semaphore(%arg10 : memref<!tpu.dma_semaphore, #tpu.memory_space<semaphore_mem>>)
      }
      %scan3A_288 = arith.constant 8 : i32
      %dma_wait3A_289 = arith.constant 2 : i32
      %dma_wait3A_290 = arith.constant 0 : i32
      %dma_wait3A_291 = arith.constant 0 : i32
      %dma_wait3A_292 = tpu.memref_slice %arg7[%dma_wait3A_289, %dma_wait3A_290, %dma_wait3A_291] : memref<3x128x256xf32, #tpu.memory_space<vmem>> -> memref<1x128x256xf32, #tpu.memory_space<vmem>>
      %dma_wait3A_293 = tpu.memref_squeeze %dma_wait3A_292 : memref<1x128x256xf32, #tpu.memory_space<vmem>> -> memref<128x256xf32, #tpu.memory_space<vmem>>
      %dma_wait3A_294 = arith.constant 0 : i32
      %dma_wait3A_295 = arith.constant 0 : i32
      %dma_wait3A_296 = tpu.memref_slice %arg2[%dma_wait3A_294, %dma_wait3A_295] : memref<1000x256xf32, #tpu.memory_space<hbm>> -> memref<128x256xf32, #tpu.memory_space<hbm>>
      %dma_wait3A_297 = arith.constant 0 : i32
      %dma_wait3A_298 = arith.constant 0 : i32
      %dma_wait3A_299 = tpu.memref_slice %arg7[%dma_wait3A_289, %dma_wait3A_297, %dma_wait3A_298] : memref<3x128x256xf32, #tpu.memory_space<vmem>> -> memref<1x128x256xf32, #tpu.memory_space<vmem>>
      %dma_wait3A_300 = tpu.memref_squeeze %dma_wait3A_299 : memref<1x128x256xf32, #tpu.memory_space<vmem>> -> memref<128x256xf32, #tpu.memory_space<vmem>>
      %dma_wait3A_301 = arith.constant 0 : i32
      %dma_wait3A_302 = arith.constant 0 : i32
      %dma_wait3A_303 = tpu.memref_slice %arg2[%dma_wait3A_301, %dma_wait3A_302] : memref<1000x256xf32, #tpu.memory_space<hbm>> -> memref<128x256xf32, #tpu.memory_space<hbm>>
      tpu.wait_dma2 semaphore(%arg12 : memref<!tpu.dma_semaphore, #tpu.memory_space<semaphore_mem>>) src(%dma_wait3A_303 : memref<128x256xf32, #tpu.memory_space<hbm>>) dst(%dma_wait3A_300 : memref<128x256xf32, #tpu.memory_space<vmem>>)
      %mul3A_304 = arith.constant 128 : i32
      %mul3A_305 = arith.muli %add3A_276, %mul3A_304 : i32
      %add3A_306 = arith.addi %mul3A_2, %mul3A_305 : i32
      %dma_start3A_307 = arith.constant 2 : i32
      %dma_start3A_308 = arith.constant 0 : i32
      %dma_start3A_309 = arith.constant 0 : i32
      %dma_start3A_310 = tpu.memref_slice %arg7[%dma_start3A_307, %dma_start3A_308, %dma_start3A_309] : memref<3x128x256xf32, #tpu.memory_space<vmem>> -> memref<1x128x256xf32, #tpu.memory_space<vmem>>
      %dma_start3A_311 = tpu.memref_squeeze %dma_start3A_310 : memref<1x128x256xf32, #tpu.memory_space<vmem>> -> memref<128x256xf32, #tpu.memory_space<vmem>>
      %dma_start3A_312 = arith.constant 0 : i32
      %dma_start3A_313 = tpu.memref_slice %arg5[%add3A_306, %dma_start3A_312] : memref<204800x256xf32, #tpu.memory_space<hbm>> -> memref<128x256xf32, #tpu.memory_space<hbm>>
      %dma_start3A_314 = arith.constant 0 : i32
      %dma_start3A_315 = tpu.memref_slice %arg5[%add3A_306, %dma_start3A_314] : memref<204800x256xf32, #tpu.memory_space<hbm>> -> memref<128x256xf32, #tpu.memory_space<hbm>>
      %dma_start3A_316 = arith.constant 0 : i32
      %dma_start3A_317 = arith.constant 0 : i32
      %dma_start3A_318 = tpu.memref_slice %arg7[%dma_start3A_307, %dma_start3A_316, %dma_start3A_317] : memref<3x128x256xf32, #tpu.memory_space<vmem>> -> memref<1x128x256xf32, #tpu.memory_space<vmem>>
      %dma_start3A_319 = tpu.memref_squeeze %dma_start3A_318 : memref<1x128x256xf32, #tpu.memory_space<vmem>> -> memref<128x256xf32, #tpu.memory_space<vmem>>
      tpu.enqueue_dma source(%dma_start3A_319 : memref<128x256xf32, #tpu.memory_space<vmem>>) target(%dma_start3A_315 : memref<128x256xf32, #tpu.memory_space<hbm>>) target_semaphore(%arg15 : memref<!tpu.dma_semaphore, #tpu.memory_space<semaphore_mem>>)
    }
    %scan3A_67 = arith.constant 16 : i32
    %dma_wait3A = arith.constant 1 : i32
    %dma_wait3A_68 = arith.constant 0 : i32
    %dma_wait3A_69 = arith.constant 0 : i32
    %dma_wait3A_70 = tpu.memref_slice %arg7[%dma_wait3A, %dma_wait3A_68, %dma_wait3A_69] : memref<3x128x256xf32, #tpu.memory_space<vmem>> -> memref<1x128x256xf32, #tpu.memory_space<vmem>>
    %dma_wait3A_71 = tpu.memref_squeeze %dma_wait3A_70 : memref<1x128x256xf32, #tpu.memory_space<vmem>> -> memref<128x256xf32, #tpu.memory_space<vmem>>
    %dma_wait3A_72 = arith.constant 0 : i32
    %dma_wait3A_73 = tpu.memref_slice %arg5[%mul3A_2, %dma_wait3A_72] : memref<204800x256xf32, #tpu.memory_space<hbm>> -> memref<128x256xf32, #tpu.memory_space<hbm>>
    %dma_wait3A_74 = arith.constant 0 : i32
    %dma_wait3A_75 = tpu.memref_slice %arg5[%mul3A_2, %dma_wait3A_74] : memref<204800x256xf32, #tpu.memory_space<hbm>> -> memref<128x256xf32, #tpu.memory_space<hbm>>
    %dma_wait3A_76 = arith.constant 0 : i32
    %dma_wait3A_77 = arith.constant 0 : i32
    %dma_wait3A_78 = tpu.memref_slice %arg7[%dma_wait3A, %dma_wait3A_76, %dma_wait3A_77] : memref<3x128x256xf32, #tpu.memory_space<vmem>> -> memref<1x128x256xf32, #tpu.memory_space<vmem>>
    %dma_wait3A_79 = tpu.memref_squeeze %dma_wait3A_78 : memref<1x128x256xf32, #tpu.memory_space<vmem>> -> memref<128x256xf32, #tpu.memory_space<vmem>>
    tpu.wait_dma2 semaphore(%arg14 : memref<!tpu.dma_semaphore, #tpu.memory_space<semaphore_mem>>) src(%dma_wait3A_79 : memref<128x256xf32, #tpu.memory_space<vmem>>) dst(%dma_wait3A_75 : memref<128x256xf32, #tpu.memory_space<hbm>>)
    %scan3A_80 = arith.constant 0 : i32
    %scan3A_81 = arith.constant 8 : i32
    %scan3A_82 = arith.addi %scan3A_80, %scan3A_81 : i32
    %scan3A_83 = arith.constant 1 : i32
    scf.for %scan3A_183 = %scan3A_80 to %scan3A_82 step %scan3A_83  : i32 {
      %mul3A_184 = arith.constant 1 : i32
      %mul3A_185 = arith.muli %scan3A_183, %mul3A_184 : i32
      %add3A_186 = arith.constant 0 : i32
      %add3A_187 = arith.addi %add3A_186, %mul3A_185 : i32
      %mul3A_188 = arith.constant 16 : i32
      %mul3A_189 = arith.muli %add3A_187, %mul3A_188 : i32
      %add3A_190 = arith.constant 6272 : i32
      %add3A_191 = arith.addi %add3A_190, %mul3A_189 : i32
      %get3A_192 = arith.index_cast %add3A_191 : i32 to index
      %get3A_193 = tpu.vector_load %arg6[%get3A_192] {strides = array<i32>} : memref<6416xi32, #tpu.memory_space<vmem>>, vector<16xi32>,
      %get3A_194 = vector.shape_cast %get3A_193 : vector<16xi32> to vector<16xi32>
      %slice3A = vector.extract_strided_slice %get3A_194 {offsets = [0], sizes = [1], strides = [1]} : vector<16xi32> to vector<1xi32>
      %squeeze3A = vector.extract %slice3A[0] : i32 from vector<1xi32>
      %add3A_195 = arith.constant 0 : i32
      %add3A_196 = arith.addi %mul3A_189, %add3A_195 : i32
      %dma_start3A_197 = arith.constant 1 : i32
      %dma_start3A_198 = arith.constant 0 : i32
      %dma_start3A_199 = arith.constant 0 : i32
      %dma_start3A_200 = tpu.memref_slice %arg7[%dma_start3A_197, %dma_start3A_198, %dma_start3A_199] : memref<3x128x256xf32, #tpu.memory_space<vmem>> -> memref<1x128x256xf32, #tpu.memory_space<vmem>>
      %dma_start3A_201 = tpu.memref_squeeze %dma_start3A_200 : memref<1x128x256xf32, #tpu.memory_space<vmem>> -> memref<128x256xf32, #tpu.memory_space<vmem>>
      %dma_start3A_202 = arith.constant 0 : i32
      %dma_start3A_203 = tpu.memref_slice %dma_start3A_201[%add3A_196, %dma_start3A_202] : memref<128x256xf32, #tpu.memory_space<vmem>> -> memref<1x256xf32, #tpu.memory_space<vmem>>
      %dma_start3A_204 = arith.constant 0 : i32
      %dma_start3A_205 = tpu.memref_slice %arg8[%squeeze3A, %dma_start3A_204] : memref<1000x256xf32, #tpu.memory_space<vmem_shared>> -> memref<1x256xf32, #tpu.memory_space<vmem_shared>>
      %dma_start3A_206 = arith.constant 0 : i32
      %dma_start3A_207 = arith.constant 0 : i32
      %dma_start3A_208 = tpu.memref_slice %arg7[%dma_start3A_197, %dma_start3A_206, %dma_start3A_207] : memref<3x128x256xf32, #tpu.memory_space<vmem>> -> memref<1x128x256xf32, #tpu.memory_space<vmem>>
      %dma_start3A_209 = tpu.memref_squeeze %dma_start3A_208 : memref<1x128x256xf32, #tpu.memory_space<vmem>> -> memref<128x256xf32, #tpu.memory_space<vmem>>
      %dma_start3A_210 = arith.constant 0 : i32
      %dma_start3A_211 = tpu.memref_slice %dma_start3A_209[%add3A_196, %dma_start3A_210] : memref<128x256xf32, #tpu.memory_space<vmem>> -> memref<1x256xf32, #tpu.memory_space<vmem>>
      %dma_start3A_212 = arith.constant 0 : i32
      %dma_start3A_213 = tpu.memref_slice %arg8[%squeeze3A, %dma_start3A_212] : memref<1000x256xf32, #tpu.memory_space<vmem_shared>> -> memref<1x256xf32, #tpu.memory_space<vmem_shared>>
      tpu.enqueue_dma source(%dma_start3A_213 : memref<1x256xf32, #tpu.memory_space<vmem_shared>>) target(%dma_start3A_211 : memref<1x256xf32, #tpu.memory_space<vmem>>) target_semaphore(%arg11 : memref<!tpu.dma_semaphore, #tpu.memory_space<semaphore_mem>>)
      %slice3A_214 = vector.extract_strided_slice %get3A_194 {offsets = [1], sizes = [1], strides = [1]} : vector<16xi32> to vector<1xi32>
      %squeeze3A_215 = vector.extract %slice3A_214[0] : i32 from vector<1xi32>
      %add3A_216 = arith.constant 1 : i32
      %add3A_217 = arith.addi %mul3A_189, %add3A_216 : i32
      %dma_start3A_218 = arith.constant 1 : i32
      %dma_start3A_219 = arith.constant 0 : i32
      %dma_start3A_220 = arith.constant 0 : i32
      %dma_start3A_221 = tpu.memref_slice %arg7[%dma_start3A_218, %dma_start3A_219, %dma_start3A_220] : memref<3x128x256xf32, #tpu.memory_space<vmem>> -> memref<1x128x256xf32, #tpu.memory_space<vmem>>
      %dma_start3A_222 = tpu.memref_squeeze %dma_start3A_221 : memref<1x128x256xf32, #tpu.memory_space<vmem>> -> memref<128x256xf32, #tpu.memory_space<vmem>>
      %dma_start3A_223 = arith.constant 0 : i32
      %dma_start3A_224 = tpu.memref_slice %dma_start3A_222[%add3A_217, %dma_start3A_223] : memref<128x256xf32, #tpu.memory_space<vmem>> -> memref<1x256xf32, #tpu.memory_space<vmem>>
      %dma_start3A_225 = arith.constant 0 : i32
      %dma_start3A_226 = tpu.memref_slice %arg8[%squeeze3A_215, %dma_start3A_225] : memref<1000x256xf32, #tpu.memory_space<vmem_shared>> -> memref<1x256xf32, #tpu.memory_space<vmem_shared>>
      %dma_start3A_227 = arith.constant 0 : i32
      %dma_start3A_228 = arith.constant 0 : i32
      %dma_start3A_229 = tpu.memref_slice %arg7[%dma_start3A_218, %dma_start3A_227, %dma_start3A_228] : memref<3x128x256xf32, #tpu.memory_space<vmem>> -> memref<1x128x256xf32, #tpu.memory_space<vmem>>
      %dma_start3A_230 = tpu.memref_squeeze %dma_start3A_229 : memref<1x128x256xf32, #tpu.memory_space<vmem>> -> memref<128x256xf32, #tpu.memory_space<vmem>>
      %dma_start3A_231 = arith.constant 0 : i32
      %dma_start3A_232 = tpu.memref_slice %dma_start3A_230[%add3A_217, %dma_start3A_231] : memref<128x256xf32, #tpu.memory_space<vmem>> -> memref<1x256xf32, #tpu.memory_space<vmem>>
      %dma_start3A_233 = arith.constant 0 : i32
      %dma_start3A_234 = tpu.memref_slice %arg8[%squeeze3A_215, %dma_start3A_233] : memref<1000x256xf32, #tpu.memory_space<vmem_shared>> -> memref<1x256xf32, #tpu.memory_space<vmem_shared>>
      tpu.enqueue_dma source(%dma_start3A_234 : memref<1x256xf32, #tpu.memory_space<vmem_shared>>) target(%dma_start3A_232 : memref<1x256xf32, #tpu.memory_space<vmem>>) target_semaphore(%arg11 : memref<!tpu.dma_semaphore, #tpu.memory_space<semaphore_mem>>)
      %slice3A_235 = vector.extract_strided_slice %get3A_194 {offsets = [2], sizes = [1], strides = [1]} : vector<16xi32> to vector<1xi32>
      %squeeze3A_236 = vector.extract %slice3A_235[0] : i32 from vector<1xi32>
      %add3A_237 = arith.constant 2 : i32
      %add3A_238 = arith.addi %mul3A_189, %add3A_237 : i32
      %dma_start3A_239 = arith.constant 1 : i32
      %dma_start3A_240 = arith.constant 0 : i32
      %dma_start3A_241 = arith.constant 0 : i32
      %dma_start3A_242 = tpu.memref_slice %arg7[%dma_start3A_239, %dma_start3A_240, %dma_start3A_241] : memref<3x128x256xf32, #tpu.memory_space<vmem>> -> memref<1x128x256xf32, #tpu.memory_space<vmem>>
      %dma_start3A_243 = tpu.memref_squeeze %dma_start3A_242 : memref<1x128x256xf32, #tpu.memory_space<vmem>> -> memref<128x256xf32, #tpu.memory_space<vmem>>
      %dma_start3A_244 = arith.constant 0 : i32
      %dma_start3A_245 = tpu.memref_slice %dma_start3A_243[%add3A_238, %dma_start3A_244] : memref<128x256xf32, #tpu.memory_space<vmem>> -> memref<1x256xf32, #tpu.memory_space<vmem>>
      %dma_start3A_246 = arith.constant 0 : i32
      %dma_start3A_247 = tpu.memref_slice %arg8[%squeeze3A_236, %dma_start3A_246] : memref<1000x256xf32, #tpu.memory_space<vmem_shared>> -> memref<1x256xf32, #tpu.memory_space<vmem_shared>>
      %dma_start3A_248 = arith.constant 0 : i32
      %dma_start3A_249 = arith.constant 0 : i32
      %dma_start3A_250 = tpu.memref_slice %arg7[%dma_start3A_239, %dma_start3A_248, %dma_start3A_249] : memref<3x128x256xf32, #tpu.memory_space<vmem>> -> memref<1x128x256xf32, #tpu.memory_space<vmem>>
      %dma_start3A_251 = tpu.memref_squeeze %dma_start3A_250 : memref<1x128x256xf32, #tpu.memory_space<vmem>> -> memref<128x256xf32, #tpu.memory_space<vmem>>
      %dma_start3A_252 = arith.constant 0 : i32
      %dma_start3A_253 = tpu.memref_slice %dma_start3A_251[%add3A_238, %dma_start3A_252] : memref<128x256xf32, #tpu.memory_space<vmem>> -> memref<1x256xf32, #tpu.memory_space<vmem>>
      %dma_start3A_254 = arith.constant 0 : i32
      %dma_start3A_255 = tpu.memref_slice %arg8[%squeeze3A_236, %dma_start3A_254] : memref<1000x256xf32, #tpu.memory_space<vmem_shared>> -> memref<1x256xf32, #tpu.memory_space<vmem_shared>>
      tpu.enqueue_dma source(%dma_start3A_255 : memref<1x256xf32, #tpu.memory_space<vmem_shared>>) target(%dma_start3A_253 : memref<1x256xf32, #tpu.memory_space<vmem>>) target_semaphore(%arg11 : memref<!tpu.dma_semaphore, #tpu.memory_space<semaphore_mem>>)
      %slice3A_256 = vector.extract_strided_slice %get3A_194 {offsets = [3], sizes = [1], strides = [1]} : vector<16xi32> to vector<1xi32>
      %squeeze3A_257 = vector.extract %slice3A_256[0] : i32 from vector<1xi32>
      %add3A_258 = arith.constant 3 : i32
      %add3A_259 = arith.addi %mul3A_189, %add3A_258 : i32
      %dma_start3A_260 = arith.constant 1 : i32
      %dma_start3A_261 = arith.constant 0 : i32
      %dma_start3A_262 = arith.constant 0 : i32
      %dma_start3A_263 = tpu.memref_slice %arg7[%dma_start3A_260, %dma_start3A_261, %dma_start3A_262] : memref<3x128x256xf32, #tpu.memory_space<vmem>> -> memref<1x128x256xf32, #tpu.memory_space<vmem>>
      %dma_start3A_264 = tpu.memref_squeeze %dma_start3A_263 : memref<1x128x256xf32, #tpu.memory_space<vmem>> -> memref<128x256xf32, #tpu.memory_space<vmem>>
      %dma_start3A_265 = arith.constant 0 : i32
      %dma_start3A_266 = tpu.memref_slice %dma_start3A_264[%add3A_259, %dma_start3A_265] : memref<128x256xf32, #tpu.memory_space<vmem>> -> memref<1x256xf32, #tpu.memory_space<vmem>>
      %dma_start3A_267 = arith.constant 0 : i32
      %dma_start3A_268 = tpu.memref_slice %arg8[%squeeze3A_257, %dma_start3A_267] : memref<1000x256xf32, #tpu.memory_space<vmem_shared>> -> memref<1x256xf32, #tpu.memory_space<vmem_shared>>
      %dma_start3A_269 = arith.constant 0 : i32
      %dma_start3A_270 = arith.constant 0 : i32
      %dma_start3A_271 = tpu.memref_slice %arg7[%dma_start3A_260, %dma_start3A_269, %dma_start3A_270] : memref<3x128x256xf32, #tpu.memory_space<vmem>> -> memref<1x128x256xf32, #tpu.memory_space<vmem>>
      %dma_start3A_272 = tpu.memref_squeeze %dma_start3A_271 : memref<1x128x256xf32, #tpu.memory_space<vmem>> -> memref<128x256xf32, #tpu.memory_space<vmem>>
      %dma_start3A_273 = arith.constant 0 : i32
      %dma_start3A_274 = tpu.memref_slice %dma_start3A_272[%add3A_259, %dma_start3A_273] : memref<128x256xf32, #tpu.memory_space<vmem>> -> memref<1x256xf32, #tpu.memory_space<vmem>>
      %dma_start3A_275 = arith.constant 0 : i32
      %dma_start3A_276 = tpu.memref_slice %arg8[%squeeze3A_257, %dma_start3A_275] : memref<1000x256xf32, #tpu.memory_space<vmem_shared>> -> memref<1x256xf32, #tpu.memory_space<vmem_shared>>
      tpu.enqueue_dma source(%dma_start3A_276 : memref<1x256xf32, #tpu.memory_space<vmem_shared>>) target(%dma_start3A_274 : memref<1x256xf32, #tpu.memory_space<vmem>>) target_semaphore(%arg11 : memref<!tpu.dma_semaphore, #tpu.memory_space<semaphore_mem>>)
      %slice3A_277 = vector.extract_strided_slice %get3A_194 {offsets = [4], sizes = [1], strides = [1]} : vector<16xi32> to vector<1xi32>
      %squeeze3A_278 = vector.extract %slice3A_277[0] : i32 from vector<1xi32>
      %add3A_279 = arith.constant 4 : i32
      %add3A_280 = arith.addi %mul3A_189, %add3A_279 : i32
      %dma_start3A_281 = arith.constant 1 : i32
      %dma_start3A_282 = arith.constant 0 : i32
      %dma_start3A_283 = arith.constant 0 : i32
      %dma_start3A_284 = tpu.memref_slice %arg7[%dma_start3A_281, %dma_start3A_282, %dma_start3A_283] : memref<3x128x256xf32, #tpu.memory_space<vmem>> -> memref<1x128x256xf32, #tpu.memory_space<vmem>>
      %dma_start3A_285 = tpu.memref_squeeze %dma_start3A_284 : memref<1x128x256xf32, #tpu.memory_space<vmem>> -> memref<128x256xf32, #tpu.memory_space<vmem>>
      %dma_start3A_286 = arith.constant 0 : i32
      %dma_start3A_287 = tpu.memref_slice %dma_start3A_285[%add3A_280, %dma_start3A_286] : memref<128x256xf32, #tpu.memory_space<vmem>> -> memref<1x256xf32, #tpu.memory_space<vmem>>
      %dma_start3A_288 = arith.constant 0 : i32
      %dma_start3A_289 = tpu.memref_slice %arg8[%squeeze3A_278, %dma_start3A_288] : memref<1000x256xf32, #tpu.memory_space<vmem_shared>> -> memref<1x256xf32, #tpu.memory_space<vmem_shared>>
      %dma_start3A_290 = arith.constant 0 : i32
      %dma_start3A_291 = arith.constant 0 : i32
      %dma_start3A_292 = tpu.memref_slice %arg7[%dma_start3A_281, %dma_start3A_290, %dma_start3A_291] : memref<3x128x256xf32, #tpu.memory_space<vmem>> -> memref<1x128x256xf32, #tpu.memory_space<vmem>>
      %dma_start3A_293 = tpu.memref_squeeze %dma_start3A_292 : memref<1x128x256xf32, #tpu.memory_space<vmem>> -> memref<128x256xf32, #tpu.memory_space<vmem>>
      %dma_start3A_294 = arith.constant 0 : i32
      %dma_start3A_295 = tpu.memref_slice %dma_start3A_293[%add3A_280, %dma_start3A_294] : memref<128x256xf32, #tpu.memory_space<vmem>> -> memref<1x256xf32, #tpu.memory_space<vmem>>
      %dma_start3A_296 = arith.constant 0 : i32
      %dma_start3A_297 = tpu.memref_slice %arg8[%squeeze3A_278, %dma_start3A_296] : memref<1000x256xf32, #tpu.memory_space<vmem_shared>> -> memref<1x256xf32, #tpu.memory_space<vmem_shared>>
      tpu.enqueue_dma source(%dma_start3A_297 : memref<1x256xf32, #tpu.memory_space<vmem_shared>>) target(%dma_start3A_295 : memref<1x256xf32, #tpu.memory_space<vmem>>) target_semaphore(%arg11 : memref<!tpu.dma_semaphore, #tpu.memory_space<semaphore_mem>>)
      %slice3A_298 = vector.extract_strided_slice %get3A_194 {offsets = [5], sizes = [1], strides = [1]} : vector<16xi32> to vector<1xi32>
      %squeeze3A_299 = vector.extract %slice3A_298[0] : i32 from vector<1xi32>
      %add3A_300 = arith.constant 5 : i32
      %add3A_301 = arith.addi %mul3A_189, %add3A_300 : i32
      %dma_start3A_302 = arith.constant 1 : i32
      %dma_start3A_303 = arith.constant 0 : i32
      %dma_start3A_304 = arith.constant 0 : i32
      %dma_start3A_305 = tpu.memref_slice %arg7[%dma_start3A_302, %dma_start3A_303, %dma_start3A_304] : memref<3x128x256xf32, #tpu.memory_space<vmem>> -> memref<1x128x256xf32, #tpu.memory_space<vmem>>
      %dma_start3A_306 = tpu.memref_squeeze %dma_start3A_305 : memref<1x128x256xf32, #tpu.memory_space<vmem>> -> memref<128x256xf32, #tpu.memory_space<vmem>>
      %dma_start3A_307 = arith.constant 0 : i32
      %dma_start3A_308 = tpu.memref_slice %dma_start3A_306[%add3A_301, %dma_start3A_307] : memref<128x256xf32, #tpu.memory_space<vmem>> -> memref<1x256xf32, #tpu.memory_space<vmem>>
      %dma_start3A_309 = arith.constant 0 : i32
      %dma_start3A_310 = tpu.memref_slice %arg8[%squeeze3A_299, %dma_start3A_309] : memref<1000x256xf32, #tpu.memory_space<vmem_shared>> -> memref<1x256xf32, #tpu.memory_space<vmem_shared>>
      %dma_start3A_311 = arith.constant 0 : i32
      %dma_start3A_312 = arith.constant 0 : i32
      %dma_start3A_313 = tpu.memref_slice %arg7[%dma_start3A_302, %dma_start3A_311, %dma_start3A_312] : memref<3x128x256xf32, #tpu.memory_space<vmem>> -> memref<1x128x256xf32, #tpu.memory_space<vmem>>
      %dma_start3A_314 = tpu.memref_squeeze %dma_start3A_313 : memref<1x128x256xf32, #tpu.memory_space<vmem>> -> memref<128x256xf32, #tpu.memory_space<vmem>>
      %dma_start3A_315 = arith.constant 0 : i32
      %dma_start3A_316 = tpu.memref_slice %dma_start3A_314[%add3A_301, %dma_start3A_315] : memref<128x256xf32, #tpu.memory_space<vmem>> -> memref<1x256xf32, #tpu.memory_space<vmem>>
      %dma_start3A_317 = arith.constant 0 : i32
      %dma_start3A_318 = tpu.memref_slice %arg8[%squeeze3A_299, %dma_start3A_317] : memref<1000x256xf32, #tpu.memory_space<vmem_shared>> -> memref<1x256xf32, #tpu.memory_space<vmem_shared>>
      tpu.enqueue_dma source(%dma_start3A_318 : memref<1x256xf32, #tpu.memory_space<vmem_shared>>) target(%dma_start3A_316 : memref<1x256xf32, #tpu.memory_space<vmem>>) target_semaphore(%arg11 : memref<!tpu.dma_semaphore, #tpu.memory_space<semaphore_mem>>)
      %slice3A_319 = vector.extract_strided_slice %get3A_194 {offsets = [6], sizes = [1], strides = [1]} : vector<16xi32> to vector<1xi32>
      %squeeze3A_320 = vector.extract %slice3A_319[0] : i32 from vector<1xi32>
      %add3A_321 = arith.constant 6 : i32
      %add3A_322 = arith.addi %mul3A_189, %add3A_321 : i32
      %dma_start3A_323 = arith.constant 1 : i32
      %dma_start3A_324 = arith.constant 0 : i32
      %dma_start3A_325 = arith.constant 0 : i32
      %dma_start3A_326 = tpu.memref_slice %arg7[%dma_start3A_323, %dma_start3A_324, %dma_start3A_325] : memref<3x128x256xf32, #tpu.memory_space<vmem>> -> memref<1x128x256xf32, #tpu.memory_space<vmem>>
      %dma_start3A_327 = tpu.memref_squeeze %dma_start3A_326 : memref<1x128x256xf32, #tpu.memory_space<vmem>> -> memref<128x256xf32, #tpu.memory_space<vmem>>
      %dma_start3A_328 = arith.constant 0 : i32
      %dma_start3A_329 = tpu.memref_slice %dma_start3A_327[%add3A_322, %dma_start3A_328] : memref<128x256xf32, #tpu.memory_space<vmem>> -> memref<1x256xf32, #tpu.memory_space<vmem>>
      %dma_start3A_330 = arith.constant 0 : i32
      %dma_start3A_331 = tpu.memref_slice %arg8[%squeeze3A_320, %dma_start3A_330] : memref<1000x256xf32, #tpu.memory_space<vmem_shared>> -> memref<1x256xf32, #tpu.memory_space<vmem_shared>>
      %dma_start3A_332 = arith.constant 0 : i32
      %dma_start3A_333 = arith.constant 0 : i32
      %dma_start3A_334 = tpu.memref_slice %arg7[%dma_start3A_323, %dma_start3A_332, %dma_start3A_333] : memref<3x128x256xf32, #tpu.memory_space<vmem>> -> memref<1x128x256xf32, #tpu.memory_space<vmem>>
      %dma_start3A_335 = tpu.memref_squeeze %dma_start3A_334 : memref<1x128x256xf32, #tpu.memory_space<vmem>> -> memref<128x256xf32, #tpu.memory_space<vmem>>
      %dma_start3A_336 = arith.constant 0 : i32
      %dma_start3A_337 = tpu.memref_slice %dma_start3A_335[%add3A_322, %dma_start3A_336] : memref<128x256xf32, #tpu.memory_space<vmem>> -> memref<1x256xf32, #tpu.memory_space<vmem>>
      %dma_start3A_338 = arith.constant 0 : i32
      %dma_start3A_339 = tpu.memref_slice %arg8[%squeeze3A_320, %dma_start3A_338] : memref<1000x256xf32, #tpu.memory_space<vmem_shared>> -> memref<1x256xf32, #tpu.memory_space<vmem_shared>>
      tpu.enqueue_dma source(%dma_start3A_339 : memref<1x256xf32, #tpu.memory_space<vmem_shared>>) target(%dma_start3A_337 : memref<1x256xf32, #tpu.memory_space<vmem>>) target_semaphore(%arg11 : memref<!tpu.dma_semaphore, #tpu.memory_space<semaphore_mem>>)
      %slice3A_340 = vector.extract_strided_slice %get3A_194 {offsets = [7], sizes = [1], strides = [1]} : vector<16xi32> to vector<1xi32>
      %squeeze3A_341 = vector.extract %slice3A_340[0] : i32 from vector<1xi32>
      %add3A_342 = arith.constant 7 : i32
      %add3A_343 = arith.addi %mul3A_189, %add3A_342 : i32
      %dma_start3A_344 = arith.constant 1 : i32
      %dma_start3A_345 = arith.constant 0 : i32
      %dma_start3A_346 = arith.constant 0 : i32
      %dma_start3A_347 = tpu.memref_slice %arg7[%dma_start3A_344, %dma_start3A_345, %dma_start3A_346] : memref<3x128x256xf32, #tpu.memory_space<vmem>> -> memref<1x128x256xf32, #tpu.memory_space<vmem>>
      %dma_start3A_348 = tpu.memref_squeeze %dma_start3A_347 : memref<1x128x256xf32, #tpu.memory_space<vmem>> -> memref<128x256xf32, #tpu.memory_space<vmem>>
      %dma_start3A_349 = arith.constant 0 : i32
      %dma_start3A_350 = tpu.memref_slice %dma_start3A_348[%add3A_343, %dma_start3A_349] : memref<128x256xf32, #tpu.memory_space<vmem>> -> memref<1x256xf32, #tpu.memory_space<vmem>>
      %dma_start3A_351 = arith.constant 0 : i32
      %dma_start3A_352 = tpu.memref_slice %arg8[%squeeze3A_341, %dma_start3A_351] : memref<1000x256xf32, #tpu.memory_space<vmem_shared>> -> memref<1x256xf32, #tpu.memory_space<vmem_shared>>
      %dma_start3A_353 = arith.constant 0 : i32
      %dma_start3A_354 = arith.constant 0 : i32
      %dma_start3A_355 = tpu.memref_slice %arg7[%dma_start3A_344, %dma_start3A_353, %dma_start3A_354] : memref<3x128x256xf32, #tpu.memory_space<vmem>> -> memref<1x128x256xf32, #tpu.memory_space<vmem>>
      %dma_start3A_356 = tpu.memref_squeeze %dma_start3A_355 : memref<1x128x256xf32, #tpu.memory_space<vmem>> -> memref<128x256xf32, #tpu.memory_space<vmem>>
      %dma_start3A_357 = arith.constant 0 : i32
      %dma_start3A_358 = tpu.memref_slice %dma_start3A_356[%add3A_343, %dma_start3A_357] : memref<128x256xf32, #tpu.memory_space<vmem>> -> memref<1x256xf32, #tpu.memory_space<vmem>>
      %dma_start3A_359 = arith.constant 0 : i32
      %dma_start3A_360 = tpu.memref_slice %arg8[%squeeze3A_341, %dma_start3A_359] : memref<1000x256xf32, #tpu.memory_space<vmem_shared>> -> memref<1x256xf32, #tpu.memory_space<vmem_shared>>
      tpu.enqueue_dma source(%dma_start3A_360 : memref<1x256xf32, #tpu.memory_space<vmem_shared>>) target(%dma_start3A_358 : memref<1x256xf32, #tpu.memory_space<vmem>>) target_semaphore(%arg11 : memref<!tpu.dma_semaphore, #tpu.memory_space<semaphore_mem>>)
      %slice3A_361 = vector.extract_strided_slice %get3A_194 {offsets = [8], sizes = [1], strides = [1]} : vector<16xi32> to vector<1xi32>
      %squeeze3A_362 = vector.extract %slice3A_361[0] : i32 from vector<1xi32>
      %add3A_363 = arith.constant 8 : i32
      %add3A_364 = arith.addi %mul3A_189, %add3A_363 : i32
      %dma_start3A_365 = arith.constant 1 : i32
      %dma_start3A_366 = arith.constant 0 : i32
      %dma_start3A_367 = arith.constant 0 : i32
      %dma_start3A_368 = tpu.memref_slice %arg7[%dma_start3A_365, %dma_start3A_366, %dma_start3A_367] : memref<3x128x256xf32, #tpu.memory_space<vmem>> -> memref<1x128x256xf32, #tpu.memory_space<vmem>>
      %dma_start3A_369 = tpu.memref_squeeze %dma_start3A_368 : memref<1x128x256xf32, #tpu.memory_space<vmem>> -> memref<128x256xf32, #tpu.memory_space<vmem>>
      %dma_start3A_370 = arith.constant 0 : i32
      %dma_start3A_371 = tpu.memref_slice %dma_start3A_369[%add3A_364, %dma_start3A_370] : memref<128x256xf32, #tpu.memory_space<vmem>> -> memref<1x256xf32, #tpu.memory_space<vmem>>
      %dma_start3A_372 = arith.constant 0 : i32
      %dma_start3A_373 = tpu.memref_slice %arg8[%squeeze3A_362, %dma_start3A_372] : memref<1000x256xf32, #tpu.memory_space<vmem_shared>> -> memref<1x256xf32, #tpu.memory_space<vmem_shared>>
      %dma_start3A_374 = arith.constant 0 : i32
      %dma_start3A_375 = arith.constant 0 : i32
      %dma_start3A_376 = tpu.memref_slice %arg7[%dma_start3A_365, %dma_start3A_374, %dma_start3A_375] : memref<3x128x256xf32, #tpu.memory_space<vmem>> -> memref<1x128x256xf32, #tpu.memory_space<vmem>>
      %dma_start3A_377 = tpu.memref_squeeze %dma_start3A_376 : memref<1x128x256xf32, #tpu.memory_space<vmem>> -> memref<128x256xf32, #tpu.memory_space<vmem>>
      %dma_start3A_378 = arith.constant 0 : i32
      %dma_start3A_379 = tpu.memref_slice %dma_start3A_377[%add3A_364, %dma_start3A_378] : memref<128x256xf32, #tpu.memory_space<vmem>> -> memref<1x256xf32, #tpu.memory_space<vmem>>
      %dma_start3A_380 = arith.constant 0 : i32
      %dma_start3A_381 = tpu.memref_slice %arg8[%squeeze3A_362, %dma_start3A_380] : memref<1000x256xf32, #tpu.memory_space<vmem_shared>> -> memref<1x256xf32, #tpu.memory_space<vmem_shared>>
      tpu.enqueue_dma source(%dma_start3A_381 : memref<1x256xf32, #tpu.memory_space<vmem_shared>>) target(%dma_start3A_379 : memref<1x256xf32, #tpu.memory_space<vmem>>) target_semaphore(%arg11 : memref<!tpu.dma_semaphore, #tpu.memory_space<semaphore_mem>>)
      %slice3A_382 = vector.extract_strided_slice %get3A_194 {offsets = [9], sizes = [1], strides = [1]} : vector<16xi32> to vector<1xi32>
      %squeeze3A_383 = vector.extract %slice3A_382[0] : i32 from vector<1xi32>
      %add3A_384 = arith.constant 9 : i32
      %add3A_385 = arith.addi %mul3A_189, %add3A_384 : i32
      %dma_start3A_386 = arith.constant 1 : i32
      %dma_start3A_387 = arith.constant 0 : i32
      %dma_start3A_388 = arith.constant 0 : i32
      %dma_start3A_389 = tpu.memref_slice %arg7[%dma_start3A_386, %dma_start3A_387, %dma_start3A_388] : memref<3x128x256xf32, #tpu.memory_space<vmem>> -> memref<1x128x256xf32, #tpu.memory_space<vmem>>
      %dma_start3A_390 = tpu.memref_squeeze %dma_start3A_389 : memref<1x128x256xf32, #tpu.memory_space<vmem>> -> memref<128x256xf32, #tpu.memory_space<vmem>>
      %dma_start3A_391 = arith.constant 0 : i32
      %dma_start3A_392 = tpu.memref_slice %dma_start3A_390[%add3A_385, %dma_start3A_391] : memref<128x256xf32, #tpu.memory_space<vmem>> -> memref<1x256xf32, #tpu.memory_space<vmem>>
      %dma_start3A_393 = arith.constant 0 : i32
      %dma_start3A_394 = tpu.memref_slice %arg8[%squeeze3A_383, %dma_start3A_393] : memref<1000x256xf32, #tpu.memory_space<vmem_shared>> -> memref<1x256xf32, #tpu.memory_space<vmem_shared>>
      %dma_start3A_395 = arith.constant 0 : i32
      %dma_start3A_396 = arith.constant 0 : i32
      %dma_start3A_397 = tpu.memref_slice %arg7[%dma_start3A_386, %dma_start3A_395, %dma_start3A_396] : memref<3x128x256xf32, #tpu.memory_space<vmem>> -> memref<1x128x256xf32, #tpu.memory_space<vmem>>
      %dma_start3A_398 = tpu.memref_squeeze %dma_start3A_397 : memref<1x128x256xf32, #tpu.memory_space<vmem>> -> memref<128x256xf32, #tpu.memory_space<vmem>>
      %dma_start3A_399 = arith.constant 0 : i32
      %dma_start3A_400 = tpu.memref_slice %dma_start3A_398[%add3A_385, %dma_start3A_399] : memref<128x256xf32, #tpu.memory_space<vmem>> -> memref<1x256xf32, #tpu.memory_space<vmem>>
      %dma_start3A_401 = arith.constant 0 : i32
      %dma_start3A_402 = tpu.memref_slice %arg8[%squeeze3A_383, %dma_start3A_401] : memref<1000x256xf32, #tpu.memory_space<vmem_shared>> -> memref<1x256xf32, #tpu.memory_space<vmem_shared>>
      tpu.enqueue_dma source(%dma_start3A_402 : memref<1x256xf32, #tpu.memory_space<vmem_shared>>) target(%dma_start3A_400 : memref<1x256xf32, #tpu.memory_space<vmem>>) target_semaphore(%arg11 : memref<!tpu.dma_semaphore, #tpu.memory_space<semaphore_mem>>)
      %slice3A_403 = vector.extract_strided_slice %get3A_194 {offsets = [10], sizes = [1], strides = [1]} : vector<16xi32> to vector<1xi32>
      %squeeze3A_404 = vector.extract %slice3A_403[0] : i32 from vector<1xi32>
      %add3A_405 = arith.constant 10 : i32
      %add3A_406 = arith.addi %mul3A_189, %add3A_405 : i32
      %dma_start3A_407 = arith.constant 1 : i32
      %dma_start3A_408 = arith.constant 0 : i32
      %dma_start3A_409 = arith.constant 0 : i32
      %dma_start3A_410 = tpu.memref_slice %arg7[%dma_start3A_407, %dma_start3A_408, %dma_start3A_409] : memref<3x128x256xf32, #tpu.memory_space<vmem>> -> memref<1x128x256xf32, #tpu.memory_space<vmem>>
      %dma_start3A_411 = tpu.memref_squeeze %dma_start3A_410 : memref<1x128x256xf32, #tpu.memory_space<vmem>> -> memref<128x256xf32, #tpu.memory_space<vmem>>
      %dma_start3A_412 = arith.constant 0 : i32
      %dma_start3A_413 = tpu.memref_slice %dma_start3A_411[%add3A_406, %dma_start3A_412] : memref<128x256xf32, #tpu.memory_space<vmem>> -> memref<1x256xf32, #tpu.memory_space<vmem>>
      %dma_start3A_414 = arith.constant 0 : i32
      %dma_start3A_415 = tpu.memref_slice %arg8[%squeeze3A_404, %dma_start3A_414] : memref<1000x256xf32, #tpu.memory_space<vmem_shared>> -> memref<1x256xf32, #tpu.memory_space<vmem_shared>>
      %dma_start3A_416 = arith.constant 0 : i32
      %dma_start3A_417 = arith.constant 0 : i32
      %dma_start3A_418 = tpu.memref_slice %arg7[%dma_start3A_407, %dma_start3A_416, %dma_start3A_417] : memref<3x128x256xf32, #tpu.memory_space<vmem>> -> memref<1x128x256xf32, #tpu.memory_space<vmem>>
      %dma_start3A_419 = tpu.memref_squeeze %dma_start3A_418 : memref<1x128x256xf32, #tpu.memory_space<vmem>> -> memref<128x256xf32, #tpu.memory_space<vmem>>
      %dma_start3A_420 = arith.constant 0 : i32
      %dma_start3A_421 = tpu.memref_slice %dma_start3A_419[%add3A_406, %dma_start3A_420] : memref<128x256xf32, #tpu.memory_space<vmem>> -> memref<1x256xf32, #tpu.memory_space<vmem>>
      %dma_start3A_422 = arith.constant 0 : i32
      %dma_start3A_423 = tpu.memref_slice %arg8[%squeeze3A_404, %dma_start3A_422] : memref<1000x256xf32, #tpu.memory_space<vmem_shared>> -> memref<1x256xf32, #tpu.memory_space<vmem_shared>>
      tpu.enqueue_dma source(%dma_start3A_423 : memref<1x256xf32, #tpu.memory_space<vmem_shared>>) target(%dma_start3A_421 : memref<1x256xf32, #tpu.memory_space<vmem>>) target_semaphore(%arg11 : memref<!tpu.dma_semaphore, #tpu.memory_space<semaphore_mem>>)
      %slice3A_424 = vector.extract_strided_slice %get3A_194 {offsets = [11], sizes = [1], strides = [1]} : vector<16xi32> to vector<1xi32>
      %squeeze3A_425 = vector.extract %slice3A_424[0] : i32 from vector<1xi32>
      %add3A_426 = arith.constant 11 : i32
      %add3A_427 = arith.addi %mul3A_189, %add3A_426 : i32
      %dma_start3A_428 = arith.constant 1 : i32
      %dma_start3A_429 = arith.constant 0 : i32
      %dma_start3A_430 = arith.constant 0 : i32
      %dma_start3A_431 = tpu.memref_slice %arg7[%dma_start3A_428, %dma_start3A_429, %dma_start3A_430] : memref<3x128x256xf32, #tpu.memory_space<vmem>> -> memref<1x128x256xf32, #tpu.memory_space<vmem>>
      %dma_start3A_432 = tpu.memref_squeeze %dma_start3A_431 : memref<1x128x256xf32, #tpu.memory_space<vmem>> -> memref<128x256xf32, #tpu.memory_space<vmem>>
      %dma_start3A_433 = arith.constant 0 : i32
      %dma_start3A_434 = tpu.memref_slice %dma_start3A_432[%add3A_427, %dma_start3A_433] : memref<128x256xf32, #tpu.memory_space<vmem>> -> memref<1x256xf32, #tpu.memory_space<vmem>>
      %dma_start3A_435 = arith.constant 0 : i32
      %dma_start3A_436 = tpu.memref_slice %arg8[%squeeze3A_425, %dma_start3A_435] : memref<1000x256xf32, #tpu.memory_space<vmem_shared>> -> memref<1x256xf32, #tpu.memory_space<vmem_shared>>
      %dma_start3A_437 = arith.constant 0 : i32
      %dma_start3A_438 = arith.constant 0 : i32
      %dma_start3A_439 = tpu.memref_slice %arg7[%dma_start3A_428, %dma_start3A_437, %dma_start3A_438] : memref<3x128x256xf32, #tpu.memory_space<vmem>> -> memref<1x128x256xf32, #tpu.memory_space<vmem>>
      %dma_start3A_440 = tpu.memref_squeeze %dma_start3A_439 : memref<1x128x256xf32, #tpu.memory_space<vmem>> -> memref<128x256xf32, #tpu.memory_space<vmem>>
      %dma_start3A_441 = arith.constant 0 : i32
      %dma_start3A_442 = tpu.memref_slice %dma_start3A_440[%add3A_427, %dma_start3A_441] : memref<128x256xf32, #tpu.memory_space<vmem>> -> memref<1x256xf32, #tpu.memory_space<vmem>>
      %dma_start3A_443 = arith.constant 0 : i32
      %dma_start3A_444 = tpu.memref_slice %arg8[%squeeze3A_425, %dma_start3A_443] : memref<1000x256xf32, #tpu.memory_space<vmem_shared>> -> memref<1x256xf32, #tpu.memory_space<vmem_shared>>
      tpu.enqueue_dma source(%dma_start3A_444 : memref<1x256xf32, #tpu.memory_space<vmem_shared>>) target(%dma_start3A_442 : memref<1x256xf32, #tpu.memory_space<vmem>>) target_semaphore(%arg11 : memref<!tpu.dma_semaphore, #tpu.memory_space<semaphore_mem>>)
      %slice3A_445 = vector.extract_strided_slice %get3A_194 {offsets = [12], sizes = [1], strides = [1]} : vector<16xi32> to vector<1xi32>
      %squeeze3A_446 = vector.extract %slice3A_445[0] : i32 from vector<1xi32>
      %add3A_447 = arith.constant 12 : i32
      %add3A_448 = arith.addi %mul3A_189, %add3A_447 : i32
      %dma_start3A_449 = arith.constant 1 : i32
      %dma_start3A_450 = arith.constant 0 : i32
      %dma_start3A_451 = arith.constant 0 : i32
      %dma_start3A_452 = tpu.memref_slice %arg7[%dma_start3A_449, %dma_start3A_450, %dma_start3A_451] : memref<3x128x256xf32, #tpu.memory_space<vmem>> -> memref<1x128x256xf32, #tpu.memory_space<vmem>>
      %dma_start3A_453 = tpu.memref_squeeze %dma_start3A_452 : memref<1x128x256xf32, #tpu.memory_space<vmem>> -> memref<128x256xf32, #tpu.memory_space<vmem>>
      %dma_start3A_454 = arith.constant 0 : i32
      %dma_start3A_455 = tpu.memref_slice %dma_start3A_453[%add3A_448, %dma_start3A_454] : memref<128x256xf32, #tpu.memory_space<vmem>> -> memref<1x256xf32, #tpu.memory_space<vmem>>
      %dma_start3A_456 = arith.constant 0 : i32
      %dma_start3A_457 = tpu.memref_slice %arg8[%squeeze3A_446, %dma_start3A_456] : memref<1000x256xf32, #tpu.memory_space<vmem_shared>> -> memref<1x256xf32, #tpu.memory_space<vmem_shared>>
      %dma_start3A_458 = arith.constant 0 : i32
      %dma_start3A_459 = arith.constant 0 : i32
      %dma_start3A_460 = tpu.memref_slice %arg7[%dma_start3A_449, %dma_start3A_458, %dma_start3A_459] : memref<3x128x256xf32, #tpu.memory_space<vmem>> -> memref<1x128x256xf32, #tpu.memory_space<vmem>>
      %dma_start3A_461 = tpu.memref_squeeze %dma_start3A_460 : memref<1x128x256xf32, #tpu.memory_space<vmem>> -> memref<128x256xf32, #tpu.memory_space<vmem>>
      %dma_start3A_462 = arith.constant 0 : i32
      %dma_start3A_463 = tpu.memref_slice %dma_start3A_461[%add3A_448, %dma_start3A_462] : memref<128x256xf32, #tpu.memory_space<vmem>> -> memref<1x256xf32, #tpu.memory_space<vmem>>
      %dma_start3A_464 = arith.constant 0 : i32
      %dma_start3A_465 = tpu.memref_slice %arg8[%squeeze3A_446, %dma_start3A_464] : memref<1000x256xf32, #tpu.memory_space<vmem_shared>> -> memref<1x256xf32, #tpu.memory_space<vmem_shared>>
      tpu.enqueue_dma source(%dma_start3A_465 : memref<1x256xf32, #tpu.memory_space<vmem_shared>>) target(%dma_start3A_463 : memref<1x256xf32, #tpu.memory_space<vmem>>) target_semaphore(%arg11 : memref<!tpu.dma_semaphore, #tpu.memory_space<semaphore_mem>>)
      %slice3A_466 = vector.extract_strided_slice %get3A_194 {offsets = [13], sizes = [1], strides = [1]} : vector<16xi32> to vector<1xi32>
      %squeeze3A_467 = vector.extract %slice3A_466[0] : i32 from vector<1xi32>
      %add3A_468 = arith.constant 13 : i32
      %add3A_469 = arith.addi %mul3A_189, %add3A_468 : i32
      %dma_start3A_470 = arith.constant 1 : i32
      %dma_start3A_471 = arith.constant 0 : i32
      %dma_start3A_472 = arith.constant 0 : i32
      %dma_start3A_473 = tpu.memref_slice %arg7[%dma_start3A_470, %dma_start3A_471, %dma_start3A_472] : memref<3x128x256xf32, #tpu.memory_space<vmem>> -> memref<1x128x256xf32, #tpu.memory_space<vmem>>
      %dma_start3A_474 = tpu.memref_squeeze %dma_start3A_473 : memref<1x128x256xf32, #tpu.memory_space<vmem>> -> memref<128x256xf32, #tpu.memory_space<vmem>>
      %dma_start3A_475 = arith.constant 0 : i32
      %dma_start3A_476 = tpu.memref_slice %dma_start3A_474[%add3A_469, %dma_start3A_475] : memref<128x256xf32, #tpu.memory_space<vmem>> -> memref<1x256xf32, #tpu.memory_space<vmem>>
      %dma_start3A_477 = arith.constant 0 : i32
      %dma_start3A_478 = tpu.memref_slice %arg8[%squeeze3A_467, %dma_start3A_477] : memref<1000x256xf32, #tpu.memory_space<vmem_shared>> -> memref<1x256xf32, #tpu.memory_space<vmem_shared>>
      %dma_start3A_479 = arith.constant 0 : i32
      %dma_start3A_480 = arith.constant 0 : i32
      %dma_start3A_481 = tpu.memref_slice %arg7[%dma_start3A_470, %dma_start3A_479, %dma_start3A_480] : memref<3x128x256xf32, #tpu.memory_space<vmem>> -> memref<1x128x256xf32, #tpu.memory_space<vmem>>
      %dma_start3A_482 = tpu.memref_squeeze %dma_start3A_481 : memref<1x128x256xf32, #tpu.memory_space<vmem>> -> memref<128x256xf32, #tpu.memory_space<vmem>>
      %dma_start3A_483 = arith.constant 0 : i32
      %dma_start3A_484 = tpu.memref_slice %dma_start3A_482[%add3A_469, %dma_start3A_483] : memref<128x256xf32, #tpu.memory_space<vmem>> -> memref<1x256xf32, #tpu.memory_space<vmem>>
      %dma_start3A_485 = arith.constant 0 : i32
      %dma_start3A_486 = tpu.memref_slice %arg8[%squeeze3A_467, %dma_start3A_485] : memref<1000x256xf32, #tpu.memory_space<vmem_shared>> -> memref<1x256xf32, #tpu.memory_space<vmem_shared>>
      tpu.enqueue_dma source(%dma_start3A_486 : memref<1x256xf32, #tpu.memory_space<vmem_shared>>) target(%dma_start3A_484 : memref<1x256xf32, #tpu.memory_space<vmem>>) target_semaphore(%arg11 : memref<!tpu.dma_semaphore, #tpu.memory_space<semaphore_mem>>)
      %slice3A_487 = vector.extract_strided_slice %get3A_194 {offsets = [14], sizes = [1], strides = [1]} : vector<16xi32> to vector<1xi32>
      %squeeze3A_488 = vector.extract %slice3A_487[0] : i32 from vector<1xi32>
      %add3A_489 = arith.constant 14 : i32
      %add3A_490 = arith.addi %mul3A_189, %add3A_489 : i32
      %dma_start3A_491 = arith.constant 1 : i32
      %dma_start3A_492 = arith.constant 0 : i32
      %dma_start3A_493 = arith.constant 0 : i32
      %dma_start3A_494 = tpu.memref_slice %arg7[%dma_start3A_491, %dma_start3A_492, %dma_start3A_493] : memref<3x128x256xf32, #tpu.memory_space<vmem>> -> memref<1x128x256xf32, #tpu.memory_space<vmem>>
      %dma_start3A_495 = tpu.memref_squeeze %dma_start3A_494 : memref<1x128x256xf32, #tpu.memory_space<vmem>> -> memref<128x256xf32, #tpu.memory_space<vmem>>
      %dma_start3A_496 = arith.constant 0 : i32
      %dma_start3A_497 = tpu.memref_slice %dma_start3A_495[%add3A_490, %dma_start3A_496] : memref<128x256xf32, #tpu.memory_space<vmem>> -> memref<1x256xf32, #tpu.memory_space<vmem>>
      %dma_start3A_498 = arith.constant 0 : i32
      %dma_start3A_499 = tpu.memref_slice %arg8[%squeeze3A_488, %dma_start3A_498] : memref<1000x256xf32, #tpu.memory_space<vmem_shared>> -> memref<1x256xf32, #tpu.memory_space<vmem_shared>>
      %dma_start3A_500 = arith.constant 0 : i32
      %dma_start3A_501 = arith.constant 0 : i32
      %dma_start3A_502 = tpu.memref_slice %arg7[%dma_start3A_491, %dma_start3A_500, %dma_start3A_501] : memref<3x128x256xf32, #tpu.memory_space<vmem>> -> memref<1x128x256xf32, #tpu.memory_space<vmem>>
      %dma_start3A_503 = tpu.memref_squeeze %dma_start3A_502 : memref<1x128x256xf32, #tpu.memory_space<vmem>> -> memref<128x256xf32, #tpu.memory_space<vmem>>
      %dma_start3A_504 = arith.constant 0 : i32
      %dma_start3A_505 = tpu.memref_slice %dma_start3A_503[%add3A_490, %dma_start3A_504] : memref<128x256xf32, #tpu.memory_space<vmem>> -> memref<1x256xf32, #tpu.memory_space<vmem>>
      %dma_start3A_506 = arith.constant 0 : i32
      %dma_start3A_507 = tpu.memref_slice %arg8[%squeeze3A_488, %dma_start3A_506] : memref<1000x256xf32, #tpu.memory_space<vmem_shared>> -> memref<1x256xf32, #tpu.memory_space<vmem_shared>>
      tpu.enqueue_dma source(%dma_start3A_507 : memref<1x256xf32, #tpu.memory_space<vmem_shared>>) target(%dma_start3A_505 : memref<1x256xf32, #tpu.memory_space<vmem>>) target_semaphore(%arg11 : memref<!tpu.dma_semaphore, #tpu.memory_space<semaphore_mem>>)
      %slice3A_508 = vector.extract_strided_slice %get3A_194 {offsets = [15], sizes = [1], strides = [1]} : vector<16xi32> to vector<1xi32>
      %squeeze3A_509 = vector.extract %slice3A_508[0] : i32 from vector<1xi32>
      %add3A_510 = arith.constant 15 : i32
      %add3A_511 = arith.addi %mul3A_189, %add3A_510 : i32
      %dma_start3A_512 = arith.constant 1 : i32
      %dma_start3A_513 = arith.constant 0 : i32
      %dma_start3A_514 = arith.constant 0 : i32
      %dma_start3A_515 = tpu.memref_slice %arg7[%dma_start3A_512, %dma_start3A_513, %dma_start3A_514] : memref<3x128x256xf32, #tpu.memory_space<vmem>> -> memref<1x128x256xf32, #tpu.memory_space<vmem>>
      %dma_start3A_516 = tpu.memref_squeeze %dma_start3A_515 : memref<1x128x256xf32, #tpu.memory_space<vmem>> -> memref<128x256xf32, #tpu.memory_space<vmem>>
      %dma_start3A_517 = arith.constant 0 : i32
      %dma_start3A_518 = tpu.memref_slice %dma_start3A_516[%add3A_511, %dma_start3A_517] : memref<128x256xf32, #tpu.memory_space<vmem>> -> memref<1x256xf32, #tpu.memory_space<vmem>>
      %dma_start3A_519 = arith.constant 0 : i32
      %dma_start3A_520 = tpu.memref_slice %arg8[%squeeze3A_509, %dma_start3A_519] : memref<1000x256xf32, #tpu.memory_space<vmem_shared>> -> memref<1x256xf32, #tpu.memory_space<vmem_shared>>
      %dma_start3A_521 = arith.constant 0 : i32
      %dma_start3A_522 = arith.constant 0 : i32
      %dma_start3A_523 = tpu.memref_slice %arg7[%dma_start3A_512, %dma_start3A_521, %dma_start3A_522] : memref<3x128x256xf32, #tpu.memory_space<vmem>> -> memref<1x128x256xf32, #tpu.memory_space<vmem>>
      %dma_start3A_524 = tpu.memref_squeeze %dma_start3A_523 : memref<1x128x256xf32, #tpu.memory_space<vmem>> -> memref<128x256xf32, #tpu.memory_space<vmem>>
      %dma_start3A_525 = arith.constant 0 : i32
      %dma_start3A_526 = tpu.memref_slice %dma_start3A_524[%add3A_511, %dma_start3A_525] : memref<128x256xf32, #tpu.memory_space<vmem>> -> memref<1x256xf32, #tpu.memory_space<vmem>>
      %dma_start3A_527 = arith.constant 0 : i32
      %dma_start3A_528 = tpu.memref_slice %arg8[%squeeze3A_509, %dma_start3A_527] : memref<1000x256xf32, #tpu.memory_space<vmem_shared>> -> memref<1x256xf32, #tpu.memory_space<vmem_shared>>
      tpu.enqueue_dma source(%dma_start3A_528 : memref<1x256xf32, #tpu.memory_space<vmem_shared>>) target(%dma_start3A_526 : memref<1x256xf32, #tpu.memory_space<vmem>>) target_semaphore(%arg11 : memref<!tpu.dma_semaphore, #tpu.memory_space<semaphore_mem>>)
    }
    %scan3A_84 = arith.constant 8 : i32
    %dma_wait3A_85 = arith.constant 0 : i32
    %dma_wait3A_86 = arith.constant 0 : i32
    %dma_wait3A_87 = arith.constant 0 : i32
    %dma_wait3A_88 = tpu.memref_slice %arg7[%dma_wait3A_85, %dma_wait3A_86, %dma_wait3A_87] : memref<3x128x256xf32, #tpu.memory_space<vmem>> -> memref<1x128x256xf32, #tpu.memory_space<vmem>>
    %dma_wait3A_89 = tpu.memref_squeeze %dma_wait3A_88 : memref<1x128x256xf32, #tpu.memory_space<vmem>> -> memref<128x256xf32, #tpu.memory_space<vmem>>
    %dma_wait3A_90 = arith.constant 0 : i32
    %dma_wait3A_91 = arith.constant 0 : i32
    %dma_wait3A_92 = tpu.memref_slice %arg2[%dma_wait3A_90, %dma_wait3A_91] : memref<1000x256xf32, #tpu.memory_space<hbm>> -> memref<128x256xf32, #tpu.memory_space<hbm>>
    %dma_wait3A_93 = arith.constant 0 : i32
    %dma_wait3A_94 = arith.constant 0 : i32
    %dma_wait3A_95 = tpu.memref_slice %arg7[%dma_wait3A_85, %dma_wait3A_93, %dma_wait3A_94] : memref<3x128x256xf32, #tpu.memory_space<vmem>> -> memref<1x128x256xf32, #tpu.memory_space<vmem>>
    %dma_wait3A_96 = tpu.memref_squeeze %dma_wait3A_95 : memref<1x128x256xf32, #tpu.memory_space<vmem>> -> memref<128x256xf32, #tpu.memory_space<vmem>>
    %dma_wait3A_97 = arith.constant 0 : i32
    %dma_wait3A_98 = arith.constant 0 : i32
    %dma_wait3A_99 = tpu.memref_slice %arg2[%dma_wait3A_97, %dma_wait3A_98] : memref<1000x256xf32, #tpu.memory_space<hbm>> -> memref<128x256xf32, #tpu.memory_space<hbm>>
    tpu.wait_dma2 semaphore(%arg10 : memref<!tpu.dma_semaphore, #tpu.memory_space<semaphore_mem>>) src(%dma_wait3A_99 : memref<128x256xf32, #tpu.memory_space<hbm>>) dst(%dma_wait3A_96 : memref<128x256xf32, #tpu.memory_space<vmem>>)
    %add3A_100 = arith.constant 6144 : i32
    %add3A_101 = arith.addi %mul3A_2, %add3A_100 : i32
    %dma_start3A = arith.constant 0 : i32
    %dma_start3A_102 = arith.constant 0 : i32
    %dma_start3A_103 = arith.constant 0 : i32
    %dma_start3A_104 = tpu.memref_slice %arg7[%dma_start3A, %dma_start3A_102, %dma_start3A_103] : memref<3x128x256xf32, #tpu.memory_space<vmem>> -> memref<1x128x256xf32, #tpu.memory_space<vmem>>
    %dma_start3A_105 = tpu.memref_squeeze %dma_start3A_104 : memref<1x128x256xf32, #tpu.memory_space<vmem>> -> memref<128x256xf32, #tpu.memory_space<vmem>>
    %dma_start3A_106 = arith.constant 0 : i32
    %dma_start3A_107 = tpu.memref_slice %arg5[%add3A_101, %dma_start3A_106] : memref<204800x256xf32, #tpu.memory_space<hbm>> -> memref<128x256xf32, #tpu.memory_space<hbm>>
    %dma_start3A_108 = arith.constant 0 : i32
    %dma_start3A_109 = tpu.memref_slice %arg5[%add3A_101, %dma_start3A_108] : memref<204800x256xf32, #tpu.memory_space<hbm>> -> memref<128x256xf32, #tpu.memory_space<hbm>>
    %dma_start3A_110 = arith.constant 0 : i32
    %dma_start3A_111 = arith.constant 0 : i32
    %dma_start3A_112 = tpu.memref_slice %arg7[%dma_start3A, %dma_start3A_110, %dma_start3A_111] : memref<3x128x256xf32, #tpu.memory_space<vmem>> -> memref<1x128x256xf32, #tpu.memory_space<vmem>>
    %dma_start3A_113 = tpu.memref_squeeze %dma_start3A_112 : memref<1x128x256xf32, #tpu.memory_space<vmem>> -> memref<128x256xf32, #tpu.memory_space<vmem>>
    tpu.enqueue_dma source(%dma_start3A_113 : memref<128x256xf32, #tpu.memory_space<vmem>>) target(%dma_start3A_109 : memref<128x256xf32, #tpu.memory_space<hbm>>) target_semaphore(%arg13 : memref<!tpu.dma_semaphore, #tpu.memory_space<semaphore_mem>>)
    %dma_wait3A_114 = arith.constant 2 : i32
    %dma_wait3A_115 = arith.constant 0 : i32
    %dma_wait3A_116 = arith.constant 0 : i32
    %dma_wait3A_117 = tpu.memref_slice %arg7[%dma_wait3A_114, %dma_wait3A_115, %dma_wait3A_116] : memref<3x128x256xf32, #tpu.memory_space<vmem>> -> memref<1x128x256xf32, #tpu.memory_space<vmem>>
    %dma_wait3A_118 = tpu.memref_squeeze %dma_wait3A_117 : memref<1x128x256xf32, #tpu.memory_space<vmem>> -> memref<128x256xf32, #tpu.memory_space<vmem>>
    %dma_wait3A_119 = arith.constant 0 : i32
    %dma_wait3A_120 = tpu.memref_slice %arg5[%mul3A_2, %dma_wait3A_119] : memref<204800x256xf32, #tpu.memory_space<hbm>> -> memref<128x256xf32, #tpu.memory_space<hbm>>
    %dma_wait3A_121 = arith.constant 0 : i32
    %dma_wait3A_122 = tpu.memref_slice %arg5[%mul3A_2, %dma_wait3A_121] : memref<204800x256xf32, #tpu.memory_space<hbm>> -> memref<128x256xf32, #tpu.memory_space<hbm>>
    %dma_wait3A_123 = arith.constant 0 : i32
    %dma_wait3A_124 = arith.constant 0 : i32
    %dma_wait3A_125 = tpu.memref_slice %arg7[%dma_wait3A_114, %dma_wait3A_123, %dma_wait3A_124] : memref<3x128x256xf32, #tpu.memory_space<vmem>> -> memref<1x128x256xf32, #tpu.memory_space<vmem>>
    %dma_wait3A_126 = tpu.memref_squeeze %dma_wait3A_125 : memref<1x128x256xf32, #tpu.memory_space<vmem>> -> memref<128x256xf32, #tpu.memory_space<vmem>>
    tpu.wait_dma2 semaphore(%arg15 : memref<!tpu.dma_semaphore, #tpu.memory_space<semaphore_mem>>) src(%dma_wait3A_126 : memref<128x256xf32, #tpu.memory_space<vmem>>) dst(%dma_wait3A_122 : memref<128x256xf32, #tpu.memory_space<hbm>>)
    %dma_wait3A_127 = arith.constant 1 : i32
    %dma_wait3A_128 = arith.constant 0 : i32
    %dma_wait3A_129 = arith.constant 0 : i32
    %dma_wait3A_130 = tpu.memref_slice %arg7[%dma_wait3A_127, %dma_wait3A_128, %dma_wait3A_129] : memref<3x128x256xf32, #tpu.memory_space<vmem>> -> memref<1x128x256xf32, #tpu.memory_space<vmem>>
    %dma_wait3A_131 = tpu.memref_squeeze %dma_wait3A_130 : memref<1x128x256xf32, #tpu.memory_space<vmem>> -> memref<128x256xf32, #tpu.memory_space<vmem>>
    %dma_wait3A_132 = arith.constant 0 : i32
    %dma_wait3A_133 = arith.constant 0 : i32
    %dma_wait3A_134 = tpu.memref_slice %arg2[%dma_wait3A_132, %dma_wait3A_133] : memref<1000x256xf32, #tpu.memory_space<hbm>> -> memref<128x256xf32, #tpu.memory_space<hbm>>
    %dma_wait3A_135 = arith.constant 0 : i32
    %dma_wait3A_136 = arith.constant 0 : i32
    %dma_wait3A_137 = tpu.memref_slice %arg7[%dma_wait3A_127, %dma_wait3A_135, %dma_wait3A_136] : memref<3x128x256xf32, #tpu.memory_space<vmem>> -> memref<1x128x256xf32, #tpu.memory_space<vmem>>
    %dma_wait3A_138 = tpu.memref_squeeze %dma_wait3A_137 : memref<1x128x256xf32, #tpu.memory_space<vmem>> -> memref<128x256xf32, #tpu.memory_space<vmem>>
    %dma_wait3A_139 = arith.constant 0 : i32
    %dma_wait3A_140 = arith.constant 0 : i32
    %dma_wait3A_141 = tpu.memref_slice %arg2[%dma_wait3A_139, %dma_wait3A_140] : memref<1000x256xf32, #tpu.memory_space<hbm>> -> memref<128x256xf32, #tpu.memory_space<hbm>>
    tpu.wait_dma2 semaphore(%arg11 : memref<!tpu.dma_semaphore, #tpu.memory_space<semaphore_mem>>) src(%dma_wait3A_141 : memref<128x256xf32, #tpu.memory_space<hbm>>) dst(%dma_wait3A_138 : memref<128x256xf32, #tpu.memory_space<vmem>>)
    %add3A_142 = arith.constant 6272 : i32
    %add3A_143 = arith.addi %mul3A_2, %add3A_142 : i32
    %dma_start3A_144 = arith.constant 1 : i32
    %dma_start3A_145 = arith.constant 0 : i32
    %dma_start3A_146 = arith.constant 0 : i32
    %dma_start3A_147 = tpu.memref_slice %arg7[%dma_start3A_144, %dma_start3A_145, %dma_start3A_146] : memref<3x128x256xf32, #tpu.memory_space<vmem>> -> memref<1x128x256xf32, #tpu.memory_space<vmem>>
    %dma_start3A_148 = tpu.memref_squeeze %dma_start3A_147 : memref<1x128x256xf32, #tpu.memory_space<vmem>> -> memref<128x256xf32, #tpu.memory_space<vmem>>
    %dma_start3A_149 = arith.constant 0 : i32
    %dma_start3A_150 = tpu.memref_slice %arg5[%add3A_143, %dma_start3A_149] : memref<204800x256xf32, #tpu.memory_space<hbm>> -> memref<128x256xf32, #tpu.memory_space<hbm>>
    %dma_start3A_151 = arith.constant 0 : i32
    %dma_start3A_152 = tpu.memref_slice %arg5[%add3A_143, %dma_start3A_151] : memref<204800x256xf32, #tpu.memory_space<hbm>> -> memref<128x256xf32, #tpu.memory_space<hbm>>
    %dma_start3A_153 = arith.constant 0 : i32
    %dma_start3A_154 = arith.constant 0 : i32
    %dma_start3A_155 = tpu.memref_slice %arg7[%dma_start3A_144, %dma_start3A_153, %dma_start3A_154] : memref<3x128x256xf32, #tpu.memory_space<vmem>> -> memref<1x128x256xf32, #tpu.memory_space<vmem>>
    %dma_start3A_156 = tpu.memref_squeeze %dma_start3A_155 : memref<1x128x256xf32, #tpu.memory_space<vmem>> -> memref<128x256xf32, #tpu.memory_space<vmem>>
    tpu.enqueue_dma source(%dma_start3A_156 : memref<128x256xf32, #tpu.memory_space<vmem>>) target(%dma_start3A_152 : memref<128x256xf32, #tpu.memory_space<hbm>>) target_semaphore(%arg14 : memref<!tpu.dma_semaphore, #tpu.memory_space<semaphore_mem>>)
    %dma_wait3A_157 = arith.constant 0 : i32
    %dma_wait3A_158 = arith.constant 0 : i32
    %dma_wait3A_159 = arith.constant 0 : i32
    %dma_wait3A_160 = tpu.memref_slice %arg7[%dma_wait3A_157, %dma_wait3A_158, %dma_wait3A_159] : memref<3x128x256xf32, #tpu.memory_space<vmem>> -> memref<1x128x256xf32, #tpu.memory_space<vmem>>
    %dma_wait3A_161 = tpu.memref_squeeze %dma_wait3A_160 : memref<1x128x256xf32, #tpu.memory_space<vmem>> -> memref<128x256xf32, #tpu.memory_space<vmem>>
    %dma_wait3A_162 = arith.constant 0 : i32
    %dma_wait3A_163 = tpu.memref_slice %arg5[%mul3A_2, %dma_wait3A_162] : memref<204800x256xf32, #tpu.memory_space<hbm>> -> memref<128x256xf32, #tpu.memory_space<hbm>>
    %dma_wait3A_164 = arith.constant 0 : i32
    %dma_wait3A_165 = tpu.memref_slice %arg5[%mul3A_2, %dma_wait3A_164] : memref<204800x256xf32, #tpu.memory_space<hbm>> -> memref<128x256xf32, #tpu.memory_space<hbm>>
    %dma_wait3A_166 = arith.constant 0 : i32
    %dma_wait3A_167 = arith.constant 0 : i32
    %dma_wait3A_168 = tpu.memref_slice %arg7[%dma_wait3A_157, %dma_wait3A_166, %dma_wait3A_167] : memref<3x128x256xf32, #tpu.memory_space<vmem>> -> memref<1x128x256xf32, #tpu.memory_space<vmem>>
    %dma_wait3A_169 = tpu.memref_squeeze %dma_wait3A_168 : memref<1x128x256xf32, #tpu.memory_space<vmem>> -> memref<128x256xf32, #tpu.memory_space<vmem>>
    tpu.wait_dma2 semaphore(%arg13 : memref<!tpu.dma_semaphore, #tpu.memory_space<semaphore_mem>>) src(%dma_wait3A_169 : memref<128x256xf32, #tpu.memory_space<vmem>>) dst(%dma_wait3A_165 : memref<128x256xf32, #tpu.memory_space<hbm>>)
    %dma_wait3A_170 = arith.constant 1 : i32
    %dma_wait3A_171 = arith.constant 0 : i32
    %dma_wait3A_172 = arith.constant 0 : i32
    %dma_wait3A_173 = tpu.memref_slice %arg7[%dma_wait3A_170, %dma_wait3A_171, %dma_wait3A_172] : memref<3x128x256xf32, #tpu.memory_space<vmem>> -> memref<1x128x256xf32, #tpu.memory_space<vmem>>
    %dma_wait3A_174 = tpu.memref_squeeze %dma_wait3A_173 : memref<1x128x256xf32, #tpu.memory_space<vmem>> -> memref<128x256xf32, #tpu.memory_space<vmem>>
    %dma_wait3A_175 = arith.constant 0 : i32
    %dma_wait3A_176 = tpu.memref_slice %arg5[%mul3A_2, %dma_wait3A_175] : memref<204800x256xf32, #tpu.memory_space<hbm>> -> memref<128x256xf32, #tpu.memory_space<hbm>>
    %dma_wait3A_177 = arith.constant 0 : i32
    %dma_wait3A_178 = tpu.memref_slice %arg5[%mul3A_2, %dma_wait3A_177] : memref<204800x256xf32, #tpu.memory_space<hbm>> -> memref<128x256xf32, #tpu.memory_space<hbm>>
    %dma_wait3A_179 = arith.constant 0 : i32
    %dma_wait3A_180 = arith.constant 0 : i32
    %dma_wait3A_181 = tpu.memref_slice %arg7[%dma_wait3A_170, %dma_wait3A_179, %dma_wait3A_180] : memref<3x128x256xf32, #tpu.memory_space<vmem>> -> memref<1x128x256xf32, #tpu.memory_space<vmem>>
    %dma_wait3A_182 = tpu.memref_squeeze %dma_wait3A_181 : memref<1x128x256xf32, #tpu.memory_space<vmem>> -> memref<128x256xf32, #tpu.memory_space<vmem>>
    tpu.wait_dma2 semaphore(%arg14 : memref<!tpu.dma_semaphore, #tpu.memory_space<semaphore_mem>>) src(%dma_wait3A_182 : memref<128x256xf32, #tpu.memory_space<vmem>>) dst(%dma_wait3A_178 : memref<128x256xf32, #tpu.memory_space<hbm>>)
    return
  }
}

</mosaic_0001>

<sc_bundles>
// kernel: kernel.3.cloned.1.call-start
scs
__scs_entry_jumppad:
0x0: {  	(pc) =	sbr.rel $0x88, $3  }
0x1: {  	(tag) =	ssettag $0x0;
	lr =	simm.s32 $0x1  }
0x2: {  	[smem:$0x3F9E] =	sst lr;
	_ =	strace $0xD0000000  }
0x3: {  	_ = 	snop  }
0x4: {  	_ = 	snop  }
0x5: {  	_ = 	snop  }
0x6: {  	_ = 	snop  }
0x7: {  	_ = 	snop  }
__scs_overlays_trampoline_lowered:
0x8: {  	[smem:$0x3FAD] =	sst s0  }
0x9: {  	[smem:$0x3FAE] =	sst s1  }
0xa: {  	[smem:$0x3FAF] =	sst s2  }
0xb: {  	[smem:$0x3FB0] =	sst s3  }
0xc: {  	[smem:$0x3FB1] =	sst s4  }
0xd: {  	[smem:$0x3FB2] =	sst s5  }
0xe: {  	[smem:$0x3FB3] =	sst s6  }
0xf: {  	[smem:$0x3FB4] =	sst s7  }
0x10: {  	[smem:$0x3FB5] =	sst s8  }
0x11: {  	[smem:$0x3FB6] =	sst s9;
	s0 =	simm.s32 @!p0 $0x0  }
0x12: {  	s1 =	sld [smem:$0x3F9C];
	s0 =	simm.s32 @p0 $0x1  }
0x13: {  	[smem:$0x3FB7] =	sst s0;
	s0 =	simm.s32 @!p1 $0x0  }
0x14: {  	s2 =	sld [smem:$0x3F9B];
	s0 =	simm.s32 @p1 $0x1  }
0x15: {  	[smem:$0x3FB8] =	sst s0;
	s0 =	simm.s32 @!p2 $0x0  }
0x16: {  	s3 =	sld [smem:$0x3FDB];
	s0 =	simm.s32 @p2 $0x1  }
0x17: {  	s4 =	simm.s32 $0x1BF5;
	[smem:$0x3FBA] =	sst s0  }
0x18: {  	s0 =	sld [smem:$0x3F9D];
	_ =	swait.ge [sflag:s4], $0x0  }
0x19: {  	s7 =	sld [smem:$0x3F9E]  }
0x1a: {  	s8 =	sadd.s32 $0xFFFFE003, lr  }
0x1b: {  	s9 =	sadd.s32 $0xFFFFFEF7, lr;
	s5 =	simm.s32 $0xFFFFFFFF;
	p2 =	slt.u32 s8, $0xFFFFF086  }
0x1c: {  	p1 =	slt.u32 s9, $0xF7A;
	s5 =	simm.s32 @!p2 $0x0  }
0x1d: {  	s5 =	simm.s32 @p1 $0x1;
	p0 =	seq.s32 s7, s2  }
0x1e: {  	s7 =	smul.u32 @!p0 $0xF7A, s2;
	p2 =	seq.s32 @!p0 s5, $0x0  }
0x1f: {  	s9 =	smul.u32 $0xF7A, s1;
	s8 =	simm.s32 @!p0 $0x1BF5;
	p2 =	por !p2, p0  }
0x20: {  	[sflag:s8] =	ssyncset.s32 @!p0 $0xFFFFF086;
	s6 =	sadd.s32 @!p0 s3, s7;
	s7 =	simm.s32 @!p0 $0x108  }
0x21: {  	s3 =	sadd.s32 s3, s9;
	s6 =	sadd.s32 @!p0 $0x88, s6;
	s7 =	simm.s32 @p2 $0x1082  }
0x22: {  	[simem:s7], [sflag:s8] =	dma.local @!p0 [hbm:s6], $0xF7A  }
0x23: {  	s9 =	sor.u32 $0xD0000000, s2;
	s6 =	simm.s32 $0x108;
	_ =	swait.ge @!p0 [sflag:s8], $0x0  }
0x24: {  	s3 =	sadd.s32 $0x88, s3;
	s6 =	simm.s32 @!p1 $0x1082;
	[sflag:s4] =	ssyncset.s32 $0xFFFFF086  }
0x25: {  	[simem:s6], [sflag:s4] =	dma.local [hbm:s3], $0xF7A  }
0x26: {  	[smem:$0x3F9E] =	sst s1;
	(tag) =	ssettag s2;
	_ =	strace s9  }
0x27: {  	s1 =	sld [smem:$0x3FAE]  }
0x28: {  	s2 =	sld [smem:$0x3FAF]  }
0x29: {  	s4 =	sld [smem:$0x3FB1]  }
0x2a: {  	p0 =	seq.s32 s5, $0x0;
	s5 =	sld [smem:$0x3FB2]  }
0x2b: {  	s6 =	sld [smem:$0x3FB3]  }
0x2c: {  	s7 =	sld [smem:$0x3FB4]  }
0x2d: {  	s3 =	simm.s32 $0x108;
	s8 =	sld [smem:$0x3FB5]  }
0x2e: {  	s3 =	simm.s32 @!p0 $0x1082;
	s9 =	sld [smem:$0x3FB6]  }
0x2f: {  	lr =	sadd.s32 s0, s3;
	s0 =	sld [smem:$0x3FAD]  }
0x30: {  	s3 =	sld [smem:$0x3FB0]  }
0x31: {  	[smem:$0x3FB9] =	sst s10  }
0x32: {  	s10 =	sld [smem:$0x3FB7];
	_ =	sdelay $0x3  }
0x33: {  	p0 =	seq.s32 s10, $0x1;
	s10 =	sld [smem:$0x3FB9];
	_ =	sdelay $0x3  }
0x34: {  	[smem:$0x3FB9] =	sst s10  }
0x35: {  	s10 =	sld [smem:$0x3FB8];
	_ =	sdelay $0x3  }
0x36: {  	p1 =	seq.s32 s10, $0x1;
	s10 =	sld [smem:$0x3FB9];
	_ =	sdelay $0x3  }
0x37: {  	[smem:$0x3FB9] =	sst s10  }
0x38: {  	s10 =	sld [smem:$0x3FBA]  }
0x39: {  	_ = 	snop;
	(pc) =	sbr.ind lr, $3  }
0x3a: {  	_ = 	snop  }
0x3b: {  	_ = 	snop  }
0x3c: {  	p2 =	seq.s32 s10, $0x1;
	s10 =	sld [smem:$0x3FB9]  }
0x3d: {  	_ =	shalt  }
0x3e: {  	_ =	shalt  }
0x3f: {  	_ =	shalt  }
0x40: {  	_ =	shalt  }
0x41: {  	_ =	shalt  }
0x42: {  	_ =	shalt  }
0x43: {  	_ =	shalt  }
0x44: {  	_ =	shalt  }
0x45: {  	_ =	shalt  }
0x46: {  	_ =	shalt  }
0x47: {  	_ =	shalt  }
0x48: {  	_ =	shalt  }
0x49: {  	_ =	shalt  }
0x4a: {  	_ =	shalt  }
0x4b: {  	_ =	shalt  }
0x4c: {  	_ =	shalt  }
0x4d: {  	_ =	shalt  }
0x4e: {  	_ =	shalt  }
0x4f: {  	_ =	shalt  }
0x50: {  	_ =	shalt  }
0x51: {  	_ =	shalt  }
0x52: {  	_ =	shalt  }
0x53: {  	_ =	shalt  }
0x54: {  	_ =	shalt  }
0x55: {  	_ =	shalt  }
0x56: {  	_ =	shalt  }
0x57: {  	_ =	shalt  }
0x58: {  	_ =	shalt  }
0x59: {  	_ =	shalt  }
0x5a: {  	_ =	shalt  }
0x5b: {  	_ =	shalt  }
0x5c: {  	_ =	shalt  }
0x5d: {  	_ =	shalt  }
0x5e: {  	_ =	shalt  }
0x5f: {  	_ =	shalt  }
0x60: {  	_ =	shalt  }
0x61: {  	_ =	shalt  }
0x62: {  	_ =	shalt  }
0x63: {  	_ =	shalt  }
0x64: {  	_ =	shalt  }
0x65: {  	_ =	shalt  }
0x66: {  	_ =	shalt  }
0x67: {  	_ =	shalt  }
0x68: {  	_ =	shalt  }
0x69: {  	_ =	shalt  }
0x6a: {  	_ =	shalt  }
0x6b: {  	_ =	shalt  }
0x6c: {  	_ =	shalt  }
0x6d: {  	_ =	shalt  }
0x6e: {  	_ =	shalt  }
0x6f: {  	_ =	shalt  }
0x70: {  	_ =	shalt  }
0x71: {  	_ =	shalt  }
0x72: {  	_ =	shalt  }
0x73: {  	_ =	shalt  }
0x74: {  	_ =	shalt  }
0x75: {  	_ =	shalt  }
0x76: {  	_ =	shalt  }
0x77: {  	_ =	shalt  }
0x78: {  	_ =	shalt  }
0x79: {  	_ =	shalt  }
0x7a: {  	_ =	shalt  }
0x7b: {  	_ =	shalt  }
0x7c: {  	_ =	shalt  }
0x7d: {  	_ =	shalt  }
0x7e: {  	_ =	shalt  }
0x7f: {  	_ =	shalt  }
0x80: {  	_ =	shalt  }
0x81: {  	_ =	shalt  }
0x82: {  	_ =	shalt  }
0x83: {  	_ =	shalt  }
0x84: {  	_ =	shalt  }
0x85: {  	_ =	shalt  }
0x86: {  	_ =	shalt  }
0x87: {  	_ =	shalt  }
.Lfunc_end0:
.L_simem_size_0:
called_computation_lowered:
.L_overlay_start_0:
0x88: {  	s2 =	sld [smem:$0x3FD9]  }
0x89: {  	s3 =	sld [smem:$0x3FFE];
	_ =	sdelay $0x1  }
0x8a: {  	s1 =	srdreg.scid  }
0x8b: {  	s0 =	sand.u32 $0x1, s1  }
0x8c: {  	s17 =	sshll.u32 s0, $0xA;
	s2 =	sadd.s32 s3, s2  }
0x8d: {  	s2 =	sadd.s32 s2, s17  }
0x8e: {  	[smem:$0x3FC5] =	sst s2  }
0x8f: {  	_ = 	snop  }
0x90: {  	s2 =	sld [smem:$0x3FC8]  }
0x91: {  	s18 =	sld [smem:$0x3FC7]  }
0x92: {  	s4 =	sld [smem:$0x3FD0];
	(tm) =	ssettm $0x1  }
0x93: {  	s5 =	sld [smem:$0x3FFB];
	_ =	sdelay $0x3  }
0x94: {  	_ =	strace s5  }
0x95: {  	s5 =	sld [smem:$0x3FFC];
	_ =	sdelay $0x3  }
0x96: {  	_ =	strace s5  }
0x97: {  	s5 =	sld [smem:$0x3FFD];
	_ =	sdelay $0x3  }
0x98: {  	_ =	strace s5  }
0x99: {  	_ =	strace $0x8FFFFFFF  }
0x9a: {  	s19 =	sld [smem:$0x3FDB];
	_ =	sdelay $0x1  }
0x9b: {  	s6 =	simm.s32 $_scs_section_size  }
0x9c: {  	s7 =	simm.s32 $_size__tile_overlayer_lowered;
	s8 =	simm.s32 $_tile_overlayer_lowered  }
0x9d: {  	s22 =	simm.s32 $0x1BFF;
	s21 =	sshll.u32 s8, $0x1;
	s5 =	sadd.s32 s6, s19  }
0x9e: {  	s9 =	simm.s32 $0x0;
	s20 =	sshll.u32 s7, $0x1;
	s7 =	sadd.s32 s21, s5  }
0x9f: {  	[timem:s9], [sflag:s22] =	dma.local [hbm:s7], s20  }
0xa0: {  	_ =	swait.ge [sflag:s22], s20  }
0xa1: {  	s6 =	ssub.s32 $0x0, s20;
	[sflag:s22] =	ssyncset.done $0x0  }
0xa2: {  	[sflag:s22] =	ssyncadd.s32 s6;
	_ =	sdelay $0x1  }
0xa3: {  	s23 =	simm.s32 $0x1B8B  }
0xa4: {  	_ =	swait.ge [sflag:s23], $0x1  }
0xa5: {  	[sflag:s23] =	ssyncset.done $0x0  }
0xa6: {  	s25 =	simm.s32 $0x1B8E;
	s24 =	sld [smem:$0x3FFE];
	[sflag:s23] =	ssyncadd.s32 $0xFFFFFFFF  }
0xa7: {  	s26 =	simm.s32 $execute0_lowered;
	[smem:$0x3FD2] =	sst s25  }
0xa8: {  	s7 =	sshll.u32 s26, $0x1;
	_ =	strace $0x80000046;
	[dreg:$0x1] =	wrdreg $0xFFFFFFFF  }
0xa9: {  	s28 =	simm.s32 $_size_execute0_lowered;
	s5 =	sadd.s32 s5, s7;
	[dreg:$0x0] =	wrdreg $0x0  }
0xaa: {  	s7 =	sshll.u32 s28, $0x1;
	[dreg:$0x2] =	wrdreg s5  }
0xab: {  	[dreg:$0x3] =	wrdreg s7  }
0xac: {  	[dreg:$0x4] =	wrdreg $0xC0  }
0xad: {  	_ =	task [dreg:s9], $0x5FFFF  }
0xae: {  	[dreg:$0x1] =	wrdreg $0xFFFFFFFF  }
0xaf: {  	[dreg:$0x0] =	wrdreg $0x60  }
0xb0: {  	[dreg:$0x2] =	wrdreg s2  }
0xb1: {  	[dreg:$0x3] =	wrdreg s18  }
0xb2: {  	[dreg:$0x4] =	wrdreg s24  }
0xb3: {  	[dreg:$0x5] =	wrdreg s4  }
0xb4: {  	[dreg:$0x6] =	wrdreg $0x199800  }
0xb5: {  	[dreg:$0x7] =	wrdreg $0x9  }
0xb6: {  	_ =	task.clear_ibuf [dreg:s9], $0x8FFFF;
	_ =	strace $0x90000046  }
0xb7: {  	s29 =	simm.s32 $0x9;
	_ =	strace $0x80000048  }
0xb8: {  	_ =	swait.ge [sflag:s29], $0x1  }
0xb9: {  	[sflag:s29] =	ssyncadd.s32 $0xFFFFFFFF  }
0xba: {  	_ =	strace $0x90000048  }
0xbb: {  	_ =	sfence  }
0xbc: {  	s30 =	sld [smem:$0x0];
	_ =	sdelay $0x2  }
0xbd: {  	s31 =	sshll.u32 s1, $0xD;
	s1 =	sshrl.u32 s1, $0x2  }
0xbe: {  	s3 =	sand.u32 $0x4000, s31;
	s1 =	sadd.s32 s1, s30  }
0xbf: {  	s0 =	sor.u32 s3, s0;
	s1 =	sshll.u32 s1, $0x11  }
0xc0: {  	s0 =	sor.u32 s1, s0  }
0xc1: {  	s0 =	sadd.s32 $0x8F2B, s0  }
0xc2: {  	[sflag:s0] =	ssyncadd.remote.s32 $0x1  }
0xc3: {  	_ =	sfence.sel $0xFFFF  }
0xc4: {  	[dreg:$0x0] =	wrdreg $0xFFFFFFFF;
	(pc) =	sbr.abs _section_cstart, $3  }
0xc5: {  	[dreg:$0x1] =	wrdreg $0xFFFFFFFF  }
0xc6: {  	_ =	task.clear_ibuf [dreg:s9], $0x2FFFF;
	_ =	strace $0x9FFFFFFF  }
0xc7: {  	(tm) =	ssettm $0x7FFFFFFF  }
tec
execute0_lowered:
.L_overlay_start_1:
0x0: {  	(tag) =	ssettag $0x1  }
0x1: {  	s0 =	rddreg [dreg:$0x0]  }
0x2: {  	s1 =	srdreg.scid;
	s3 =	rddreg [dreg:$0x2]  }
0x3: {  	s6 =	stileid.u32;
	s7 =	rddreg [dreg:$0x3]  }
0x4: {  	s21 =	rddreg [dreg:$0x4];
	s8 =	simm.s32 $0x0;
	s1 =	sand.u32 $0x1, s1  }
0x5: {  	s2 =	sshll.u32 s6, $0x1;
	s4 =	sshrl.u32 s6, $0x2;
	[smem:$0x7FF] =	sst s8  }
0x6: {  	s20 =	sshll.u32 s6, $0x6;
	s2 =	sor.u32 s1, s2;
	s4 =	smul.u32 $0xC800, s4  }
0x7: {  	_ =	strace $0x80000047;
	s1 =	ssub.s32 $0x2, s1;
	s22 =	smul.u32 $0x190000, s2  }
0x8: {  	s23 =	smin.u32 s20, $0x3A8;
	s5 =	sshll.u32 s2, $0x7;
	s2 =	smul.u32 $0x1900, s2  }
0x9: {  	s19 =	sshrl.u32 s1, $0x1;
	s24 =	sshll.u32 s23, $0x5;
	s5 =	sand.u32 $0x380, s5  }
0xa: {  	s1 =	ssub.s32 s1, s19;
	s0 =	sadd.s32 s0, s24;
	[smem:$0x7F6] =	sst s2  }
0xb: {  	s4 =	sor.u32 s4, s5;
	s2 =	sshll.u32 s23, $0x8;
	[smem:$0x7F7] =	sst s22  }
0xc: {  	s25 =	sshrl.u32 s22, $0x3;
	[smem:$0x7F8] =	sst s0;
	s31 =	smax.u32 s1, $0x1  }
0xd: {  	s26 =	sadd.s32 s2, s21;
	s28 =	sadd.s32 s7, s25;
	[smem:$0x7FD] =	sst s31  }
0xe: {  	s4 =	sshrl.u32 s4, $0x3;
	[smem:$0x7F9] =	sst s26;
	s30 =	sadd.s32 $0x30000, s28  }
0xf: {  	s3 =	sadd.s32 s4, s3;
	s0 =	sadd.s32 $0x31000, s28;
	[smem:$0x7FB] =	sst s30  }
0x10: {  	s6 =	simm.s32 $0x1980;
	s29 =	sadd.s32 $0x400, s3;
	[smem:$0x7FC] =	sst s0  }
0x11: {  	s5 =	simm.s32 $0x7;
	s2 =	simm.s32 $0x0;
	[smem:$0x7FA] =	sst s29  }
.LBB2_1:
0x12: {  	[smem:$0x7F5] =	sst s2  }
0x13: {  	s0 =	rddreg [dreg:$0x1];
	s1 =	simm.s32 $0x1D800  }
0x14: {  	[tilespmem:s1], [sflag:$0x7] =	stream.linear.gather [hbm4b:s0+s8], $0x100, $0x38;
	[tilespmem:$0x1D900] =	vst v63  }
0x15: {  	_ =	swait.ge [sflag:s5], $0x100  }
0x16: {  	s29 =	sld [smem:$0x7F8]  }
0x17: {  	[sflag:s5] =	ssyncset.done $0x0  }
0x18: {  	[sflag:s5] =	ssyncadd.s32 $0xFFFFFF00  }
0x19: {  	[tilespmem:s6], [sflag:$0x7] =	stream.linear.gather [hbm4b:s29+s8], $0x4000, $0x38;
	[tilespmem:$0x1D900] =	vst v63  }
0x1a: {  	_ =	swait.ge [sflag:s5], $0x4000  }
0x1b: {  	[sflag:s5] =	ssyncset.done $0x0  }
0x1c: {  	[sflag:s5] =	ssyncadd.s32 $0xFFFFC000  }
0x1d: {  	v1 =	vld [tilespmem:$0x1D800]  }
0x1e: {  	v4 =	vld [tilespmem:$0x1D810]  }
0x1f: {  	v6 =	vld [tilespmem:$0x1D820]  }
0x20: {  	v8 =	vld [tilespmem:$0x1D830]  }
0x21: {  	v9 =	vld [tilespmem:$0x1D840]  }
0x22: {  	v11 =	vld [tilespmem:$0x1D850]  }
0x23: {  	v12 =	vld [tilespmem:$0x1D860]  }
0x24: {  	v14 =	vld [tilespmem:$0x1D870]  }
0x25: {  	v15 =	vld [tilespmem:$0x1D880]  }
0x26: {  	v13 =	vld [tilespmem:$0x1D890]  }
0x27: {  	v10 =	vld [tilespmem:$0x1D8A0]  }
0x28: {  	v7 =	vld [tilespmem:$0x1D8B0]  }
0x29: {  	v5 =	vld [tilespmem:$0x1D8C0]  }
0x2a: {  	v2 =	vld [tilespmem:$0x1D8D0]  }
0x2b: {  	s30 =	sand.u32 $0x3800, s8;
	s31 =	sand.u32 $0x380, s8;
	v0 =	vld [tilespmem:$0x1D8E0]  }
0x2c: {  	s0 =	sor.u32 s31, s30;
	v3 =	vld [tilespmem:$0x1D8F0]  }
0x2d: {  	v16 =	vld [tilespmem:s0+$0x1980]  }
0x2e: {  	v17 =	vld [tilespmem:s0+$0x1990]  }
0x2f: {  	v18 =	vld [tilespmem:s0+$0x19A0]  }
0x30: {  	v19 =	vld [tilespmem:s0+$0x19B0]  }
0x31: {  	v20 =	vld [tilespmem:s0+$0x19C0]  }
0x32: {  	v21 =	vld [tilespmem:s0+$0x19D0];
	v16 =	vadd.f32 v16, v1  }
0x33: {  	v22 =	vld [tilespmem:s0+$0x19E0];
	v17 =	vadd.f32 v17, v4  }
0x34: {  	v23 =	vld [tilespmem:s0+$0x19F0];
	[tilespmem:s0+$0x1980] =	vst v16;
	v16 =	vadd.f32 v18, v6  }
0x35: {  	v24 =	vld [tilespmem:s0+$0x1D80];
	[tilespmem:s0+$0x1990] =	vst v17;
	v17 =	vadd.f32 v19, v8  }
0x36: {  	v19 =	vld [tilespmem:s0+$0x1D90];
	[tilespmem:s0+$0x19A0] =	vst v16;
	v16 =	vadd.f32 v20, v9  }
0x37: {  	v18 =	vld [tilespmem:s0+$0x1DA0];
	[tilespmem:s0+$0x19B0] =	vst v17;
	v17 =	vadd.f32 v21, v11  }
0x38: {  	v20 =	vadd.f32 v22, v12;
	[tilespmem:s0+$0x19C0] =	vst v16;
	v16 =	vld [tilespmem:s0+$0x1DB0]  }
0x39: {  	v22 =	vadd.f32 v23, v14;
	[tilespmem:s0+$0x19D0] =	vst v17;
	v17 =	vld [tilespmem:s0+$0x1DC0]  }
0x3a: {  	s2 =	simm.s32 $0x100;
	s1 =	simm.s32 $0x80;
	v21 =	vadd.f32 v24, v15;
	[tilespmem:s0+$0x19E0] =	vst v20;
	v20 =	vld [tilespmem:s0+$0x1DD0]  }
.LBB2_2:
0x3b: {  	s3 =	sand.u32 $0x3800, s2;
	s4 =	sand.u32 $0x380, s1;
	p0 =	sne.s32 s2, $0x3F00;
	[tilespmem:s0+$0x19F0] =	vst v22;
	v19 =	vadd.f32 v19, v13;
	v22 =	vld [tilespmem:s0+$0x1DE0]  }
0x3c: {  	s3 =	sor.u32 s4, s3;
	[tilespmem:s0+$0x1D80] =	vst v21;
	v18 =	vadd.f32 v18, v10;
	v21 =	vld [tilespmem:s0+$0x1DF0]  }
0x3d: {  	v23 =	vld [tilespmem:s3+$0x1980];
	[tilespmem:s0+$0x1D90] =	vst v19;
	v16 =	vadd.f32 v16, v7  }
0x3e: {  	v19 =	vld [tilespmem:s3+$0x1990];
	[tilespmem:s0+$0x1DA0] =	vst v18;
	v17 =	vadd.f32 v17, v5  }
0x3f: {  	v18 =	vld [tilespmem:s3+$0x19A0];
	[tilespmem:s0+$0x1DB0] =	vst v16;
	v16 =	vadd.f32 v20, v2  }
0x40: {  	v20 =	vld [tilespmem:s3+$0x19B0];
	[tilespmem:s0+$0x1DC0] =	vst v17;
	v17 =	vadd.f32 v22, v0  }
0x41: {  	v22 =	vld [tilespmem:s3+$0x19C0];
	[tilespmem:s0+$0x1DD0] =	vst v16;
	v16 =	vadd.f32 v21, v3  }
0x42: {  	v21 =	vadd.f32 v23, v1;
	v23 =	vld [tilespmem:s3+$0x19D0];
	[tilespmem:s0+$0x1DE0] =	vst v17  }
0x43: {  	v17 =	vadd.f32 v19, v4;
	v24 =	vld [tilespmem:s3+$0x19E0];
	[tilespmem:s0+$0x1DF0] =	vst v16;
	s0 =	smov.u32 s3  }
0x44: {  	[tilespmem:s0+$0x1980] =	vst v21;
	v16 =	vadd.f32 v18, v6;
	v21 =	vld [tilespmem:s0+$0x19F0]  }
0x45: {  	[tilespmem:s0+$0x1990] =	vst v17;
	v17 =	vadd.f32 v20, v8;
	v20 =	vld [tilespmem:s0+$0x1D80]  }
.Ltmp0:
0x46: {  	[tilespmem:s0+$0x19A0] =	vst v16;
	v16 =	vadd.f32 v22, v9;
	v19 =	vld [tilespmem:s0+$0x1D90];
	(pc) =	sbr.rel @p0 .LBB2_2-.Ltmp0, $4  }
0x47: {  	[tilespmem:s0+$0x19B0] =	vst v17;
	v17 =	vadd.f32 v23, v11;
	v18 =	vld [tilespmem:s0+$0x1DA0]  }
0x48: {  	[tilespmem:s0+$0x19C0] =	vst v16;
	v23 =	vadd.f32 v24, v12;
	v16 =	vld [tilespmem:s0+$0x1DB0]  }
0x49: {  	[tilespmem:s0+$0x19D0] =	vst v17;
	v22 =	vadd.f32 v21, v14;
	v17 =	vld [tilespmem:s0+$0x1DC0]  }
0x4a: {  	s1 =	sadd.s32 $0x80, s1;
	s2 =	sadd.s32 $0x100, s2;
	[tilespmem:s0+$0x19E0] =	vst v23;
	v21 =	vadd.f32 v20, v15;
	v20 =	vld [tilespmem:s0+$0x1DD0]  }
0x4b: {  	[tilespmem:s0+$0x19F0] =	vst v22;
	v1 =	vadd.f32 v19, v13;
	v4 =	vld [tilespmem:s0+$0x1DE0]  }
0x4c: {  	v8 =	vld [tilespmem:s0+$0x1DF0];
	[tilespmem:s0+$0x1D80] =	vst v21;
	v6 =	vadd.f32 v18, v10  }
0x4d: {  	[tilespmem:s0+$0x1D90] =	vst v1;
	v1 =	vadd.f32 v16, v7  }
0x4e: {  	[tilespmem:s0+$0x1DA0] =	vst v6;
	v5 =	vadd.f32 v17, v5  }
0x4f: {  	[tilespmem:s0+$0x1DB0] =	vst v1;
	v1 =	vadd.f32 v20, v2  }
0x50: {  	[tilespmem:s0+$0x1DC0] =	vst v5;
	v0 =	vadd.f32 v4, v0  }
0x51: {  	s4 =	sld [smem:$0x7F9];
	[tilespmem:s0+$0x1DD0] =	vst v1;
	v1 =	vadd.f32 v8, v3  }
0x52: {  	[tilespmem:s0+$0x1DE0] =	vst v0  }
0x53: {  	[tilespmem:s0+$0x1DF0] =	vst v1  }
0x54: {  	[spmem:s4] =	stream.linear.scatter [tilespmem:s6], [sflag:$0x7], $0x4000, $0x38;
	[tilespmem:$0x1D900] =	vst v63  }
0x55: {  	_ =	swait.ge [sflag:s5], $0x4000  }
0x56: {  	s7 =	sld [smem:$0x7FA]  }
0x57: {  	s3 =	simm.s32 $0x0;
	[sflag:s5] =	ssyncset.done $0x0  }
0x58: {  	s1 =	simm.s32 $0x80;
	s2 =	simm.s32 $0x400;
	[sflag:s5] =	ssyncadd.s32 $0xFFFFC000  }
0x59: {  	[tilespmem:s3], [sflag:$0x7] =	stream.strided.gather [hbm4b:s7+s1], $0x1900, s2, s1, $0x38;
	[tilespmem:$0x1D900] =	vst v63  }
0x5a: {  	_ =	swait.ge [sflag:s5], $0x1900  }
0x5b: {  	[sflag:s5] =	ssyncset.done $0x0  }
0x5c: {  	[sflag:s5] =	ssyncadd.s32 $0xFFFFE700  }
0x5d: {  	[bflag:$0x0] =	sbarrier.arrive $0xFFFF  }
0x5e: {  	v0 =	vld [tilespmem:s3+$0x0];
	_ =	sdelay $0x4  }
0x5f: {  	(v2sf) =	vpush v0, $0x1;
	_ =	sdelay $0x1  }
0x60: {  	(v2sf) =	vpush v0, $0x0  }
0x61: {  	(v2sf) =	vpush v0, $0x4;
	_ =	sdelay $0x2  }
0x62: {  	s13 =	simm.s32 $0x4000;
	s8 =	simm.s32 $0x2880;
	(v2sf) =	vpush v0, $0x3  }
0x63: {  	s14 =	simm.s32 $0x10;
	s9 =	simm.s32 $0x2400;
	[smem:$0x7EC] =	sst s8  }
0x64: {  	s10 =	simm.s32 $0x2800;
	s11 =	simm.s32 $0x2480;
	[dreg:$0x18] =	wrdreg s9;
	(v2sf) =	vpush v0, $0x5  }
0x65: {  	s12 =	simm.s32 $0x2700;
	s15 =	simm.s32 $0x2380;
	[dreg:$0x13] =	wrdreg s10  }
0x66: {  	s16 =	simm.s32 $0x2780;
	s17 =	simm.s32 $0x2280;
	[dreg:$0xe] =	wrdreg s11;
	(v2sf) =	vpush v0, $0xA  }
0x67: {  	s18 =	simm.s32 $0x2680;
	s19 =	simm.s32 $0x2300;
	[smem:$0x7ED] =	sst s12  }
0x68: {  	s20 =	simm.s32 $0x1980;
	s22 =	simm.s32 $0x1D80;
	[smem:$0x7EE] =	sst s15;
	(v2sf) =	vpush v0, $0x2  }
0x69: {  	s30 =	simm.s32 $0x1F00;
	s28 =	simm.s32 $0x1B80;
	[dreg:$0x1f] =	wrdreg s16  }
0x6a: {  	s0 =	simm.s32 $0x0;
	s6 =	simm.s32 $0x1A00;
	[smem:$0x7EF] =	sst s17;
	(v2sf) =	vpush v0, $0x6  }
0x6b: {  	s7 =	simm.s32 $0x1F80;
	[smem:$0x7F0] =	sst s18;
	s24 =	spop (v2sf)  }
0x6c: {  	s1 =	simm.s32 $0x1B00;
	[smem:$0x7F1] =	sst s19;
	s4 =	sshll.u32 s24, $0x8  }
0x6d: {  	s3 =	sshll.u32 s24, $0x7;
	s25 =	spop (v2sf);
	s24 =	simm.s32 $0x2200  }
0x6e: {  	s8 =	sshll.u32 s25, $0x8;
	s5 =	sshll.u32 s25, $0x7;
	s29 =	spop (v2sf)  }
0x6f: {  	s9 =	sand.u32 $0xFFFFF800, s4;
	s3 =	sand.u32 $0x380, s3;
	[smem:$0x7F3] =	sst s24  }
0x70: {  	s24 =	smov.u32 s21;
	s8 =	sand.u32 $0xFFFFF800, s8;
	s10 =	sshll.u32 s29, $0x7  }
0x71: {  	s5 =	sand.u32 $0x380, s5;
	s4 =	spop (v2sf);
	s15 =	sadd.s32 s9, s21  }
0x72: {  	s9 =	simm.s32 $0x1A80;
	s8 =	sadd.s32 s8, s21;
	s26 =	sshll.u32 s4, $0x8  }
0x73: {  	s11 =	spop (v2sf);
	s15 =	sadd.s32 s3, s15;
	s25 =	sand.u32 $0x380, s10  }
0x74: {  	s3 =	simm.s32 $0x2100;
	s10 =	simm.s32 $0x1E00;
	s5 =	sadd.s32 s5, s8  }
0x75: {  	s23 =	spop (v2sf);
	s16 =	sshll.u32 s11, $0x8;
	s31 =	sshll.u32 s11, $0x7  }
0x76: {  	[tilespmem:s20], [sflag:$0x1] =	stream.linear.gather [spmem:s5], $0x80, $0x38;
	[tilespmem:$0x1D900] =	vst v63  }
0x77: {  	s8 =	simm.s32 $0x1E80;
	s12 =	sadd.s32 $0x400, s5;
	s19 =	spop (v2sf)  }
0x78: {  	s2 =	sand.u32 $0xFFFFF800, s16;
	s5 =	simm.s32 $0x1D00;
	s20 =	sshll.u32 s19, $0x8  }
0x79: {  	s17 =	sshll.u32 s19, $0x7;
	s19 =	simm.s32 $0x2080;
	s11 =	spop (v2sf)  }
0x7a: {  	[tilespmem:s22], [sflag:$0x1] =	stream.linear.gather [spmem:s12], $0x80, $0x38;
	[tilespmem:$0x1D900] =	vst v63  }
0x7b: {  	s12 =	sand.u32 $0xFFFFF800, s26;
	s18 =	sand.u32 $0xFFFFF800, s20;
	s22 =	simm.s32 $0x2580  }
0x7c: {  	(v2sf) =	vpush v0, $0x8;
	s26 =	simm.s32 $0x2600;
	s20 =	simm.s32 $0x1C80;
	[smem:$0x7F2] =	sst s22  }
0x7d: {  	(v2sf) =	vpush v0, $0x7;
	[smem:$0x7F4] =	sst s26;
	s26 =	simm.s32 $0x1C00;
	s22 =	simm.s32 $0x2000  }
.LBB2_4:
0x7e: {  	s21 =	sadd.s32 $0x400, s15;
	s17 =	sand.u32 $0x380, s17;
	s18 =	sadd.s32 s18, s24  }
0x7f: {  	[tilespmem:s6], [sflag:$0x1] =	stream.linear.gather [spmem:s15], $0x80, $0x38;
	[tilespmem:$0x1D900] =	vst v63  }
0x80: {  	s16 =	smov.u32 s13;
	s4 =	sshll.u32 s4, $0x7;
	s12 =	sadd.s32 s12, s24  }
0x81: {  	s2 =	sadd.s32 s2, s24;
	[smem:$0x7EB] =	sst s16;
	s4 =	sand.u32 $0x380, s4  }
0x82: {  	[tilespmem:s10], [sflag:$0x1] =	stream.linear.gather [spmem:s21], $0x80, $0x38;
	[tilespmem:$0x1D900] =	vst v63  }
0x83: {  	s17 =	sadd.s32 s17, s18;
	s4 =	sadd.s32 s4, s12;
	s12 =	sshll.u32 s29, $0x8  }
0x84: {  	[tilespmem:s9], [sflag:$0x1] =	stream.linear.gather [spmem:s17], $0x80, $0x38;
	[tilespmem:$0x1D900] =	vst v63  }
0x85: {  	s16 =	sshll.u32 s11, $0x7;
	s18 =	sadd.s32 $0x400, s17;
	s6 =	sand.u32 $0xFFFFF800, s12  }
0x86: {  	[tilespmem:s8], [sflag:$0x1] =	stream.linear.gather [spmem:s18], $0x80, $0x38;
	[tilespmem:$0x1D900] =	vst v63  }
0x87: {  	s21 =	sshll.u32 s11, $0x8;
	s16 =	sand.u32 $0x380, s16;
	s6 =	sadd.s32 s6, s24  }
0x88: {  	[tilespmem:s1], [sflag:$0x1] =	stream.linear.gather [spmem:s4], $0x80, $0x38;
	[tilespmem:$0x1D900] =	vst v63  }
0x89: {  	s15 =	sand.u32 $0xFFFFF800, s21;
	s17 =	sadd.s32 $0x400, s4;
	s21 =	sadd.s32 s25, s6  }
0x8a: {  	[tilespmem:s30], [sflag:$0x1] =	stream.linear.gather [spmem:s17], $0x80, $0x38;
	[tilespmem:$0x1D900] =	vst v63  }
0x8b: {  	s9 =	sadd.s32 s15, s24;
	s15 =	sand.u32 $0x380, s31;
	s11 =	sadd.s32 $0x400, s21  }
0x8c: {  	[tilespmem:s28], [sflag:$0x1] =	stream.linear.gather [spmem:s21], $0x80, $0x38;
	[tilespmem:$0x1D900] =	vst v63  }
0x8d: {  	s1 =	sadd.s32 s15, s2;
	s2 =	sadd.s32 s16, s9;
	s18 =	spop (v2sf)  }
0x8e: {  	s25 =	sshll.u32 s18, $0x8;
	s6 =	sshll.u32 s18, $0x7;
	s12 =	spop (v2sf)  }
0x8f: {  	[tilespmem:s7], [sflag:$0x1] =	stream.linear.gather [spmem:s11], $0x80, $0x38;
	[tilespmem:$0x1D900] =	vst v63  }
0x90: {  	(v2sf) =	vpush v0, $0x9;
	s18 =	sadd.s32 $0x400, s2;
	s11 =	sadd.s32 $0x2180, s0;
	s4 =	sand.u32 $0xFFFFF800, s25  }
0x91: {  	(v2sf) =	vpush v0, $0xB;
	[tilespmem:s26], [sflag:$0x1] =	stream.linear.gather [spmem:s1], $0x80, $0x38;
	[tilespmem:$0x1D900] =	vst v63  }
0x92: {  	s17 =	sshll.u32 s12, $0x8;
	s21 =	sshll.u32 s12, $0x7;
	s1 =	sadd.s32 $0x400, s1  }
0x93: {  	[tilespmem:s22], [sflag:$0x1] =	stream.linear.gather [spmem:s1], $0x80, $0x38;
	[tilespmem:$0x1D900] =	vst v63  }
0x94: {  	s25 =	sshll.u32 s23, $0x8;
	s4 =	sadd.s32 s4, s24;
	s7 =	sand.u32 $0xFFFFF800, s17  }
0x95: {  	(v2sf) =	vpush v0, $0xC;
	[tilespmem:s20], [sflag:$0x1] =	stream.linear.gather [spmem:s2], $0x80, $0x38;
	[tilespmem:$0x1D900] =	vst v63  }
0x96: {  	s26 =	sshll.u32 s23, $0x7;
	s7 =	sadd.s32 s7, s24;
	s22 =	sand.u32 $0x380, s21  }
0x97: {  	[tilespmem:s19], [sflag:$0x1] =	stream.linear.gather [spmem:s18], $0x80, $0x38;
	[tilespmem:$0x1D900] =	vst v63  }
0x98: {  	s8 =	sand.u32 $0xFFFFF800, s25;
	s23 =	sand.u32 $0x380, s26;
	s2 =	sadd.s32 s22, s7  }
0x99: {  	(v2sf) =	vpush v0, $0xD;
	[tilespmem:s5], [sflag:$0x1] =	stream.linear.gather [spmem:s2], $0x80, $0x38;
	[tilespmem:$0x1D900] =	vst v63  }
0x9a: {  	s26 =	sld [smem:$0x7F3];
	s7 =	sand.u32 $0x380, s6;
	s1 =	sadd.s32 $0x400, s2  }
0x9b: {  	[tilespmem:s3], [sflag:$0x1] =	stream.linear.gather [spmem:s1], $0x80, $0x38;
	[tilespmem:$0x1D900] =	vst v63  }
0x9c: {  	s10 =	sadd.s32 s8, s24;
	s8 =	sld [smem:$0x7F4];
	s2 =	sadd.s32 s7, s4  }
0x9d: {  	[tilespmem:s11], [sflag:$0x1] =	stream.linear.gather [spmem:s2], $0x80, $0x38;
	[tilespmem:$0x1D900] =	vst v63  }
0x9e: {  	s22 =	sld [smem:$0x7F2];
	s12 =	sadd.s32 $0x400, s2;
	s2 =	sadd.s32 s23, s10  }
0x9f: {  	s11 =	sld [smem:$0x7EF];
	s15 =	spop (v2sf);
	s9 =	sadd.s32 $0x400, s2  }
0xa0: {  	s16 =	sshll.u32 s15, $0x8;
	s5 =	sshll.u32 s15, $0x7;
	s17 =	spop (v2sf)  }
0xa1: {  	[tilespmem:s22], [sflag:$0x1] =	stream.linear.gather [spmem:s12], $0x80, $0x38;
	[tilespmem:$0x1D900] =	vst v63  }
0xa2: {  	s6 =	sand.u32 $0xFFFFF800, s16;
	s18 =	sshll.u32 s17, $0x8;
	s7 =	sshll.u32 s17, $0x7  }
0xa3: {  	s19 =	sand.u32 $0x380, s5;
	s16 =	sld [smem:$0x7F0];
	s20 =	sadd.s32 s6, s24  }
0xa4: {  	(v2sf) =	vpush v0, $0xE;
	s21 =	sand.u32 $0xFFFFF800, s18;
	s6 =	spop (v2sf);
	s12 =	sand.u32 $0x380, s7  }
0xa5: {  	s1 =	sadd.s32 s19, s20;
	s25 =	sadd.s32 s21, s24;
	s20 =	sld [smem:$0x7F1]  }
0xa6: {  	s10 =	sshll.u32 s6, $0x8;
	s4 =	sshll.u32 s6, $0x7;
	s21 =	sld [smem:$0x7ED]  }
0xa7: {  	[tilespmem:s26], [sflag:$0x1] =	stream.linear.gather [spmem:s1], $0x80, $0x38;
	[tilespmem:$0x1D900] =	vst v63  }
0xa8: {  	(v2sf) =	vpush v0, $0xF;
	s15 =	spop (v2sf);
	s6 =	rddreg [dreg:$0x1f];
	s1 =	sadd.s32 $0x400, s1  }
0xa9: {  	s5 =	sand.u32 $0xFFFFF800, s10;
	s17 =	sadd.s32 s12, s25;
	s25 =	sld [smem:$0x7EE]  }
0xaa: {  	[tilespmem:s8], [sflag:$0x1] =	stream.linear.gather [spmem:s1], $0x80, $0x38;
	[tilespmem:$0x1D900] =	vst v63  }
0xab: {  	s19 =	sshll.u32 s15, $0x8;
	s4 =	sand.u32 $0x380, s4;
	s10 =	rddreg [dreg:$0x18]  }
0xac: {  	[tilespmem:s11], [sflag:$0x1] =	stream.linear.gather [spmem:s2], $0x80, $0x38;
	[tilespmem:$0x1D900] =	vst v63  }
0xad: {  	s23 =	sshll.u32 s15, $0x7;
	s12 =	rddreg [dreg:$0x13];
	s18 =	sadd.s32 s5, s24  }
0xae: {  	[tilespmem:s16], [sflag:$0x1] =	stream.linear.gather [spmem:s9], $0x80, $0x38;
	[tilespmem:$0x1D900] =	vst v63  }
0xaf: {  	s3 =	sand.u32 $0xFFFFF800, s19;
	s19 =	rddreg [dreg:$0xe];
	s1 =	sadd.s32 $0x400, s17  }
0xb0: {  	[tilespmem:s20], [sflag:$0x1] =	stream.linear.gather [spmem:s17], $0x80, $0x38;
	[tilespmem:$0x1D900] =	vst v63  }
0xb1: {  	s22 =	sadd.s32 s4, s18;
	s3 =	sadd.s32 s3, s24;
	s2 =	sand.u32 $0x380, s23  }
0xb2: {  	[tilespmem:s21], [sflag:$0x1] =	stream.linear.gather [spmem:s1], $0x80, $0x38;
	[tilespmem:$0x1D900] =	vst v63  }
0xb3: {  	s7 =	sadd.s32 s2, s3;
	s20 =	sld [smem:$0x7EC];
	s26 =	spop (v2sf)  }
0xb4: {  	[tilespmem:s25], [sflag:$0x1] =	stream.linear.gather [spmem:s22], $0x80, $0x38;
	[tilespmem:$0x1D900] =	vst v63  }
0xb5: {  	s1 =	sadd.s32 $0x400, s22;
	s8 =	sshll.u32 s26, $0x8;
	s9 =	sshll.u32 s26, $0x7  }
0xb6: {  	[tilespmem:s6], [sflag:$0x1] =	stream.linear.gather [spmem:s1], $0x80, $0x38;
	[tilespmem:$0x1D900] =	vst v63  }
0xb7: {  	s2 =	sand.u32 $0xFFFFF800, s8;
	s11 =	spop (v2sf);
	s15 =	sand.u32 $0x380, s9  }
0xb8: {  	[tilespmem:s10], [sflag:$0x1] =	stream.linear.gather [spmem:s7], $0x80, $0x38;
	[tilespmem:$0x1D900] =	vst v63  }
0xb9: {  	s1 =	sadd.s32 $0x400, s7;
	s2 =	sadd.s32 s2, s24;
	s16 =	sshll.u32 s11, $0x8  }
0xba: {  	[tilespmem:s12], [sflag:$0x1] =	stream.linear.gather [spmem:s1], $0x80, $0x38;
	[tilespmem:$0x1D900] =	vst v63  }
0xbb: {  	s18 =	sshll.u32 s11, $0x7;
	s17 =	sand.u32 $0xFFFFF800, s16;
	s1 =	sadd.s32 s15, s2  }
0xbc: {  	[tilespmem:s19], [sflag:$0x1] =	stream.linear.gather [spmem:s1], $0x80, $0x38;
	[tilespmem:$0x1D900] =	vst v63  }
0xbd: {  	s3 =	sand.u32 $0x380, s18;
	s2 =	sadd.s32 s17, s24;
	s1 =	sadd.s32 $0x400, s1  }
0xbe: {  	[tilespmem:s20], [sflag:$0x1] =	stream.linear.gather [spmem:s1], $0x80, $0x38;
	[tilespmem:$0x1D900] =	vst v63  }
0xbf: {  	s22 =	sadd.s32 $0x2500, s0;
	s21 =	sadd.s32 s3, s2  }
0xc0: {  	[tilespmem:s22], [sflag:$0x1] =	stream.linear.gather [spmem:s21], $0x80, $0x38;
	[tilespmem:$0x1D900] =	vst v63  }
0xc1: {  	s23 =	sadd.s32 $0x2900, s0;
	s1 =	sadd.s32 $0x400, s21  }
0xc2: {  	[tilespmem:s23], [sflag:$0x1] =	stream.linear.gather [spmem:s1], $0x80, $0x38;
	[tilespmem:$0x1D900] =	vst v63  }
0xc3: {  	v0 =	vld [tilespmem:s14+$0x0]  }
0xc4: {  	s25 =	sld [smem:$0x7EB];
	_ =	sdelay $0x2  }
0xc5: {  	s0 =	sshra.s32 s25, $0x2  }
0xc6: {  	s26 =	sadd.s32 $0x2880, s0;
	(v2sf) =	vpush v0, $0x1  }
0xc7: {  	s4 =	sadd.s32 $0x2480, s0;
	[smem:$0x7EC] =	sst s26;
	(v2sf) =	vpush v0, $0x0  }
0xc8: {  	s5 =	sadd.s32 $0x2700, s0;
	[dreg:$0xe] =	wrdreg s4  }
0xc9: {  	p0 =	sne.s32 s13, $0x1C000;
	s8 =	sadd.s32 $0x2380, s0;
	[smem:$0x7ED] =	sst s5;
	(v2sf) =	vpush v0, $0x4  }
0xca: {  	s13 =	sadd.s32 $0x4000, s13;
	s9 =	sadd.s32 $0x2780, s0;
	[smem:$0x7EE] =	sst s8  }
0xcb: {  	s6 =	sadd.s32 $0x1A00, s0;
	s10 =	sadd.s32 $0x2280, s0;
	[dreg:$0x1f] =	wrdreg s9;
	(v2sf) =	vpush v0, $0x3  }
0xcc: {  	s7 =	sadd.s32 $0x1F80, s0;
	s11 =	sadd.s32 $0x2680, s0;
	[smem:$0x7EF] =	sst s10;
	(v2sf) =	vpush v0, $0x5  }
0xcd: {  	s16 =	sadd.s32 $0x2200, s0;
	s30 =	sadd.s32 $0x1F00, s0;
	[smem:$0x7F0] =	sst s11;
	(v2sf) =	vpush v0, $0xA  }
0xce: {  	s28 =	sadd.s32 $0x1B80, s0;
	[smem:$0x7F3] =	sst s16;
	s12 =	sadd.s32 $0x2300, s0  }
0xcf: {  	s5 =	sadd.s32 $0x1D00, s0;
	s15 =	sadd.s32 $0x2580, s0;
	[smem:$0x7F1] =	sst s12  }
0xd0: {  	s26 =	sadd.s32 $0x1C00, s0;
	s17 =	sadd.s32 $0x2600, s0;
	[smem:$0x7F2] =	sst s15;
	(v2sf) =	vpush v0, $0x2  }
0xd1: {  	s10 =	sadd.s32 $0x1E00, s0;
	s2 =	sadd.s32 $0x2400, s0;
	[smem:$0x7F4] =	sst s17  }
0xd2: {  	s9 =	sadd.s32 $0x1A80, s0;
	s3 =	sadd.s32 $0x2800, s0;
	[dreg:$0x18] =	wrdreg s2  }
0xd3: {  	s8 =	sadd.s32 $0x1E80, s0;
	s11 =	sadd.s32 $0x1D80, s0;
	[dreg:$0x13] =	wrdreg s3;
	(v2sf) =	vpush v0, $0x6  }
0xd4: {  	s19 =	sadd.s32 $0x2080, s0;
	s3 =	sadd.s32 $0x2100, s0;
	s2 =	sadd.s32 $0x1980, s0  }
0xd5: {  	s20 =	sadd.s32 $0x1C80, s0;
	s22 =	sadd.s32 $0x2000, s0;
	s18 =	spop (v2sf)  }
0xd6: {  	s1 =	sadd.s32 $0x1B00, s0;
	s14 =	sadd.s32 $0x10, s14;
	s23 =	spop (v2sf)  }
0xd7: {  	s21 =	sshll.u32 s18, $0x8;
	s15 =	sshll.u32 s18, $0x7;
	s25 =	sshll.u32 s23, $0x8  }
0xd8: {  	s4 =	sshll.u32 s23, $0x7;
	s29 =	spop (v2sf);
	s12 =	sand.u32 $0xFFFFF800, s21  }
0xd9: {  	s15 =	sand.u32 $0x380, s15;
	s17 =	sand.u32 $0xFFFFF800, s25;
	s21 =	sshll.u32 s29, $0x7  }
0xda: {  	s16 =	sand.u32 $0x380, s4;
	s4 =	spop (v2sf);
	s12 =	sadd.s32 s12, s24  }
0xdb: {  	s17 =	sadd.s32 s17, s24;
	s18 =	sshll.u32 s4, $0x8;
	s25 =	spop (v2sf)  }
0xdc: {  	s15 =	sadd.s32 s15, s12;
	s17 =	sadd.s32 s16, s17;
	s23 =	spop (v2sf)  }
0xdd: {  	[tilespmem:s2], [sflag:$0x1] =	stream.linear.gather [spmem:s17], $0x80, $0x38;
	[tilespmem:$0x1D900] =	vst v63  }
.Ltmp1:
0xde: {  	s16 =	sshll.u32 s25, $0x8;
	s31 =	sshll.u32 s25, $0x7;
	(pc) =	sbr.rel @p0 .LBB2_4-.Ltmp1, $4  }
0xdf: {  	s12 =	sand.u32 $0xFFFFF800, s18;
	s17 =	sadd.s32 $0x400, s17;
	s18 =	spop (v2sf)  }
0xe0: {  	[tilespmem:s11], [sflag:$0x1] =	stream.linear.gather [spmem:s17], $0x80, $0x38;
	[tilespmem:$0x1D900] =	vst v63  }
0xe1: {  	(v2sf) =	vpush v0, $0x8;
	s2 =	sand.u32 $0xFFFFF800, s16;
	s25 =	sshll.u32 s18, $0x8;
	s17 =	sshll.u32 s18, $0x7  }
0xe2: {  	s11 =	spop (v2sf);
	(v2sf) =	vpush v0, $0x7;
	s18 =	sand.u32 $0xFFFFF800, s25;
	s25 =	sand.u32 $0x380, s21  }
0xe3: {  	[tilespmem:s6], [sflag:$0x1] =	stream.linear.gather [spmem:s15], $0x80, $0x38;
	[tilespmem:$0x1D900] =	vst v63  }
0xe4: {  	s16 =	sadd.s32 $0x400, s15;
	s17 =	sand.u32 $0x380, s17;
	s21 =	sadd.s32 s18, s24  }
0xe5: {  	[tilespmem:s10], [sflag:$0x1] =	stream.linear.gather [spmem:s16], $0x80, $0x38;
	[tilespmem:$0x1D900] =	vst v63  }
0xe6: {  	s4 =	sshll.u32 s4, $0x7;
	s6 =	sadd.s32 s17, s21  }
0xe7: {  	[tilespmem:s9], [sflag:$0x1] =	stream.linear.gather [spmem:s6], $0x80, $0x38;
	[tilespmem:$0x1D900] =	vst v63  }
0xe8: {  	s13 =	sadd.s32 s12, s24;
	s4 =	sand.u32 $0x380, s4;
	s6 =	sadd.s32 $0x400, s6  }
0xe9: {  	[tilespmem:s8], [sflag:$0x1] =	stream.linear.gather [spmem:s6], $0x80, $0x38;
	[tilespmem:$0x1D900] =	vst v63  }
0xea: {  	s15 =	sshll.u32 s29, $0x8;
	s4 =	sadd.s32 s4, s13  }
0xeb: {  	[tilespmem:s1], [sflag:$0x1] =	stream.linear.gather [spmem:s4], $0x80, $0x38;
	[tilespmem:$0x1D900] =	vst v63  }
0xec: {  	s1 =	sand.u32 $0xFFFFF800, s15  }
0xed: {  	s14 =	sadd.s32 $0x400, s4;
	s1 =	sadd.s32 s1, s24  }
0xee: {  	[tilespmem:s30], [sflag:$0x1] =	stream.linear.gather [spmem:s14], $0x80, $0x38;
	[tilespmem:$0x1D900] =	vst v63  }
0xef: {  	s1 =	sadd.s32 s25, s1  }
0xf0: {  	[tilespmem:s28], [sflag:$0x1] =	stream.linear.gather [spmem:s1], $0x80, $0x38;
	[tilespmem:$0x1D900] =	vst v63  }
0xf1: {  	s2 =	sadd.s32 s2, s24;
	s16 =	sand.u32 $0x380, s31;
	s1 =	sadd.s32 $0x400, s1  }
0xf2: {  	[tilespmem:s7], [sflag:$0x1] =	stream.linear.gather [spmem:s1], $0x80, $0x38;
	[tilespmem:$0x1D900] =	vst v63  }
0xf3: {  	s1 =	sadd.s32 s16, s2  }
0xf4: {  	[tilespmem:s26], [sflag:$0x1] =	stream.linear.gather [spmem:s1], $0x80, $0x38;
	[tilespmem:$0x1D900] =	vst v63  }
0xf5: {  	s17 =	sshll.u32 s11, $0x8;
	s1 =	sadd.s32 $0x400, s1  }
0xf6: {  	[tilespmem:s22], [sflag:$0x1] =	stream.linear.gather [spmem:s1], $0x80, $0x38;
	[tilespmem:$0x1D900] =	vst v63  }
0xf7: {  	s18 =	sshll.u32 s11, $0x7;
	s1 =	sand.u32 $0xFFFFF800, s17  }
0xf8: {  	s2 =	sand.u32 $0x380, s18;
	s1 =	sadd.s32 s1, s24  }
0xf9: {  	s1 =	sadd.s32 s2, s1  }
0xfa: {  	[tilespmem:s20], [sflag:$0x1] =	stream.linear.gather [spmem:s1], $0x80, $0x38;
	[tilespmem:$0x1D900] =	vst v63  }
0xfb: {  	s20 =	spop (v2sf)  }
0xfc: {  	s1 =	sadd.s32 $0x400, s1;
	(v2sf) =	vpush v0, $0x9;
	s21 =	spop (v2sf)  }
0xfd: {  	[tilespmem:s19], [sflag:$0x1] =	stream.linear.gather [spmem:s1], $0x80, $0x38;
	[tilespmem:$0x1D900] =	vst v63  }
0xfe: {  	s22 =	sshll.u32 s21, $0x8  }
0xff: {  	s1 =	sshll.u32 s21, $0x7;
	s4 =	sand.u32 $0xFFFFF800, s22  }
0x100: {  	s1 =	sand.u32 $0x380, s1;
	s4 =	sadd.s32 s4, s24  }
0x101: {  	s1 =	sadd.s32 s1, s4  }
0x102: {  	(v2sf) =	vpush v0, $0xB;
	[tilespmem:s5], [sflag:$0x1] =	stream.linear.gather [spmem:s1], $0x80, $0x38;
	[tilespmem:$0x1D900] =	vst v63  }
0x103: {  	s25 =	sshll.u32 s20, $0x8;
	s1 =	sadd.s32 $0x400, s1  }
0x104: {  	[tilespmem:s3], [sflag:$0x1] =	stream.linear.gather [spmem:s1], $0x80, $0x38;
	[tilespmem:$0x1D900] =	vst v63  }
0x105: {  	s2 =	sshll.u32 s20, $0x7;
	s1 =	sand.u32 $0xFFFFF800, s25  }
0x106: {  	s2 =	sand.u32 $0x380, s2;
	s1 =	sadd.s32 s1, s24  }
0x107: {  	s28 =	sld [smem:$0x7F2];
	s26 =	sadd.s32 $0x2180, s0;
	s1 =	sadd.s32 s2, s1  }
0x108: {  	[tilespmem:s26], [sflag:$0x1] =	stream.linear.gather [spmem:s1], $0x80, $0x38;
	[tilespmem:$0x1D900] =	vst v63  }
0x109: {  	s1 =	sadd.s32 $0x400, s1  }
0x10a: {  	[tilespmem:s28], [sflag:$0x1] =	stream.linear.gather [spmem:s1], $0x80, $0x38;
	[tilespmem:$0x1D900] =	vst v63  }
0x10b: {  	s29 =	spop (v2sf)  }
0x10c: {  	s30 =	sshll.u32 s29, $0x8  }
0x10d: {  	s31 =	sld [smem:$0x7F3];
	s1 =	sshll.u32 s29, $0x7;
	s2 =	sand.u32 $0xFFFFF800, s30  }
0x10e: {  	(v2sf) =	vpush v0, $0xC;
	s1 =	sand.u32 $0x380, s1;
	s2 =	sadd.s32 s2, s24  }
0x10f: {  	s3 =	sld [smem:$0x7F4];
	s1 =	sadd.s32 s1, s2  }
0x110: {  	[tilespmem:s31], [sflag:$0x1] =	stream.linear.gather [spmem:s1], $0x80, $0x38;
	[tilespmem:$0x1D900] =	vst v63  }
0x111: {  	s4 =	sshll.u32 s23, $0x8;
	s8 =	spop (v2sf);
	s1 =	sadd.s32 $0x400, s1  }
0x112: {  	(v2sf) =	vpush v0, $0xD;
	[tilespmem:s3], [sflag:$0x1] =	stream.linear.gather [spmem:s1], $0x80, $0x38;
	[tilespmem:$0x1D900] =	vst v63  }
0x113: {  	s6 =	sld [smem:$0x7EF];
	s5 =	sshll.u32 s23, $0x7;
	s1 =	sand.u32 $0xFFFFF800, s4  }
0x114: {  	s2 =	sand.u32 $0x380, s5;
	s1 =	sadd.s32 s1, s24  }
0x115: {  	s7 =	sld [smem:$0x7F0];
	s1 =	sadd.s32 s2, s1  }
0x116: {  	[tilespmem:s6], [sflag:$0x1] =	stream.linear.gather [spmem:s1], $0x80, $0x38;
	[tilespmem:$0x1D900] =	vst v63  }
0x117: {  	s9 =	sshll.u32 s8, $0x8;
	s1 =	sadd.s32 $0x400, s1  }
0x118: {  	[tilespmem:s7], [sflag:$0x1] =	stream.linear.gather [spmem:s1], $0x80, $0x38;
	[tilespmem:$0x1D900] =	vst v63  }
0x119: {  	s10 =	sld [smem:$0x7F1];
	s2 =	sand.u32 $0xFFFFF800, s9;
	s1 =	sshll.u32 s8, $0x7  }
0x11a: {  	s2 =	sadd.s32 s2, s24;
	s1 =	sand.u32 $0x380, s1  }
0x11b: {  	s11 =	sld [smem:$0x7ED];
	s1 =	sadd.s32 s1, s2  }
0x11c: {  	[tilespmem:s10], [sflag:$0x1] =	stream.linear.gather [spmem:s1], $0x80, $0x38;
	[tilespmem:$0x1D900] =	vst v63  }
0x11d: {  	s12 =	spop (v2sf);
	(v2sf) =	vpush v0, $0xE  }
0x11e: {  	s1 =	sadd.s32 $0x400, s1;
	s13 =	sshll.u32 s12, $0x8  }
0x11f: {  	[tilespmem:s11], [sflag:$0x1] =	stream.linear.gather [spmem:s1], $0x80, $0x38;
	[tilespmem:$0x1D900] =	vst v63  }
0x120: {  	s14 =	sld [smem:$0x7EE];
	s1 =	sshll.u32 s12, $0x7;
	s2 =	sand.u32 $0xFFFFF800, s13  }
0x121: {  	s16 =	spop (v2sf);
	(v2sf) =	vpush v0, $0xF;
	s2 =	sadd.s32 s2, s24;
	s1 =	sand.u32 $0x380, s1  }
0x122: {  	s1 =	sadd.s32 s1, s2  }
0x123: {  	[tilespmem:s14], [sflag:$0x1] =	stream.linear.gather [spmem:s1], $0x80, $0x38;
	[tilespmem:$0x1D900] =	vst v63  }
0x124: {  	s15 =	rddreg [dreg:$0x1f];
	s17 =	sshll.u32 s16, $0x8;
	s1 =	sadd.s32 $0x400, s1  }
0x125: {  	[tilespmem:s15], [sflag:$0x1] =	stream.linear.gather [spmem:s1], $0x80, $0x38;
	[tilespmem:$0x1D900] =	vst v63  }
0x126: {  	s2 =	sand.u32 $0xFFFFF800, s17;
	s1 =	sshll.u32 s16, $0x7  }
0x127: {  	s2 =	sadd.s32 s2, s24;
	s1 =	sand.u32 $0x380, s1  }
0x128: {  	s18 =	rddreg [dreg:$0x18];
	s1 =	sadd.s32 s1, s2  }
0x129: {  	[tilespmem:s18], [sflag:$0x1] =	stream.linear.gather [spmem:s1], $0x80, $0x38;
	[tilespmem:$0x1D900] =	vst v63  }
0x12a: {  	s19 =	rddreg [dreg:$0x13];
	s1 =	sadd.s32 $0x400, s1  }
0x12b: {  	[tilespmem:s19], [sflag:$0x1] =	stream.linear.gather [spmem:s1], $0x80, $0x38;
	[tilespmem:$0x1D900] =	vst v63  }
0x12c: {  	s20 =	spop (v2sf)  }
0x12d: {  	s21 =	sshll.u32 s20, $0x8  }
0x12e: {  	s1 =	sshll.u32 s20, $0x7;
	s2 =	sand.u32 $0xFFFFF800, s21  }
0x12f: {  	s22 =	rddreg [dreg:$0xe];
	s1 =	sand.u32 $0x380, s1;
	s2 =	sadd.s32 s2, s24  }
0x130: {  	s23 =	sld [smem:$0x7EC];
	s25 =	spop (v2sf);
	s1 =	sadd.s32 s1, s2  }
0x131: {  	[tilespmem:s22], [sflag:$0x1] =	stream.linear.gather [spmem:s1], $0x80, $0x38;
	[tilespmem:$0x1D900] =	vst v63  }
0x132: {  	s26 =	sshll.u32 s25, $0x8;
	s1 =	sadd.s32 $0x400, s1  }
0x133: {  	[tilespmem:s23], [sflag:$0x1] =	stream.linear.gather [spmem:s1], $0x80, $0x38;
	[tilespmem:$0x1D900] =	vst v63  }
0x134: {  	s28 =	sadd.s32 $0x2500, s0;
	s2 =	sand.u32 $0xFFFFF800, s26;
	s1 =	sshll.u32 s25, $0x7  }
0x135: {  	s30 =	simm.s32 $0x100;
	s2 =	sadd.s32 s2, s24;
	s1 =	sand.u32 $0x380, s1  }
0x136: {  	[smem:$0x7E9] =	sst s30;
	s31 =	simm.s32 $0x180;
	s1 =	sadd.s32 s1, s2  }
0x137: {  	[tilespmem:s28], [sflag:$0x1] =	stream.linear.gather [spmem:s1], $0x80, $0x38;
	[tilespmem:$0x1D900] =	vst v63  }
0x138: {  	s29 =	sadd.s32 $0x2900, s0;
	[smem:$0x7EA] =	sst s31;
	s1 =	sadd.s32 $0x400, s1  }
0x139: {  	[tilespmem:s29], [sflag:$0x1] =	stream.linear.gather [spmem:s1], $0x80, $0x38;
	[tilespmem:$0x1D900] =	vst v63  }
0x13a: {  	s21 =	smov.u32 s24;
	s2 =	simm.s32 $0x80;
	s1 =	simm.s32 $0x0  }
.LBB2_6:
0x13b: {  	p0 =	seq.s32 s1, $0x0  }
0x13c: {  	s0 =	simm.s32 @!p0 $0x5  }
0x13d: {  	_ =	swait.ge @!p0 [sflag:s0], $0x8000  }
0x13e: {  	[sflag:s0] =	ssyncset.done @!p0 $0x0  }
0x13f: {  	[sflag:s0] =	ssyncadd.s32 @!p0 $0xFFFF8000  }
0x140: {  	v0 =	vld [tilespmem:s2+$0x0];
	_ =	sdelay $0x3  }
0x141: {  	s24 =	simm.s32 $0xA880  }
0x142: {  	s25 =	simm.s32 $0xA400;
	[dreg:$0x6] =	wrdreg s24;
	(v2sf) =	vpush v0, $0x1  }
0x143: {  	s4 =	simm.s32 $0xA380;
	[dreg:$0x14] =	wrdreg s25;
	(v2sf) =	vpush v0, $0x0  }
0x144: {  	s5 =	simm.s32 $0xA780;
	[dreg:$0x1b] =	wrdreg s4  }
0x145: {  	s23 =	smul.u32 $0x3, s1;
	[dreg:$0x19] =	wrdreg s5;
	(v2sf) =	vpush v0, $0x4  }
0x146: {  	[smem:$0x7DF] =	sst s1  }
0x147: {  	s13 =	simm.s32 $0x4000;
	[smem:$0x7E0] =	sst s23;
	(v2sf) =	vpush v0, $0x3  }
0x148: {  	s14 =	simm.s32 $0x0;
	s3 =	simm.s32 $0xA700;
	[smem:$0x7E2] =	sst s2;
	(v2sf) =	vpush v0, $0x5  }
0x149: {  	s6 =	simm.s32 $0x9A00;
	s8 =	simm.s32 $0xA280;
	[smem:$0x7E3] =	sst s3  }
0x14a: {  	s7 =	simm.s32 $0x9F80;
	s9 =	simm.s32 $0xA680;
	[smem:$0x7E4] =	sst s8;
	(v2sf) =	vpush v0, $0xA  }
0x14b: {  	s26 =	sadd.s32 $0x10, s2;
	s20 =	simm.s32 $0xA300;
	[smem:$0x7E5] =	sst s9  }
0x14c: {  	s11 =	simm.s32 $0x9980;
	s24 =	simm.s32 $0xA600;
	[smem:$0x7E6] =	sst s20;
	(v2sf) =	vpush v0, $0x2  }
0x14d: {  	s12 =	simm.s32 $0x9D80;
	s1 =	simm.s32 $0xA800;
	[smem:$0x7E8] =	sst s24  }
0x14e: {  	s29 =	simm.s32 $0x9C00;
	s0 =	sadd.s32 $0x1, s23;
	[dreg:$0xf] =	wrdreg s1  }
0x14f: {  	s30 =	simm.s32 $0x9B80;
	s23 =	simm.s32 $0xA200;
	[smem:$0x7E1] =	sst s0;
	(v2sf) =	vpush v0, $0x6  }
0x150: {  	s20 =	simm.s32 $0x9C80;
	s2 =	simm.s32 $0xA480;
	[smem:$0x7E7] =	sst s23  }
0x151: {  	s23 =	simm.s32 $0xA080;
	[dreg:$0xa] =	wrdreg s2;
	s10 =	spop (v2sf)  }
0x152: {  	s2 =	simm.s32 $0x9F00;
	s3 =	spop (v2sf);
	s4 =	sshll.u32 s10, $0x8  }
0x153: {  	s0 =	sshll.u32 s10, $0x7;
	s10 =	simm.s32 $0x9E00;
	s5 =	sshll.u32 s3, $0x8  }
0x154: {  	s3 =	sshll.u32 s3, $0x7;
	s31 =	spop (v2sf);
	s8 =	sand.u32 $0xFFFFF800, s4  }
0x155: {  	s0 =	sand.u32 $0x380, s0;
	s5 =	sand.u32 $0xFFFFF800, s5;
	s3 =	sand.u32 $0x380, s3  }
0x156: {  	s9 =	sshll.u32 s31, $0x7;
	s4 =	spop (v2sf);
	s8 =	sadd.s32 s8, s21  }
0x157: {  	s5 =	sadd.s32 s5, s21;
	s15 =	sshll.u32 s4, $0x8;
	s16 =	spop (v2sf)  }
0x158: {  	s25 =	sadd.s32 s0, s8;
	s0 =	simm.s32 $0xA000;
	s8 =	simm.s32 $0x9E80  }
0x159: {  	s3 =	sadd.s32 s3, s5;
	s22 =	spop (v2sf);
	s17 =	sshll.u32 s16, $0x8  }
0x15a: {  	[tilespmem:s11], [sflag:$0x2] =	stream.linear.gather [spmem:s3], $0x80, $0x38;
	[tilespmem:$0x1D900] =	vst v63  }
0x15b: {  	s1 =	sshll.u32 s16, $0x7;
	s16 =	simm.s32 $0xA580;
	s18 =	spop (v2sf)  }
0x15c: {  	s5 =	simm.s32 $0xA100;
	s3 =	sadd.s32 $0x400, s3;
	s19 =	sshll.u32 s18, $0x8  }
0x15d: {  	[tilespmem:s12], [sflag:$0x2] =	stream.linear.gather [spmem:s3], $0x80, $0x38;
	[tilespmem:$0x1D900] =	vst v63  }
0x15e: {  	s11 =	spop (v2sf);
	s12 =	sand.u32 $0xFFFFF800, s15;
	s15 =	sshll.u32 s18, $0x7  }
0x15f: {  	(v2sf) =	vpush v0, $0x8;
	s28 =	sand.u32 $0xFFFFF800, s19;
	s19 =	sand.u32 $0x380, s9;
	s18 =	sand.u32 $0xFFFFF800, s17  }
0x160: {  	(v2sf) =	vpush v0, $0x7;
	s3 =	simm.s32 $0x9D00;
	s17 =	simm.s32 $0x9B00;
	s9 =	simm.s32 $0x9A80  }
.LBB2_7:
0x161: {  	[smem:$0x7DD] =	sst s16  }
0x162: {  	s24 =	sadd.s32 $0x400, s25;
	s15 =	sand.u32 $0x380, s15;
	s28 =	sadd.s32 s28, s21  }
0x163: {  	[tilespmem:s6], [sflag:$0x2] =	stream.linear.gather [spmem:s25], $0x80, $0x38;
	[tilespmem:$0x1D900] =	vst v63  }
0x164: {  	s16 =	smov.u32 s13;
	s4 =	sshll.u32 s4, $0x7;
	s12 =	sadd.s32 s12, s21  }
0x165: {  	[tilespmem:s10], [sflag:$0x2] =	stream.linear.gather [spmem:s24], $0x80, $0x38;
	[tilespmem:$0x1D900] =	vst v63  }
0x166: {  	s25 =	sshll.u32 s11, $0x8;
	[smem:$0x7DE] =	sst s16;
	s16 =	sadd.s32 s15, s28  }
0x167: {  	[tilespmem:s9], [sflag:$0x2] =	stream.linear.gather [spmem:s16], $0x80, $0x38;
	[tilespmem:$0x1D900] =	vst v63  }
0x168: {  	s4 =	sand.u32 $0x380, s4;
	s24 =	sadd.s32 $0x400, s16;
	s9 =	sshll.u32 s31, $0x8  }
0x169: {  	[tilespmem:s8], [sflag:$0x2] =	stream.linear.gather [spmem:s24], $0x80, $0x38;
	[tilespmem:$0x1D900] =	vst v63  }
0x16a: {  	s1 =	sand.u32 $0x380, s1;
	s4 =	sadd.s32 s4, s12;
	s6 =	sand.u32 $0xFFFFF800, s9  }
0x16b: {  	[tilespmem:s17], [sflag:$0x2] =	stream.linear.gather [spmem:s4], $0x80, $0x38;
	[tilespmem:$0x1D900] =	vst v63  }
0x16c: {  	s12 =	sand.u32 $0xFFFFF800, s25;
	s15 =	sadd.s32 $0x400, s4;
	s6 =	sadd.s32 s6, s21  }
0x16d: {  	[tilespmem:s2], [sflag:$0x2] =	stream.linear.gather [spmem:s15], $0x80, $0x38;
	[tilespmem:$0x1D900] =	vst v63  }
0x16e: {  	s9 =	sadd.s32 s12, s21;
	s8 =	sshll.u32 s11, $0x7;
	s24 =	sadd.s32 s19, s6  }
0x16f: {  	[tilespmem:s30], [sflag:$0x2] =	stream.linear.gather [spmem:s24], $0x80, $0x38;
	[tilespmem:$0x1D900] =	vst v63  }
0x170: {  	s10 =	sadd.s32 $0x400, s24;
	s15 =	sadd.s32 s18, s21;
	s16 =	spop (v2sf)  }
0x171: {  	s1 =	sadd.s32 s1, s15;
	s24 =	sshll.u32 s22, $0x8;
	s25 =	sshll.u32 s16, $0x8  }
0x172: {  	[tilespmem:s7], [sflag:$0x2] =	stream.linear.gather [spmem:s10], $0x80, $0x38;
	[tilespmem:$0x1D900] =	vst v63  }
0x173: {  	s11 =	sshll.u32 s16, $0x7;
	s12 =	spop (v2sf);
	(v2sf) =	vpush v0, $0x9;
	s16 =	sand.u32 $0x380, s8  }
0x174: {  	s8 =	sld [smem:$0x7E8];
	s6 =	sand.u32 $0xFFFFF800, s25;
	s17 =	sshll.u32 s12, $0x8  }
0x175: {  	[tilespmem:s29], [sflag:$0x2] =	stream.linear.gather [spmem:s1], $0x80, $0x38;
	[tilespmem:$0x1D900] =	vst v63  }
0x176: {  	(v2sf) =	vpush v0, $0xB;
	s2 =	sadd.s32 s16, s9;
	s19 =	sshll.u32 s12, $0x7;
	s1 =	sadd.s32 $0x400, s1  }
0x177: {  	[tilespmem:s0], [sflag:$0x2] =	stream.linear.gather [spmem:s1], $0x80, $0x38;
	[tilespmem:$0x1D900] =	vst v63  }
0x178: {  	s25 =	sshll.u32 s22, $0x7;
	s10 =	sand.u32 $0x380, s11;
	s4 =	sand.u32 $0xFFFFF800, s17;
	(v2sf) =	vpush v0, $0xC  }
0x179: {  	[tilespmem:s20], [sflag:$0x2] =	stream.linear.gather [spmem:s2], $0x80, $0x38;
	[tilespmem:$0x1D900] =	vst v63  }
0x17a: {  	s18 =	sadd.s32 $0x400, s2;
	s4 =	sadd.s32 s4, s21;
	(v2sf) =	vpush v0, $0xD;
	s1 =	sand.u32 $0x380, s19  }
0x17b: {  	[tilespmem:s23], [sflag:$0x2] =	stream.linear.gather [spmem:s18], $0x80, $0x38;
	[tilespmem:$0x1D900] =	vst v63  }
0x17c: {  	s11 =	sadd.s32 $0xA180, s14;
	s6 =	sadd.s32 s6, s21;
	s9 =	sadd.s32 s1, s4  }
0x17d: {  	[tilespmem:s3], [sflag:$0x2] =	stream.linear.gather [spmem:s9], $0x80, $0x38;
	[tilespmem:$0x1D900] =	vst v63  }
0x17e: {  	s1 =	sadd.s32 s10, s6;
	s2 =	sand.u32 $0xFFFFF800, s24;
	s0 =	sadd.s32 $0x400, s9  }
0x17f: {  	[tilespmem:s5], [sflag:$0x2] =	stream.linear.gather [spmem:s0], $0x80, $0x38;
	[tilespmem:$0x1D900] =	vst v63  }
0x180: {  	s24 =	sand.u32 $0x380, s25;
	s2 =	sadd.s32 s2, s21;
	s23 =	sld [smem:$0x7DD]  }
0x181: {  	[tilespmem:s11], [sflag:$0x2] =	stream.linear.gather [spmem:s1], $0x80, $0x38;
	[tilespmem:$0x1D900] =	vst v63  }
0x182: {  	s12 =	sadd.s32 $0x400, s1;
	s1 =	sadd.s32 s24, s2;
	s15 =	spop (v2sf)  }
0x183: {  	s11 =	sld [smem:$0x7E4];
	s9 =	sadd.s32 $0x400, s1;
	s16 =	sshll.u32 s15, $0x8  }
0x184: {  	[tilespmem:s23], [sflag:$0x2] =	stream.linear.gather [spmem:s12], $0x80, $0x38;
	[tilespmem:$0x1D900] =	vst v63  }
0x185: {  	s4 =	sshll.u32 s15, $0x7;
	s17 =	spop (v2sf);
	s5 =	sand.u32 $0xFFFFF800, s16  }
0x186: {  	s18 =	sshll.u32 s17, $0x8;
	s6 =	sshll.u32 s17, $0x7;
	s19 =	sand.u32 $0x380, s4  }
0x187: {  	s7 =	spop (v2sf);
	s16 =	sld [smem:$0x7E5];
	s20 =	sadd.s32 s5, s21  }
0x188: {  	(v2sf) =	vpush v0, $0xE;
	s22 =	sand.u32 $0xFFFFF800, s18;
	s5 =	sld [smem:$0x7E7];
	s10 =	sshll.u32 s7, $0x8  }
0x189: {  	s2 =	sshll.u32 s7, $0x7;
	s12 =	sand.u32 $0x380, s6;
	s15 =	spop (v2sf)  }
0x18a: {  	s7 =	rddreg [dreg:$0x19];
	s0 =	sadd.s32 s19, s20;
	s25 =	sadd.s32 s22, s21  }
0x18b: {  	s4 =	sand.u32 $0xFFFFF800, s10;
	s19 =	sshll.u32 s15, $0x8;
	s20 =	sld [smem:$0x7E6]  }
0x18c: {  	(v2sf) =	vpush v0, $0xF;
	[tilespmem:s5], [sflag:$0x2] =	stream.linear.gather [spmem:s0], $0x80, $0x38;
	[tilespmem:$0x1D900] =	vst v63  }
0x18d: {  	s2 =	sand.u32 $0x380, s2;
	s22 =	sld [smem:$0x7E3];
	s0 =	sadd.s32 $0x400, s0  }
0x18e: {  	[tilespmem:s8], [sflag:$0x2] =	stream.linear.gather [spmem:s0], $0x80, $0x38;
	[tilespmem:$0x1D900] =	vst v63  }
0x18f: {  	s24 =	sshll.u32 s15, $0x7;
	s15 =	rddreg [dreg:$0xf];
	s18 =	sadd.s32 s4, s21  }
0x190: {  	[tilespmem:s11], [sflag:$0x2] =	stream.linear.gather [spmem:s1], $0x80, $0x38;
	[tilespmem:$0x1D900] =	vst v63  }
0x191: {  	s17 =	sadd.s32 s12, s25;
	s3 =	sand.u32 $0xFFFFF800, s19;
	s23 =	sadd.s32 s2, s18  }
0x192: {  	[tilespmem:s16], [sflag:$0x2] =	stream.linear.gather [spmem:s9], $0x80, $0x38;
	[tilespmem:$0x1D900] =	vst v63  }
0x193: {  	s25 =	sadd.s32 s3, s21;
	s5 =	rddreg [dreg:$0x1b];
	s1 =	sand.u32 $0x380, s24  }
0x194: {  	[tilespmem:s20], [sflag:$0x2] =	stream.linear.gather [spmem:s17], $0x80, $0x38;
	[tilespmem:$0x1D900] =	vst v63  }
0x195: {  	s0 =	sadd.s32 $0x400, s17;
	s11 =	rddreg [dreg:$0x14];
	s8 =	sadd.s32 s1, s25  }
0x196: {  	[tilespmem:s22], [sflag:$0x2] =	stream.linear.gather [spmem:s0], $0x80, $0x38;
	[tilespmem:$0x1D900] =	vst v63  }
0x197: {  	s20 =	rddreg [dreg:$0xa];
	s0 =	sadd.s32 $0x400, s23;
	s6 =	spop (v2sf)  }
0x198: {  	[tilespmem:s5], [sflag:$0x2] =	stream.linear.gather [spmem:s23], $0x80, $0x38;
	[tilespmem:$0x1D900] =	vst v63  }
0x199: {  	s22 =	rddreg [dreg:$0x6];
	s9 =	sshll.u32 s6, $0x8;
	s10 =	sshll.u32 s6, $0x7  }
0x19a: {  	[tilespmem:s7], [sflag:$0x2] =	stream.linear.gather [spmem:s0], $0x80, $0x38;
	[tilespmem:$0x1D900] =	vst v63  }
0x19b: {  	s12 =	spop (v2sf);
	s1 =	sand.u32 $0xFFFFF800, s9;
	s16 =	sand.u32 $0x380, s10  }
0x19c: {  	[tilespmem:s11], [sflag:$0x2] =	stream.linear.gather [spmem:s8], $0x80, $0x38;
	[tilespmem:$0x1D900] =	vst v63  }
0x19d: {  	s17 =	sshll.u32 s12, $0x8;
	s1 =	sadd.s32 s1, s21;
	s0 =	sadd.s32 $0x400, s8  }
0x19e: {  	[tilespmem:s15], [sflag:$0x2] =	stream.linear.gather [spmem:s0], $0x80, $0x38;
	[tilespmem:$0x1D900] =	vst v63  }
0x19f: {  	s19 =	sshll.u32 s12, $0x7;
	s18 =	sand.u32 $0xFFFFF800, s17;
	s0 =	sadd.s32 s16, s1  }
0x1a0: {  	[tilespmem:s20], [sflag:$0x2] =	stream.linear.gather [spmem:s0], $0x80, $0x38;
	[tilespmem:$0x1D900] =	vst v63  }
0x1a1: {  	s2 =	sand.u32 $0x380, s19;
	s1 =	sadd.s32 s18, s21;
	s0 =	sadd.s32 $0x400, s0  }
0x1a2: {  	[tilespmem:s22], [sflag:$0x2] =	stream.linear.gather [spmem:s0], $0x80, $0x38;
	[tilespmem:$0x1D900] =	vst v63  }
0x1a3: {  	s24 =	sadd.s32 $0xA500, s14;
	s23 =	sadd.s32 s2, s1  }
0x1a4: {  	[tilespmem:s24], [sflag:$0x2] =	stream.linear.gather [spmem:s23], $0x80, $0x38;
	[tilespmem:$0x1D900] =	vst v63  }
0x1a5: {  	s25 =	sadd.s32 $0xA900, s14;
	s0 =	sadd.s32 $0x400, s23  }
0x1a6: {  	[tilespmem:s25], [sflag:$0x2] =	stream.linear.gather [spmem:s0], $0x80, $0x38;
	[tilespmem:$0x1D900] =	vst v63  }
0x1a7: {  	v0 =	vld [tilespmem:s26+$0x0]  }
0x1a8: {  	s1 =	sld [smem:$0x7DE];
	_ =	sdelay $0x2  }
0x1a9: {  	s14 =	sshra.s32 s1, $0x2  }
0x1aa: {  	s2 =	sadd.s32 $0xA400, s14;
	(v2sf) =	vpush v0, $0x1  }
0x1ab: {  	s3 =	sadd.s32 $0xA800, s14;
	[dreg:$0x14] =	wrdreg s2;
	(v2sf) =	vpush v0, $0x0  }
0x1ac: {  	s4 =	sadd.s32 $0xA480, s14;
	[dreg:$0xf] =	wrdreg s3  }
0x1ad: {  	p1 =	sne.s32 s13, $0x1C000;
	s5 =	sadd.s32 $0xA700, s14;
	[dreg:$0xa] =	wrdreg s4;
	(v2sf) =	vpush v0, $0x4  }
0x1ae: {  	s13 =	sadd.s32 $0x4000, s13;
	s8 =	sadd.s32 $0xA380, s14;
	[smem:$0x7E3] =	sst s5  }
0x1af: {  	s6 =	sadd.s32 $0x9A00, s14;
	s9 =	sadd.s32 $0xA780, s14;
	[dreg:$0x1b] =	wrdreg s8;
	(v2sf) =	vpush v0, $0x3  }
0x1b0: {  	s7 =	sadd.s32 $0x9F80, s14;
	s10 =	sadd.s32 $0xA280, s14;
	[dreg:$0x19] =	wrdreg s9;
	(v2sf) =	vpush v0, $0x5  }
0x1b1: {  	s11 =	sadd.s32 $0xA680, s14;
	s12 =	sadd.s32 $0xA300, s14;
	[smem:$0x7E4] =	sst s10  }
0x1b2: {  	s16 =	sadd.s32 $0xA580, s14;
	s15 =	sadd.s32 $0xA200, s14;
	[smem:$0x7E5] =	sst s11;
	(v2sf) =	vpush v0, $0xA  }
0x1b3: {  	s17 =	sadd.s32 $0xA600, s14;
	s29 =	sadd.s32 $0x9C00, s14;
	[smem:$0x7E6] =	sst s12  }
0x1b4: {  	s20 =	sadd.s32 $0x9C80, s14;
	s30 =	sadd.s32 $0x9B80, s14;
	[smem:$0x7E7] =	sst s15;
	(v2sf) =	vpush v0, $0x2  }
0x1b5: {  	s1 =	sadd.s32 $0x9980, s14;
	[smem:$0x7E8] =	sst s17;
	s23 =	sadd.s32 $0xA080, s14  }
0x1b6: {  	s3 =	sadd.s32 $0x9D00, s14;
	s5 =	sadd.s32 $0xA100, s14;
	s17 =	sadd.s32 $0x9B00, s14;
	(v2sf) =	vpush v0, $0x6  }
0x1b7: {  	s2 =	sadd.s32 $0x9F00, s14;
	s10 =	sadd.s32 $0x9E00, s14;
	s9 =	sadd.s32 $0x9A80, s14  }
0x1b8: {  	s8 =	sadd.s32 $0x9E80, s14;
	s11 =	sadd.s32 $0x9D80, s14;
	s0 =	sadd.s32 $0xA880, s14  }
0x1b9: {  	[dreg:$0x6] =	wrdreg s0;
	s26 =	sadd.s32 $0x10, s26;
	s18 =	spop (v2sf)  }
0x1ba: {  	s0 =	sadd.s32 $0xA000, s14;
	s19 =	sshll.u32 s18, $0x8;
	s22 =	spop (v2sf)  }
0x1bb: {  	s15 =	sshll.u32 s18, $0x7;
	s24 =	sshll.u32 s22, $0x8;
	s4 =	sshll.u32 s22, $0x7  }
0x1bc: {  	s31 =	spop (v2sf);
	s12 =	sand.u32 $0xFFFFF800, s19;
	s15 =	sand.u32 $0x380, s15  }
0x1bd: {  	s18 =	sand.u32 $0xFFFFF800, s24;
	s19 =	sshll.u32 s31, $0x7;
	s25 =	sand.u32 $0x380, s4  }
0x1be: {  	s4 =	spop (v2sf);
	s12 =	sadd.s32 s12, s21;
	s18 =	sadd.s32 s18, s21  }
0x1bf: {  	s24 =	sshll.u32 s4, $0x8;
	s18 =	sadd.s32 s25, s18;
	s25 =	spop (v2sf)  }
0x1c0: {  	[tilespmem:s1], [sflag:$0x2] =	stream.linear.gather [spmem:s18], $0x80, $0x38;
	[tilespmem:$0x1D900] =	vst v63  }
0x1c1: {  	s19 =	sand.u32 $0x380, s19;
	s18 =	sadd.s32 $0x400, s18;
	s22 =	spop (v2sf)  }
.Ltmp2:
0x1c2: {  	s21 =	sshll.u32 s25, $0x8;
	s1 =	sshll.u32 s25, $0x7;
	(pc) =	sbr.rel @p1 .LBB2_7-.Ltmp2, $4  }
0x1c3: {  	s25 =	sadd.s32 s15, s12;
	s12 =	sand.u32 $0xFFFFF800, s24;
	s15 =	spop (v2sf)  }
0x1c4: {  	[tilespmem:s11], [sflag:$0x2] =	stream.linear.gather [spmem:s18], $0x80, $0x38;
	[tilespmem:$0x1D900] =	vst v63  }
0x1c5: {  	(v2sf) =	vpush v0, $0x8;
	s24 =	sshll.u32 s15, $0x8;
	s15 =	sshll.u32 s15, $0x7;
	s11 =	spop (v2sf)  }
0x1c6: {  	(v2sf) =	vpush v0, $0x7;
	s18 =	sand.u32 $0xFFFFF800, s21;
	s21 =	rddreg [dreg:$0x4];
	s28 =	sand.u32 $0xFFFFF800, s24  }
0x1c7: {  	[tilespmem:s6], [sflag:$0x2] =	stream.linear.gather [spmem:s25], $0x80, $0x38;
	[tilespmem:$0x1D900] =	vst v63  }
0x1c8: {  	s24 =	sadd.s32 $0x400, s25;
	s25 =	sand.u32 $0x380, s15;
	s26 =	sadd.s32 s28, s21  }
0x1c9: {  	[tilespmem:s10], [sflag:$0x2] =	stream.linear.gather [spmem:s24], $0x80, $0x38;
	[tilespmem:$0x1D900] =	vst v63  }
0x1ca: {  	s6 =	sadd.s32 s25, s26  }
0x1cb: {  	[tilespmem:s9], [sflag:$0x2] =	stream.linear.gather [spmem:s6], $0x80, $0x38;
	[tilespmem:$0x1D900] =	vst v63  }
0x1cc: {  	s4 =	sshll.u32 s4, $0x7;
	(v2sf) =	vpush v0, $0x9;
	s6 =	sadd.s32 $0x400, s6  }
0x1cd: {  	[tilespmem:s8], [sflag:$0x2] =	stream.linear.gather [spmem:s6], $0x80, $0x38;
	[tilespmem:$0x1D900] =	vst v63  }
0x1ce: {  	s4 =	sand.u32 $0x380, s4;
	s8 =	sadd.s32 s12, s21  }
0x1cf: {  	s4 =	sadd.s32 s4, s8  }
0x1d0: {  	[tilespmem:s17], [sflag:$0x2] =	stream.linear.gather [spmem:s4], $0x80, $0x38;
	[tilespmem:$0x1D900] =	vst v63  }
0x1d1: {  	s1 =	sand.u32 $0x380, s1;
	s9 =	sshll.u32 s31, $0x8;
	s4 =	sadd.s32 $0x400, s4  }
0x1d2: {  	[tilespmem:s2], [sflag:$0x2] =	stream.linear.gather [spmem:s4], $0x80, $0x38;
	[tilespmem:$0x1D900] =	vst v63  }
0x1d3: {  	s13 =	sshll.u32 s11, $0x7;
	(v2sf) =	vpush v0, $0xB;
	s10 =	sshll.u32 s11, $0x8;
	s2 =	sand.u32 $0xFFFFF800, s9  }
0x1d4: {  	s12 =	sadd.s32 s18, s21;
	s6 =	sand.u32 $0x380, s13;
	s2 =	sadd.s32 s2, s21  }
0x1d5: {  	s1 =	sadd.s32 s1, s12;
	s12 =	sadd.s32 $0xA180, s14;
	s2 =	sadd.s32 s19, s2  }
0x1d6: {  	[tilespmem:s30], [sflag:$0x2] =	stream.linear.gather [spmem:s2], $0x80, $0x38;
	[tilespmem:$0x1D900] =	vst v63  }
0x1d7: {  	s9 =	sshll.u32 s22, $0x8;
	s2 =	sadd.s32 $0x400, s2;
	s15 =	spop (v2sf)  }
0x1d8: {  	s17 =	sshll.u32 s15, $0x8;
	s18 =	sshll.u32 s15, $0x7;
	s19 =	spop (v2sf)  }
0x1d9: {  	[tilespmem:s7], [sflag:$0x2] =	stream.linear.gather [spmem:s2], $0x80, $0x38;
	[tilespmem:$0x1D900] =	vst v63  }
0x1da: {  	s2 =	sand.u32 $0xFFFFF800, s10;
	s24 =	sshll.u32 s19, $0x8;
	s4 =	sshll.u32 s19, $0x7  }
0x1db: {  	s10 =	sshll.u32 s22, $0x7;
	s15 =	spop (v2sf);
	s7 =	sld [smem:$0x7E8]  }
0x1dc: {  	s2 =	sadd.s32 s2, s21;
	s25 =	sand.u32 $0xFFFFF800, s24;
	s8 =	sand.u32 $0x380, s4  }
0x1dd: {  	s4 =	sand.u32 $0xFFFFF800, s9;
	s24 =	sand.u32 $0x380, s10;
	s10 =	sld [smem:$0x7E4]  }
0x1de: {  	(v2sf) =	vpush v0, $0xC;
	[tilespmem:s29], [sflag:$0x2] =	stream.linear.gather [spmem:s1], $0x80, $0x38;
	[tilespmem:$0x1D900] =	vst v63  }
0x1df: {  	s1 =	sadd.s32 $0x400, s1;
	s2 =	sadd.s32 s6, s2;
	s6 =	sadd.s32 s25, s21  }
0x1e0: {  	s11 =	sadd.s32 s4, s21;
	s4 =	sshll.u32 s15, $0x7;
	s26 =	sadd.s32 $0x400, s2  }
0x1e1: {  	[tilespmem:s0], [sflag:$0x2] =	stream.linear.gather [spmem:s1], $0x80, $0x38;
	[tilespmem:$0x1D900] =	vst v63  }
0x1e2: {  	(v2sf) =	vpush v0, $0xD;
	s0 =	sand.u32 $0xFFFFF800, s17;
	s1 =	sand.u32 $0x380, s18;
	s18 =	spop (v2sf)  }
0x1e3: {  	s17 =	sshll.u32 s15, $0x8;
	s0 =	sadd.s32 s0, s21;
	s19 =	sshll.u32 s18, $0x8  }
0x1e4: {  	[tilespmem:s20], [sflag:$0x2] =	stream.linear.gather [spmem:s2], $0x80, $0x38;
	[tilespmem:$0x1D900] =	vst v63  }
0x1e5: {  	s2 =	sadd.s32 s8, s6;
	s0 =	sadd.s32 s1, s0;
	s6 =	sshll.u32 s18, $0x7  }
0x1e6: {  	(v2sf) =	vpush v0, $0xE;
	s20 =	sand.u32 $0x380, s4;
	s1 =	sadd.s32 s24, s11;
	s18 =	sld [smem:$0x7E6]  }
0x1e7: {  	[tilespmem:s23], [sflag:$0x2] =	stream.linear.gather [spmem:s26], $0x80, $0x38;
	[tilespmem:$0x1D900] =	vst v63  }
0x1e8: {  	s24 =	rddreg [dreg:$0x1b];
	s13 =	sadd.s32 $0x400, s0;
	s8 =	sadd.s32 $0x400, s1  }
0x1e9: {  	[tilespmem:s3], [sflag:$0x2] =	stream.linear.gather [spmem:s2], $0x80, $0x38;
	[tilespmem:$0x1D900] =	vst v63  }
0x1ea: {  	s11 =	sand.u32 $0x380, s6;
	s26 =	sld [smem:$0x7E7];
	s2 =	sadd.s32 $0x400, s2  }
0x1eb: {  	[tilespmem:s5], [sflag:$0x2] =	stream.linear.gather [spmem:s2], $0x80, $0x38;
	[tilespmem:$0x1D900] =	vst v63  }
0x1ec: {  	s23 =	sand.u32 $0xFFFFF800, s19;
	s19 =	sld [smem:$0x7E3];
	s5 =	sand.u32 $0xFFFFF800, s17  }
0x1ed: {  	s25 =	sadd.s32 s23, s21;
	s22 =	sadd.s32 s5, s21;
	s5 =	spop (v2sf)  }
0x1ee: {  	[tilespmem:s12], [sflag:$0x2] =	stream.linear.gather [spmem:s0], $0x80, $0x38;
	[tilespmem:$0x1D900] =	vst v63  }
0x1ef: {  	s15 =	sadd.s32 s11, s25;
	s0 =	sadd.s32 s20, s22;
	s9 =	sshll.u32 s5, $0x8  }
0x1f0: {  	[tilespmem:s16], [sflag:$0x2] =	stream.linear.gather [spmem:s13], $0x80, $0x38;
	[tilespmem:$0x1D900] =	vst v63  }
0x1f1: {  	s2 =	sshll.u32 s5, $0x7;
	s12 =	spop (v2sf);
	s4 =	sand.u32 $0xFFFFF800, s9  }
0x1f2: {  	(v2sf) =	vpush v0, $0xF;
	[tilespmem:s26], [sflag:$0x2] =	stream.linear.gather [spmem:s0], $0x80, $0x38;
	[tilespmem:$0x1D900] =	vst v63  }
0x1f3: {  	s17 =	sshll.u32 s12, $0x8;
	s2 =	sand.u32 $0x380, s2;
	s0 =	sadd.s32 $0x400, s0  }
0x1f4: {  	[tilespmem:s7], [sflag:$0x2] =	stream.linear.gather [spmem:s0], $0x80, $0x38;
	[tilespmem:$0x1D900] =	vst v63  }
0x1f5: {  	s22 =	sshll.u32 s12, $0x7;
	s25 =	spop (v2sf);
	s13 =	sld [smem:$0x7E5]  }
0x1f6: {  	[tilespmem:s10], [sflag:$0x2] =	stream.linear.gather [spmem:s1], $0x80, $0x38;
	[tilespmem:$0x1D900] =	vst v63  }
0x1f7: {  	s9 =	rddreg [dreg:$0xf];
	s16 =	sadd.s32 s4, s21;
	s3 =	sand.u32 $0xFFFFF800, s17  }
0x1f8: {  	[tilespmem:s13], [sflag:$0x2] =	stream.linear.gather [spmem:s8], $0x80, $0x38;
	[tilespmem:$0x1D900] =	vst v63  }
0x1f9: {  	s5 =	sshll.u32 s25, $0x8;
	s20 =	sadd.s32 s2, s16;
	s16 =	rddreg [dreg:$0x6]  }
0x1fa: {  	[tilespmem:s18], [sflag:$0x2] =	stream.linear.gather [spmem:s15], $0x80, $0x38;
	[tilespmem:$0x1D900] =	vst v63  }
0x1fb: {  	s6 =	sshll.u32 s25, $0x7;
	s26 =	rddreg [dreg:$0x19];
	s0 =	sadd.s32 $0x400, s15  }
0x1fc: {  	[tilespmem:s19], [sflag:$0x2] =	stream.linear.gather [spmem:s0], $0x80, $0x38;
	[tilespmem:$0x1D900] =	vst v63  }
0x1fd: {  	s23 =	sadd.s32 s3, s21;
	s7 =	rddreg [dreg:$0x14];
	s1 =	sand.u32 $0x380, s22  }
0x1fe: {  	[tilespmem:s24], [sflag:$0x2] =	stream.linear.gather [spmem:s20], $0x80, $0x38;
	[tilespmem:$0x1D900] =	vst v63  }
0x1ff: {  	s4 =	sadd.s32 s1, s23;
	s1 =	sand.u32 $0xFFFFF800, s5;
	s0 =	sadd.s32 $0x400, s20  }
0x200: {  	[tilespmem:s26], [sflag:$0x2] =	stream.linear.gather [spmem:s0], $0x80, $0x38;
	[tilespmem:$0x1D900] =	vst v63  }
0x201: {  	s10 =	sand.u32 $0x380, s6;
	s8 =	spop (v2sf);
	s1 =	sadd.s32 s1, s21  }
0x202: {  	[tilespmem:s7], [sflag:$0x2] =	stream.linear.gather [spmem:s4], $0x80, $0x38;
	[tilespmem:$0x1D900] =	vst v63  }
0x203: {  	s11 =	sshll.u32 s8, $0x8;
	s13 =	sshll.u32 s8, $0x7;
	s0 =	sadd.s32 $0x400, s4  }
0x204: {  	[tilespmem:s9], [sflag:$0x2] =	stream.linear.gather [spmem:s0], $0x80, $0x38;
	[tilespmem:$0x1D900] =	vst v63  }
0x205: {  	s12 =	sand.u32 $0xFFFFF800, s11;
	s15 =	rddreg [dreg:$0xa];
	s0 =	sadd.s32 s10, s1  }
0x206: {  	[tilespmem:s15], [sflag:$0x2] =	stream.linear.gather [spmem:s0], $0x80, $0x38;
	[tilespmem:$0x1D900] =	vst v63  }
0x207: {  	s2 =	sand.u32 $0x380, s13;
	s1 =	sadd.s32 s12, s21;
	s0 =	sadd.s32 $0x400, s0  }
0x208: {  	[tilespmem:s16], [sflag:$0x2] =	stream.linear.gather [spmem:s0], $0x80, $0x38;
	[tilespmem:$0x1D900] =	vst v63  }
0x209: {  	s22 =	simm.s32 $0x1;
	s18 =	sadd.s32 $0xA500, s14;
	s17 =	sadd.s32 s2, s1  }
0x20a: {  	[tilespmem:s18], [sflag:$0x2] =	stream.linear.gather [spmem:s17], $0x80, $0x38;
	[tilespmem:$0x1D900] =	vst v63  }
0x20b: {  	s19 =	sadd.s32 $0xA900, s14;
	s20 =	sld [smem:$0x7DF];
	s0 =	sadd.s32 $0x400, s17  }
0x20c: {  	[tilespmem:s19], [sflag:$0x2] =	stream.linear.gather [spmem:s0], $0x80, $0x38;
	[tilespmem:$0x1D900] =	vst v63  }
0x20d: {  	_ =	swait.ge [sflag:s22], $0x8000  }
0x20e: {  	s23 =	sld [smem:$0x7F6]  }
0x20f: {  	s2 =	smul.u32 $0x180, s20  }
0x210: {  	[sflag:s22] =	ssyncset.done $0x0  }
0x211: {  	[sflag:s22] =	ssyncadd.s32 $0xFFFF8000;
	s0 =	sadd.s32 s23, s2  }
0x212: {  	s1 =	rddreg [dreg:$0x3];
	s0 =	sshll.u32 s0, $0x5  }
0x213: {  	s25 =	simm.s32 $0x1980;
	s24 =	simm.s32 $0x0;
	s0 =	sadd.s32 s1, s0  }
0x214: {  	[hbm4b:s0+s24] =	stream.linear.scatter [tilespmem:s25], [sflag:$0x4], $0x8000, $0x38;
	[tilespmem:$0x1D900] =	vst v63  }
0x215: {  	s0 =	simm.s32 @!p0 $0x6  }
0x216: {  	_ =	swait.ge @!p0 [sflag:s0], $0x8000  }
0x217: {  	s26 =	sld [smem:$0x7E9]  }
0x218: {  	[sflag:s0] =	ssyncset.done @!p0 $0x0  }
0x219: {  	[sflag:s0] =	ssyncadd.s32 @!p0 $0xFFFF8000  }
0x21a: {  	v0 =	vld [tilespmem:s26+$0x0];
	_ =	sdelay $0x4  }
0x21b: {  	(v2sf) =	vpush v0, $0x1  }
0x21c: {  	(v2sf) =	vpush v0, $0x0;
	_ =	sdelay $0x1  }
0x21d: {  	s3 =	simm.s32 $0x12880;
	(v2sf) =	vpush v0, $0x4  }
0x21e: {  	s4 =	simm.s32 $0x12400;
	[dreg:$0x7] =	wrdreg s3  }
0x21f: {  	s30 =	simm.s32 $0x11B80;
	s5 =	simm.s32 $0x12800;
	[dreg:$0x15] =	wrdreg s4;
	(v2sf) =	vpush v0, $0x3  }
0x220: {  	s29 =	simm.s32 $0x11C00;
	s8 =	simm.s32 $0x12480;
	[dreg:$0x10] =	wrdreg s5;
	(v2sf) =	vpush v0, $0x5  }
0x221: {  	s6 =	simm.s32 $0x11A00;
	s10 =	simm.s32 $0x12380;
	[dreg:$0xb] =	wrdreg s8;
	(v2sf) =	vpush v0, $0xA  }
0x222: {  	s13 =	simm.s32 $0x4000;
	s11 =	simm.s32 $0x12780;
	[dreg:$0x1c] =	wrdreg s10  }
0x223: {  	s14 =	simm.s32 $0x0;
	s7 =	simm.s32 $0x11F80;
	[dreg:$0x1a] =	wrdreg s11  }
0x224: {  	s9 =	simm.s32 $0x12700;
	s12 =	simm.s32 $0x12280;
	s2 =	sld [smem:$0x7E0];
	(v2sf) =	vpush v0, $0x2  }
0x225: {  	s15 =	simm.s32 $0x12680;
	s16 =	simm.s32 $0x12300;
	[smem:$0x7D7] =	sst s9  }
0x226: {  	s17 =	simm.s32 $0x11980;
	s18 =	simm.s32 $0x11D80;
	[smem:$0x7D8] =	sst s12  }
0x227: {  	s10 =	simm.s32 $0x11E00;
	s8 =	simm.s32 $0x11E80;
	[smem:$0x7D9] =	sst s15  }
0x228: {  	[smem:$0x7DA] =	sst s16;
	s9 =	simm.s32 $0x11A80;
	s0 =	simm.s32 $0x12000  }
0x229: {  	s1 =	sadd.s32 $0x2, s2;
	s26 =	sadd.s32 $0x10, s26;
	s19 =	spop (v2sf)  }
0x22a: {  	[smem:$0x7D6] =	sst s1;
	s20 =	sshll.u32 s19, $0x8;
	s22 =	spop (v2sf);
	(v2sf) =	vpush v0, $0x6  }
0x22b: {  	s2 =	sshll.u32 s19, $0x7;
	s23 =	sshll.u32 s22, $0x8;
	s4 =	sshll.u32 s22, $0x7  }
0x22c: {  	s31 =	spop (v2sf);
	s3 =	sand.u32 $0xFFFFF800, s20;
	s2 =	sand.u32 $0x380, s2  }
0x22d: {  	s5 =	sand.u32 $0xFFFFF800, s23;
	s24 =	sshll.u32 s31, $0x7;
	s11 =	sand.u32 $0x380, s4  }
0x22e: {  	s4 =	spop (v2sf);
	s23 =	simm.s32 $0x12200;
	s5 =	sadd.s32 s5, s21  }
0x22f: {  	s12 =	sshll.u32 s4, $0x8;
	s15 =	spop (v2sf);
	[smem:$0x7DB] =	sst s23  }
0x230: {  	s23 =	simm.s32 $0x12080;
	s5 =	sadd.s32 s11, s5;
	s22 =	spop (v2sf)  }
0x231: {  	[tilespmem:s17], [sflag:$0x3] =	stream.linear.gather [spmem:s5], $0x80, $0x38;
	[tilespmem:$0x1D900] =	vst v63  }
0x232: {  	s1 =	sshll.u32 s15, $0x7;
	s12 =	sand.u32 $0xFFFFF800, s12;
	s16 =	sadd.s32 $0x400, s5  }
0x233: {  	s17 =	sadd.s32 s3, s21;
	s19 =	spop (v2sf);
	s3 =	simm.s32 $0x11D00  }
0x234: {  	s5 =	simm.s32 $0x12100;
	s25 =	sadd.s32 s2, s17;
	s20 =	sshll.u32 s19, $0x8  }
0x235: {  	[tilespmem:s18], [sflag:$0x3] =	stream.linear.gather [spmem:s16], $0x80, $0x38;
	[tilespmem:$0x1D900] =	vst v63  }
0x236: {  	s17 =	simm.s32 $0x11B00;
	s2 =	simm.s32 $0x11F00;
	s18 =	sshll.u32 s15, $0x8  }
0x237: {  	s15 =	sshll.u32 s19, $0x7;
	s28 =	sand.u32 $0xFFFFF800, s20;
	s19 =	sand.u32 $0x380, s24  }
0x238: {  	(v2sf) =	vpush v0, $0x8;
	s16 =	simm.s32 $0x12580;
	s24 =	simm.s32 $0x12600;
	s20 =	simm.s32 $0x11C80  }
0x239: {  	(v2sf) =	vpush v0, $0x7;
	s18 =	sand.u32 $0xFFFFF800, s18;
	[smem:$0x7DC] =	sst s24;
	s11 =	spop (v2sf)  }
.LBB2_9:
0x23a: {  	[smem:$0x7D4] =	sst s16  }
0x23b: {  	s24 =	sadd.s32 $0x400, s25;
	s15 =	sand.u32 $0x380, s15;
	s28 =	sadd.s32 s28, s21  }
0x23c: {  	[tilespmem:s6], [sflag:$0x3] =	stream.linear.gather [spmem:s25], $0x80, $0x38;
	[tilespmem:$0x1D900] =	vst v63  }
0x23d: {  	s16 =	smov.u32 s13;
	s4 =	sshll.u32 s4, $0x7;
	s12 =	sadd.s32 s12, s21  }
0x23e: {  	[tilespmem:s10], [sflag:$0x3] =	stream.linear.gather [spmem:s24], $0x80, $0x38;
	[tilespmem:$0x1D900] =	vst v63  }
0x23f: {  	s25 =	sshll.u32 s11, $0x8;
	[smem:$0x7D5] =	sst s16;
	s16 =	sadd.s32 s15, s28  }
0x240: {  	[tilespmem:s9], [sflag:$0x3] =	stream.linear.gather [spmem:s16], $0x80, $0x38;
	[tilespmem:$0x1D900] =	vst v63  }
0x241: {  	s4 =	sand.u32 $0x380, s4;
	s24 =	sadd.s32 $0x400, s16;
	s9 =	sshll.u32 s31, $0x8  }
0x242: {  	[tilespmem:s8], [sflag:$0x3] =	stream.linear.gather [spmem:s24], $0x80, $0x38;
	[tilespmem:$0x1D900] =	vst v63  }
0x243: {  	s1 =	sand.u32 $0x380, s1;
	s4 =	sadd.s32 s4, s12;
	s6 =	sand.u32 $0xFFFFF800, s9  }
0x244: {  	[tilespmem:s17], [sflag:$0x3] =	stream.linear.gather [spmem:s4], $0x80, $0x38;
	[tilespmem:$0x1D900] =	vst v63  }
0x245: {  	s12 =	sand.u32 $0xFFFFF800, s25;
	s15 =	sadd.s32 $0x400, s4;
	s6 =	sadd.s32 s6, s21  }
0x246: {  	[tilespmem:s2], [sflag:$0x3] =	stream.linear.gather [spmem:s15], $0x80, $0x38;
	[tilespmem:$0x1D900] =	vst v63  }
0x247: {  	s9 =	sadd.s32 s12, s21;
	s8 =	sshll.u32 s11, $0x7;
	s24 =	sadd.s32 s19, s6  }
0x248: {  	[tilespmem:s30], [sflag:$0x3] =	stream.linear.gather [spmem:s24], $0x80, $0x38;
	[tilespmem:$0x1D900] =	vst v63  }
0x249: {  	s10 =	sadd.s32 $0x400, s24;
	s15 =	sadd.s32 s18, s21;
	s16 =	spop (v2sf)  }
0x24a: {  	s1 =	sadd.s32 s1, s15;
	s24 =	sshll.u32 s22, $0x8;
	s25 =	sshll.u32 s16, $0x8  }
0x24b: {  	[tilespmem:s7], [sflag:$0x3] =	stream.linear.gather [spmem:s10], $0x80, $0x38;
	[tilespmem:$0x1D900] =	vst v63  }
0x24c: {  	s11 =	sshll.u32 s16, $0x7;
	s12 =	spop (v2sf);
	(v2sf) =	vpush v0, $0x9;
	s16 =	sand.u32 $0x380, s8  }
0x24d: {  	s8 =	sld [smem:$0x7DC];
	s6 =	sand.u32 $0xFFFFF800, s25;
	s17 =	sshll.u32 s12, $0x8  }
0x24e: {  	[tilespmem:s29], [sflag:$0x3] =	stream.linear.gather [spmem:s1], $0x80, $0x38;
	[tilespmem:$0x1D900] =	vst v63  }
0x24f: {  	(v2sf) =	vpush v0, $0xB;
	s2 =	sadd.s32 s16, s9;
	s19 =	sshll.u32 s12, $0x7;
	s1 =	sadd.s32 $0x400, s1  }
0x250: {  	[tilespmem:s0], [sflag:$0x3] =	stream.linear.gather [spmem:s1], $0x80, $0x38;
	[tilespmem:$0x1D900] =	vst v63  }
0x251: {  	s25 =	sshll.u32 s22, $0x7;
	s10 =	sand.u32 $0x380, s11;
	s4 =	sand.u32 $0xFFFFF800, s17;
	(v2sf) =	vpush v0, $0xC  }
0x252: {  	[tilespmem:s20], [sflag:$0x3] =	stream.linear.gather [spmem:s2], $0x80, $0x38;
	[tilespmem:$0x1D900] =	vst v63  }
0x253: {  	s18 =	sadd.s32 $0x400, s2;
	s4 =	sadd.s32 s4, s21;
	(v2sf) =	vpush v0, $0xD;
	s1 =	sand.u32 $0x380, s19  }
0x254: {  	[tilespmem:s23], [sflag:$0x3] =	stream.linear.gather [spmem:s18], $0x80, $0x38;
	[tilespmem:$0x1D900] =	vst v63  }
0x255: {  	s11 =	sadd.s32 $0x12180, s14;
	s6 =	sadd.s32 s6, s21;
	s9 =	sadd.s32 s1, s4  }
0x256: {  	[tilespmem:s3], [sflag:$0x3] =	stream.linear.gather [spmem:s9], $0x80, $0x38;
	[tilespmem:$0x1D900] =	vst v63  }
0x257: {  	s1 =	sadd.s32 s10, s6;
	s2 =	sand.u32 $0xFFFFF800, s24;
	s0 =	sadd.s32 $0x400, s9  }
0x258: {  	[tilespmem:s5], [sflag:$0x3] =	stream.linear.gather [spmem:s0], $0x80, $0x38;
	[tilespmem:$0x1D900] =	vst v63  }
0x259: {  	s24 =	sand.u32 $0x380, s25;
	s2 =	sadd.s32 s2, s21;
	s23 =	sld [smem:$0x7D4]  }
0x25a: {  	[tilespmem:s11], [sflag:$0x3] =	stream.linear.gather [spmem:s1], $0x80, $0x38;
	[tilespmem:$0x1D900] =	vst v63  }
0x25b: {  	s12 =	sadd.s32 $0x400, s1;
	s1 =	sadd.s32 s24, s2;
	s15 =	spop (v2sf)  }
0x25c: {  	s11 =	sld [smem:$0x7D8];
	s9 =	sadd.s32 $0x400, s1;
	s16 =	sshll.u32 s15, $0x8  }
0x25d: {  	[tilespmem:s23], [sflag:$0x3] =	stream.linear.gather [spmem:s12], $0x80, $0x38;
	[tilespmem:$0x1D900] =	vst v63  }
0x25e: {  	s4 =	sshll.u32 s15, $0x7;
	s17 =	spop (v2sf);
	s5 =	sand.u32 $0xFFFFF800, s16  }
0x25f: {  	s18 =	sshll.u32 s17, $0x8;
	s6 =	sshll.u32 s17, $0x7;
	s19 =	sand.u32 $0x380, s4  }
0x260: {  	s7 =	spop (v2sf);
	s16 =	sld [smem:$0x7D9];
	s20 =	sadd.s32 s5, s21  }
0x261: {  	(v2sf) =	vpush v0, $0xE;
	s22 =	sand.u32 $0xFFFFF800, s18;
	s5 =	sld [smem:$0x7DB];
	s10 =	sshll.u32 s7, $0x8  }
0x262: {  	s2 =	sshll.u32 s7, $0x7;
	s12 =	sand.u32 $0x380, s6;
	s15 =	spop (v2sf)  }
0x263: {  	s7 =	rddreg [dreg:$0x1a];
	s0 =	sadd.s32 s19, s20;
	s25 =	sadd.s32 s22, s21  }
0x264: {  	s4 =	sand.u32 $0xFFFFF800, s10;
	s19 =	sshll.u32 s15, $0x8;
	s20 =	sld [smem:$0x7DA]  }
0x265: {  	(v2sf) =	vpush v0, $0xF;
	[tilespmem:s5], [sflag:$0x3] =	stream.linear.gather [spmem:s0], $0x80, $0x38;
	[tilespmem:$0x1D900] =	vst v63  }
0x266: {  	s2 =	sand.u32 $0x380, s2;
	s22 =	sld [smem:$0x7D7];
	s0 =	sadd.s32 $0x400, s0  }
0x267: {  	[tilespmem:s8], [sflag:$0x3] =	stream.linear.gather [spmem:s0], $0x80, $0x38;
	[tilespmem:$0x1D900] =	vst v63  }
0x268: {  	s24 =	sshll.u32 s15, $0x7;
	s15 =	rddreg [dreg:$0x10];
	s18 =	sadd.s32 s4, s21  }
0x269: {  	[tilespmem:s11], [sflag:$0x3] =	stream.linear.gather [spmem:s1], $0x80, $0x38;
	[tilespmem:$0x1D900] =	vst v63  }
0x26a: {  	s17 =	sadd.s32 s12, s25;
	s3 =	sand.u32 $0xFFFFF800, s19;
	s23 =	sadd.s32 s2, s18  }
0x26b: {  	[tilespmem:s16], [sflag:$0x3] =	stream.linear.gather [spmem:s9], $0x80, $0x38;
	[tilespmem:$0x1D900] =	vst v63  }
0x26c: {  	s25 =	sadd.s32 s3, s21;
	s5 =	rddreg [dreg:$0x1c];
	s1 =	sand.u32 $0x380, s24  }
0x26d: {  	[tilespmem:s20], [sflag:$0x3] =	stream.linear.gather [spmem:s17], $0x80, $0x38;
	[tilespmem:$0x1D900] =	vst v63  }
0x26e: {  	s0 =	sadd.s32 $0x400, s17;
	s11 =	rddreg [dreg:$0x15];
	s8 =	sadd.s32 s1, s25  }
0x26f: {  	[tilespmem:s22], [sflag:$0x3] =	stream.linear.gather [spmem:s0], $0x80, $0x38;
	[tilespmem:$0x1D900] =	vst v63  }
0x270: {  	s20 =	rddreg [dreg:$0xb];
	s0 =	sadd.s32 $0x400, s23;
	s6 =	spop (v2sf)  }
0x271: {  	[tilespmem:s5], [sflag:$0x3] =	stream.linear.gather [spmem:s23], $0x80, $0x38;
	[tilespmem:$0x1D900] =	vst v63  }
0x272: {  	s22 =	rddreg [dreg:$0x7];
	s9 =	sshll.u32 s6, $0x8;
	s10 =	sshll.u32 s6, $0x7  }
0x273: {  	[tilespmem:s7], [sflag:$0x3] =	stream.linear.gather [spmem:s0], $0x80, $0x38;
	[tilespmem:$0x1D900] =	vst v63  }
0x274: {  	s12 =	spop (v2sf);
	s1 =	sand.u32 $0xFFFFF800, s9;
	s16 =	sand.u32 $0x380, s10  }
0x275: {  	[tilespmem:s11], [sflag:$0x3] =	stream.linear.gather [spmem:s8], $0x80, $0x38;
	[tilespmem:$0x1D900] =	vst v63  }
0x276: {  	s17 =	sshll.u32 s12, $0x8;
	s1 =	sadd.s32 s1, s21;
	s0 =	sadd.s32 $0x400, s8  }
0x277: {  	[tilespmem:s15], [sflag:$0x3] =	stream.linear.gather [spmem:s0], $0x80, $0x38;
	[tilespmem:$0x1D900] =	vst v63  }
0x278: {  	s19 =	sshll.u32 s12, $0x7;
	s18 =	sand.u32 $0xFFFFF800, s17;
	s0 =	sadd.s32 s16, s1  }
0x279: {  	[tilespmem:s20], [sflag:$0x3] =	stream.linear.gather [spmem:s0], $0x80, $0x38;
	[tilespmem:$0x1D900] =	vst v63  }
0x27a: {  	s2 =	sand.u32 $0x380, s19;
	s1 =	sadd.s32 s18, s21;
	s0 =	sadd.s32 $0x400, s0  }
0x27b: {  	[tilespmem:s22], [sflag:$0x3] =	stream.linear.gather [spmem:s0], $0x80, $0x38;
	[tilespmem:$0x1D900] =	vst v63  }
0x27c: {  	s24 =	sadd.s32 $0x12500, s14;
	s23 =	sadd.s32 s2, s1  }
0x27d: {  	[tilespmem:s24], [sflag:$0x3] =	stream.linear.gather [spmem:s23], $0x80, $0x38;
	[tilespmem:$0x1D900] =	vst v63  }
0x27e: {  	s25 =	sadd.s32 $0x12900, s14;
	s0 =	sadd.s32 $0x400, s23  }
0x27f: {  	[tilespmem:s25], [sflag:$0x3] =	stream.linear.gather [spmem:s0], $0x80, $0x38;
	[tilespmem:$0x1D900] =	vst v63  }
0x280: {  	v0 =	vld [tilespmem:s26+$0x0]  }
0x281: {  	s1 =	sld [smem:$0x7D5];
	_ =	sdelay $0x2  }
0x282: {  	s14 =	sshra.s32 s1, $0x2  }
0x283: {  	s2 =	sadd.s32 $0x12400, s14;
	(v2sf) =	vpush v0, $0x1  }
0x284: {  	s3 =	sadd.s32 $0x12800, s14;
	[dreg:$0x15] =	wrdreg s2;
	(v2sf) =	vpush v0, $0x0  }
0x285: {  	s4 =	sadd.s32 $0x12480, s14;
	[dreg:$0x10] =	wrdreg s3  }
0x286: {  	p0 =	sne.s32 s13, $0x1C000;
	s5 =	sadd.s32 $0x12700, s14;
	[dreg:$0xb] =	wrdreg s4;
	(v2sf) =	vpush v0, $0x4  }
0x287: {  	s13 =	sadd.s32 $0x4000, s13;
	s8 =	sadd.s32 $0x12380, s14;
	[smem:$0x7D7] =	sst s5  }
0x288: {  	s6 =	sadd.s32 $0x11A00, s14;
	s9 =	sadd.s32 $0x12780, s14;
	[dreg:$0x1c] =	wrdreg s8;
	(v2sf) =	vpush v0, $0x3  }
0x289: {  	s7 =	sadd.s32 $0x11F80, s14;
	s10 =	sadd.s32 $0x12280, s14;
	[dreg:$0x1a] =	wrdreg s9;
	(v2sf) =	vpush v0, $0x5  }
0x28a: {  	s11 =	sadd.s32 $0x12680, s14;
	s12 =	sadd.s32 $0x12300, s14;
	[smem:$0x7D8] =	sst s10  }
0x28b: {  	s16 =	sadd.s32 $0x12580, s14;
	s15 =	sadd.s32 $0x12200, s14;
	[smem:$0x7D9] =	sst s11;
	(v2sf) =	vpush v0, $0xA  }
0x28c: {  	s17 =	sadd.s32 $0x12600, s14;
	s29 =	sadd.s32 $0x11C00, s14;
	[smem:$0x7DA] =	sst s12  }
0x28d: {  	s20 =	sadd.s32 $0x11C80, s14;
	s30 =	sadd.s32 $0x11B80, s14;
	[smem:$0x7DB] =	sst s15;
	(v2sf) =	vpush v0, $0x2  }
0x28e: {  	s1 =	sadd.s32 $0x11980, s14;
	[smem:$0x7DC] =	sst s17;
	s23 =	sadd.s32 $0x12080, s14  }
0x28f: {  	s3 =	sadd.s32 $0x11D00, s14;
	s5 =	sadd.s32 $0x12100, s14;
	s17 =	sadd.s32 $0x11B00, s14;
	(v2sf) =	vpush v0, $0x6  }
0x290: {  	s2 =	sadd.s32 $0x11F00, s14;
	s10 =	sadd.s32 $0x11E00, s14;
	s9 =	sadd.s32 $0x11A80, s14  }
0x291: {  	s8 =	sadd.s32 $0x11E80, s14;
	s11 =	sadd.s32 $0x11D80, s14;
	s0 =	sadd.s32 $0x12880, s14  }
0x292: {  	[dreg:$0x7] =	wrdreg s0;
	s26 =	sadd.s32 $0x10, s26;
	s18 =	spop (v2sf)  }
0x293: {  	s0 =	sadd.s32 $0x12000, s14;
	s19 =	sshll.u32 s18, $0x8;
	s22 =	spop (v2sf)  }
0x294: {  	s15 =	sshll.u32 s18, $0x7;
	s24 =	sshll.u32 s22, $0x8;
	s4 =	sshll.u32 s22, $0x7  }
0x295: {  	s31 =	spop (v2sf);
	s12 =	sand.u32 $0xFFFFF800, s19;
	s15 =	sand.u32 $0x380, s15  }
0x296: {  	s18 =	sand.u32 $0xFFFFF800, s24;
	s19 =	sshll.u32 s31, $0x7;
	s25 =	sand.u32 $0x380, s4  }
0x297: {  	s4 =	spop (v2sf);
	s12 =	sadd.s32 s12, s21;
	s18 =	sadd.s32 s18, s21  }
0x298: {  	s24 =	sshll.u32 s4, $0x8;
	s18 =	sadd.s32 s25, s18;
	s25 =	spop (v2sf)  }
0x299: {  	[tilespmem:s1], [sflag:$0x3] =	stream.linear.gather [spmem:s18], $0x80, $0x38;
	[tilespmem:$0x1D900] =	vst v63  }
0x29a: {  	s19 =	sand.u32 $0x380, s19;
	s18 =	sadd.s32 $0x400, s18;
	s22 =	spop (v2sf)  }
.Ltmp3:
0x29b: {  	s21 =	sshll.u32 s25, $0x8;
	s1 =	sshll.u32 s25, $0x7;
	(pc) =	sbr.rel @p0 .LBB2_9-.Ltmp3, $4  }
0x29c: {  	s25 =	sadd.s32 s15, s12;
	s12 =	sand.u32 $0xFFFFF800, s24;
	s15 =	spop (v2sf)  }
0x29d: {  	[tilespmem:s11], [sflag:$0x3] =	stream.linear.gather [spmem:s18], $0x80, $0x38;
	[tilespmem:$0x1D900] =	vst v63  }
0x29e: {  	(v2sf) =	vpush v0, $0x8;
	s24 =	sshll.u32 s15, $0x8;
	s15 =	sshll.u32 s15, $0x7;
	s11 =	spop (v2sf)  }
0x29f: {  	(v2sf) =	vpush v0, $0x7;
	s18 =	sand.u32 $0xFFFFF800, s21;
	s21 =	rddreg [dreg:$0x4];
	s28 =	sand.u32 $0xFFFFF800, s24  }
0x2a0: {  	[tilespmem:s6], [sflag:$0x3] =	stream.linear.gather [spmem:s25], $0x80, $0x38;
	[tilespmem:$0x1D900] =	vst v63  }
0x2a1: {  	s24 =	sadd.s32 $0x400, s25;
	s25 =	sand.u32 $0x380, s15;
	s26 =	sadd.s32 s28, s21  }
0x2a2: {  	[tilespmem:s10], [sflag:$0x3] =	stream.linear.gather [spmem:s24], $0x80, $0x38;
	[tilespmem:$0x1D900] =	vst v63  }
0x2a3: {  	s4 =	sshll.u32 s4, $0x7;
	s6 =	sadd.s32 s25, s26  }
0x2a4: {  	(v2sf) =	vpush v0, $0x9;
	[tilespmem:s9], [sflag:$0x3] =	stream.linear.gather [spmem:s6], $0x80, $0x38;
	[tilespmem:$0x1D900] =	vst v63  }
0x2a5: {  	s12 =	sadd.s32 s12, s21;
	s4 =	sand.u32 $0x380, s4;
	s6 =	sadd.s32 $0x400, s6  }
0x2a6: {  	[tilespmem:s8], [sflag:$0x3] =	stream.linear.gather [spmem:s6], $0x80, $0x38;
	[tilespmem:$0x1D900] =	vst v63  }
0x2a7: {  	(v2sf) =	vpush v0, $0xB;
	s4 =	sadd.s32 s4, s12  }
0x2a8: {  	[tilespmem:s17], [sflag:$0x3] =	stream.linear.gather [spmem:s4], $0x80, $0x38;
	[tilespmem:$0x1D900] =	vst v63  }
0x2a9: {  	s13 =	sshll.u32 s31, $0x8;
	s15 =	sshll.u32 s11, $0x8;
	(v2sf) =	vpush v0, $0xC;
	s4 =	sadd.s32 $0x400, s4  }
0x2aa: {  	[tilespmem:s2], [sflag:$0x3] =	stream.linear.gather [spmem:s4], $0x80, $0x38;
	[tilespmem:$0x1D900] =	vst v63  }
0x2ab: {  	s1 =	sand.u32 $0x380, s1;
	s12 =	sshll.u32 s22, $0x8;
	s2 =	sand.u32 $0xFFFFF800, s13  }
0x2ac: {  	s17 =	sadd.s32 s18, s21;
	s18 =	sshll.u32 s11, $0x7;
	s2 =	sadd.s32 s2, s21  }
0x2ad: {  	s1 =	sadd.s32 s1, s17;
	s6 =	sand.u32 $0x380, s18;
	s2 =	sadd.s32 s19, s2  }
0x2ae: {  	[tilespmem:s30], [sflag:$0x3] =	stream.linear.gather [spmem:s2], $0x80, $0x38;
	[tilespmem:$0x1D900] =	vst v63  }
0x2af: {  	s17 =	sadd.s32 $0x12180, s14;
	s13 =	sshll.u32 s22, $0x7;
	s19 =	spop (v2sf)  }
0x2b0: {  	s2 =	sadd.s32 $0x400, s2;
	s24 =	sshll.u32 s19, $0x8;
	s26 =	spop (v2sf)  }
0x2b1: {  	[tilespmem:s7], [sflag:$0x3] =	stream.linear.gather [spmem:s2], $0x80, $0x38;
	[tilespmem:$0x1D900] =	vst v63  }
0x2b2: {  	s25 =	sshll.u32 s19, $0x7;
	s2 =	sand.u32 $0xFFFFF800, s15;
	s8 =	sshll.u32 s26, $0x8  }
0x2b3: {  	s4 =	sshll.u32 s26, $0x7;
	s19 =	spop (v2sf);
	s2 =	sadd.s32 s2, s21  }
0x2b4: {  	s9 =	sand.u32 $0xFFFFF800, s8;
	s11 =	sand.u32 $0x380, s4;
	s4 =	sand.u32 $0xFFFFF800, s12  }
0x2b5: {  	[tilespmem:s29], [sflag:$0x3] =	stream.linear.gather [spmem:s1], $0x80, $0x38;
	[tilespmem:$0x1D900] =	vst v63  }
0x2b6: {  	s22 =	spop (v2sf);
	s8 =	sld [smem:$0x7DB];
	s1 =	sadd.s32 $0x400, s1  }
0x2b7: {  	s2 =	sadd.s32 s6, s2;
	s6 =	sadd.s32 s9, s21;
	s15 =	sadd.s32 s4, s21  }
0x2b8: {  	s4 =	sshll.u32 s19, $0x7;
	s9 =	spop (v2sf);
	s10 =	sadd.s32 $0x400, s2  }
0x2b9: {  	[tilespmem:s0], [sflag:$0x3] =	stream.linear.gather [spmem:s1], $0x80, $0x38;
	[tilespmem:$0x1D900] =	vst v63  }
0x2ba: {  	s12 =	sshll.u32 s9, $0x8;
	s0 =	sand.u32 $0xFFFFF800, s24;
	s1 =	sand.u32 $0x380, s25  }
0x2bb: {  	s24 =	sand.u32 $0x380, s4;
	s4 =	sand.u32 $0xFFFFF800, s12;
	s0 =	sadd.s32 s0, s21  }
0x2bc: {  	[tilespmem:s20], [sflag:$0x3] =	stream.linear.gather [spmem:s2], $0x80, $0x38;
	[tilespmem:$0x1D900] =	vst v63  }
0x2bd: {  	s2 =	sadd.s32 s11, s6;
	s0 =	sadd.s32 s1, s0;
	s20 =	sshll.u32 s19, $0x8  }
0x2be: {  	(v2sf) =	vpush v0, $0xD;
	[tilespmem:s23], [sflag:$0x3] =	stream.linear.gather [spmem:s10], $0x80, $0x38;
	[tilespmem:$0x1D900] =	vst v63  }
0x2bf: {  	s6 =	sshll.u32 s22, $0x7;
	s19 =	sadd.s32 s4, s21;
	s10 =	sld [smem:$0x7DC]  }
0x2c0: {  	(v2sf) =	vpush v0, $0xE;
	s18 =	sadd.s32 $0x400, s0;
	s23 =	sshll.u32 s22, $0x8;
	s22 =	sld [smem:$0x7DA]  }
0x2c1: {  	[tilespmem:s3], [sflag:$0x3] =	stream.linear.gather [spmem:s2], $0x80, $0x38;
	[tilespmem:$0x1D900] =	vst v63  }
0x2c2: {  	s26 =	sand.u32 $0xFFFFF800, s23;
	s23 =	sld [smem:$0x7D7];
	s2 =	sadd.s32 $0x400, s2  }
0x2c3: {  	[tilespmem:s5], [sflag:$0x3] =	stream.linear.gather [spmem:s2], $0x80, $0x38;
	[tilespmem:$0x1D900] =	vst v63  }
0x2c4: {  	(v2sf) =	vpush v0, $0xF;
	s7 =	sadd.s32 s26, s21;
	s5 =	sand.u32 $0xFFFFF800, s20;
	s2 =	sshll.u32 s9, $0x7  }
0x2c5: {  	s25 =	sadd.s32 s5, s21;
	s5 =	sand.u32 $0x380, s13;
	s13 =	sld [smem:$0x7D8]  }
0x2c6: {  	[tilespmem:s17], [sflag:$0x3] =	stream.linear.gather [spmem:s0], $0x80, $0x38;
	[tilespmem:$0x1D900] =	vst v63  }
0x2c7: {  	s2 =	sand.u32 $0x380, s2;
	s0 =	sadd.s32 s24, s25;
	s17 =	sld [smem:$0x7D9]  }
0x2c8: {  	[tilespmem:s16], [sflag:$0x3] =	stream.linear.gather [spmem:s18], $0x80, $0x38;
	[tilespmem:$0x1D900] =	vst v63  }
0x2c9: {  	s1 =	sadd.s32 s5, s15;
	s15 =	sand.u32 $0x380, s6;
	s5 =	rddreg [dreg:$0x1c]  }
0x2ca: {  	[tilespmem:s8], [sflag:$0x3] =	stream.linear.gather [spmem:s0], $0x80, $0x38;
	[tilespmem:$0x1D900] =	vst v63  }
0x2cb: {  	s24 =	sadd.s32 s2, s19;
	s19 =	rddreg [dreg:$0xb];
	s0 =	sadd.s32 $0x400, s0  }
0x2cc: {  	[tilespmem:s10], [sflag:$0x3] =	stream.linear.gather [spmem:s0], $0x80, $0x38;
	[tilespmem:$0x1D900] =	vst v63  }
0x2cd: {  	s11 =	sadd.s32 $0x400, s1;
	s16 =	spop (v2sf);
	s18 =	sadd.s32 s15, s7  }
0x2ce: {  	[tilespmem:s13], [sflag:$0x3] =	stream.linear.gather [spmem:s1], $0x80, $0x38;
	[tilespmem:$0x1D900] =	vst v63  }
0x2cf: {  	s7 =	rddreg [dreg:$0x1a];
	s20 =	sshll.u32 s16, $0x8;
	s6 =	spop (v2sf)  }
0x2d0: {  	[tilespmem:s17], [sflag:$0x3] =	stream.linear.gather [spmem:s11], $0x80, $0x38;
	[tilespmem:$0x1D900] =	vst v63  }
0x2d1: {  	s25 =	sshll.u32 s16, $0x7;
	s3 =	sand.u32 $0xFFFFF800, s20;
	s9 =	sshll.u32 s6, $0x8  }
0x2d2: {  	[tilespmem:s22], [sflag:$0x3] =	stream.linear.gather [spmem:s18], $0x80, $0x38;
	[tilespmem:$0x1D900] =	vst v63  }
0x2d3: {  	s12 =	spop (v2sf);
	s20 =	rddreg [dreg:$0x7];
	s0 =	sadd.s32 $0x400, s18  }
0x2d4: {  	[tilespmem:s23], [sflag:$0x3] =	stream.linear.gather [spmem:s0], $0x80, $0x38;
	[tilespmem:$0x1D900] =	vst v63  }
0x2d5: {  	s26 =	sadd.s32 s3, s21;
	s16 =	sshll.u32 s12, $0x8;
	s10 =	sshll.u32 s6, $0x7  }
0x2d6: {  	[tilespmem:s5], [sflag:$0x3] =	stream.linear.gather [spmem:s24], $0x80, $0x38;
	[tilespmem:$0x1D900] =	vst v63  }
0x2d7: {  	s15 =	sand.u32 $0x380, s10;
	s1 =	sand.u32 $0x380, s25;
	s0 =	sadd.s32 $0x400, s24  }
0x2d8: {  	[tilespmem:s7], [sflag:$0x3] =	stream.linear.gather [spmem:s0], $0x80, $0x38;
	[tilespmem:$0x1D900] =	vst v63  }
0x2d9: {  	s8 =	sadd.s32 s1, s26;
	s1 =	sand.u32 $0xFFFFF800, s9;
	s11 =	rddreg [dreg:$0x15]  }
0x2da: {  	[tilespmem:s11], [sflag:$0x3] =	stream.linear.gather [spmem:s8], $0x80, $0x38;
	[tilespmem:$0x1D900] =	vst v63  }
0x2db: {  	s13 =	rddreg [dreg:$0x10];
	s1 =	sadd.s32 s1, s21;
	s0 =	sadd.s32 $0x400, s8  }
0x2dc: {  	[tilespmem:s13], [sflag:$0x3] =	stream.linear.gather [spmem:s0], $0x80, $0x38;
	[tilespmem:$0x1D900] =	vst v63  }
0x2dd: {  	s17 =	sand.u32 $0xFFFFF800, s16;
	s18 =	sshll.u32 s12, $0x7;
	s0 =	sadd.s32 s15, s1  }
0x2de: {  	[tilespmem:s19], [sflag:$0x3] =	stream.linear.gather [spmem:s0], $0x80, $0x38;
	[tilespmem:$0x1D900] =	vst v63  }
0x2df: {  	s2 =	sand.u32 $0x380, s18;
	s1 =	sadd.s32 s17, s21;
	s0 =	sadd.s32 $0x400, s0  }
0x2e0: {  	[tilespmem:s20], [sflag:$0x3] =	stream.linear.gather [spmem:s0], $0x80, $0x38;
	[tilespmem:$0x1D900] =	vst v63  }
0x2e1: {  	s23 =	sadd.s32 $0x12500, s14;
	s22 =	sadd.s32 s2, s1  }
0x2e2: {  	[tilespmem:s23], [sflag:$0x3] =	stream.linear.gather [spmem:s22], $0x80, $0x38;
	[tilespmem:$0x1D900] =	vst v63  }
0x2e3: {  	s26 =	simm.s32 $0x2;
	s24 =	sadd.s32 $0x12900, s14;
	s0 =	sadd.s32 $0x400, s22  }
0x2e4: {  	[tilespmem:s24], [sflag:$0x3] =	stream.linear.gather [spmem:s0], $0x80, $0x38;
	[tilespmem:$0x1D900] =	vst v63  }
0x2e5: {  	s25 =	sld [smem:$0x7E1];
	_ =	swait.ge [sflag:s26], $0x8000  }
0x2e6: {  	s3 =	sld [smem:$0x7F7];
	_ =	sdelay $0x1  }
0x2e7: {  	s0 =	sshll.u32 s25, $0xF;
	[sflag:s26] =	ssyncset.done $0x0  }
0x2e8: {  	[sflag:s26] =	ssyncadd.s32 $0xFFFF8000;
	s0 =	sadd.s32 s3, s0  }
0x2e9: {  	s6 =	simm.s32 $0x9980;
	s4 =	rddreg [dreg:$0x3];
	s0 =	sshrl.u32 s0, $0x3  }
0x2ea: {  	s5 =	simm.s32 $0x0;
	s7 =	simm.s32 $0x4;
	s0 =	sadd.s32 s4, s0  }
0x2eb: {  	[hbm4b:s0+s5] =	stream.linear.scatter [tilespmem:s6], [sflag:$0x5], $0x8000, $0x38;
	[tilespmem:$0x1D900] =	vst v63  }
0x2ec: {  	_ =	swait.ge [sflag:s7], $0x8000  }
0x2ed: {  	s8 =	sld [smem:$0x7EA]  }
0x2ee: {  	[sflag:s7] =	ssyncset.done $0x0  }
0x2ef: {  	[sflag:s7] =	ssyncadd.s32 $0xFFFF8000  }
0x2f0: {  	v0 =	vld [tilespmem:s8+$0x0];
	_ =	sdelay $0x4  }
0x2f1: {  	(v2sf) =	vpush v0, $0x1  }
0x2f2: {  	(v2sf) =	vpush v0, $0x0;
	_ =	sdelay $0x1  }
0x2f3: {  	(v2sf) =	vpush v0, $0x4  }
0x2f4: {  	s9 =	simm.s32 $0x2880  }
0x2f5: {  	s10 =	simm.s32 $0x2400;
	[dreg:$0x8] =	wrdreg s9;
	(v2sf) =	vpush v0, $0x3  }
0x2f6: {  	s28 =	simm.s32 $0x2080;
	s11 =	simm.s32 $0x2800;
	[dreg:$0x16] =	wrdreg s10  }
0x2f7: {  	s30 =	simm.s32 $0x1B80;
	s12 =	simm.s32 $0x2480;
	[dreg:$0x11] =	wrdreg s11;
	(v2sf) =	vpush v0, $0x5  }
0x2f8: {  	s29 =	simm.s32 $0x1C00;
	s16 =	simm.s32 $0x2780;
	[dreg:$0xc] =	wrdreg s12;
	(v2sf) =	vpush v0, $0xA  }
0x2f9: {  	s18 =	simm.s32 $0x4000;
	s14 =	simm.s32 $0x2700;
	[dreg:$0x1d] =	wrdreg s16  }
0x2fa: {  	s15 =	simm.s32 $0x2380;
	s17 =	simm.s32 $0x2280;
	[smem:$0x7CD] =	sst s14  }
0x2fb: {  	s19 =	simm.s32 $0x2680;
	s20 =	simm.s32 $0x1A00;
	[smem:$0x7CE] =	sst s15  }
0x2fc: {  	s22 =	simm.s32 $0x2300;
	s23 =	simm.s32 $0x2580;
	[smem:$0x7CF] =	sst s17;
	(v2sf) =	vpush v0, $0x2  }
0x2fd: {  	s24 =	simm.s32 $0x1980;
	s26 =	simm.s32 $0x1D80;
	[smem:$0x7D0] =	sst s19  }
0x2fe: {  	s3 =	simm.s32 $0x2100;
	s0 =	simm.s32 $0x0;
	[smem:$0x7D1] =	sst s22  }
0x2ff: {  	[smem:$0x7D2] =	sst s23;
	s7 =	simm.s32 $0x1F80;
	s25 =	spop (v2sf)  }
0x300: {  	s13 =	sadd.s32 $0x10, s8;
	s8 =	sshll.u32 s25, $0x8;
	s9 =	spop (v2sf);
	(v2sf) =	vpush v0, $0x6  }
0x301: {  	s2 =	sshll.u32 s25, $0x7;
	s10 =	sshll.u32 s9, $0x8;
	s5 =	sshll.u32 s9, $0x7  }
0x302: {  	s31 =	spop (v2sf);
	s4 =	sand.u32 $0xFFFFF800, s8;
	s2 =	sand.u32 $0x380, s2  }
0x303: {  	s9 =	simm.s32 $0x1A80;
	s8 =	simm.s32 $0x1E80;
	s6 =	sand.u32 $0xFFFFF800, s10  }
0x304: {  	s5 =	sand.u32 $0x380, s5;
	s17 =	spop (v2sf);
	s11 =	sshll.u32 s31, $0x7  }
0x305: {  	s15 =	sadd.s32 s4, s21;
	s10 =	simm.s32 $0x1E00;
	s6 =	sadd.s32 s6, s21  }
0x306: {  	s12 =	sshll.u32 s17, $0x8;
	s14 =	spop (v2sf);
	s15 =	sadd.s32 s2, s15  }
0x307: {  	s2 =	simm.s32 $0x1F00;
	s5 =	sadd.s32 s5, s6;
	s23 =	spop (v2sf)  }
0x308: {  	s16 =	sshll.u32 s14, $0x8;
	s1 =	sshll.u32 s14, $0x7;
	s12 =	sand.u32 $0xFFFFF800, s12  }
0x309: {  	[tilespmem:s24], [sflag:$0x1] =	stream.linear.gather [spmem:s5], $0x80, $0x38;
	[tilespmem:$0x1D900] =	vst v63  }
0x30a: {  	s6 =	simm.s32 $0x1C80;
	s14 =	simm.s32 $0x1B00;
	s5 =	sadd.s32 $0x400, s5  }
0x30b: {  	s19 =	spop (v2sf);
	s4 =	sand.u32 $0xFFFFF800, s16;
	s16 =	simm.s32 $0x2200  }
0x30c: {  	s24 =	simm.s32 $0x2600;
	s22 =	sshll.u32 s19, $0x8;
	s25 =	sshll.u32 s19, $0x7  }
0x30d: {  	[tilespmem:s26], [sflag:$0x1] =	stream.linear.gather [spmem:s5], $0x80, $0x38;
	[tilespmem:$0x1D900] =	vst v63  }
0x30e: {  	(v2sf) =	vpush v0, $0x8;
	s19 =	sand.u32 $0x380, s11;
	[smem:$0x7D3] =	sst s24;
	s26 =	sand.u32 $0xFFFFF800, s22  }
0x30f: {  	(v2sf) =	vpush v0, $0x7;
	s5 =	simm.s32 $0x1D00;
	s22 =	simm.s32 $0x2000;
	s11 =	spop (v2sf)  }
.LBB2_11:
0x310: {  	[smem:$0x7CB] =	sst s16  }
0x311: {  	s24 =	sadd.s32 $0x400, s15;
	s25 =	sand.u32 $0x380, s25;
	s26 =	sadd.s32 s26, s21  }
0x312: {  	[tilespmem:s20], [sflag:$0x1] =	stream.linear.gather [spmem:s15], $0x80, $0x38;
	[tilespmem:$0x1D900] =	vst v63  }
0x313: {  	s16 =	smov.u32 s18;
	s17 =	sshll.u32 s17, $0x7;
	s12 =	sadd.s32 s12, s21  }
0x314: {  	s1 =	sand.u32 $0x380, s1;
	s4 =	sadd.s32 s4, s21;
	[smem:$0x7CC] =	sst s16  }
0x315: {  	[tilespmem:s10], [sflag:$0x1] =	stream.linear.gather [spmem:s24], $0x80, $0x38;
	[tilespmem:$0x1D900] =	vst v63  }
0x316: {  	s20 =	sadd.s32 s25, s26;
	s17 =	sand.u32 $0x380, s17;
	s26 =	sshll.u32 s11, $0x8  }
0x317: {  	[tilespmem:s9], [sflag:$0x1] =	stream.linear.gather [spmem:s20], $0x80, $0x38;
	[tilespmem:$0x1D900] =	vst v63  }
0x318: {  	s16 =	sshll.u32 s31, $0x8;
	s1 =	sadd.s32 s1, s4;
	s25 =	sadd.s32 $0x400, s20  }
0x319: {  	[tilespmem:s8], [sflag:$0x1] =	stream.linear.gather [spmem:s25], $0x80, $0x38;
	[tilespmem:$0x1D900] =	vst v63  }
0x31a: {  	s24 =	sshll.u32 s11, $0x7;
	s9 =	sadd.s32 s17, s12;
	s20 =	sand.u32 $0xFFFFF800, s16  }
0x31b: {  	[tilespmem:s14], [sflag:$0x1] =	stream.linear.gather [spmem:s9], $0x80, $0x38;
	[tilespmem:$0x1D900] =	vst v63  }
0x31c: {  	s17 =	sand.u32 $0xFFFFF800, s26;
	s25 =	sadd.s32 $0x400, s9;
	s8 =	sadd.s32 s20, s21  }
0x31d: {  	[tilespmem:s2], [sflag:$0x1] =	stream.linear.gather [spmem:s25], $0x80, $0x38;
	[tilespmem:$0x1D900] =	vst v63  }
0x31e: {  	s10 =	sshll.u32 s23, $0x7;
	s11 =	sadd.s32 s17, s21;
	s8 =	sadd.s32 s19, s8  }
0x31f: {  	[tilespmem:s30], [sflag:$0x1] =	stream.linear.gather [spmem:s8], $0x80, $0x38;
	[tilespmem:$0x1D900] =	vst v63  }
0x320: {  	s20 =	sand.u32 $0x380, s24;
	s16 =	sadd.s32 $0x400, s8;
	s26 =	spop (v2sf)  }
0x321: {  	s2 =	sadd.s32 s20, s11;
	s14 =	sshll.u32 s26, $0x8;
	s17 =	spop (v2sf)  }
0x322: {  	(v2sf) =	vpush v0, $0x9;
	[tilespmem:s7], [sflag:$0x1] =	stream.linear.gather [spmem:s16], $0x80, $0x38;
	[tilespmem:$0x1D900] =	vst v63  }
0x323: {  	s25 =	sadd.s32 $0x400, s2;
	s15 =	sshll.u32 s26, $0x7;
	s9 =	sand.u32 $0xFFFFF800, s14  }
0x324: {  	[tilespmem:s29], [sflag:$0x1] =	stream.linear.gather [spmem:s1], $0x80, $0x38;
	[tilespmem:$0x1D900] =	vst v63  }
0x325: {  	(v2sf) =	vpush v0, $0xB;
	s24 =	sshll.u32 s17, $0x8;
	s26 =	sshll.u32 s17, $0x7;
	s1 =	sadd.s32 $0x400, s1  }
0x326: {  	[tilespmem:s22], [sflag:$0x1] =	stream.linear.gather [spmem:s1], $0x80, $0x38;
	[tilespmem:$0x1D900] =	vst v63  }
0x327: {  	s12 =	sand.u32 $0x380, s15;
	s19 =	sadd.s32 s9, s21;
	s4 =	sand.u32 $0xFFFFF800, s24;
	(v2sf) =	vpush v0, $0xC  }
0x328: {  	[tilespmem:s6], [sflag:$0x1] =	stream.linear.gather [spmem:s2], $0x80, $0x38;
	[tilespmem:$0x1D900] =	vst v63  }
0x329: {  	s7 =	sand.u32 $0x380, s26;
	s9 =	sshll.u32 s23, $0x8;
	s4 =	sadd.s32 s4, s21  }
0x32a: {  	(v2sf) =	vpush v0, $0xD;
	[tilespmem:s28], [sflag:$0x1] =	stream.linear.gather [spmem:s25], $0x80, $0x38;
	[tilespmem:$0x1D900] =	vst v63  }
0x32b: {  	s15 =	sadd.s32 $0x2180, s0;
	s14 =	sand.u32 $0xFFFFF800, s9;
	s11 =	sadd.s32 s7, s4  }
0x32c: {  	[tilespmem:s5], [sflag:$0x1] =	stream.linear.gather [spmem:s11], $0x80, $0x38;
	[tilespmem:$0x1D900] =	vst v63  }
0x32d: {  	s26 =	sld [smem:$0x7D2];
	s4 =	sadd.s32 s14, s21;
	s1 =	sadd.s32 $0x400, s11  }
0x32e: {  	[tilespmem:s3], [sflag:$0x1] =	stream.linear.gather [spmem:s1], $0x80, $0x38;
	[tilespmem:$0x1D900] =	vst v63  }
0x32f: {  	s7 =	sand.u32 $0x380, s10;
	s10 =	sld [smem:$0x7CB];
	s2 =	sadd.s32 s12, s19  }
0x330: {  	[tilespmem:s15], [sflag:$0x1] =	stream.linear.gather [spmem:s2], $0x80, $0x38;
	[tilespmem:$0x1D900] =	vst v63  }
0x331: {  	s16 =	sadd.s32 $0x400, s2;
	s2 =	sadd.s32 s7, s4;
	s17 =	spop (v2sf)  }
0x332: {  	s12 =	sld [smem:$0x7D3];
	s14 =	sadd.s32 $0x400, s2;
	s19 =	sshll.u32 s17, $0x8  }
0x333: {  	[tilespmem:s26], [sflag:$0x1] =	stream.linear.gather [spmem:s16], $0x80, $0x38;
	[tilespmem:$0x1D900] =	vst v63  }
0x334: {  	s5 =	sshll.u32 s17, $0x7;
	s20 =	spop (v2sf);
	s16 =	sld [smem:$0x7CF]  }
0x335: {  	s26 =	sld [smem:$0x7CD];
	s6 =	sand.u32 $0xFFFFF800, s19;
	s22 =	sshll.u32 s20, $0x8  }
0x336: {  	s8 =	sshll.u32 s20, $0x7;
	s23 =	sand.u32 $0x380, s5;
	s11 =	spop (v2sf)  }
0x337: {  	(v2sf) =	vpush v0, $0xE;
	s20 =	sld [smem:$0x7D0];
	s24 =	sadd.s32 s6, s21;
	s25 =	sand.u32 $0xFFFFF800, s22  }
0x338: {  	s15 =	sshll.u32 s11, $0x8;
	s4 =	sshll.u32 s11, $0x7;
	s17 =	sand.u32 $0x380, s8  }
0x339: {  	s19 =	spop (v2sf);
	s11 =	rddreg [dreg:$0x1d];
	s1 =	sadd.s32 s23, s24  }
0x33a: {  	s9 =	sadd.s32 s25, s21;
	s5 =	sand.u32 $0xFFFFF800, s15;
	s24 =	sshll.u32 s19, $0x8  }
0x33b: {  	(v2sf) =	vpush v0, $0xF;
	[tilespmem:s10], [sflag:$0x1] =	stream.linear.gather [spmem:s1], $0x80, $0x38;
	[tilespmem:$0x1D900] =	vst v63  }
0x33c: {  	s25 =	sld [smem:$0x7D1];
	s4 =	sand.u32 $0x380, s4;
	s1 =	sadd.s32 $0x400, s1  }
0x33d: {  	[tilespmem:s12], [sflag:$0x1] =	stream.linear.gather [spmem:s1], $0x80, $0x38;
	[tilespmem:$0x1D900] =	vst v63  }
0x33e: {  	s8 =	sshll.u32 s19, $0x7;
	s19 =	rddreg [dreg:$0x11];
	s22 =	sadd.s32 s17, s9  }
0x33f: {  	[tilespmem:s16], [sflag:$0x1] =	stream.linear.gather [spmem:s2], $0x80, $0x38;
	[tilespmem:$0x1D900] =	vst v63  }
0x340: {  	s23 =	sadd.s32 s5, s21;
	s3 =	sand.u32 $0xFFFFF800, s24;
	s9 =	sld [smem:$0x7CE]  }
0x341: {  	[tilespmem:s20], [sflag:$0x1] =	stream.linear.gather [spmem:s14], $0x80, $0x38;
	[tilespmem:$0x1D900] =	vst v63  }
0x342: {  	s7 =	sadd.s32 s4, s23;
	s3 =	sadd.s32 s3, s21;
	s2 =	sand.u32 $0x380, s8  }
0x343: {  	[tilespmem:s25], [sflag:$0x1] =	stream.linear.gather [spmem:s22], $0x80, $0x38;
	[tilespmem:$0x1D900] =	vst v63  }
0x344: {  	s1 =	sadd.s32 $0x400, s22;
	s16 =	rddreg [dreg:$0x16];
	s12 =	sadd.s32 s2, s3  }
0x345: {  	[tilespmem:s26], [sflag:$0x1] =	stream.linear.gather [spmem:s1], $0x80, $0x38;
	[tilespmem:$0x1D900] =	vst v63  }
0x346: {  	s25 =	rddreg [dreg:$0xc];
	s1 =	sadd.s32 $0x400, s7;
	s10 =	spop (v2sf)  }
0x347: {  	[tilespmem:s9], [sflag:$0x1] =	stream.linear.gather [spmem:s7], $0x80, $0x38;
	[tilespmem:$0x1D900] =	vst v63  }
0x348: {  	s26 =	rddreg [dreg:$0x8];
	s14 =	sshll.u32 s10, $0x8;
	s15 =	sshll.u32 s10, $0x7  }
0x349: {  	[tilespmem:s11], [sflag:$0x1] =	stream.linear.gather [spmem:s1], $0x80, $0x38;
	[tilespmem:$0x1D900] =	vst v63  }
0x34a: {  	s17 =	spop (v2sf);
	s2 =	sand.u32 $0xFFFFF800, s14;
	s20 =	sand.u32 $0x380, s15  }
0x34b: {  	[tilespmem:s16], [sflag:$0x1] =	stream.linear.gather [spmem:s12], $0x80, $0x38;
	[tilespmem:$0x1D900] =	vst v63  }
0x34c: {  	s22 =	sshll.u32 s17, $0x8;
	s1 =	sadd.s32 $0x400, s12;
	s2 =	sadd.s32 s2, s21  }
0x34d: {  	[tilespmem:s19], [sflag:$0x1] =	stream.linear.gather [spmem:s1], $0x80, $0x38;
	[tilespmem:$0x1D900] =	vst v63  }
0x34e: {  	s24 =	sshll.u32 s17, $0x7;
	s23 =	sand.u32 $0xFFFFF800, s22;
	s1 =	sadd.s32 s20, s2  }
0x34f: {  	[tilespmem:s25], [sflag:$0x1] =	stream.linear.gather [spmem:s1], $0x80, $0x38;
	[tilespmem:$0x1D900] =	vst v63  }
0x350: {  	s3 =	sand.u32 $0x380, s24;
	s2 =	sadd.s32 s23, s21;
	s1 =	sadd.s32 $0x400, s1  }
0x351: {  	[tilespmem:s26], [sflag:$0x1] =	stream.linear.gather [spmem:s1], $0x80, $0x38;
	[tilespmem:$0x1D900] =	vst v63  }
0x352: {  	s6 =	sadd.s32 $0x2500, s0;
	s5 =	sadd.s32 s3, s2  }
0x353: {  	[tilespmem:s6], [sflag:$0x1] =	stream.linear.gather [spmem:s5], $0x80, $0x38;
	[tilespmem:$0x1D900] =	vst v63  }
0x354: {  	s7 =	sadd.s32 $0x2900, s0;
	s1 =	sadd.s32 $0x400, s5  }
0x355: {  	[tilespmem:s7], [sflag:$0x1] =	stream.linear.gather [spmem:s1], $0x80, $0x38;
	[tilespmem:$0x1D900] =	vst v63  }
0x356: {  	v0 =	vld [tilespmem:s13+$0x0];
	_ =	sdelay $0x1  }
0x357: {  	s8 =	sld [smem:$0x7CC];
	_ =	sdelay $0x2  }
0x358: {  	s0 =	sshra.s32 s8, $0x2;
	(v2sf) =	vpush v0, $0x1  }
0x359: {  	p0 =	sne.s32 s18, $0x1C000;
	s9 =	sadd.s32 $0x2880, s0;
	(v2sf) =	vpush v0, $0x0  }
0x35a: {  	s18 =	sadd.s32 $0x4000, s18;
	s10 =	sadd.s32 $0x2400, s0;
	[dreg:$0x8] =	wrdreg s9  }
0x35b: {  	s14 =	sadd.s32 $0x2700, s0;
	s15 =	sadd.s32 $0x2380, s0;
	[dreg:$0x16] =	wrdreg s10;
	(v2sf) =	vpush v0, $0x4  }
0x35c: {  	s17 =	sadd.s32 $0x2280, s0;
	s28 =	sadd.s32 $0x2080, s0;
	[smem:$0x7CD] =	sst s14  }
0x35d: {  	s29 =	sadd.s32 $0x1C00, s0;
	s30 =	sadd.s32 $0x1B80, s0;
	[smem:$0x7CE] =	sst s15;
	(v2sf) =	vpush v0, $0x3  }
0x35e: {  	s8 =	sadd.s32 $0x1E80, s0;
	s11 =	sadd.s32 $0x2800, s0;
	[smem:$0x7CF] =	sst s17;
	(v2sf) =	vpush v0, $0x5  }
0x35f: {  	s4 =	sadd.s32 $0x1D80, s0;
	s22 =	sadd.s32 $0x2300, s0;
	[dreg:$0x11] =	wrdreg s11  }
0x360: {  	s24 =	sadd.s32 $0x2600, s0;
	s14 =	sadd.s32 $0x1B00, s0;
	[smem:$0x7D1] =	sst s22;
	(v2sf) =	vpush v0, $0xA  }
0x361: {  	s10 =	sadd.s32 $0x1E00, s0;
	[smem:$0x7D3] =	sst s24;
	s12 =	sadd.s32 $0x2480, s0  }
0x362: {  	s9 =	sadd.s32 $0x1A80, s0;
	s16 =	sadd.s32 $0x2780, s0;
	[dreg:$0xc] =	wrdreg s12;
	(v2sf) =	vpush v0, $0x2  }
0x363: {  	s22 =	sadd.s32 $0x2000, s0;
	[dreg:$0x1d] =	wrdreg s16;
	s19 =	sadd.s32 $0x2680, s0  }
0x364: {  	s16 =	sadd.s32 $0x2200, s0;
	s23 =	sadd.s32 $0x2580, s0;
	[smem:$0x7D0] =	sst s19;
	(v2sf) =	vpush v0, $0x6  }
0x365: {  	s20 =	sadd.s32 $0x1A00, s0;
	[smem:$0x7D2] =	sst s23;
	s3 =	sadd.s32 $0x2100, s0  }
0x366: {  	s2 =	sadd.s32 $0x1F00, s0;
	s5 =	sadd.s32 $0x1D00, s0;
	s6 =	sadd.s32 $0x1C80, s0  }
0x367: {  	s7 =	sadd.s32 $0x1F80, s0;
	s1 =	sadd.s32 $0x1980, s0;
	s25 =	spop (v2sf)  }
0x368: {  	s13 =	sadd.s32 $0x10, s13;
	s26 =	sshll.u32 s25, $0x8;
	s19 =	spop (v2sf)  }
0x369: {  	s11 =	sshll.u32 s25, $0x7;
	s23 =	sshll.u32 s19, $0x8;
	s15 =	sshll.u32 s19, $0x7  }
0x36a: {  	s31 =	spop (v2sf);
	s12 =	sand.u32 $0xFFFFF800, s26;
	s11 =	sand.u32 $0x380, s11  }
0x36b: {  	s17 =	sand.u32 $0xFFFFF800, s23;
	s19 =	sshll.u32 s31, $0x7;
	s15 =	sand.u32 $0x380, s15  }
0x36c: {  	s12 =	sadd.s32 s12, s21;
	s24 =	sadd.s32 s17, s21;
	s17 =	spop (v2sf)  }
0x36d: {  	s19 =	sand.u32 $0x380, s19;
	s15 =	sadd.s32 s15, s24;
	s25 =	spop (v2sf)  }
0x36e: {  	[tilespmem:s1], [sflag:$0x1] =	stream.linear.gather [spmem:s15], $0x80, $0x38;
	[tilespmem:$0x1D900] =	vst v63  }
0x36f: {  	s24 =	sshll.u32 s17, $0x8;
	s26 =	sadd.s32 $0x400, s15;
	s23 =	spop (v2sf)  }
.Ltmp4:
0x370: {  	s21 =	sshll.u32 s25, $0x8;
	s1 =	sshll.u32 s25, $0x7;
	(pc) =	sbr.rel @p0 .LBB2_11-.Ltmp4, $4  }
0x371: {  	s15 =	sadd.s32 s11, s12;
	s12 =	sand.u32 $0xFFFFF800, s24;
	s25 =	spop (v2sf)  }
0x372: {  	[tilespmem:s4], [sflag:$0x1] =	stream.linear.gather [spmem:s26], $0x80, $0x38;
	[tilespmem:$0x1D900] =	vst v63  }
0x373: {  	(v2sf) =	vpush v0, $0x8;
	s26 =	sshll.u32 s25, $0x8;
	s25 =	sshll.u32 s25, $0x7;
	s11 =	spop (v2sf)  }
0x374: {  	(v2sf) =	vpush v0, $0x7;
	s4 =	sand.u32 $0xFFFFF800, s21;
	s21 =	rddreg [dreg:$0x4];
	s26 =	sand.u32 $0xFFFFF800, s26  }
0x375: {  	[tilespmem:s20], [sflag:$0x1] =	stream.linear.gather [spmem:s15], $0x80, $0x38;
	[tilespmem:$0x1D900] =	vst v63  }
0x376: {  	s13 =	sadd.s32 $0x400, s15;
	s18 =	sand.u32 $0x380, s25;
	s20 =	sadd.s32 s26, s21  }
0x377: {  	[tilespmem:s10], [sflag:$0x1] =	stream.linear.gather [spmem:s13], $0x80, $0x38;
	[tilespmem:$0x1D900] =	vst v63  }
0x378: {  	s10 =	sadd.s32 s18, s20  }
0x379: {  	[tilespmem:s9], [sflag:$0x1] =	stream.linear.gather [spmem:s10], $0x80, $0x38;
	[tilespmem:$0x1D900] =	vst v63  }
0x37a: {  	s25 =	sshll.u32 s17, $0x7;
	s24 =	sadd.s32 $0x400, s10  }
0x37b: {  	[tilespmem:s8], [sflag:$0x1] =	stream.linear.gather [spmem:s24], $0x80, $0x38;
	[tilespmem:$0x1D900] =	vst v63  }
0x37c: {  	s26 =	sadd.s32 s12, s21;
	s8 =	sand.u32 $0x380, s25  }
0x37d: {  	s8 =	sadd.s32 s8, s26  }
0x37e: {  	[tilespmem:s14], [sflag:$0x1] =	stream.linear.gather [spmem:s8], $0x80, $0x38;
	[tilespmem:$0x1D900] =	vst v63  }
0x37f: {  	s8 =	sadd.s32 $0x400, s8  }
0x380: {  	[tilespmem:s2], [sflag:$0x1] =	stream.linear.gather [spmem:s8], $0x80, $0x38;
	[tilespmem:$0x1D900] =	vst v63  }
0x381: {  	s8 =	sshll.u32 s31, $0x8  }
0x382: {  	s2 =	sand.u32 $0xFFFFF800, s8  }
0x383: {  	s2 =	sadd.s32 s2, s21  }
0x384: {  	s2 =	sadd.s32 s19, s2  }
0x385: {  	[tilespmem:s30], [sflag:$0x1] =	stream.linear.gather [spmem:s2], $0x80, $0x38;
	[tilespmem:$0x1D900] =	vst v63  }
0x386: {  	s1 =	sand.u32 $0x380, s1;
	s9 =	sadd.s32 s4, s21;
	s2 =	sadd.s32 $0x400, s2  }
0x387: {  	[tilespmem:s7], [sflag:$0x1] =	stream.linear.gather [spmem:s2], $0x80, $0x38;
	[tilespmem:$0x1D900] =	vst v63  }
0x388: {  	s1 =	sadd.s32 s1, s9  }
0x389: {  	[tilespmem:s29], [sflag:$0x1] =	stream.linear.gather [spmem:s1], $0x80, $0x38;
	[tilespmem:$0x1D900] =	vst v63  }
0x38a: {  	s10 =	sshll.u32 s11, $0x8;
	s12 =	spop (v2sf);
	s1 =	sadd.s32 $0x400, s1  }
0x38b: {  	(v2sf) =	vpush v0, $0x9;
	[tilespmem:s22], [sflag:$0x1] =	stream.linear.gather [spmem:s1], $0x80, $0x38;
	[tilespmem:$0x1D900] =	vst v63  }
0x38c: {  	s11 =	sshll.u32 s11, $0x7;
	s1 =	sand.u32 $0xFFFFF800, s10  }
0x38d: {  	s2 =	sand.u32 $0x380, s11;
	s1 =	sadd.s32 s1, s21  }
0x38e: {  	s13 =	spop (v2sf);
	s1 =	sadd.s32 s2, s1  }
0x38f: {  	[tilespmem:s6], [sflag:$0x1] =	stream.linear.gather [spmem:s1], $0x80, $0x38;
	[tilespmem:$0x1D900] =	vst v63  }
0x390: {  	s14 =	sshll.u32 s13, $0x8;
	s1 =	sadd.s32 $0x400, s1  }
0x391: {  	(v2sf) =	vpush v0, $0xB;
	[tilespmem:s28], [sflag:$0x1] =	stream.linear.gather [spmem:s1], $0x80, $0x38;
	[tilespmem:$0x1D900] =	vst v63  }
0x392: {  	s4 =	sand.u32 $0xFFFFF800, s14;
	s1 =	sshll.u32 s13, $0x7  }
0x393: {  	s4 =	sadd.s32 s4, s21;
	s1 =	sand.u32 $0x380, s1  }
0x394: {  	s1 =	sadd.s32 s1, s4  }
0x395: {  	[tilespmem:s5], [sflag:$0x1] =	stream.linear.gather [spmem:s1], $0x80, $0x38;
	[tilespmem:$0x1D900] =	vst v63  }
0x396: {  	s15 =	sshll.u32 s12, $0x8;
	s1 =	sadd.s32 $0x400, s1  }
0x397: {  	[tilespmem:s3], [sflag:$0x1] =	stream.linear.gather [spmem:s1], $0x80, $0x38;
	[tilespmem:$0x1D900] =	vst v63  }
0x398: {  	s2 =	sshll.u32 s12, $0x7;
	s1 =	sand.u32 $0xFFFFF800, s15  }
0x399: {  	s17 =	sadd.s32 $0x2180, s0;
	s2 =	sand.u32 $0x380, s2;
	s1 =	sadd.s32 s1, s21  }
0x39a: {  	s18 =	sld [smem:$0x7D2];
	s19 =	spop (v2sf);
	s1 =	sadd.s32 s2, s1  }
0x39b: {  	[tilespmem:s17], [sflag:$0x1] =	stream.linear.gather [spmem:s1], $0x80, $0x38;
	[tilespmem:$0x1D900] =	vst v63  }
0x39c: {  	(v2sf) =	vpush v0, $0xC;
	s20 =	sshll.u32 s19, $0x8;
	s1 =	sadd.s32 $0x400, s1  }
0x39d: {  	[tilespmem:s18], [sflag:$0x1] =	stream.linear.gather [spmem:s1], $0x80, $0x38;
	[tilespmem:$0x1D900] =	vst v63  }
0x39e: {  	s2 =	sand.u32 $0xFFFFF800, s20;
	s1 =	sshll.u32 s19, $0x7  }
0x39f: {  	s2 =	sadd.s32 s2, s21;
	s1 =	sand.u32 $0x380, s1  }
0x3a0: {  	s22 =	sld [smem:$0x7D3];
	s29 =	spop (v2sf);
	s1 =	sadd.s32 s1, s2  }
0x3a1: {  	(v2sf) =	vpush v0, $0xD;
	[tilespmem:s16], [sflag:$0x1] =	stream.linear.gather [spmem:s1], $0x80, $0x38;
	[tilespmem:$0x1D900] =	vst v63  }
0x3a2: {  	s24 =	sshll.u32 s23, $0x8;
	s1 =	sadd.s32 $0x400, s1  }
0x3a3: {  	[tilespmem:s22], [sflag:$0x1] =	stream.linear.gather [spmem:s1], $0x80, $0x38;
	[tilespmem:$0x1D900] =	vst v63  }
0x3a4: {  	s25 =	sshll.u32 s23, $0x7;
	s26 =	sld [smem:$0x7CF];
	s1 =	sand.u32 $0xFFFFF800, s24  }
0x3a5: {  	s2 =	sand.u32 $0x380, s25;
	s1 =	sadd.s32 s1, s21  }
0x3a6: {  	s28 =	sld [smem:$0x7D0];
	s1 =	sadd.s32 s2, s1  }
0x3a7: {  	[tilespmem:s26], [sflag:$0x1] =	stream.linear.gather [spmem:s1], $0x80, $0x38;
	[tilespmem:$0x1D900] =	vst v63  }
0x3a8: {  	s30 =	sshll.u32 s29, $0x8;
	s1 =	sadd.s32 $0x400, s1  }
0x3a9: {  	[tilespmem:s28], [sflag:$0x1] =	stream.linear.gather [spmem:s1], $0x80, $0x38;
	[tilespmem:$0x1D900] =	vst v63  }
0x3aa: {  	s31 =	sld [smem:$0x7D1];
	s2 =	sand.u32 $0xFFFFF800, s30;
	s1 =	sshll.u32 s29, $0x7  }
0x3ab: {  	s2 =	sadd.s32 s2, s21;
	s4 =	spop (v2sf);
	(v2sf) =	vpush v0, $0xE;
	s1 =	sand.u32 $0x380, s1  }
0x3ac: {  	s3 =	sld [smem:$0x7CD];
	s1 =	sadd.s32 s1, s2  }
0x3ad: {  	[tilespmem:s31], [sflag:$0x1] =	stream.linear.gather [spmem:s1], $0x80, $0x38;
	[tilespmem:$0x1D900] =	vst v63  }
0x3ae: {  	s6 =	sld [smem:$0x7CE];
	s5 =	sshll.u32 s4, $0x8;
	s1 =	sadd.s32 $0x400, s1  }
0x3af: {  	[tilespmem:s3], [sflag:$0x1] =	stream.linear.gather [spmem:s1], $0x80, $0x38;
	[tilespmem:$0x1D900] =	vst v63  }
0x3b0: {  	s8 =	spop (v2sf);
	(v2sf) =	vpush v0, $0xF;
	s2 =	sand.u32 $0xFFFFF800, s5;
	s1 =	sshll.u32 s4, $0x7  }
0x3b1: {  	s2 =	sadd.s32 s2, s21;
	s1 =	sand.u32 $0x380, s1  }
0x3b2: {  	s1 =	sadd.s32 s1, s2  }
0x3b3: {  	[tilespmem:s6], [sflag:$0x1] =	stream.linear.gather [spmem:s1], $0x80, $0x38;
	[tilespmem:$0x1D900] =	vst v63  }
0x3b4: {  	s7 =	rddreg [dreg:$0x1d];
	s9 =	sshll.u32 s8, $0x8;
	s1 =	sadd.s32 $0x400, s1  }
0x3b5: {  	[tilespmem:s7], [sflag:$0x1] =	stream.linear.gather [spmem:s1], $0x80, $0x38;
	[tilespmem:$0x1D900] =	vst v63  }
0x3b6: {  	s2 =	sand.u32 $0xFFFFF800, s9;
	s1 =	sshll.u32 s8, $0x7  }
0x3b7: {  	s2 =	sadd.s32 s2, s21;
	s1 =	sand.u32 $0x380, s1  }
0x3b8: {  	s10 =	rddreg [dreg:$0x16];
	s1 =	sadd.s32 s1, s2  }
0x3b9: {  	[tilespmem:s10], [sflag:$0x1] =	stream.linear.gather [spmem:s1], $0x80, $0x38;
	[tilespmem:$0x1D900] =	vst v63  }
0x3ba: {  	s12 =	spop (v2sf)  }
0x3bb: {  	s11 =	rddreg [dreg:$0x11];
	s1 =	sadd.s32 $0x400, s1;
	s13 =	sshll.u32 s12, $0x8  }
0x3bc: {  	[tilespmem:s11], [sflag:$0x1] =	stream.linear.gather [spmem:s1], $0x80, $0x38;
	[tilespmem:$0x1D900] =	vst v63  }
0x3bd: {  	s1 =	sshll.u32 s12, $0x7;
	s2 =	sand.u32 $0xFFFFF800, s13  }
0x3be: {  	s1 =	sand.u32 $0x380, s1;
	s2 =	sadd.s32 s2, s21  }
0x3bf: {  	s14 =	rddreg [dreg:$0xc];
	s16 =	spop (v2sf);
	s1 =	sadd.s32 s1, s2  }
0x3c0: {  	[tilespmem:s14], [sflag:$0x1] =	stream.linear.gather [spmem:s1], $0x80, $0x38;
	[tilespmem:$0x1D900] =	vst v63  }
0x3c1: {  	s15 =	rddreg [dreg:$0x8];
	s17 =	sshll.u32 s16, $0x8;
	s1 =	sadd.s32 $0x400, s1  }
0x3c2: {  	[tilespmem:s15], [sflag:$0x1] =	stream.linear.gather [spmem:s1], $0x80, $0x38;
	[tilespmem:$0x1D900] =	vst v63  }
0x3c3: {  	s2 =	sand.u32 $0xFFFFF800, s17;
	s1 =	sshll.u32 s16, $0x7  }
0x3c4: {  	s2 =	sadd.s32 s2, s21;
	s1 =	sand.u32 $0x380, s1  }
0x3c5: {  	s18 =	sadd.s32 $0x2500, s0;
	s1 =	sadd.s32 s1, s2  }
0x3c6: {  	[tilespmem:s18], [sflag:$0x1] =	stream.linear.gather [spmem:s1], $0x80, $0x38;
	[tilespmem:$0x1D900] =	vst v63  }
0x3c7: {  	s19 =	sadd.s32 $0x2900, s0;
	s22 =	simm.s32 $0x3;
	s1 =	sadd.s32 $0x400, s1  }
0x3c8: {  	[tilespmem:s19], [sflag:$0x1] =	stream.linear.gather [spmem:s1], $0x80, $0x38;
	[tilespmem:$0x1D900] =	vst v63  }
0x3c9: {  	s20 =	sld [smem:$0x7D6];
	_ =	swait.ge [sflag:s22], $0x8000  }
0x3ca: {  	s23 =	sld [smem:$0x7F7]  }
0x3cb: {  	s28 =	sld [smem:$0x7DF]  }
0x3cc: {  	s0 =	sshll.u32 s20, $0xF;
	s25 =	simm.s32 $0x0;
	s29 =	sld [smem:$0x7E2]  }
0x3cd: {  	s26 =	simm.s32 $0x11980;
	[sflag:s22] =	ssyncset.done $0x0;
	s30 =	sld [smem:$0x7E9]  }
0x3ce: {  	[sflag:s22] =	ssyncadd.s32 $0xFFFF8000;
	s0 =	sadd.s32 s23, s0;
	s1 =	sadd.s32 $0x1, s28  }
0x3cf: {  	s24 =	rddreg [dreg:$0x3];
	s0 =	sshrl.u32 s0, $0x3;
	p0 =	sne.s32 s1, $0x10  }
.Ltmp5:
0x3d0: {  	s31 =	sld [smem:$0x7EA];
	s0 =	sadd.s32 s24, s0;
	(pc) =	sbr.rel @p0 .LBB2_6-.Ltmp5, $4  }
0x3d1: {  	[hbm4b:s0+s25] =	stream.linear.scatter [tilespmem:s26], [sflag:$0x6], $0x8000, $0x38;
	[tilespmem:$0x1D900] =	vst v63  }
0x3d2: {  	s0 =	sadd.s32 $0x180, s30  }
0x3d3: {  	[smem:$0x7E9] =	sst s0;
	s0 =	sadd.s32 $0x180, s31  }
0x3d4: {  	s2 =	sadd.s32 $0x180, s29;
	[smem:$0x7EA] =	sst s0  }
0x3d5: {  	s0 =	simm.s32 $0x5  }
0x3d6: {  	_ =	swait.ge [sflag:s0], $0x8000  }
0x3d7: {  	[sflag:s0] =	ssyncset.done $0x0  }
0x3d8: {  	s1 =	simm.s32 $0x1880;
	[sflag:s0] =	ssyncadd.s32 $0xFFFF8000  }
0x3d9: {  	v0 =	vld [tilespmem:s1+$0x0];
	_ =	sdelay $0x4  }
0x3da: {  	(v2sf) =	vpush v0, $0x1  }
0x3db: {  	(v2sf) =	vpush v0, $0x0  }
0x3dc: {  	s2 =	simm.s32 $0xA400  }
0x3dd: {  	s3 =	simm.s32 $0xA800;
	[dreg:$0x17] =	wrdreg s2;
	(v2sf) =	vpush v0, $0x4  }
0x3de: {  	s4 =	simm.s32 $0xA480;
	[dreg:$0x12] =	wrdreg s3  }
0x3df: {  	s8 =	simm.s32 $0xA780;
	[dreg:$0xd] =	wrdreg s4;
	(v2sf) =	vpush v0, $0x3  }
0x3e0: {  	s5 =	simm.s32 $0xA700;
	[dreg:$0x1e] =	wrdreg s8  }
0x3e1: {  	s14 =	simm.s32 $0x4000;
	s6 =	simm.s32 $0xA380;
	[smem:$0x7C4] =	sst s5  }
0x3e2: {  	s20 =	simm.s32 $0x9A00;
	s9 =	simm.s32 $0xA280;
	[smem:$0x7C5] =	sst s6;
	(v2sf) =	vpush v0, $0x5  }
0x3e3: {  	s7 =	simm.s32 $0x9F80;
	s10 =	simm.s32 $0xA680;
	[smem:$0x7C6] =	sst s9;
	(v2sf) =	vpush v0, $0xA  }
0x3e4: {  	s13 =	simm.s32 $0x1890;
	s11 =	simm.s32 $0xA300;
	[smem:$0x7C7] =	sst s10  }
0x3e5: {  	s12 =	simm.s32 $0xA580;
	s15 =	simm.s32 $0x9980;
	[smem:$0x7C8] =	sst s11;
	(v2sf) =	vpush v0, $0x2  }
0x3e6: {  	s26 =	simm.s32 $0xA600;
	s30 =	simm.s32 $0x9F00;
	[smem:$0x7C9] =	sst s12  }
0x3e7: {  	s28 =	simm.s32 $0x9B80;
	s3 =	simm.s32 $0x9D80;
	[smem:$0x7CA] =	sst s26  }
0x3e8: {  	s26 =	simm.s32 $0x9C00;
	s10 =	simm.s32 $0x9E00;
	s1 =	simm.s32 $0xA880  }
0x3e9: {  	s0 =	simm.s32 $0x0;
	[dreg:$0x9] =	wrdreg s1;
	(v2sf) =	vpush v0, $0x6;
	s2 =	spop (v2sf)  }
0x3ea: {  	s1 =	simm.s32 $0x9B00;
	s4 =	sshll.u32 s2, $0x8;
	s5 =	spop (v2sf)  }
0x3eb: {  	s6 =	sshll.u32 s2, $0x7;
	s16 =	sshll.u32 s5, $0x8;
	s5 =	sshll.u32 s5, $0x7  }
0x3ec: {  	s29 =	spop (v2sf);
	s4 =	sand.u32 $0xFFFFF800, s4;
	s6 =	sand.u32 $0x380, s6  }
0x3ed: {  	s2 =	sand.u32 $0xFFFFF800, s16;
	s5 =	sand.u32 $0x380, s5;
	s9 =	sshll.u32 s29, $0x7  }
0x3ee: {  	s19 =	sadd.s32 s4, s21;
	s8 =	sadd.s32 s2, s21;
	s2 =	spop (v2sf)  }
0x3ef: {  	s16 =	simm.s32 $0xA200;
	s5 =	sadd.s32 s5, s8;
	s17 =	sshll.u32 s2, $0x8  }
0x3f0: {  	[tilespmem:s15], [sflag:$0x2] =	stream.linear.gather [spmem:s5], $0x80, $0x38;
	[tilespmem:$0x1D900] =	vst v63  }
0x3f1: {  	s18 =	spop (v2sf);
	s8 =	simm.s32 $0x9E80;
	s5 =	sadd.s32 $0x400, s5  }
0x3f2: {  	s23 =	spop (v2sf);
	s22 =	sshll.u32 s18, $0x8;
	s31 =	sshll.u32 s18, $0x7  }
0x3f3: {  	s15 =	sadd.s32 s6, s19;
	s12 =	sand.u32 $0xFFFFF800, s17;
	s19 =	sand.u32 $0x380, s9  }
0x3f4: {  	s6 =	simm.s32 $0x9C80;
	s9 =	simm.s32 $0x9A80;
	s24 =	spop (v2sf)  }
0x3f5: {  	[tilespmem:s3], [sflag:$0x2] =	stream.linear.gather [spmem:s5], $0x80, $0x38;
	[tilespmem:$0x1D900] =	vst v63  }
0x3f6: {  	s4 =	sand.u32 $0xFFFFF800, s22;
	s22 =	simm.s32 $0xA000;
	s25 =	sshll.u32 s24, $0x8  }
0x3f7: {  	(v2sf) =	vpush v0, $0x8;
	s17 =	sshll.u32 s24, $0x7;
	s5 =	simm.s32 $0x9D00;
	s3 =	simm.s32 $0xA100  }
0x3f8: {  	(v2sf) =	vpush v0, $0x7;
	s11 =	spop (v2sf);
	s18 =	sand.u32 $0xFFFFF800, s25;
	s25 =	simm.s32 $0xA080  }
.LBB2_14:
0x3f9: {  	[smem:$0x7C2] =	sst s16  }
0x3fa: {  	s24 =	sadd.s32 $0x400, s15;
	s17 =	sand.u32 $0x380, s17;
	s18 =	sadd.s32 s18, s21  }
0x3fb: {  	[tilespmem:s20], [sflag:$0x2] =	stream.linear.gather [spmem:s15], $0x80, $0x38;
	[tilespmem:$0x1D900] =	vst v63  }
0x3fc: {  	s16 =	smov.u32 s14;
	s2 =	sshll.u32 s2, $0x7;
	s12 =	sadd.s32 s12, s21  }
0x3fd: {  	s4 =	sadd.s32 s4, s21;
	[smem:$0x7C3] =	sst s16;
	s18 =	sadd.s32 s17, s18  }
0x3fe: {  	[tilespmem:s10], [sflag:$0x2] =	stream.linear.gather [spmem:s24], $0x80, $0x38;
	[tilespmem:$0x1D900] =	vst v63  }
0x3ff: {  	s2 =	sand.u32 $0x380, s2;
	s20 =	sadd.s32 $0x400, s18;
	s24 =	sshll.u32 s11, $0x8  }
0x400: {  	[tilespmem:s9], [sflag:$0x2] =	stream.linear.gather [spmem:s18], $0x80, $0x38;
	[tilespmem:$0x1D900] =	vst v63  }
0x401: {  	s2 =	sadd.s32 s2, s12;
	s12 =	sshll.u32 s29, $0x8;
	s15 =	sand.u32 $0xFFFFF800, s24  }
0x402: {  	[tilespmem:s8], [sflag:$0x2] =	stream.linear.gather [spmem:s20], $0x80, $0x38;
	[tilespmem:$0x1D900] =	vst v63  }
0x403: {  	s16 =	sand.u32 $0xFFFFF800, s12;
	s17 =	sadd.s32 $0x400, s2;
	s9 =	sshll.u32 s11, $0x7  }
0x404: {  	[tilespmem:s1], [sflag:$0x2] =	stream.linear.gather [spmem:s2], $0x80, $0x38;
	[tilespmem:$0x1D900] =	vst v63  }
0x405: {  	s10 =	sadd.s32 s15, s21;
	s11 =	sadd.s32 $0xA180, s0;
	s8 =	sadd.s32 s16, s21  }
0x406: {  	[tilespmem:s30], [sflag:$0x2] =	stream.linear.gather [spmem:s17], $0x80, $0x38;
	[tilespmem:$0x1D900] =	vst v63  }
0x407: {  	s16 =	sand.u32 $0x380, s31;
	s20 =	sadd.s32 s19, s8;
	s17 =	sand.u32 $0x380, s9  }
0x408: {  	[tilespmem:s28], [sflag:$0x2] =	stream.linear.gather [spmem:s20], $0x80, $0x38;
	[tilespmem:$0x1D900] =	vst v63  }
0x409: {  	s1 =	sadd.s32 s16, s4;
	s4 =	sadd.s32 s17, s10;
	s18 =	spop (v2sf)  }
0x40a: {  	s12 =	sadd.s32 $0x400, s20;
	s19 =	sadd.s32 $0x400, s4;
	s24 =	sshll.u32 s18, $0x8  }
0x40b: {  	[tilespmem:s7], [sflag:$0x2] =	stream.linear.gather [spmem:s12], $0x80, $0x38;
	[tilespmem:$0x1D900] =	vst v63  }
0x40c: {  	s8 =	sshll.u32 s18, $0x7;
	s15 =	spop (v2sf);
	(v2sf) =	vpush v0, $0x9;
	s2 =	sand.u32 $0xFFFFF800, s24  }
0x40d: {  	(v2sf) =	vpush v0, $0xB;
	[tilespmem:s26], [sflag:$0x2] =	stream.linear.gather [spmem:s1], $0x80, $0x38;
	[tilespmem:$0x1D900] =	vst v63  }
0x40e: {  	s18 =	sshll.u32 s15, $0x8;
	s20 =	sshll.u32 s15, $0x7;
	s1 =	sadd.s32 $0x400, s1  }
0x40f: {  	[tilespmem:s22], [sflag:$0x2] =	stream.linear.gather [spmem:s1], $0x80, $0x38;
	[tilespmem:$0x1D900] =	vst v63  }
0x410: {  	s24 =	sshll.u32 s23, $0x8;
	s8 =	sand.u32 $0x380, s8;
	s7 =	sand.u32 $0xFFFFF800, s18  }
0x411: {  	(v2sf) =	vpush v0, $0xC;
	[tilespmem:s6], [sflag:$0x2] =	stream.linear.gather [spmem:s4], $0x80, $0x38;
	[tilespmem:$0x1D900] =	vst v63  }
0x412: {  	s2 =	sadd.s32 s2, s21;
	s7 =	sadd.s32 s7, s21;
	s22 =	sand.u32 $0x380, s20  }
0x413: {  	[tilespmem:s25], [sflag:$0x2] =	stream.linear.gather [spmem:s19], $0x80, $0x38;
	[tilespmem:$0x1D900] =	vst v63  }
0x414: {  	s26 =	sshll.u32 s23, $0x7;
	s23 =	sld [smem:$0x7C9];
	s7 =	sadd.s32 s22, s7  }
0x415: {  	(v2sf) =	vpush v0, $0xD;
	[tilespmem:s5], [sflag:$0x2] =	stream.linear.gather [spmem:s7], $0x80, $0x38;
	[tilespmem:$0x1D900] =	vst v63  }
0x416: {  	s2 =	sadd.s32 s8, s2;
	s6 =	sand.u32 $0xFFFFF800, s24;
	s1 =	sadd.s32 $0x400, s7  }
0x417: {  	[tilespmem:s3], [sflag:$0x2] =	stream.linear.gather [spmem:s1], $0x80, $0x38;
	[tilespmem:$0x1D900] =	vst v63  }
0x418: {  	s8 =	sld [smem:$0x7CA];
	s24 =	sand.u32 $0x380, s26;
	s10 =	sadd.s32 s6, s21  }
0x419: {  	[tilespmem:s11], [sflag:$0x2] =	stream.linear.gather [spmem:s2], $0x80, $0x38;
	[tilespmem:$0x1D900] =	vst v63  }
0x41a: {  	s12 =	sadd.s32 $0x400, s2;
	s26 =	sld [smem:$0x7C2];
	s2 =	sadd.s32 s24, s10  }
0x41b: {  	s11 =	sld [smem:$0x7C6];
	s15 =	spop (v2sf);
	s9 =	sadd.s32 $0x400, s2  }
0x41c: {  	s16 =	sshll.u32 s15, $0x8;
	s5 =	sshll.u32 s15, $0x7;
	s17 =	spop (v2sf)  }
0x41d: {  	[tilespmem:s23], [sflag:$0x2] =	stream.linear.gather [spmem:s12], $0x80, $0x38;
	[tilespmem:$0x1D900] =	vst v63  }
0x41e: {  	s6 =	sand.u32 $0xFFFFF800, s16;
	s18 =	sshll.u32 s17, $0x8;
	s7 =	sshll.u32 s17, $0x7  }
0x41f: {  	s19 =	sand.u32 $0x380, s5;
	s16 =	sld [smem:$0x7C7];
	s20 =	sadd.s32 s6, s21  }
0x420: {  	(v2sf) =	vpush v0, $0xE;
	s22 =	sand.u32 $0xFFFFF800, s18;
	s6 =	spop (v2sf);
	s12 =	sand.u32 $0x380, s7  }
0x421: {  	s1 =	sadd.s32 s19, s20;
	s25 =	sadd.s32 s22, s21;
	s20 =	sld [smem:$0x7C8]  }
0x422: {  	s10 =	sshll.u32 s6, $0x8;
	s4 =	sshll.u32 s6, $0x7;
	s22 =	sld [smem:$0x7C4]  }
0x423: {  	[tilespmem:s26], [sflag:$0x2] =	stream.linear.gather [spmem:s1], $0x80, $0x38;
	[tilespmem:$0x1D900] =	vst v63  }
0x424: {  	(v2sf) =	vpush v0, $0xF;
	s15 =	spop (v2sf);
	s6 =	rddreg [dreg:$0x1e];
	s1 =	sadd.s32 $0x400, s1  }
0x425: {  	s5 =	sand.u32 $0xFFFFF800, s10;
	s17 =	sadd.s32 s12, s25;
	s25 =	sld [smem:$0x7C5]  }
0x426: {  	[tilespmem:s8], [sflag:$0x2] =	stream.linear.gather [spmem:s1], $0x80, $0x38;
	[tilespmem:$0x1D900] =	vst v63  }
0x427: {  	s19 =	sshll.u32 s15, $0x8;
	s4 =	sand.u32 $0x380, s4;
	s10 =	rddreg [dreg:$0x17]  }
0x428: {  	[tilespmem:s11], [sflag:$0x2] =	stream.linear.gather [spmem:s2], $0x80, $0x38;
	[tilespmem:$0x1D900] =	vst v63  }
0x429: {  	s24 =	sshll.u32 s15, $0x7;
	s12 =	rddreg [dreg:$0x12];
	s18 =	sadd.s32 s5, s21  }
0x42a: {  	[tilespmem:s16], [sflag:$0x2] =	stream.linear.gather [spmem:s9], $0x80, $0x38;
	[tilespmem:$0x1D900] =	vst v63  }
0x42b: {  	s3 =	sand.u32 $0xFFFFF800, s19;
	s19 =	rddreg [dreg:$0xd];
	s1 =	sadd.s32 $0x400, s17  }
0x42c: {  	[tilespmem:s20], [sflag:$0x2] =	stream.linear.gather [spmem:s17], $0x80, $0x38;
	[tilespmem:$0x1D900] =	vst v63  }
0x42d: {  	s23 =	sadd.s32 s4, s18;
	s3 =	sadd.s32 s3, s21;
	s2 =	sand.u32 $0x380, s24  }
0x42e: {  	[tilespmem:s22], [sflag:$0x2] =	stream.linear.gather [spmem:s1], $0x80, $0x38;
	[tilespmem:$0x1D900] =	vst v63  }
0x42f: {  	s7 =	sadd.s32 s2, s3;
	s20 =	rddreg [dreg:$0x9];
	s26 =	spop (v2sf)  }
0x430: {  	[tilespmem:s25], [sflag:$0x2] =	stream.linear.gather [spmem:s23], $0x80, $0x38;
	[tilespmem:$0x1D900] =	vst v63  }
0x431: {  	s1 =	sadd.s32 $0x400, s23;
	s8 =	sshll.u32 s26, $0x8;
	s9 =	sshll.u32 s26, $0x7  }
0x432: {  	[tilespmem:s6], [sflag:$0x2] =	stream.linear.gather [spmem:s1], $0x80, $0x38;
	[tilespmem:$0x1D900] =	vst v63  }
0x433: {  	s2 =	sand.u32 $0xFFFFF800, s8;
	s11 =	spop (v2sf);
	s15 =	sand.u32 $0x380, s9  }
0x434: {  	[tilespmem:s10], [sflag:$0x2] =	stream.linear.gather [spmem:s7], $0x80, $0x38;
	[tilespmem:$0x1D900] =	vst v63  }
0x435: {  	s1 =	sadd.s32 $0x400, s7;
	s2 =	sadd.s32 s2, s21;
	s16 =	sshll.u32 s11, $0x8  }
0x436: {  	[tilespmem:s12], [sflag:$0x2] =	stream.linear.gather [spmem:s1], $0x80, $0x38;
	[tilespmem:$0x1D900] =	vst v63  }
0x437: {  	s18 =	sshll.u32 s11, $0x7;
	s17 =	sand.u32 $0xFFFFF800, s16;
	s1 =	sadd.s32 s15, s2  }
0x438: {  	[tilespmem:s19], [sflag:$0x2] =	stream.linear.gather [spmem:s1], $0x80, $0x38;
	[tilespmem:$0x1D900] =	vst v63  }
0x439: {  	s3 =	sand.u32 $0x380, s18;
	s2 =	sadd.s32 s17, s21;
	s1 =	sadd.s32 $0x400, s1  }
0x43a: {  	[tilespmem:s20], [sflag:$0x2] =	stream.linear.gather [spmem:s1], $0x80, $0x38;
	[tilespmem:$0x1D900] =	vst v63  }
0x43b: {  	s23 =	sadd.s32 $0xA500, s0;
	s22 =	sadd.s32 s3, s2  }
0x43c: {  	[tilespmem:s23], [sflag:$0x2] =	stream.linear.gather [spmem:s22], $0x80, $0x38;
	[tilespmem:$0x1D900] =	vst v63  }
0x43d: {  	s24 =	sadd.s32 $0xA900, s0;
	s1 =	sadd.s32 $0x400, s22  }
0x43e: {  	[tilespmem:s24], [sflag:$0x2] =	stream.linear.gather [spmem:s1], $0x80, $0x38;
	[tilespmem:$0x1D900] =	vst v63  }
0x43f: {  	v0 =	vld [tilespmem:s13+$0x0]  }
0x440: {  	s25 =	sld [smem:$0x7C3];
	_ =	sdelay $0x2  }
0x441: {  	s0 =	sshra.s32 s25, $0x2  }
0x442: {  	s26 =	sadd.s32 $0xA880, s0;
	(v2sf) =	vpush v0, $0x1  }
0x443: {  	s4 =	sadd.s32 $0xA480, s0;
	[dreg:$0x9] =	wrdreg s26;
	(v2sf) =	vpush v0, $0x0  }
0x444: {  	s5 =	sadd.s32 $0xA700, s0;
	[dreg:$0xd] =	wrdreg s4  }
0x445: {  	p0 =	sne.s32 s14, $0x1C000;
	s6 =	sadd.s32 $0xA380, s0;
	[smem:$0x7C4] =	sst s5;
	(v2sf) =	vpush v0, $0x4  }
0x446: {  	s14 =	sadd.s32 $0x4000, s14;
	s8 =	sadd.s32 $0xA780, s0;
	[smem:$0x7C5] =	sst s6  }
0x447: {  	s7 =	sadd.s32 $0x9F80, s0;
	s9 =	sadd.s32 $0xA280, s0;
	[dreg:$0x1e] =	wrdreg s8;
	(v2sf) =	vpush v0, $0x3  }
0x448: {  	s10 =	sadd.s32 $0xA680, s0;
	s11 =	sadd.s32 $0xA300, s0;
	[smem:$0x7C6] =	sst s9  }
0x449: {  	s16 =	sadd.s32 $0xA200, s0;
	s25 =	sadd.s32 $0xA080, s0;
	[smem:$0x7C7] =	sst s10;
	(v2sf) =	vpush v0, $0x5  }
0x44a: {  	s30 =	sadd.s32 $0x9F00, s0;
	s28 =	sadd.s32 $0x9B80, s0;
	[smem:$0x7C8] =	sst s11  }
0x44b: {  	s5 =	sadd.s32 $0x9D00, s0;
	s26 =	sadd.s32 $0x9C00, s0;
	s6 =	sadd.s32 $0x9C80, s0;
	(v2sf) =	vpush v0, $0xA  }
0x44c: {  	s10 =	sadd.s32 $0x9E00, s0;
	s9 =	sadd.s32 $0x9A80, s0;
	s12 =	sadd.s32 $0xA580, s0;
	(v2sf) =	vpush v0, $0x2  }
0x44d: {  	s8 =	sadd.s32 $0x9E80, s0;
	s15 =	sadd.s32 $0xA600, s0;
	[smem:$0x7C9] =	sst s12  }
0x44e: {  	s4 =	sadd.s32 $0x9980, s0;
	s2 =	sadd.s32 $0xA400, s0;
	[smem:$0x7CA] =	sst s15  }
0x44f: {  	s11 =	sadd.s32 $0x9D80, s0;
	s3 =	sadd.s32 $0xA800, s0;
	[dreg:$0x17] =	wrdreg s2;
	(v2sf) =	vpush v0, $0x6  }
0x450: {  	[dreg:$0x12] =	wrdreg s3;
	s3 =	sadd.s32 $0xA100, s0;
	s20 =	sadd.s32 $0x9A00, s0  }
0x451: {  	s22 =	sadd.s32 $0xA000, s0;
	s1 =	sadd.s32 $0x9B00, s0;
	s17 =	spop (v2sf)  }
0x452: {  	s13 =	sadd.s32 $0x10, s13;
	s18 =	sshll.u32 s17, $0x8;
	s19 =	spop (v2sf)  }
0x453: {  	s15 =	sshll.u32 s17, $0x7;
	s23 =	sshll.u32 s19, $0x8;
	s2 =	sshll.u32 s19, $0x7  }
0x454: {  	s29 =	spop (v2sf);
	s12 =	sand.u32 $0xFFFFF800, s18;
	s15 =	sand.u32 $0x380, s15  }
0x455: {  	s17 =	sand.u32 $0xFFFFF800, s23;
	s19 =	sshll.u32 s29, $0x7;
	s24 =	sand.u32 $0x380, s2  }
0x456: {  	s2 =	spop (v2sf);
	s12 =	sadd.s32 s12, s21;
	s17 =	sadd.s32 s17, s21  }
0x457: {  	s18 =	sshll.u32 s2, $0x8;
	s15 =	sadd.s32 s15, s12;
	s19 =	sand.u32 $0x380, s19  }
0x458: {  	s17 =	sadd.s32 s24, s17;
	s24 =	spop (v2sf);
	s12 =	sand.u32 $0xFFFFF800, s18  }
0x459: {  	[tilespmem:s4], [sflag:$0x2] =	stream.linear.gather [spmem:s17], $0x80, $0x38;
	[tilespmem:$0x1D900] =	vst v63  }
.Ltmp6:
0x45a: {  	s17 =	sadd.s32 $0x400, s17;
	s23 =	spop (v2sf);
	(pc) =	sbr.rel @p0 .LBB2_14-.Ltmp6, $4  }
0x45b: {  	s21 =	sshll.u32 s24, $0x8;
	s31 =	sshll.u32 s24, $0x7;
	s18 =	spop (v2sf)  }
0x45c: {  	[tilespmem:s11], [sflag:$0x2] =	stream.linear.gather [spmem:s17], $0x80, $0x38;
	[tilespmem:$0x1D900] =	vst v63  }
0x45d: {  	(v2sf) =	vpush v0, $0x8;
	s4 =	sand.u32 $0xFFFFF800, s21;
	s21 =	rddreg [dreg:$0x4];
	s24 =	sshll.u32 s18, $0x8  }
0x45e: {  	s17 =	sshll.u32 s18, $0x7;
	s11 =	spop (v2sf);
	(v2sf) =	vpush v0, $0x7;
	s18 =	sand.u32 $0xFFFFF800, s24  }
0x45f: {  	[tilespmem:s20], [sflag:$0x2] =	stream.linear.gather [spmem:s15], $0x80, $0x38;
	[tilespmem:$0x1D900] =	vst v63  }
0x460: {  	s13 =	sadd.s32 $0x400, s15;
	s15 =	sand.u32 $0x380, s17;
	s17 =	sadd.s32 s18, s21  }
0x461: {  	[tilespmem:s10], [sflag:$0x2] =	stream.linear.gather [spmem:s13], $0x80, $0x38;
	[tilespmem:$0x1D900] =	vst v63  }
0x462: {  	s2 =	sshll.u32 s2, $0x7;
	s10 =	sadd.s32 s15, s17  }
0x463: {  	[tilespmem:s9], [sflag:$0x2] =	stream.linear.gather [spmem:s10], $0x80, $0x38;
	[tilespmem:$0x1D900] =	vst v63  }
0x464: {  	s20 =	sadd.s32 s12, s21;
	s2 =	sand.u32 $0x380, s2;
	s18 =	sadd.s32 $0x400, s10  }
0x465: {  	[tilespmem:s8], [sflag:$0x2] =	stream.linear.gather [spmem:s18], $0x80, $0x38;
	[tilespmem:$0x1D900] =	vst v63  }
0x466: {  	s2 =	sadd.s32 s2, s20  }
0x467: {  	[tilespmem:s1], [sflag:$0x2] =	stream.linear.gather [spmem:s2], $0x80, $0x38;
	[tilespmem:$0x1D900] =	vst v63  }
0x468: {  	s24 =	sadd.s32 $0x400, s2;
	s2 =	sshll.u32 s29, $0x8  }
0x469: {  	s1 =	sand.u32 $0xFFFFF800, s2  }
0x46a: {  	[tilespmem:s30], [sflag:$0x2] =	stream.linear.gather [spmem:s24], $0x80, $0x38;
	[tilespmem:$0x1D900] =	vst v63  }
0x46b: {  	s1 =	sadd.s32 s1, s21  }
0x46c: {  	s1 =	sadd.s32 s19, s1  }
0x46d: {  	[tilespmem:s28], [sflag:$0x2] =	stream.linear.gather [spmem:s1], $0x80, $0x38;
	[tilespmem:$0x1D900] =	vst v63  }
0x46e: {  	s9 =	sadd.s32 s4, s21;
	s8 =	sand.u32 $0x380, s31;
	s1 =	sadd.s32 $0x400, s1  }
0x46f: {  	[tilespmem:s7], [sflag:$0x2] =	stream.linear.gather [spmem:s1], $0x80, $0x38;
	[tilespmem:$0x1D900] =	vst v63  }
0x470: {  	s1 =	sadd.s32 s8, s9  }
0x471: {  	[tilespmem:s26], [sflag:$0x2] =	stream.linear.gather [spmem:s1], $0x80, $0x38;
	[tilespmem:$0x1D900] =	vst v63  }
0x472: {  	s10 =	sshll.u32 s11, $0x8;
	s12 =	spop (v2sf);
	s1 =	sadd.s32 $0x400, s1  }
0x473: {  	(v2sf) =	vpush v0, $0x9;
	[tilespmem:s22], [sflag:$0x2] =	stream.linear.gather [spmem:s1], $0x80, $0x38;
	[tilespmem:$0x1D900] =	vst v63  }
0x474: {  	s11 =	sshll.u32 s11, $0x7;
	s1 =	sand.u32 $0xFFFFF800, s10  }
0x475: {  	s2 =	sand.u32 $0x380, s11;
	s1 =	sadd.s32 s1, s21  }
0x476: {  	s13 =	spop (v2sf);
	s1 =	sadd.s32 s2, s1  }
0x477: {  	[tilespmem:s6], [sflag:$0x2] =	stream.linear.gather [spmem:s1], $0x80, $0x38;
	[tilespmem:$0x1D900] =	vst v63  }
0x478: {  	s14 =	sshll.u32 s13, $0x8;
	s1 =	sadd.s32 $0x400, s1  }
0x479: {  	[tilespmem:s25], [sflag:$0x2] =	stream.linear.gather [spmem:s1], $0x80, $0x38;
	[tilespmem:$0x1D900] =	vst v63  }
0x47a: {  	s4 =	sand.u32 $0xFFFFF800, s14;
	s1 =	sshll.u32 s13, $0x7  }
0x47b: {  	(v2sf) =	vpush v0, $0xB;
	s4 =	sadd.s32 s4, s21;
	s1 =	sand.u32 $0x380, s1  }
0x47c: {  	s1 =	sadd.s32 s1, s4  }
0x47d: {  	[tilespmem:s5], [sflag:$0x2] =	stream.linear.gather [spmem:s1], $0x80, $0x38;
	[tilespmem:$0x1D900] =	vst v63  }
0x47e: {  	s15 =	sshll.u32 s12, $0x8;
	s1 =	sadd.s32 $0x400, s1  }
0x47f: {  	[tilespmem:s3], [sflag:$0x2] =	stream.linear.gather [spmem:s1], $0x80, $0x38;
	[tilespmem:$0x1D900] =	vst v63  }
0x480: {  	s2 =	sshll.u32 s12, $0x7;
	s1 =	sand.u32 $0xFFFFF800, s15  }
0x481: {  	s17 =	sadd.s32 $0xA180, s0;
	s2 =	sand.u32 $0x380, s2;
	s1 =	sadd.s32 s1, s21  }
0x482: {  	s18 =	sld [smem:$0x7C9];
	s19 =	spop (v2sf);
	s1 =	sadd.s32 s2, s1  }
0x483: {  	[tilespmem:s17], [sflag:$0x2] =	stream.linear.gather [spmem:s1], $0x80, $0x38;
	[tilespmem:$0x1D900] =	vst v63  }
0x484: {  	s20 =	sshll.u32 s19, $0x8;
	s1 =	sadd.s32 $0x400, s1  }
0x485: {  	(v2sf) =	vpush v0, $0xC;
	[tilespmem:s18], [sflag:$0x2] =	stream.linear.gather [spmem:s1], $0x80, $0x38;
	[tilespmem:$0x1D900] =	vst v63  }
0x486: {  	s2 =	sand.u32 $0xFFFFF800, s20;
	s1 =	sshll.u32 s19, $0x7  }
0x487: {  	s2 =	sadd.s32 s2, s21;
	s1 =	sand.u32 $0x380, s1  }
0x488: {  	s22 =	sld [smem:$0x7CA];
	s1 =	sadd.s32 s1, s2  }
0x489: {  	[tilespmem:s16], [sflag:$0x2] =	stream.linear.gather [spmem:s1], $0x80, $0x38;
	[tilespmem:$0x1D900] =	vst v63  }
0x48a: {  	s24 =	sshll.u32 s23, $0x8;
	s29 =	spop (v2sf);
	(v2sf) =	vpush v0, $0xD;
	s1 =	sadd.s32 $0x400, s1  }
0x48b: {  	[tilespmem:s22], [sflag:$0x2] =	stream.linear.gather [spmem:s1], $0x80, $0x38;
	[tilespmem:$0x1D900] =	vst v63  }
0x48c: {  	s26 =	sld [smem:$0x7C6];
	s25 =	sshll.u32 s23, $0x7;
	s1 =	sand.u32 $0xFFFFF800, s24  }
0x48d: {  	s2 =	sand.u32 $0x380, s25;
	s1 =	sadd.s32 s1, s21  }
0x48e: {  	s28 =	sld [smem:$0x7C7];
	s1 =	sadd.s32 s2, s1  }
0x48f: {  	[tilespmem:s26], [sflag:$0x2] =	stream.linear.gather [spmem:s1], $0x80, $0x38;
	[tilespmem:$0x1D900] =	vst v63  }
0x490: {  	s30 =	sshll.u32 s29, $0x8;
	s1 =	sadd.s32 $0x400, s1  }
0x491: {  	[tilespmem:s28], [sflag:$0x2] =	stream.linear.gather [spmem:s1], $0x80, $0x38;
	[tilespmem:$0x1D900] =	vst v63  }
0x492: {  	s31 =	sld [smem:$0x7C8];
	s2 =	sand.u32 $0xFFFFF800, s30;
	s1 =	sshll.u32 s29, $0x7  }
0x493: {  	s2 =	sadd.s32 s2, s21;
	s1 =	sand.u32 $0x380, s1  }
0x494: {  	s3 =	sld [smem:$0x7C4];
	s4 =	spop (v2sf);
	s1 =	sadd.s32 s1, s2  }
0x495: {  	(v2sf) =	vpush v0, $0xE;
	[tilespmem:s31], [sflag:$0x2] =	stream.linear.gather [spmem:s1], $0x80, $0x38;
	[tilespmem:$0x1D900] =	vst v63  }
0x496: {  	s5 =	sshll.u32 s4, $0x8;
	s1 =	sadd.s32 $0x400, s1  }
0x497: {  	[tilespmem:s3], [sflag:$0x2] =	stream.linear.gather [spmem:s1], $0x80, $0x38;
	[tilespmem:$0x1D900] =	vst v63  }
0x498: {  	s6 =	sld [smem:$0x7C5];
	s2 =	sand.u32 $0xFFFFF800, s5;
	s1 =	sshll.u32 s4, $0x7  }
0x499: {  	s8 =	spop (v2sf);
	(v2sf) =	vpush v0, $0xF;
	s2 =	sadd.s32 s2, s21;
	s1 =	sand.u32 $0x380, s1  }
0x49a: {  	s1 =	sadd.s32 s1, s2  }
0x49b: {  	[tilespmem:s6], [sflag:$0x2] =	stream.linear.gather [spmem:s1], $0x80, $0x38;
	[tilespmem:$0x1D900] =	vst v63  }
0x49c: {  	s7 =	rddreg [dreg:$0x1e];
	s9 =	sshll.u32 s8, $0x8;
	s1 =	sadd.s32 $0x400, s1  }
0x49d: {  	[tilespmem:s7], [sflag:$0x2] =	stream.linear.gather [spmem:s1], $0x80, $0x38;
	[tilespmem:$0x1D900] =	vst v63  }
0x49e: {  	s2 =	sand.u32 $0xFFFFF800, s9;
	s1 =	sshll.u32 s8, $0x7  }
0x49f: {  	s2 =	sadd.s32 s2, s21;
	s1 =	sand.u32 $0x380, s1  }
0x4a0: {  	s10 =	rddreg [dreg:$0x17];
	s1 =	sadd.s32 s1, s2  }
0x4a1: {  	[tilespmem:s10], [sflag:$0x2] =	stream.linear.gather [spmem:s1], $0x80, $0x38;
	[tilespmem:$0x1D900] =	vst v63  }
0x4a2: {  	s11 =	rddreg [dreg:$0x12];
	s1 =	sadd.s32 $0x400, s1  }
0x4a3: {  	[tilespmem:s11], [sflag:$0x2] =	stream.linear.gather [spmem:s1], $0x80, $0x38;
	[tilespmem:$0x1D900] =	vst v63  }
0x4a4: {  	s12 =	spop (v2sf)  }
0x4a5: {  	s13 =	sshll.u32 s12, $0x8  }
0x4a6: {  	s1 =	sshll.u32 s12, $0x7;
	s2 =	sand.u32 $0xFFFFF800, s13  }
0x4a7: {  	s1 =	sand.u32 $0x380, s1;
	s2 =	sadd.s32 s2, s21  }
0x4a8: {  	s14 =	rddreg [dreg:$0xd];
	s16 =	spop (v2sf);
	s1 =	sadd.s32 s1, s2  }
0x4a9: {  	[tilespmem:s14], [sflag:$0x2] =	stream.linear.gather [spmem:s1], $0x80, $0x38;
	[tilespmem:$0x1D900] =	vst v63  }
0x4aa: {  	s15 =	rddreg [dreg:$0x9];
	s17 =	sshll.u32 s16, $0x8;
	s1 =	sadd.s32 $0x400, s1  }
0x4ab: {  	[tilespmem:s15], [sflag:$0x2] =	stream.linear.gather [spmem:s1], $0x80, $0x38;
	[tilespmem:$0x1D900] =	vst v63  }
0x4ac: {  	s2 =	sand.u32 $0xFFFFF800, s17;
	s1 =	sshll.u32 s16, $0x7  }
0x4ad: {  	s2 =	sadd.s32 s2, s21;
	s1 =	sand.u32 $0x380, s1  }
0x4ae: {  	s18 =	sadd.s32 $0xA500, s0;
	s1 =	sadd.s32 s1, s2  }
0x4af: {  	[tilespmem:s18], [sflag:$0x2] =	stream.linear.gather [spmem:s1], $0x80, $0x38;
	[tilespmem:$0x1D900] =	vst v63  }
0x4b0: {  	s20 =	simm.s32 $0x1;
	s19 =	sadd.s32 $0xA900, s0;
	s1 =	sadd.s32 $0x400, s1  }
0x4b1: {  	[tilespmem:s19], [sflag:$0x2] =	stream.linear.gather [spmem:s1], $0x80, $0x38;
	[tilespmem:$0x1D900] =	vst v63  }
0x4b2: {  	_ =	swait.ge [sflag:s20], $0x8000  }
0x4b3: {  	s22 =	sld [smem:$0x7FB]  }
0x4b4: {  	s23 =	simm.s32 $0x6;
	[sflag:s20] =	ssyncset.done $0x0  }
0x4b5: {  	s6 =	simm.s32 $0x1980;
	s8 =	simm.s32 $0x0;
	[sflag:s20] =	ssyncadd.s32 $0xFFFF8000  }
0x4b6: {  	[hbm4b:s22+s8] =	stream.linear.scatter [tilespmem:s6], [sflag:$0x4], $0x8000, $0x38;
	[tilespmem:$0x1D900] =	vst v63  }
0x4b7: {  	_ =	swait.ge [sflag:s23], $0x8000  }
0x4b8: {  	[sflag:s23] =	ssyncset.done $0x0  }
0x4b9: {  	s24 =	simm.s32 $0x2;
	[sflag:s23] =	ssyncadd.s32 $0xFFFF8000  }
0x4ba: {  	_ =	swait.ge [sflag:s24], $0x8000  }
0x4bb: {  	s25 =	sld [smem:$0x7FC]  }
0x4bc: {  	[sflag:s24] =	ssyncset.done $0x0  }
0x4bd: {  	s26 =	simm.s32 $0x9980;
	s28 =	simm.s32 $0x4;
	[sflag:s24] =	ssyncadd.s32 $0xFFFF8000  }
0x4be: {  	[hbm4b:s25+s8] =	stream.linear.scatter [tilespmem:s26], [sflag:$0x5], $0x8000, $0x38;
	[tilespmem:$0x1D900] =	vst v63  }
0x4bf: {  	_ =	swait.ge [sflag:s28], $0x8000  }
0x4c0: {  	[sflag:s28] =	ssyncset.done $0x0  }
0x4c1: {  	s29 =	simm.s32 $0x5;
	[sflag:s28] =	ssyncadd.s32 $0xFFFF8000  }
0x4c2: {  	_ =	swait.ge [sflag:s29], $0x8000  }
0x4c3: {  	s30 =	sld [smem:$0x7F5]  }
0x4c4: {  	s31 =	sld [smem:$0x7FD];
	_ =	sdelay $0x1  }
0x4c5: {  	s2 =	sadd.s32 $0x1, s30  }
0x4c6: {  	p0 =	sne.s32 s2, s31  }
.Ltmp7:
0x4c7: {  	_ = 	snop;
	(pc) =	sbr.rel @p0 .LBB2_1-.Ltmp7, $3  }
0x4c8: {  	_ =	sdelay $0x1  }
0x4c9: {  	[sflag:s29] =	ssyncset.done $0x0  }
0x4ca: {  	s5 =	simm.s32 $0x7;
	[sflag:s29] =	ssyncadd.s32 $0xFFFF8000  }
0x4cb: {  	_ =	sfence.sel $0x180000  }
0x4cc: {  	[bflag:$0x0] =	sbarrier.arrive $0xFFFF  }
0x4cd: {  	_ =	strace $0x90000047  }
0x4ce: {  	s0 =	stileid.u32;
	[bflag:$0x2] =	sbarrier.arrive $0xFFFF  }
0x4cf: {  	p0 =	sne.s32 s0, $0x0;
	s0 =	rddreg [dreg:$0x5]  }
0x4d0: {  	s0 =	sadd.s32 @!p0 $0x100000, s0  }
0x4d1: {  	[sflag:s0] =	ssyncadd.tile.s32 @!p0 $0x1;
	_ =	shalt  }
.Lfunc_end2:
_tile_overlayer_lowered:
.L_overlay_start_2:
0x4d2: {  	(tag) =	ssettag $0x2  }
0x4d3: {  	s0 =	rddreg [dreg:$0x0];
	s2 =	stileid.u32  }
0x4d4: {  	s1 =	rddreg [dreg:$0x1];
	p0 =	sne.s32 s2, $0x0  }
0x4d5: {  	s3 =	rddreg [dreg:$0x2];
	[bflag:$0x3] =	sbarrier.arrive $0xFFFF;
	s2 =	simm.s32 @!p0 $0x1C07  }
0x4d6: {  	[timem:s3], [sflag:s2] =	dma.local @!p0 [hbm:s0], s1  }
0x4d7: {  	s0 =	simm.s32 @!p0 $0x7  }
0x4d8: {  	_ =	swait.ge @!p0 [sflag:s0], s1  }
0x4d9: {  	s1 =	ssub.s32 @!p0 $0x0, s1;
	[sflag:s0] =	ssyncset.done @!p0 $0x0  }
0x4da: {  	[sflag:s0] =	ssyncadd.s32 @!p0 s1  }
0x4db: {  	[bflag:$0x3] =	sbarrier.arrive $0xFFFF  }
0x4dc: {  	_ =	shalt  }

</sc_bundles>
